<compile_context>
chip_gen: v7x
topology: tpu7x:2x2x1
jax: 0.10.2.dev20260603
libtpu: 0.0.44.dev20260713+nightly
codegen_flags: <defaults>
</compile_context>

<pallas_src>
import jax
import jax.numpy as jnp
from jax import lax
from jax.experimental import pallas as pl
from jax.experimental.pallas import tpu as pltpu
from jax.experimental.pallas import tpu_sc as plsc

B, L, UNITS = 4096, 200, 64
N = B * L
NC, NS = 2, 16
NW = NC * NS
PER_W = N // NW
C = 512
N_CHUNKS = PER_W // C
TAB = 256 * UNITS


def _body(x_hbm, w_hbm, out_hbm, wt, dt, x_bufs, o_bufs, sx, so):
    wid = lax.axis_index("s") * NC + lax.axis_index("c")
    start = wid * PER_W
    pltpu.sync_copy(w_hbm, wt)

    iota = lax.iota(jnp.int32, 16)

    @plsc.parallel_loop(0, (TAB - UNITS) // 16, unroll=4)
    def diff_body(k):
        dt[pl.ds(k * 16, 16)] = wt[pl.ds(k * 16 + UNITS, 16)] - wt[pl.ds(k * 16, 16)]

    for j in range(4):
        dt[pl.ds(TAB - UNITS + j * 16, 16)] = jnp.zeros((16,), jnp.float32)

    def compute(xb, ob):
        @plsc.parallel_loop(0, C // 16, unroll=4)
        def lerp_body(g):
            v = xb[pl.ds(g * 16, 16)]
            iv = v.astype(jnp.int32)
            alv = v - iv.astype(jnp.float32)
            offv = iv * UNITS
            for lane in range(16):
                idx = jnp.full((16,), offv[lane], jnp.int32) + iota
                av = jnp.full((16,), alv[lane], jnp.float32)
                out_base = (g * 16 + lane) * UNITS
                idxs = [idx + 16 * j for j in range(4)]
                los = [plsc.load_gather(wt, [ix]) for ix in idxs]
                dvs = [plsc.load_gather(dt, [ix]) for ix in idxs]
                for j in range(4):
                    ob[pl.ds(out_base + 16 * j, 16)] = los[j] + av * dvs[j]

    for b in range(2):
        pltpu.async_copy(x_hbm.at[pl.ds(start + b * C, C)], x_bufs[b], sx[b])

    def chunk_pair(k, _):
        for b in range(2):
            ci = 2 * k + b
            base = start + ci * C
            xb, ob = x_bufs[b], o_bufs[b]

            @pl.when(k > 0)
            def _wait_prev_store():
                pltpu.make_async_copy(
                    ob, out_hbm.at[pl.ds(base * UNITS, C * UNITS)], so[b]
                ).wait()

            pltpu.make_async_copy(x_hbm.at[pl.ds(base, C)], xb, sx[b]).wait()
            compute(xb, ob)
            pltpu.async_copy(
                ob, out_hbm.at[pl.ds(base * UNITS, C * UNITS)], so[b]
            )

            @pl.when(ci + 2 < N_CHUNKS)
            def _prefetch_next():
                pltpu.async_copy(
                    x_hbm.at[pl.ds(base + 2 * C, C)], xb, sx[b]
                )

        return 0

    lax.fori_loop(0, N_CHUNKS // 2, chunk_pair, 0)

    for b in range(2):
        pltpu.make_async_copy(
            o_bufs[b], out_hbm.at[pl.ds(start * UNITS, C * UNITS)], so[b]
        ).wait()


@jax.jit
def _run(x_flat, w_flat):
    mesh = plsc.VectorSubcoreMesh(core_axis_name="c", subcore_axis_name="s")
    return pl.kernel(
        _body,
        out_type=jax.ShapeDtypeStruct((N * UNITS,), jnp.float32),
        mesh=mesh,
        compiler_params=pltpu.CompilerParams(needs_layout_passes=False),
        scratch_types=[
            pltpu.VMEM((TAB,), jnp.float32),
            pltpu.VMEM((TAB,), jnp.float32),
            [pltpu.VMEM((C,), jnp.float32)] * 2,
            [pltpu.VMEM((C * UNITS,), jnp.float32)] * 2,
            [pltpu.SemaphoreType.DMA] * 2,
            [pltpu.SemaphoreType.DMA] * 2,
        ],
    )(x_flat, w_flat)


def kernel(inputs, W):
    x_flat = inputs.reshape(N)
    w_flat = W.reshape(TAB)
    out = _run(x_flat, w_flat)
    return out.reshape(B, L, 1, UNITS)

# --- scband reference (transcript-rebuilt; emitter-appended) ---
"""Pipeline reference for scband-diff-embed-58025008168999 (READ-ONLY COPY).

The authoritative reference and input builder live on the scoring server;
editing this copy changes nothing except your own understanding.
"""

import jax, jax.numpy as jnp
import numpy as np


def setup_inputs(seed: int = 0) -> dict:
    key = jax.random.key(seed)
    k1, k2 = jax.random.split(key)
    # float-valued 'indices' in [0, 255): fractional part drives the interpolation
    inputs = jax.random.uniform(k1, (4096, 200, 1), dtype=jnp.float32) * 255.0
    # embedding table (dict_size=256, units=64), normal init like tf.random_normal_initializer
    W = jax.random.normal(k2, (256, 64), dtype=jnp.float32) * 0.05
    return {"inputs": inputs, "W": W}


def reference(inputs, W):
    units = W.shape[1]
    # alpha = fractional part, expanded and tiled to [B, L, 1, units]
    alpha = inputs - jnp.floor(inputs)
    alpha = jnp.expand_dims(alpha, axis=-1)
    alpha = jnp.tile(alpha, (1, 1, 1, units))
    idx = inputs.astype(jnp.int32)
    idx_hi = jnp.clip(idx + 1, 0, 255)
    # gather low and high codebook rows, linear interpolation
    M = (1.0 - alpha) * jnp.take(W, idx, axis=0) + alpha * jnp.take(W, idx_hi, axis=0)
    return M

if __name__ == "__main__":
    import jax
    _d = setup_inputs()
    print(jax.jit(kernel)(*tuple(_d.values())))

</pallas_src>

<mosaic_0001>
#map = affine_map<(d0, d1) -> (0)>
module attributes {stable_mosaic.version = 14 : i64} {
  func.func @_body(%arg0: i32, %arg1: i32, %arg2: memref<819200xf32, #tpu.memory_space<hbm>>, %arg3: memref<16384xf32, #tpu.memory_space<hbm>>, %arg4: memref<52428800xf32, #tpu.memory_space<hbm>>, %arg5: memref<16384xf32, #tpu.memory_space<vmem>>, %arg6: memref<16384xf32, #tpu.memory_space<vmem>>, %arg7: memref<512xf32, #tpu.memory_space<vmem>>, %arg8: memref<512xf32, #tpu.memory_space<vmem>>, %arg9: memref<32768xf32, #tpu.memory_space<vmem>>, %arg10: memref<32768xf32, #tpu.memory_space<vmem>>, %arg11: memref<!tpu.dma_semaphore, #tpu.memory_space<semaphore_mem>>, %arg12: memref<!tpu.dma_semaphore, #tpu.memory_space<semaphore_mem>>, %arg13: memref<!tpu.dma_semaphore, #tpu.memory_space<semaphore_mem>>, %arg14: memref<!tpu.dma_semaphore, #tpu.memory_space<semaphore_mem>>) attributes {dimension_semantics = [#tpu.dimension_semantics<core_parallel>, #tpu.dimension_semantics<subcore_parallel>], iteration_bounds = array<i64: 2, 16>, scalar_prefetch = 0 : i64, scratch_operands = 10 : i64, tpu.core_type = #tpu.core_type<sc_vector_subcore>, window_params = [{transform_indices = #map}, {transform_indices = #map}, {transform_indices = #map}]} {
    %mul3A = arith.constant 2 : i32
    %mul3A_0 = arith.muli %arg1, %mul3A : i32
    %add3A = arith.addi %mul3A_0, %arg0 : i32
    %mul3A_1 = arith.constant 25600 : i32
    %mul3A_2 = arith.muli %add3A, %mul3A_1 : i32
    "tpu.region"() ({
      %run_scoped3A = tpu.sem_alloc : memref<!tpu.dma_semaphore, #tpu.memory_space<semaphore_mem>>
      tpu.enqueue_dma source(%arg3 : memref<16384xf32, #tpu.memory_space<hbm>>) target(%arg5 : memref<16384xf32, #tpu.memory_space<vmem>>) target_semaphore(%run_scoped3A : memref<!tpu.dma_semaphore, #tpu.memory_space<semaphore_mem>>)
      tpu.wait_dma2 semaphore(%run_scoped3A : memref<!tpu.dma_semaphore, #tpu.memory_space<semaphore_mem>>) src(%arg3 : memref<16384xf32, #tpu.memory_space<hbm>>) dst(%arg5 : memref<16384xf32, #tpu.memory_space<vmem>>)
      tpu.yield
    }) : () -> ()
    %iota3A = tpu.iota {dimensions = array<i32: 0>} : vector<16xi32>
    %parallel_loop3A = arith.constant 0 : i32
    %parallel_loop3A_3 = arith.constant 1020 : i32
    %parallel_loop3A_4 = arith.constant 1 : i32
    scf.for %parallel_loop3A_39 = %parallel_loop3A to %parallel_loop3A_3 step %parallel_loop3A_4  : i32 {
      %parallel_loop3A_40 = arith.constant 16 : i32
      %parallel_loop3A_41 = arith.muli %parallel_loop3A_39, %parallel_loop3A_40 : i32
      %parallel_loop3A_42 = arith.constant 64 : i32
      %parallel_loop3A_43 = arith.addi %parallel_loop3A_41, %parallel_loop3A_42 : i32
      %parallel_loop3A_44 = arith.index_cast %parallel_loop3A_43 : i32 to index
      %parallel_loop3A_45 = tpu.vector_load %arg5[%parallel_loop3A_44] {strides = array<i32>} : memref<16384xf32, #tpu.memory_space<vmem>>, vector<16xf32>,
      %parallel_loop3A_46 = arith.constant 16 : i32
      %parallel_loop3A_47 = arith.muli %parallel_loop3A_39, %parallel_loop3A_46 : i32
      %parallel_loop3A_48 = arith.index_cast %parallel_loop3A_47 : i32 to index
      %parallel_loop3A_49 = tpu.vector_load %arg5[%parallel_loop3A_48] {strides = array<i32>} : memref<16384xf32, #tpu.memory_space<vmem>>, vector<16xf32>,
      %parallel_loop3A_50 = arith.subf %parallel_loop3A_45, %parallel_loop3A_49 : vector<16xf32>
      %parallel_loop3A_51 = arith.constant 16 : i32
      %parallel_loop3A_52 = arith.muli %parallel_loop3A_39, %parallel_loop3A_51 : i32
      %parallel_loop3A_53 = arith.index_cast %parallel_loop3A_52 : i32 to index
      %parallel_loop3A_54 = tpu.vector_load %arg6[%parallel_loop3A_53] {strides = array<i32>} : memref<16384xf32, #tpu.memory_space<vmem>>, vector<16xf32>,
      tpu.vector_store %arg6[%parallel_loop3A_53], %parallel_loop3A_50 {strides = array<i32>} : memref<16384xf32, #tpu.memory_space<vmem>>, vector<16xf32>,
    } {sc.loop_unroll_factor = 4 : i64, sc.parallel_access}
    %broadcast_in_dim3A = arith.constant 0.000000e+00 : f32
    %broadcast_in_dim3A_5 = vector.broadcast %broadcast_in_dim3A : f32 to vector<16xf32>
    %swap3A = arith.constant 16320 : index
    %swap3A_6 = tpu.vector_load %arg6[%swap3A] {strides = array<i32>} : memref<16384xf32, #tpu.memory_space<vmem>>, vector<16xf32>,
    tpu.vector_store %arg6[%swap3A], %broadcast_in_dim3A_5 {strides = array<i32>} : memref<16384xf32, #tpu.memory_space<vmem>>, vector<16xf32>,
    %broadcast_in_dim3A_7 = arith.constant 0.000000e+00 : f32
    %broadcast_in_dim3A_8 = vector.broadcast %broadcast_in_dim3A_7 : f32 to vector<16xf32>
    %swap3A_9 = arith.constant 16336 : index
    %swap3A_10 = tpu.vector_load %arg6[%swap3A_9] {strides = array<i32>} : memref<16384xf32, #tpu.memory_space<vmem>>, vector<16xf32>,
    tpu.vector_store %arg6[%swap3A_9], %broadcast_in_dim3A_8 {strides = array<i32>} : memref<16384xf32, #tpu.memory_space<vmem>>, vector<16xf32>,
    %broadcast_in_dim3A_11 = arith.constant 0.000000e+00 : f32
    %broadcast_in_dim3A_12 = vector.broadcast %broadcast_in_dim3A_11 : f32 to vector<16xf32>
    %swap3A_13 = arith.constant 16352 : index
    %swap3A_14 = tpu.vector_load %arg6[%swap3A_13] {strides = array<i32>} : memref<16384xf32, #tpu.memory_space<vmem>>, vector<16xf32>,
    tpu.vector_store %arg6[%swap3A_13], %broadcast_in_dim3A_12 {strides = array<i32>} : memref<16384xf32, #tpu.memory_space<vmem>>, vector<16xf32>,
    %broadcast_in_dim3A_15 = arith.constant 0.000000e+00 : f32
    %broadcast_in_dim3A_16 = vector.broadcast %broadcast_in_dim3A_15 : f32 to vector<16xf32>
    %swap3A_17 = arith.constant 16368 : index
    %swap3A_18 = tpu.vector_load %arg6[%swap3A_17] {strides = array<i32>} : memref<16384xf32, #tpu.memory_space<vmem>>, vector<16xf32>,
    tpu.vector_store %arg6[%swap3A_17], %broadcast_in_dim3A_16 {strides = array<i32>} : memref<16384xf32, #tpu.memory_space<vmem>>, vector<16xf32>,
    %add3A_19 = arith.constant 0 : i32
    %add3A_20 = arith.addi %mul3A_2, %add3A_19 : i32
    %dma_start3A = tpu.memref_slice %arg2[%add3A_20] : memref<819200xf32, #tpu.memory_space<hbm>> -> memref<512xf32, #tpu.memory_space<hbm>>
    %dma_start3A_21 = tpu.memref_slice %arg2[%add3A_20] : memref<819200xf32, #tpu.memory_space<hbm>> -> memref<512xf32, #tpu.memory_space<hbm>>
    tpu.enqueue_dma source(%dma_start3A_21 : memref<512xf32, #tpu.memory_space<hbm>>) target(%arg7 : memref<512xf32, #tpu.memory_space<vmem>>) target_semaphore(%arg11 : memref<!tpu.dma_semaphore, #tpu.memory_space<semaphore_mem>>)
    %add3A_22 = arith.constant 512 : i32
    %add3A_23 = arith.addi %mul3A_2, %add3A_22 : i32
    %dma_start3A_24 = tpu.memref_slice %arg2[%add3A_23] : memref<819200xf32, #tpu.memory_space<hbm>> -> memref<512xf32, #tpu.memory_space<hbm>>
    %dma_start3A_25 = tpu.memref_slice %arg2[%add3A_23] : memref<819200xf32, #tpu.memory_space<hbm>> -> memref<512xf32, #tpu.memory_space<hbm>>
    tpu.enqueue_dma source(%dma_start3A_25 : memref<512xf32, #tpu.memory_space<hbm>>) target(%arg8 : memref<512xf32, #tpu.memory_space<vmem>>) target_semaphore(%arg12 : memref<!tpu.dma_semaphore, #tpu.memory_space<semaphore_mem>>)
    %scan3A = arith.constant 0 : i32
    %scan3A_26 = arith.constant 0 : i32
    %scan3A_27 = arith.constant 25 : i32
    %scan3A_28 = arith.addi %scan3A_26, %scan3A_27 : i32
    %scan3A_29 = arith.constant 1 : i32
    %scan3A_30 = scf.for %scan3A_39 = %scan3A_26 to %scan3A_28 step %scan3A_29 iter_args(%scan3A_40 = %scan3A) -> (i32)  : i32 {
      %mul3A_41 = arith.constant 2 : i32
      %mul3A_42 = arith.muli %mul3A_41, %scan3A_39 : i32
      %add3A_43 = arith.constant 0 : i32
      %add3A_44 = arith.addi %mul3A_42, %add3A_43 : i32
      %mul3A_45 = arith.constant 512 : i32
      %mul3A_46 = arith.muli %add3A_44, %mul3A_45 : i32
      %add3A_47 = arith.addi %mul3A_2, %mul3A_46 : i32
      %gt3A = arith.constant 0 : i32
      %gt3A_48 = arith.cmpi sgt, %scan3A_39, %gt3A : i32
      %convert_element_type3A = arith.extui %gt3A_48 : i1 to i32
      %cond3A = arith.constant 0 : i32
      %cond3A_49 = arith.cmpi ne, %convert_element_type3A, %cond3A : i32
      scf.if %cond3A_49 {
        %mul3A_94 = arith.constant 64 : i32
        %mul3A_95 = arith.muli %add3A_47, %mul3A_94 : i32
        %dma_wait3A_96 = tpu.memref_slice %arg4[%mul3A_95] : memref<52428800xf32, #tpu.memory_space<hbm>> -> memref<32768xf32, #tpu.memory_space<hbm>>
        %dma_wait3A_97 = tpu.memref_slice %arg4[%mul3A_95] : memref<52428800xf32, #tpu.memory_space<hbm>> -> memref<32768xf32, #tpu.memory_space<hbm>>
        tpu.wait_dma2 semaphore(%arg13 : memref<!tpu.dma_semaphore, #tpu.memory_space<semaphore_mem>>) src(%arg9 : memref<32768xf32, #tpu.memory_space<vmem>>) dst(%dma_wait3A_97 : memref<32768xf32, #tpu.memory_space<hbm>>)
      } else {
      }
      %dma_wait3A_50 = tpu.memref_slice %arg2[%add3A_47] : memref<819200xf32, #tpu.memory_space<hbm>> -> memref<512xf32, #tpu.memory_space<hbm>>
      %dma_wait3A_51 = tpu.memref_slice %arg2[%add3A_47] : memref<819200xf32, #tpu.memory_space<hbm>> -> memref<512xf32, #tpu.memory_space<hbm>>
      tpu.wait_dma2 semaphore(%arg11 : memref<!tpu.dma_semaphore, #tpu.memory_space<semaphore_mem>>) src(%dma_wait3A_51 : memref<512xf32, #tpu.memory_space<hbm>>) dst(%arg7 : memref<512xf32, #tpu.memory_space<vmem>>)
      %parallel_loop3A_52 = arith.constant 0 : i32
      %parallel_loop3A_53 = arith.constant 32 : i32
      %parallel_loop3A_54 = arith.constant 1 : i32
      scf.for %parallel_loop3A_94 = %parallel_loop3A_52 to %parallel_loop3A_53 step %parallel_loop3A_54  : i32 {
        %parallel_loop3A_95 = arith.constant 16 : i32
        %parallel_loop3A_96 = arith.muli %parallel_loop3A_94, %parallel_loop3A_95 : i32
        %parallel_loop3A_97 = arith.index_cast %parallel_loop3A_96 : i32 to index
        %parallel_loop3A_98 = tpu.vector_load %arg7[%parallel_loop3A_97] {strides = array<i32>} : memref<512xf32, #tpu.memory_space<vmem>>, vector<16xf32>,
        %parallel_loop3A_99 = arith.fptosi %parallel_loop3A_98 : vector<16xf32> to vector<16xi32>
        %parallel_loop3A_100 = arith.sitofp %parallel_loop3A_99 : vector<16xi32> to vector<16xf32>
        %parallel_loop3A_101 = arith.subf %parallel_loop3A_98, %parallel_loop3A_100 : vector<16xf32>
        %parallel_loop3A_102 = arith.constant 64 : i32
        %parallel_loop3A_103 = vector.broadcast %parallel_loop3A_102 : i32 to vector<16xi32>
        %parallel_loop3A_104 = arith.muli %parallel_loop3A_99, %parallel_loop3A_103 : vector<16xi32>
        %parallel_loop3A_105 = vector.extract_strided_slice %parallel_loop3A_104 {offsets = [0], sizes = [1], strides = [1]} : vector<16xi32> to vector<1xi32>
        %parallel_loop3A_106 = vector.extract %parallel_loop3A_105[0] : i32 from vector<1xi32>
        %parallel_loop3A_107 = vector.broadcast %parallel_loop3A_106 : i32 to vector<16xi32>
        %parallel_loop3A_108 = arith.addi %parallel_loop3A_107, %iota3A : vector<16xi32>
        %parallel_loop3A_109 = vector.extract_strided_slice %parallel_loop3A_101 {offsets = [0], sizes = [1], strides = [1]} : vector<16xf32> to vector<1xf32>
        %parallel_loop3A_110 = vector.extract %parallel_loop3A_109[0] : f32 from vector<1xf32>
        %parallel_loop3A_111 = vector.broadcast %parallel_loop3A_110 : f32 to vector<16xf32>
        %parallel_loop3A_112 = arith.constant 16 : i32
        %parallel_loop3A_113 = arith.muli %parallel_loop3A_94, %parallel_loop3A_112 : i32
        %parallel_loop3A_114 = arith.constant 0 : i32
        %parallel_loop3A_115 = arith.addi %parallel_loop3A_113, %parallel_loop3A_114 : i32
        %parallel_loop3A_116 = arith.constant 64 : i32
        %parallel_loop3A_117 = arith.muli %parallel_loop3A_115, %parallel_loop3A_116 : i32
        %parallel_loop3A_118 = arith.constant 0 : i32
        %parallel_loop3A_119 = vector.broadcast %parallel_loop3A_118 : i32 to vector<16xi32>
        %parallel_loop3A_120 = arith.addi %parallel_loop3A_108, %parallel_loop3A_119 : vector<16xi32>
        %parallel_loop3A_121 = arith.constant 16 : i32
        %parallel_loop3A_122 = vector.broadcast %parallel_loop3A_121 : i32 to vector<16xi32>
        %parallel_loop3A_123 = arith.addi %parallel_loop3A_108, %parallel_loop3A_122 : vector<16xi32>
        %parallel_loop3A_124 = arith.constant 32 : i32
        %parallel_loop3A_125 = vector.broadcast %parallel_loop3A_124 : i32 to vector<16xi32>
        %parallel_loop3A_126 = arith.addi %parallel_loop3A_108, %parallel_loop3A_125 : vector<16xi32>
        %parallel_loop3A_127 = arith.constant 48 : i32
        %parallel_loop3A_128 = vector.broadcast %parallel_loop3A_127 : i32 to vector<16xi32>
        %parallel_loop3A_129 = arith.addi %parallel_loop3A_108, %parallel_loop3A_128 : vector<16xi32>
        %parallel_loop3A_130 = tpu.vector_load_idx %arg5[%parallel_loop3A_120] : memref<16384xf32, #tpu.memory_space<vmem>>[vector<16xi32>], vector<16xf32>,
        %parallel_loop3A_131 = tpu.vector_load_idx %arg5[%parallel_loop3A_123] : memref<16384xf32, #tpu.memory_space<vmem>>[vector<16xi32>], vector<16xf32>,
        %parallel_loop3A_132 = tpu.vector_load_idx %arg5[%parallel_loop3A_126] : memref<16384xf32, #tpu.memory_space<vmem>>[vector<16xi32>], vector<16xf32>,
        %parallel_loop3A_133 = tpu.vector_load_idx %arg5[%parallel_loop3A_129] : memref<16384xf32, #tpu.memory_space<vmem>>[vector<16xi32>], vector<16xf32>,
        %parallel_loop3A_134 = tpu.vector_load_idx %arg6[%parallel_loop3A_120] : memref<16384xf32, #tpu.memory_space<vmem>>[vector<16xi32>], vector<16xf32>,
        %parallel_loop3A_135 = tpu.vector_load_idx %arg6[%parallel_loop3A_123] : memref<16384xf32, #tpu.memory_space<vmem>>[vector<16xi32>], vector<16xf32>,
        %parallel_loop3A_136 = tpu.vector_load_idx %arg6[%parallel_loop3A_126] : memref<16384xf32, #tpu.memory_space<vmem>>[vector<16xi32>], vector<16xf32>,
        %parallel_loop3A_137 = tpu.vector_load_idx %arg6[%parallel_loop3A_129] : memref<16384xf32, #tpu.memory_space<vmem>>[vector<16xi32>], vector<16xf32>,
        %parallel_loop3A_138 = arith.mulf %parallel_loop3A_111, %parallel_loop3A_134 : vector<16xf32>
        %parallel_loop3A_139 = arith.addf %parallel_loop3A_130, %parallel_loop3A_138 : vector<16xf32>
        %parallel_loop3A_140 = arith.constant 0 : i32
        %parallel_loop3A_141 = arith.addi %parallel_loop3A_117, %parallel_loop3A_140 : i32
        %parallel_loop3A_142 = arith.index_cast %parallel_loop3A_141 : i32 to index
        %parallel_loop3A_143 = tpu.vector_load %arg9[%parallel_loop3A_142] {strides = array<i32>} : memref<32768xf32, #tpu.memory_space<vmem>>, vector<16xf32>,
        tpu.vector_store %arg9[%parallel_loop3A_142], %parallel_loop3A_139 {strides = array<i32>} : memref<32768xf32, #tpu.memory_space<vmem>>, vector<16xf32>,
        %parallel_loop3A_144 = arith.mulf %parallel_loop3A_111, %parallel_loop3A_135 : vector<16xf32>
        %parallel_loop3A_145 = arith.addf %parallel_loop3A_131, %parallel_loop3A_144 : vector<16xf32>
        %parallel_loop3A_146 = arith.constant 16 : i32
        %parallel_loop3A_147 = arith.addi %parallel_loop3A_117, %parallel_loop3A_146 : i32
        %parallel_loop3A_148 = arith.index_cast %parallel_loop3A_147 : i32 to index
        %parallel_loop3A_149 = tpu.vector_load %arg9[%parallel_loop3A_148] {strides = array<i32>} : memref<32768xf32, #tpu.memory_space<vmem>>, vector<16xf32>,
        tpu.vector_store %arg9[%parallel_loop3A_148], %parallel_loop3A_145 {strides = array<i32>} : memref<32768xf32, #tpu.memory_space<vmem>>, vector<16xf32>,
        %parallel_loop3A_150 = arith.mulf %parallel_loop3A_111, %parallel_loop3A_136 : vector<16xf32>
        %parallel_loop3A_151 = arith.addf %parallel_loop3A_132, %parallel_loop3A_150 : vector<16xf32>
        %parallel_loop3A_152 = arith.constant 32 : i32
        %parallel_loop3A_153 = arith.addi %parallel_loop3A_117, %parallel_loop3A_152 : i32
        %parallel_loop3A_154 = arith.index_cast %parallel_loop3A_153 : i32 to index
        %parallel_loop3A_155 = tpu.vector_load %arg9[%parallel_loop3A_154] {strides = array<i32>} : memref<32768xf32, #tpu.memory_space<vmem>>, vector<16xf32>,
        tpu.vector_store %arg9[%parallel_loop3A_154], %parallel_loop3A_151 {strides = array<i32>} : memref<32768xf32, #tpu.memory_space<vmem>>, vector<16xf32>,
        %parallel_loop3A_156 = arith.mulf %parallel_loop3A_111, %parallel_loop3A_137 : vector<16xf32>
        %parallel_loop3A_157 = arith.addf %parallel_loop3A_133, %parallel_loop3A_156 : vector<16xf32>
        %parallel_loop3A_158 = arith.constant 48 : i32
        %parallel_loop3A_159 = arith.addi %parallel_loop3A_117, %parallel_loop3A_158 : i32
        %parallel_loop3A_160 = arith.index_cast %parallel_loop3A_159 : i32 to index
        %parallel_loop3A_161 = tpu.vector_load %arg9[%parallel_loop3A_160] {strides = array<i32>} : memref<32768xf32, #tpu.memory_space<vmem>>, vector<16xf32>,
        tpu.vector_store %arg9[%parallel_loop3A_160], %parallel_loop3A_157 {strides = array<i32>} : memref<32768xf32, #tpu.memory_space<vmem>>, vector<16xf32>,
        %parallel_loop3A_162 = vector.extract_strided_slice %parallel_loop3A_104 {offsets = [1], sizes = [1], strides = [1]} : vector<16xi32> to vector<1xi32>
        %parallel_loop3A_163 = vector.extract %parallel_loop3A_162[0] : i32 from vector<1xi32>
        %parallel_loop3A_164 = vector.broadcast %parallel_loop3A_163 : i32 to vector<16xi32>
        %parallel_loop3A_165 = arith.addi %parallel_loop3A_164, %iota3A : vector<16xi32>
        %parallel_loop3A_166 = vector.extract_strided_slice %parallel_loop3A_101 {offsets = [1], sizes = [1], strides = [1]} : vector<16xf32> to vector<1xf32>
        %parallel_loop3A_167 = vector.extract %parallel_loop3A_166[0] : f32 from vector<1xf32>
        %parallel_loop3A_168 = vector.broadcast %parallel_loop3A_167 : f32 to vector<16xf32>
        %parallel_loop3A_169 = arith.constant 16 : i32
        %parallel_loop3A_170 = arith.muli %parallel_loop3A_94, %parallel_loop3A_169 : i32
        %parallel_loop3A_171 = arith.constant 1 : i32
        %parallel_loop3A_172 = arith.addi %parallel_loop3A_170, %parallel_loop3A_171 : i32
        %parallel_loop3A_173 = arith.constant 64 : i32
        %parallel_loop3A_174 = arith.muli %parallel_loop3A_172, %parallel_loop3A_173 : i32
        %parallel_loop3A_175 = arith.constant 0 : i32
        %parallel_loop3A_176 = vector.broadcast %parallel_loop3A_175 : i32 to vector<16xi32>
        %parallel_loop3A_177 = arith.addi %parallel_loop3A_165, %parallel_loop3A_176 : vector<16xi32>
        %parallel_loop3A_178 = arith.constant 16 : i32
        %parallel_loop3A_179 = vector.broadcast %parallel_loop3A_178 : i32 to vector<16xi32>
        %parallel_loop3A_180 = arith.addi %parallel_loop3A_165, %parallel_loop3A_179 : vector<16xi32>
        %parallel_loop3A_181 = arith.constant 32 : i32
        %parallel_loop3A_182 = vector.broadcast %parallel_loop3A_181 : i32 to vector<16xi32>
        %parallel_loop3A_183 = arith.addi %parallel_loop3A_165, %parallel_loop3A_182 : vector<16xi32>
        %parallel_loop3A_184 = arith.constant 48 : i32
        %parallel_loop3A_185 = vector.broadcast %parallel_loop3A_184 : i32 to vector<16xi32>
        %parallel_loop3A_186 = arith.addi %parallel_loop3A_165, %parallel_loop3A_185 : vector<16xi32>
        %parallel_loop3A_187 = tpu.vector_load_idx %arg5[%parallel_loop3A_177] : memref<16384xf32, #tpu.memory_space<vmem>>[vector<16xi32>], vector<16xf32>,
        %parallel_loop3A_188 = tpu.vector_load_idx %arg5[%parallel_loop3A_180] : memref<16384xf32, #tpu.memory_space<vmem>>[vector<16xi32>], vector<16xf32>,
        %parallel_loop3A_189 = tpu.vector_load_idx %arg5[%parallel_loop3A_183] : memref<16384xf32, #tpu.memory_space<vmem>>[vector<16xi32>], vector<16xf32>,
        %parallel_loop3A_190 = tpu.vector_load_idx %arg5[%parallel_loop3A_186] : memref<16384xf32, #tpu.memory_space<vmem>>[vector<16xi32>], vector<16xf32>,
        %parallel_loop3A_191 = tpu.vector_load_idx %arg6[%parallel_loop3A_177] : memref<16384xf32, #tpu.memory_space<vmem>>[vector<16xi32>], vector<16xf32>,
        %parallel_loop3A_192 = tpu.vector_load_idx %arg6[%parallel_loop3A_180] : memref<16384xf32, #tpu.memory_space<vmem>>[vector<16xi32>], vector<16xf32>,
        %parallel_loop3A_193 = tpu.vector_load_idx %arg6[%parallel_loop3A_183] : memref<16384xf32, #tpu.memory_space<vmem>>[vector<16xi32>], vector<16xf32>,
        %parallel_loop3A_194 = tpu.vector_load_idx %arg6[%parallel_loop3A_186] : memref<16384xf32, #tpu.memory_space<vmem>>[vector<16xi32>], vector<16xf32>,
        %parallel_loop3A_195 = arith.mulf %parallel_loop3A_168, %parallel_loop3A_191 : vector<16xf32>
        %parallel_loop3A_196 = arith.addf %parallel_loop3A_187, %parallel_loop3A_195 : vector<16xf32>
        %parallel_loop3A_197 = arith.constant 0 : i32
        %parallel_loop3A_198 = arith.addi %parallel_loop3A_174, %parallel_loop3A_197 : i32
        %parallel_loop3A_199 = arith.index_cast %parallel_loop3A_198 : i32 to index
        %parallel_loop3A_200 = tpu.vector_load %arg9[%parallel_loop3A_199] {strides = array<i32>} : memref<32768xf32, #tpu.memory_space<vmem>>, vector<16xf32>,
        tpu.vector_store %arg9[%parallel_loop3A_199], %parallel_loop3A_196 {strides = array<i32>} : memref<32768xf32, #tpu.memory_space<vmem>>, vector<16xf32>,
        %parallel_loop3A_201 = arith.mulf %parallel_loop3A_168, %parallel_loop3A_192 : vector<16xf32>
        %parallel_loop3A_202 = arith.addf %parallel_loop3A_188, %parallel_loop3A_201 : vector<16xf32>
        %parallel_loop3A_203 = arith.constant 16 : i32
        %parallel_loop3A_204 = arith.addi %parallel_loop3A_174, %parallel_loop3A_203 : i32
        %parallel_loop3A_205 = arith.index_cast %parallel_loop3A_204 : i32 to index
        %parallel_loop3A_206 = tpu.vector_load %arg9[%parallel_loop3A_205] {strides = array<i32>} : memref<32768xf32, #tpu.memory_space<vmem>>, vector<16xf32>,
        tpu.vector_store %arg9[%parallel_loop3A_205], %parallel_loop3A_202 {strides = array<i32>} : memref<32768xf32, #tpu.memory_space<vmem>>, vector<16xf32>,
        %parallel_loop3A_207 = arith.mulf %parallel_loop3A_168, %parallel_loop3A_193 : vector<16xf32>
        %parallel_loop3A_208 = arith.addf %parallel_loop3A_189, %parallel_loop3A_207 : vector<16xf32>
        %parallel_loop3A_209 = arith.constant 32 : i32
        %parallel_loop3A_210 = arith.addi %parallel_loop3A_174, %parallel_loop3A_209 : i32
        %parallel_loop3A_211 = arith.index_cast %parallel_loop3A_210 : i32 to index
        %parallel_loop3A_212 = tpu.vector_load %arg9[%parallel_loop3A_211] {strides = array<i32>} : memref<32768xf32, #tpu.memory_space<vmem>>, vector<16xf32>,
        tpu.vector_store %arg9[%parallel_loop3A_211], %parallel_loop3A_208 {strides = array<i32>} : memref<32768xf32, #tpu.memory_space<vmem>>, vector<16xf32>,
        %parallel_loop3A_213 = arith.mulf %parallel_loop3A_168, %parallel_loop3A_194 : vector<16xf32>
        %parallel_loop3A_214 = arith.addf %parallel_loop3A_190, %parallel_loop3A_213 : vector<16xf32>
        %parallel_loop3A_215 = arith.constant 48 : i32
        %parallel_loop3A_216 = arith.addi %parallel_loop3A_174, %parallel_loop3A_215 : i32
        %parallel_loop3A_217 = arith.index_cast %parallel_loop3A_216 : i32 to index
        %parallel_loop3A_218 = tpu.vector_load %arg9[%parallel_loop3A_217] {strides = array<i32>} : memref<32768xf32, #tpu.memory_space<vmem>>, vector<16xf32>,
        tpu.vector_store %arg9[%parallel_loop3A_217], %parallel_loop3A_214 {strides = array<i32>} : memref<32768xf32, #tpu.memory_space<vmem>>, vector<16xf32>,
        %parallel_loop3A_219 = vector.extract_strided_slice %parallel_loop3A_104 {offsets = [2], sizes = [1], strides = [1]} : vector<16xi32> to vector<1xi32>
        %parallel_loop3A_220 = vector.extract %parallel_loop3A_219[0] : i32 from vector<1xi32>
        %parallel_loop3A_221 = vector.broadcast %parallel_loop3A_220 : i32 to vector<16xi32>
        %parallel_loop3A_222 = arith.addi %parallel_loop3A_221, %iota3A : vector<16xi32>
        %parallel_loop3A_223 = vector.extract_strided_slice %parallel_loop3A_101 {offsets = [2], sizes = [1], strides = [1]} : vector<16xf32> to vector<1xf32>
        %parallel_loop3A_224 = vector.extract %parallel_loop3A_223[0] : f32 from vector<1xf32>
        %parallel_loop3A_225 = vector.broadcast %parallel_loop3A_224 : f32 to vector<16xf32>
        %parallel_loop3A_226 = arith.constant 16 : i32
        %parallel_loop3A_227 = arith.muli %parallel_loop3A_94, %parallel_loop3A_226 : i32
        %parallel_loop3A_228 = arith.constant 2 : i32
        %parallel_loop3A_229 = arith.addi %parallel_loop3A_227, %parallel_loop3A_228 : i32
        %parallel_loop3A_230 = arith.constant 64 : i32
        %parallel_loop3A_231 = arith.muli %parallel_loop3A_229, %parallel_loop3A_230 : i32
        %parallel_loop3A_232 = arith.constant 0 : i32
        %parallel_loop3A_233 = vector.broadcast %parallel_loop3A_232 : i32 to vector<16xi32>
        %parallel_loop3A_234 = arith.addi %parallel_loop3A_222, %parallel_loop3A_233 : vector<16xi32>
        %parallel_loop3A_235 = arith.constant 16 : i32
        %parallel_loop3A_236 = vector.broadcast %parallel_loop3A_235 : i32 to vector<16xi32>
        %parallel_loop3A_237 = arith.addi %parallel_loop3A_222, %parallel_loop3A_236 : vector<16xi32>
        %parallel_loop3A_238 = arith.constant 32 : i32
        %parallel_loop3A_239 = vector.broadcast %parallel_loop3A_238 : i32 to vector<16xi32>
        %parallel_loop3A_240 = arith.addi %parallel_loop3A_222, %parallel_loop3A_239 : vector<16xi32>
        %parallel_loop3A_241 = arith.constant 48 : i32
        %parallel_loop3A_242 = vector.broadcast %parallel_loop3A_241 : i32 to vector<16xi32>
        %parallel_loop3A_243 = arith.addi %parallel_loop3A_222, %parallel_loop3A_242 : vector<16xi32>
        %parallel_loop3A_244 = tpu.vector_load_idx %arg5[%parallel_loop3A_234] : memref<16384xf32, #tpu.memory_space<vmem>>[vector<16xi32>], vector<16xf32>,
        %parallel_loop3A_245 = tpu.vector_load_idx %arg5[%parallel_loop3A_237] : memref<16384xf32, #tpu.memory_space<vmem>>[vector<16xi32>], vector<16xf32>,
        %parallel_loop3A_246 = tpu.vector_load_idx %arg5[%parallel_loop3A_240] : memref<16384xf32, #tpu.memory_space<vmem>>[vector<16xi32>], vector<16xf32>,
        %parallel_loop3A_247 = tpu.vector_load_idx %arg5[%parallel_loop3A_243] : memref<16384xf32, #tpu.memory_space<vmem>>[vector<16xi32>], vector<16xf32>,
        %parallel_loop3A_248 = tpu.vector_load_idx %arg6[%parallel_loop3A_234] : memref<16384xf32, #tpu.memory_space<vmem>>[vector<16xi32>], vector<16xf32>,
        %parallel_loop3A_249 = tpu.vector_load_idx %arg6[%parallel_loop3A_237] : memref<16384xf32, #tpu.memory_space<vmem>>[vector<16xi32>], vector<16xf32>,
        %parallel_loop3A_250 = tpu.vector_load_idx %arg6[%parallel_loop3A_240] : memref<16384xf32, #tpu.memory_space<vmem>>[vector<16xi32>], vector<16xf32>,
        %parallel_loop3A_251 = tpu.vector_load_idx %arg6[%parallel_loop3A_243] : memref<16384xf32, #tpu.memory_space<vmem>>[vector<16xi32>], vector<16xf32>,
        %parallel_loop3A_252 = arith.mulf %parallel_loop3A_225, %parallel_loop3A_248 : vector<16xf32>
        %parallel_loop3A_253 = arith.addf %parallel_loop3A_244, %parallel_loop3A_252 : vector<16xf32>
        %parallel_loop3A_254 = arith.constant 0 : i32
        %parallel_loop3A_255 = arith.addi %parallel_loop3A_231, %parallel_loop3A_254 : i32
        %parallel_loop3A_256 = arith.index_cast %parallel_loop3A_255 : i32 to index
        %parallel_loop3A_257 = tpu.vector_load %arg9[%parallel_loop3A_256] {strides = array<i32>} : memref<32768xf32, #tpu.memory_space<vmem>>, vector<16xf32>,
        tpu.vector_store %arg9[%parallel_loop3A_256], %parallel_loop3A_253 {strides = array<i32>} : memref<32768xf32, #tpu.memory_space<vmem>>, vector<16xf32>,
        %parallel_loop3A_258 = arith.mulf %parallel_loop3A_225, %parallel_loop3A_249 : vector<16xf32>
        %parallel_loop3A_259 = arith.addf %parallel_loop3A_245, %parallel_loop3A_258 : vector<16xf32>
        %parallel_loop3A_260 = arith.constant 16 : i32
        %parallel_loop3A_261 = arith.addi %parallel_loop3A_231, %parallel_loop3A_260 : i32
        %parallel_loop3A_262 = arith.index_cast %parallel_loop3A_261 : i32 to index
        %parallel_loop3A_263 = tpu.vector_load %arg9[%parallel_loop3A_262] {strides = array<i32>} : memref<32768xf32, #tpu.memory_space<vmem>>, vector<16xf32>,
        tpu.vector_store %arg9[%parallel_loop3A_262], %parallel_loop3A_259 {strides = array<i32>} : memref<32768xf32, #tpu.memory_space<vmem>>, vector<16xf32>,
        %parallel_loop3A_264 = arith.mulf %parallel_loop3A_225, %parallel_loop3A_250 : vector<16xf32>
        %parallel_loop3A_265 = arith.addf %parallel_loop3A_246, %parallel_loop3A_264 : vector<16xf32>
        %parallel_loop3A_266 = arith.constant 32 : i32
        %parallel_loop3A_267 = arith.addi %parallel_loop3A_231, %parallel_loop3A_266 : i32
        %parallel_loop3A_268 = arith.index_cast %parallel_loop3A_267 : i32 to index
        %parallel_loop3A_269 = tpu.vector_load %arg9[%parallel_loop3A_268] {strides = array<i32>} : memref<32768xf32, #tpu.memory_space<vmem>>, vector<16xf32>,
        tpu.vector_store %arg9[%parallel_loop3A_268], %parallel_loop3A_265 {strides = array<i32>} : memref<32768xf32, #tpu.memory_space<vmem>>, vector<16xf32>,
        %parallel_loop3A_270 = arith.mulf %parallel_loop3A_225, %parallel_loop3A_251 : vector<16xf32>
        %parallel_loop3A_271 = arith.addf %parallel_loop3A_247, %parallel_loop3A_270 : vector<16xf32>
        %parallel_loop3A_272 = arith.constant 48 : i32
        %parallel_loop3A_273 = arith.addi %parallel_loop3A_231, %parallel_loop3A_272 : i32
        %parallel_loop3A_274 = arith.index_cast %parallel_loop3A_273 : i32 to index
        %parallel_loop3A_275 = tpu.vector_load %arg9[%parallel_loop3A_274] {strides = array<i32>} : memref<32768xf32, #tpu.memory_space<vmem>>, vector<16xf32>,
        tpu.vector_store %arg9[%parallel_loop3A_274], %parallel_loop3A_271 {strides = array<i32>} : memref<32768xf32, #tpu.memory_space<vmem>>, vector<16xf32>,
        %parallel_loop3A_276 = vector.extract_strided_slice %parallel_loop3A_104 {offsets = [3], sizes = [1], strides = [1]} : vector<16xi32> to vector<1xi32>
        %parallel_loop3A_277 = vector.extract %parallel_loop3A_276[0] : i32 from vector<1xi32>
        %parallel_loop3A_278 = vector.broadcast %parallel_loop3A_277 : i32 to vector<16xi32>
        %parallel_loop3A_279 = arith.addi %parallel_loop3A_278, %iota3A : vector<16xi32>
        %parallel_loop3A_280 = vector.extract_strided_slice %parallel_loop3A_101 {offsets = [3], sizes = [1], strides = [1]} : vector<16xf32> to vector<1xf32>
        %parallel_loop3A_281 = vector.extract %parallel_loop3A_280[0] : f32 from vector<1xf32>
        %parallel_loop3A_282 = vector.broadcast %parallel_loop3A_281 : f32 to vector<16xf32>
        %parallel_loop3A_283 = arith.constant 16 : i32
        %parallel_loop3A_284 = arith.muli %parallel_loop3A_94, %parallel_loop3A_283 : i32
        %parallel_loop3A_285 = arith.constant 3 : i32
        %parallel_loop3A_286 = arith.addi %parallel_loop3A_284, %parallel_loop3A_285 : i32
        %parallel_loop3A_287 = arith.constant 64 : i32
        %parallel_loop3A_288 = arith.muli %parallel_loop3A_286, %parallel_loop3A_287 : i32
        %parallel_loop3A_289 = arith.constant 0 : i32
        %parallel_loop3A_290 = vector.broadcast %parallel_loop3A_289 : i32 to vector<16xi32>
        %parallel_loop3A_291 = arith.addi %parallel_loop3A_279, %parallel_loop3A_290 : vector<16xi32>
        %parallel_loop3A_292 = arith.constant 16 : i32
        %parallel_loop3A_293 = vector.broadcast %parallel_loop3A_292 : i32 to vector<16xi32>
        %parallel_loop3A_294 = arith.addi %parallel_loop3A_279, %parallel_loop3A_293 : vector<16xi32>
        %parallel_loop3A_295 = arith.constant 32 : i32
        %parallel_loop3A_296 = vector.broadcast %parallel_loop3A_295 : i32 to vector<16xi32>
        %parallel_loop3A_297 = arith.addi %parallel_loop3A_279, %parallel_loop3A_296 : vector<16xi32>
        %parallel_loop3A_298 = arith.constant 48 : i32
        %parallel_loop3A_299 = vector.broadcast %parallel_loop3A_298 : i32 to vector<16xi32>
        %parallel_loop3A_300 = arith.addi %parallel_loop3A_279, %parallel_loop3A_299 : vector<16xi32>
        %parallel_loop3A_301 = tpu.vector_load_idx %arg5[%parallel_loop3A_291] : memref<16384xf32, #tpu.memory_space<vmem>>[vector<16xi32>], vector<16xf32>,
        %parallel_loop3A_302 = tpu.vector_load_idx %arg5[%parallel_loop3A_294] : memref<16384xf32, #tpu.memory_space<vmem>>[vector<16xi32>], vector<16xf32>,
        %parallel_loop3A_303 = tpu.vector_load_idx %arg5[%parallel_loop3A_297] : memref<16384xf32, #tpu.memory_space<vmem>>[vector<16xi32>], vector<16xf32>,
        %parallel_loop3A_304 = tpu.vector_load_idx %arg5[%parallel_loop3A_300] : memref<16384xf32, #tpu.memory_space<vmem>>[vector<16xi32>], vector<16xf32>,
        %parallel_loop3A_305 = tpu.vector_load_idx %arg6[%parallel_loop3A_291] : memref<16384xf32, #tpu.memory_space<vmem>>[vector<16xi32>], vector<16xf32>,
        %parallel_loop3A_306 = tpu.vector_load_idx %arg6[%parallel_loop3A_294] : memref<16384xf32, #tpu.memory_space<vmem>>[vector<16xi32>], vector<16xf32>,
        %parallel_loop3A_307 = tpu.vector_load_idx %arg6[%parallel_loop3A_297] : memref<16384xf32, #tpu.memory_space<vmem>>[vector<16xi32>], vector<16xf32>,
        %parallel_loop3A_308 = tpu.vector_load_idx %arg6[%parallel_loop3A_300] : memref<16384xf32, #tpu.memory_space<vmem>>[vector<16xi32>], vector<16xf32>,
        %parallel_loop3A_309 = arith.mulf %parallel_loop3A_282, %parallel_loop3A_305 : vector<16xf32>
        %parallel_loop3A_310 = arith.addf %parallel_loop3A_301, %parallel_loop3A_309 : vector<16xf32>
        %parallel_loop3A_311 = arith.constant 0 : i32
        %parallel_loop3A_312 = arith.addi %parallel_loop3A_288, %parallel_loop3A_311 : i32
        %parallel_loop3A_313 = arith.index_cast %parallel_loop3A_312 : i32 to index
        %parallel_loop3A_314 = tpu.vector_load %arg9[%parallel_loop3A_313] {strides = array<i32>} : memref<32768xf32, #tpu.memory_space<vmem>>, vector<16xf32>,
        tpu.vector_store %arg9[%parallel_loop3A_313], %parallel_loop3A_310 {strides = array<i32>} : memref<32768xf32, #tpu.memory_space<vmem>>, vector<16xf32>,
        %parallel_loop3A_315 = arith.mulf %parallel_loop3A_282, %parallel_loop3A_306 : vector<16xf32>
        %parallel_loop3A_316 = arith.addf %parallel_loop3A_302, %parallel_loop3A_315 : vector<16xf32>
        %parallel_loop3A_317 = arith.constant 16 : i32
        %parallel_loop3A_318 = arith.addi %parallel_loop3A_288, %parallel_loop3A_317 : i32
        %parallel_loop3A_319 = arith.index_cast %parallel_loop3A_318 : i32 to index
        %parallel_loop3A_320 = tpu.vector_load %arg9[%parallel_loop3A_319] {strides = array<i32>} : memref<32768xf32, #tpu.memory_space<vmem>>, vector<16xf32>,
        tpu.vector_store %arg9[%parallel_loop3A_319], %parallel_loop3A_316 {strides = array<i32>} : memref<32768xf32, #tpu.memory_space<vmem>>, vector<16xf32>,
        %parallel_loop3A_321 = arith.mulf %parallel_loop3A_282, %parallel_loop3A_307 : vector<16xf32>
        %parallel_loop3A_322 = arith.addf %parallel_loop3A_303, %parallel_loop3A_321 : vector<16xf32>
        %parallel_loop3A_323 = arith.constant 32 : i32
        %parallel_loop3A_324 = arith.addi %parallel_loop3A_288, %parallel_loop3A_323 : i32
        %parallel_loop3A_325 = arith.index_cast %parallel_loop3A_324 : i32 to index
        %parallel_loop3A_326 = tpu.vector_load %arg9[%parallel_loop3A_325] {strides = array<i32>} : memref<32768xf32, #tpu.memory_space<vmem>>, vector<16xf32>,
        tpu.vector_store %arg9[%parallel_loop3A_325], %parallel_loop3A_322 {strides = array<i32>} : memref<32768xf32, #tpu.memory_space<vmem>>, vector<16xf32>,
        %parallel_loop3A_327 = arith.mulf %parallel_loop3A_282, %parallel_loop3A_308 : vector<16xf32>
        %parallel_loop3A_328 = arith.addf %parallel_loop3A_304, %parallel_loop3A_327 : vector<16xf32>
        %parallel_loop3A_329 = arith.constant 48 : i32
        %parallel_loop3A_330 = arith.addi %parallel_loop3A_288, %parallel_loop3A_329 : i32
        %parallel_loop3A_331 = arith.index_cast %parallel_loop3A_330 : i32 to index
        %parallel_loop3A_332 = tpu.vector_load %arg9[%parallel_loop3A_331] {strides = array<i32>} : memref<32768xf32, #tpu.memory_space<vmem>>, vector<16xf32>,
        tpu.vector_store %arg9[%parallel_loop3A_331], %parallel_loop3A_328 {strides = array<i32>} : memref<32768xf32, #tpu.memory_space<vmem>>, vector<16xf32>,
        %parallel_loop3A_333 = vector.extract_strided_slice %parallel_loop3A_104 {offsets = [4], sizes = [1], strides = [1]} : vector<16xi32> to vector<1xi32>
        %parallel_loop3A_334 = vector.extract %parallel_loop3A_333[0] : i32 from vector<1xi32>
        %parallel_loop3A_335 = vector.broadcast %parallel_loop3A_334 : i32 to vector<16xi32>
        %parallel_loop3A_336 = arith.addi %parallel_loop3A_335, %iota3A : vector<16xi32>
        %parallel_loop3A_337 = vector.extract_strided_slice %parallel_loop3A_101 {offsets = [4], sizes = [1], strides = [1]} : vector<16xf32> to vector<1xf32>
        %parallel_loop3A_338 = vector.extract %parallel_loop3A_337[0] : f32 from vector<1xf32>
        %parallel_loop3A_339 = vector.broadcast %parallel_loop3A_338 : f32 to vector<16xf32>
        %parallel_loop3A_340 = arith.constant 16 : i32
        %parallel_loop3A_341 = arith.muli %parallel_loop3A_94, %parallel_loop3A_340 : i32
        %parallel_loop3A_342 = arith.constant 4 : i32
        %parallel_loop3A_343 = arith.addi %parallel_loop3A_341, %parallel_loop3A_342 : i32
        %parallel_loop3A_344 = arith.constant 64 : i32
        %parallel_loop3A_345 = arith.muli %parallel_loop3A_343, %parallel_loop3A_344 : i32
        %parallel_loop3A_346 = arith.constant 0 : i32
        %parallel_loop3A_347 = vector.broadcast %parallel_loop3A_346 : i32 to vector<16xi32>
        %parallel_loop3A_348 = arith.addi %parallel_loop3A_336, %parallel_loop3A_347 : vector<16xi32>
        %parallel_loop3A_349 = arith.constant 16 : i32
        %parallel_loop3A_350 = vector.broadcast %parallel_loop3A_349 : i32 to vector<16xi32>
        %parallel_loop3A_351 = arith.addi %parallel_loop3A_336, %parallel_loop3A_350 : vector<16xi32>
        %parallel_loop3A_352 = arith.constant 32 : i32
        %parallel_loop3A_353 = vector.broadcast %parallel_loop3A_352 : i32 to vector<16xi32>
        %parallel_loop3A_354 = arith.addi %parallel_loop3A_336, %parallel_loop3A_353 : vector<16xi32>
        %parallel_loop3A_355 = arith.constant 48 : i32
        %parallel_loop3A_356 = vector.broadcast %parallel_loop3A_355 : i32 to vector<16xi32>
        %parallel_loop3A_357 = arith.addi %parallel_loop3A_336, %parallel_loop3A_356 : vector<16xi32>
        %parallel_loop3A_358 = tpu.vector_load_idx %arg5[%parallel_loop3A_348] : memref<16384xf32, #tpu.memory_space<vmem>>[vector<16xi32>], vector<16xf32>,
        %parallel_loop3A_359 = tpu.vector_load_idx %arg5[%parallel_loop3A_351] : memref<16384xf32, #tpu.memory_space<vmem>>[vector<16xi32>], vector<16xf32>,
        %parallel_loop3A_360 = tpu.vector_load_idx %arg5[%parallel_loop3A_354] : memref<16384xf32, #tpu.memory_space<vmem>>[vector<16xi32>], vector<16xf32>,
        %parallel_loop3A_361 = tpu.vector_load_idx %arg5[%parallel_loop3A_357] : memref<16384xf32, #tpu.memory_space<vmem>>[vector<16xi32>], vector<16xf32>,
        %parallel_loop3A_362 = tpu.vector_load_idx %arg6[%parallel_loop3A_348] : memref<16384xf32, #tpu.memory_space<vmem>>[vector<16xi32>], vector<16xf32>,
        %parallel_loop3A_363 = tpu.vector_load_idx %arg6[%parallel_loop3A_351] : memref<16384xf32, #tpu.memory_space<vmem>>[vector<16xi32>], vector<16xf32>,
        %parallel_loop3A_364 = tpu.vector_load_idx %arg6[%parallel_loop3A_354] : memref<16384xf32, #tpu.memory_space<vmem>>[vector<16xi32>], vector<16xf32>,
        %parallel_loop3A_365 = tpu.vector_load_idx %arg6[%parallel_loop3A_357] : memref<16384xf32, #tpu.memory_space<vmem>>[vector<16xi32>], vector<16xf32>,
        %parallel_loop3A_366 = arith.mulf %parallel_loop3A_339, %parallel_loop3A_362 : vector<16xf32>
        %parallel_loop3A_367 = arith.addf %parallel_loop3A_358, %parallel_loop3A_366 : vector<16xf32>
        %parallel_loop3A_368 = arith.constant 0 : i32
        %parallel_loop3A_369 = arith.addi %parallel_loop3A_345, %parallel_loop3A_368 : i32
        %parallel_loop3A_370 = arith.index_cast %parallel_loop3A_369 : i32 to index
        %parallel_loop3A_371 = tpu.vector_load %arg9[%parallel_loop3A_370] {strides = array<i32>} : memref<32768xf32, #tpu.memory_space<vmem>>, vector<16xf32>,
        tpu.vector_store %arg9[%parallel_loop3A_370], %parallel_loop3A_367 {strides = array<i32>} : memref<32768xf32, #tpu.memory_space<vmem>>, vector<16xf32>,
        %parallel_loop3A_372 = arith.mulf %parallel_loop3A_339, %parallel_loop3A_363 : vector<16xf32>
        %parallel_loop3A_373 = arith.addf %parallel_loop3A_359, %parallel_loop3A_372 : vector<16xf32>
        %parallel_loop3A_374 = arith.constant 16 : i32
        %parallel_loop3A_375 = arith.addi %parallel_loop3A_345, %parallel_loop3A_374 : i32
        %parallel_loop3A_376 = arith.index_cast %parallel_loop3A_375 : i32 to index
        %parallel_loop3A_377 = tpu.vector_load %arg9[%parallel_loop3A_376] {strides = array<i32>} : memref<32768xf32, #tpu.memory_space<vmem>>, vector<16xf32>,
        tpu.vector_store %arg9[%parallel_loop3A_376], %parallel_loop3A_373 {strides = array<i32>} : memref<32768xf32, #tpu.memory_space<vmem>>, vector<16xf32>,
        %parallel_loop3A_378 = arith.mulf %parallel_loop3A_339, %parallel_loop3A_364 : vector<16xf32>
        %parallel_loop3A_379 = arith.addf %parallel_loop3A_360, %parallel_loop3A_378 : vector<16xf32>
        %parallel_loop3A_380 = arith.constant 32 : i32
        %parallel_loop3A_381 = arith.addi %parallel_loop3A_345, %parallel_loop3A_380 : i32
        %parallel_loop3A_382 = arith.index_cast %parallel_loop3A_381 : i32 to index
        %parallel_loop3A_383 = tpu.vector_load %arg9[%parallel_loop3A_382] {strides = array<i32>} : memref<32768xf32, #tpu.memory_space<vmem>>, vector<16xf32>,
        tpu.vector_store %arg9[%parallel_loop3A_382], %parallel_loop3A_379 {strides = array<i32>} : memref<32768xf32, #tpu.memory_space<vmem>>, vector<16xf32>,
        %parallel_loop3A_384 = arith.mulf %parallel_loop3A_339, %parallel_loop3A_365 : vector<16xf32>
        %parallel_loop3A_385 = arith.addf %parallel_loop3A_361, %parallel_loop3A_384 : vector<16xf32>
        %parallel_loop3A_386 = arith.constant 48 : i32
        %parallel_loop3A_387 = arith.addi %parallel_loop3A_345, %parallel_loop3A_386 : i32
        %parallel_loop3A_388 = arith.index_cast %parallel_loop3A_387 : i32 to index
        %parallel_loop3A_389 = tpu.vector_load %arg9[%parallel_loop3A_388] {strides = array<i32>} : memref<32768xf32, #tpu.memory_space<vmem>>, vector<16xf32>,
        tpu.vector_store %arg9[%parallel_loop3A_388], %parallel_loop3A_385 {strides = array<i32>} : memref<32768xf32, #tpu.memory_space<vmem>>, vector<16xf32>,
        %parallel_loop3A_390 = vector.extract_strided_slice %parallel_loop3A_104 {offsets = [5], sizes = [1], strides = [1]} : vector<16xi32> to vector<1xi32>
        %parallel_loop3A_391 = vector.extract %parallel_loop3A_390[0] : i32 from vector<1xi32>
        %parallel_loop3A_392 = vector.broadcast %parallel_loop3A_391 : i32 to vector<16xi32>
        %parallel_loop3A_393 = arith.addi %parallel_loop3A_392, %iota3A : vector<16xi32>
        %parallel_loop3A_394 = vector.extract_strided_slice %parallel_loop3A_101 {offsets = [5], sizes = [1], strides = [1]} : vector<16xf32> to vector<1xf32>
        %parallel_loop3A_395 = vector.extract %parallel_loop3A_394[0] : f32 from vector<1xf32>
        %parallel_loop3A_396 = vector.broadcast %parallel_loop3A_395 : f32 to vector<16xf32>
        %parallel_loop3A_397 = arith.constant 16 : i32
        %parallel_loop3A_398 = arith.muli %parallel_loop3A_94, %parallel_loop3A_397 : i32
        %parallel_loop3A_399 = arith.constant 5 : i32
        %parallel_loop3A_400 = arith.addi %parallel_loop3A_398, %parallel_loop3A_399 : i32
        %parallel_loop3A_401 = arith.constant 64 : i32
        %parallel_loop3A_402 = arith.muli %parallel_loop3A_400, %parallel_loop3A_401 : i32
        %parallel_loop3A_403 = arith.constant 0 : i32
        %parallel_loop3A_404 = vector.broadcast %parallel_loop3A_403 : i32 to vector<16xi32>
        %parallel_loop3A_405 = arith.addi %parallel_loop3A_393, %parallel_loop3A_404 : vector<16xi32>
        %parallel_loop3A_406 = arith.constant 16 : i32
        %parallel_loop3A_407 = vector.broadcast %parallel_loop3A_406 : i32 to vector<16xi32>
        %parallel_loop3A_408 = arith.addi %parallel_loop3A_393, %parallel_loop3A_407 : vector<16xi32>
        %parallel_loop3A_409 = arith.constant 32 : i32
        %parallel_loop3A_410 = vector.broadcast %parallel_loop3A_409 : i32 to vector<16xi32>
        %parallel_loop3A_411 = arith.addi %parallel_loop3A_393, %parallel_loop3A_410 : vector<16xi32>
        %parallel_loop3A_412 = arith.constant 48 : i32
        %parallel_loop3A_413 = vector.broadcast %parallel_loop3A_412 : i32 to vector<16xi32>
        %parallel_loop3A_414 = arith.addi %parallel_loop3A_393, %parallel_loop3A_413 : vector<16xi32>
        %parallel_loop3A_415 = tpu.vector_load_idx %arg5[%parallel_loop3A_405] : memref<16384xf32, #tpu.memory_space<vmem>>[vector<16xi32>], vector<16xf32>,
        %parallel_loop3A_416 = tpu.vector_load_idx %arg5[%parallel_loop3A_408] : memref<16384xf32, #tpu.memory_space<vmem>>[vector<16xi32>], vector<16xf32>,
        %parallel_loop3A_417 = tpu.vector_load_idx %arg5[%parallel_loop3A_411] : memref<16384xf32, #tpu.memory_space<vmem>>[vector<16xi32>], vector<16xf32>,
        %parallel_loop3A_418 = tpu.vector_load_idx %arg5[%parallel_loop3A_414] : memref<16384xf32, #tpu.memory_space<vmem>>[vector<16xi32>], vector<16xf32>,
        %parallel_loop3A_419 = tpu.vector_load_idx %arg6[%parallel_loop3A_405] : memref<16384xf32, #tpu.memory_space<vmem>>[vector<16xi32>], vector<16xf32>,
        %parallel_loop3A_420 = tpu.vector_load_idx %arg6[%parallel_loop3A_408] : memref<16384xf32, #tpu.memory_space<vmem>>[vector<16xi32>], vector<16xf32>,
        %parallel_loop3A_421 = tpu.vector_load_idx %arg6[%parallel_loop3A_411] : memref<16384xf32, #tpu.memory_space<vmem>>[vector<16xi32>], vector<16xf32>,
        %parallel_loop3A_422 = tpu.vector_load_idx %arg6[%parallel_loop3A_414] : memref<16384xf32, #tpu.memory_space<vmem>>[vector<16xi32>], vector<16xf32>,
        %parallel_loop3A_423 = arith.mulf %parallel_loop3A_396, %parallel_loop3A_419 : vector<16xf32>
        %parallel_loop3A_424 = arith.addf %parallel_loop3A_415, %parallel_loop3A_423 : vector<16xf32>
        %parallel_loop3A_425 = arith.constant 0 : i32
        %parallel_loop3A_426 = arith.addi %parallel_loop3A_402, %parallel_loop3A_425 : i32
        %parallel_loop3A_427 = arith.index_cast %parallel_loop3A_426 : i32 to index
        %parallel_loop3A_428 = tpu.vector_load %arg9[%parallel_loop3A_427] {strides = array<i32>} : memref<32768xf32, #tpu.memory_space<vmem>>, vector<16xf32>,
        tpu.vector_store %arg9[%parallel_loop3A_427], %parallel_loop3A_424 {strides = array<i32>} : memref<32768xf32, #tpu.memory_space<vmem>>, vector<16xf32>,
        %parallel_loop3A_429 = arith.mulf %parallel_loop3A_396, %parallel_loop3A_420 : vector<16xf32>
        %parallel_loop3A_430 = arith.addf %parallel_loop3A_416, %parallel_loop3A_429 : vector<16xf32>
        %parallel_loop3A_431 = arith.constant 16 : i32
        %parallel_loop3A_432 = arith.addi %parallel_loop3A_402, %parallel_loop3A_431 : i32
        %parallel_loop3A_433 = arith.index_cast %parallel_loop3A_432 : i32 to index
        %parallel_loop3A_434 = tpu.vector_load %arg9[%parallel_loop3A_433] {strides = array<i32>} : memref<32768xf32, #tpu.memory_space<vmem>>, vector<16xf32>,
        tpu.vector_store %arg9[%parallel_loop3A_433], %parallel_loop3A_430 {strides = array<i32>} : memref<32768xf32, #tpu.memory_space<vmem>>, vector<16xf32>,
        %parallel_loop3A_435 = arith.mulf %parallel_loop3A_396, %parallel_loop3A_421 : vector<16xf32>
        %parallel_loop3A_436 = arith.addf %parallel_loop3A_417, %parallel_loop3A_435 : vector<16xf32>
        %parallel_loop3A_437 = arith.constant 32 : i32
        %parallel_loop3A_438 = arith.addi %parallel_loop3A_402, %parallel_loop3A_437 : i32
        %parallel_loop3A_439 = arith.index_cast %parallel_loop3A_438 : i32 to index
        %parallel_loop3A_440 = tpu.vector_load %arg9[%parallel_loop3A_439] {strides = array<i32>} : memref<32768xf32, #tpu.memory_space<vmem>>, vector<16xf32>,
        tpu.vector_store %arg9[%parallel_loop3A_439], %parallel_loop3A_436 {strides = array<i32>} : memref<32768xf32, #tpu.memory_space<vmem>>, vector<16xf32>,
        %parallel_loop3A_441 = arith.mulf %parallel_loop3A_396, %parallel_loop3A_422 : vector<16xf32>
        %parallel_loop3A_442 = arith.addf %parallel_loop3A_418, %parallel_loop3A_441 : vector<16xf32>
        %parallel_loop3A_443 = arith.constant 48 : i32
        %parallel_loop3A_444 = arith.addi %parallel_loop3A_402, %parallel_loop3A_443 : i32
        %parallel_loop3A_445 = arith.index_cast %parallel_loop3A_444 : i32 to index
        %parallel_loop3A_446 = tpu.vector_load %arg9[%parallel_loop3A_445] {strides = array<i32>} : memref<32768xf32, #tpu.memory_space<vmem>>, vector<16xf32>,
        tpu.vector_store %arg9[%parallel_loop3A_445], %parallel_loop3A_442 {strides = array<i32>} : memref<32768xf32, #tpu.memory_space<vmem>>, vector<16xf32>,
        %parallel_loop3A_447 = vector.extract_strided_slice %parallel_loop3A_104 {offsets = [6], sizes = [1], strides = [1]} : vector<16xi32> to vector<1xi32>
        %parallel_loop3A_448 = vector.extract %parallel_loop3A_447[0] : i32 from vector<1xi32>
        %parallel_loop3A_449 = vector.broadcast %parallel_loop3A_448 : i32 to vector<16xi32>
        %parallel_loop3A_450 = arith.addi %parallel_loop3A_449, %iota3A : vector<16xi32>
        %parallel_loop3A_451 = vector.extract_strided_slice %parallel_loop3A_101 {offsets = [6], sizes = [1], strides = [1]} : vector<16xf32> to vector<1xf32>
        %parallel_loop3A_452 = vector.extract %parallel_loop3A_451[0] : f32 from vector<1xf32>
        %parallel_loop3A_453 = vector.broadcast %parallel_loop3A_452 : f32 to vector<16xf32>
        %parallel_loop3A_454 = arith.constant 16 : i32
        %parallel_loop3A_455 = arith.muli %parallel_loop3A_94, %parallel_loop3A_454 : i32
        %parallel_loop3A_456 = arith.constant 6 : i32
        %parallel_loop3A_457 = arith.addi %parallel_loop3A_455, %parallel_loop3A_456 : i32
        %parallel_loop3A_458 = arith.constant 64 : i32
        %parallel_loop3A_459 = arith.muli %parallel_loop3A_457, %parallel_loop3A_458 : i32
        %parallel_loop3A_460 = arith.constant 0 : i32
        %parallel_loop3A_461 = vector.broadcast %parallel_loop3A_460 : i32 to vector<16xi32>
        %parallel_loop3A_462 = arith.addi %parallel_loop3A_450, %parallel_loop3A_461 : vector<16xi32>
        %parallel_loop3A_463 = arith.constant 16 : i32
        %parallel_loop3A_464 = vector.broadcast %parallel_loop3A_463 : i32 to vector<16xi32>
        %parallel_loop3A_465 = arith.addi %parallel_loop3A_450, %parallel_loop3A_464 : vector<16xi32>
        %parallel_loop3A_466 = arith.constant 32 : i32
        %parallel_loop3A_467 = vector.broadcast %parallel_loop3A_466 : i32 to vector<16xi32>
        %parallel_loop3A_468 = arith.addi %parallel_loop3A_450, %parallel_loop3A_467 : vector<16xi32>
        %parallel_loop3A_469 = arith.constant 48 : i32
        %parallel_loop3A_470 = vector.broadcast %parallel_loop3A_469 : i32 to vector<16xi32>
        %parallel_loop3A_471 = arith.addi %parallel_loop3A_450, %parallel_loop3A_470 : vector<16xi32>
        %parallel_loop3A_472 = tpu.vector_load_idx %arg5[%parallel_loop3A_462] : memref<16384xf32, #tpu.memory_space<vmem>>[vector<16xi32>], vector<16xf32>,
        %parallel_loop3A_473 = tpu.vector_load_idx %arg5[%parallel_loop3A_465] : memref<16384xf32, #tpu.memory_space<vmem>>[vector<16xi32>], vector<16xf32>,
        %parallel_loop3A_474 = tpu.vector_load_idx %arg5[%parallel_loop3A_468] : memref<16384xf32, #tpu.memory_space<vmem>>[vector<16xi32>], vector<16xf32>,
        %parallel_loop3A_475 = tpu.vector_load_idx %arg5[%parallel_loop3A_471] : memref<16384xf32, #tpu.memory_space<vmem>>[vector<16xi32>], vector<16xf32>,
        %parallel_loop3A_476 = tpu.vector_load_idx %arg6[%parallel_loop3A_462] : memref<16384xf32, #tpu.memory_space<vmem>>[vector<16xi32>], vector<16xf32>,
        %parallel_loop3A_477 = tpu.vector_load_idx %arg6[%parallel_loop3A_465] : memref<16384xf32, #tpu.memory_space<vmem>>[vector<16xi32>], vector<16xf32>,
        %parallel_loop3A_478 = tpu.vector_load_idx %arg6[%parallel_loop3A_468] : memref<16384xf32, #tpu.memory_space<vmem>>[vector<16xi32>], vector<16xf32>,
        %parallel_loop3A_479 = tpu.vector_load_idx %arg6[%parallel_loop3A_471] : memref<16384xf32, #tpu.memory_space<vmem>>[vector<16xi32>], vector<16xf32>,
        %parallel_loop3A_480 = arith.mulf %parallel_loop3A_453, %parallel_loop3A_476 : vector<16xf32>
        %parallel_loop3A_481 = arith.addf %parallel_loop3A_472, %parallel_loop3A_480 : vector<16xf32>
        %parallel_loop3A_482 = arith.constant 0 : i32
        %parallel_loop3A_483 = arith.addi %parallel_loop3A_459, %parallel_loop3A_482 : i32
        %parallel_loop3A_484 = arith.index_cast %parallel_loop3A_483 : i32 to index
        %parallel_loop3A_485 = tpu.vector_load %arg9[%parallel_loop3A_484] {strides = array<i32>} : memref<32768xf32, #tpu.memory_space<vmem>>, vector<16xf32>,
        tpu.vector_store %arg9[%parallel_loop3A_484], %parallel_loop3A_481 {strides = array<i32>} : memref<32768xf32, #tpu.memory_space<vmem>>, vector<16xf32>,
        %parallel_loop3A_486 = arith.mulf %parallel_loop3A_453, %parallel_loop3A_477 : vector<16xf32>
        %parallel_loop3A_487 = arith.addf %parallel_loop3A_473, %parallel_loop3A_486 : vector<16xf32>
        %parallel_loop3A_488 = arith.constant 16 : i32
        %parallel_loop3A_489 = arith.addi %parallel_loop3A_459, %parallel_loop3A_488 : i32
        %parallel_loop3A_490 = arith.index_cast %parallel_loop3A_489 : i32 to index
        %parallel_loop3A_491 = tpu.vector_load %arg9[%parallel_loop3A_490] {strides = array<i32>} : memref<32768xf32, #tpu.memory_space<vmem>>, vector<16xf32>,
        tpu.vector_store %arg9[%parallel_loop3A_490], %parallel_loop3A_487 {strides = array<i32>} : memref<32768xf32, #tpu.memory_space<vmem>>, vector<16xf32>,
        %parallel_loop3A_492 = arith.mulf %parallel_loop3A_453, %parallel_loop3A_478 : vector<16xf32>
        %parallel_loop3A_493 = arith.addf %parallel_loop3A_474, %parallel_loop3A_492 : vector<16xf32>
        %parallel_loop3A_494 = arith.constant 32 : i32
        %parallel_loop3A_495 = arith.addi %parallel_loop3A_459, %parallel_loop3A_494 : i32
        %parallel_loop3A_496 = arith.index_cast %parallel_loop3A_495 : i32 to index
        %parallel_loop3A_497 = tpu.vector_load %arg9[%parallel_loop3A_496] {strides = array<i32>} : memref<32768xf32, #tpu.memory_space<vmem>>, vector<16xf32>,
        tpu.vector_store %arg9[%parallel_loop3A_496], %parallel_loop3A_493 {strides = array<i32>} : memref<32768xf32, #tpu.memory_space<vmem>>, vector<16xf32>,
        %parallel_loop3A_498 = arith.mulf %parallel_loop3A_453, %parallel_loop3A_479 : vector<16xf32>
        %parallel_loop3A_499 = arith.addf %parallel_loop3A_475, %parallel_loop3A_498 : vector<16xf32>
        %parallel_loop3A_500 = arith.constant 48 : i32
        %parallel_loop3A_501 = arith.addi %parallel_loop3A_459, %parallel_loop3A_500 : i32
        %parallel_loop3A_502 = arith.index_cast %parallel_loop3A_501 : i32 to index
        %parallel_loop3A_503 = tpu.vector_load %arg9[%parallel_loop3A_502] {strides = array<i32>} : memref<32768xf32, #tpu.memory_space<vmem>>, vector<16xf32>,
        tpu.vector_store %arg9[%parallel_loop3A_502], %parallel_loop3A_499 {strides = array<i32>} : memref<32768xf32, #tpu.memory_space<vmem>>, vector<16xf32>,
        %parallel_loop3A_504 = vector.extract_strided_slice %parallel_loop3A_104 {offsets = [7], sizes = [1], strides = [1]} : vector<16xi32> to vector<1xi32>
        %parallel_loop3A_505 = vector.extract %parallel_loop3A_504[0] : i32 from vector<1xi32>
        %parallel_loop3A_506 = vector.broadcast %parallel_loop3A_505 : i32 to vector<16xi32>
        %parallel_loop3A_507 = arith.addi %parallel_loop3A_506, %iota3A : vector<16xi32>
        %parallel_loop3A_508 = vector.extract_strided_slice %parallel_loop3A_101 {offsets = [7], sizes = [1], strides = [1]} : vector<16xf32> to vector<1xf32>
        %parallel_loop3A_509 = vector.extract %parallel_loop3A_508[0] : f32 from vector<1xf32>
        %parallel_loop3A_510 = vector.broadcast %parallel_loop3A_509 : f32 to vector<16xf32>
        %parallel_loop3A_511 = arith.constant 16 : i32
        %parallel_loop3A_512 = arith.muli %parallel_loop3A_94, %parallel_loop3A_511 : i32
        %parallel_loop3A_513 = arith.constant 7 : i32
        %parallel_loop3A_514 = arith.addi %parallel_loop3A_512, %parallel_loop3A_513 : i32
        %parallel_loop3A_515 = arith.constant 64 : i32
        %parallel_loop3A_516 = arith.muli %parallel_loop3A_514, %parallel_loop3A_515 : i32
        %parallel_loop3A_517 = arith.constant 0 : i32
        %parallel_loop3A_518 = vector.broadcast %parallel_loop3A_517 : i32 to vector<16xi32>
        %parallel_loop3A_519 = arith.addi %parallel_loop3A_507, %parallel_loop3A_518 : vector<16xi32>
        %parallel_loop3A_520 = arith.constant 16 : i32
        %parallel_loop3A_521 = vector.broadcast %parallel_loop3A_520 : i32 to vector<16xi32>
        %parallel_loop3A_522 = arith.addi %parallel_loop3A_507, %parallel_loop3A_521 : vector<16xi32>
        %parallel_loop3A_523 = arith.constant 32 : i32
        %parallel_loop3A_524 = vector.broadcast %parallel_loop3A_523 : i32 to vector<16xi32>
        %parallel_loop3A_525 = arith.addi %parallel_loop3A_507, %parallel_loop3A_524 : vector<16xi32>
        %parallel_loop3A_526 = arith.constant 48 : i32
        %parallel_loop3A_527 = vector.broadcast %parallel_loop3A_526 : i32 to vector<16xi32>
        %parallel_loop3A_528 = arith.addi %parallel_loop3A_507, %parallel_loop3A_527 : vector<16xi32>
        %parallel_loop3A_529 = tpu.vector_load_idx %arg5[%parallel_loop3A_519] : memref<16384xf32, #tpu.memory_space<vmem>>[vector<16xi32>], vector<16xf32>,
        %parallel_loop3A_530 = tpu.vector_load_idx %arg5[%parallel_loop3A_522] : memref<16384xf32, #tpu.memory_space<vmem>>[vector<16xi32>], vector<16xf32>,
        %parallel_loop3A_531 = tpu.vector_load_idx %arg5[%parallel_loop3A_525] : memref<16384xf32, #tpu.memory_space<vmem>>[vector<16xi32>], vector<16xf32>,
        %parallel_loop3A_532 = tpu.vector_load_idx %arg5[%parallel_loop3A_528] : memref<16384xf32, #tpu.memory_space<vmem>>[vector<16xi32>], vector<16xf32>,
        %parallel_loop3A_533 = tpu.vector_load_idx %arg6[%parallel_loop3A_519] : memref<16384xf32, #tpu.memory_space<vmem>>[vector<16xi32>], vector<16xf32>,
        %parallel_loop3A_534 = tpu.vector_load_idx %arg6[%parallel_loop3A_522] : memref<16384xf32, #tpu.memory_space<vmem>>[vector<16xi32>], vector<16xf32>,
        %parallel_loop3A_535 = tpu.vector_load_idx %arg6[%parallel_loop3A_525] : memref<16384xf32, #tpu.memory_space<vmem>>[vector<16xi32>], vector<16xf32>,
        %parallel_loop3A_536 = tpu.vector_load_idx %arg6[%parallel_loop3A_528] : memref<16384xf32, #tpu.memory_space<vmem>>[vector<16xi32>], vector<16xf32>,
        %parallel_loop3A_537 = arith.mulf %parallel_loop3A_510, %parallel_loop3A_533 : vector<16xf32>
        %parallel_loop3A_538 = arith.addf %parallel_loop3A_529, %parallel_loop3A_537 : vector<16xf32>
        %parallel_loop3A_539 = arith.constant 0 : i32
        %parallel_loop3A_540 = arith.addi %parallel_loop3A_516, %parallel_loop3A_539 : i32
        %parallel_loop3A_541 = arith.index_cast %parallel_loop3A_540 : i32 to index
        %parallel_loop3A_542 = tpu.vector_load %arg9[%parallel_loop3A_541] {strides = array<i32>} : memref<32768xf32, #tpu.memory_space<vmem>>, vector<16xf32>,
        tpu.vector_store %arg9[%parallel_loop3A_541], %parallel_loop3A_538 {strides = array<i32>} : memref<32768xf32, #tpu.memory_space<vmem>>, vector<16xf32>,
        %parallel_loop3A_543 = arith.mulf %parallel_loop3A_510, %parallel_loop3A_534 : vector<16xf32>
        %parallel_loop3A_544 = arith.addf %parallel_loop3A_530, %parallel_loop3A_543 : vector<16xf32>
        %parallel_loop3A_545 = arith.constant 16 : i32
        %parallel_loop3A_546 = arith.addi %parallel_loop3A_516, %parallel_loop3A_545 : i32
        %parallel_loop3A_547 = arith.index_cast %parallel_loop3A_546 : i32 to index
        %parallel_loop3A_548 = tpu.vector_load %arg9[%parallel_loop3A_547] {strides = array<i32>} : memref<32768xf32, #tpu.memory_space<vmem>>, vector<16xf32>,
        tpu.vector_store %arg9[%parallel_loop3A_547], %parallel_loop3A_544 {strides = array<i32>} : memref<32768xf32, #tpu.memory_space<vmem>>, vector<16xf32>,
        %parallel_loop3A_549 = arith.mulf %parallel_loop3A_510, %parallel_loop3A_535 : vector<16xf32>
        %parallel_loop3A_550 = arith.addf %parallel_loop3A_531, %parallel_loop3A_549 : vector<16xf32>
        %parallel_loop3A_551 = arith.constant 32 : i32
        %parallel_loop3A_552 = arith.addi %parallel_loop3A_516, %parallel_loop3A_551 : i32
        %parallel_loop3A_553 = arith.index_cast %parallel_loop3A_552 : i32 to index
        %parallel_loop3A_554 = tpu.vector_load %arg9[%parallel_loop3A_553] {strides = array<i32>} : memref<32768xf32, #tpu.memory_space<vmem>>, vector<16xf32>,
        tpu.vector_store %arg9[%parallel_loop3A_553], %parallel_loop3A_550 {strides = array<i32>} : memref<32768xf32, #tpu.memory_space<vmem>>, vector<16xf32>,
        %parallel_loop3A_555 = arith.mulf %parallel_loop3A_510, %parallel_loop3A_536 : vector<16xf32>
        %parallel_loop3A_556 = arith.addf %parallel_loop3A_532, %parallel_loop3A_555 : vector<16xf32>
        %parallel_loop3A_557 = arith.constant 48 : i32
        %parallel_loop3A_558 = arith.addi %parallel_loop3A_516, %parallel_loop3A_557 : i32
        %parallel_loop3A_559 = arith.index_cast %parallel_loop3A_558 : i32 to index
        %parallel_loop3A_560 = tpu.vector_load %arg9[%parallel_loop3A_559] {strides = array<i32>} : memref<32768xf32, #tpu.memory_space<vmem>>, vector<16xf32>,
        tpu.vector_store %arg9[%parallel_loop3A_559], %parallel_loop3A_556 {strides = array<i32>} : memref<32768xf32, #tpu.memory_space<vmem>>, vector<16xf32>,
        %parallel_loop3A_561 = vector.extract_strided_slice %parallel_loop3A_104 {offsets = [8], sizes = [1], strides = [1]} : vector<16xi32> to vector<1xi32>
        %parallel_loop3A_562 = vector.extract %parallel_loop3A_561[0] : i32 from vector<1xi32>
        %parallel_loop3A_563 = vector.broadcast %parallel_loop3A_562 : i32 to vector<16xi32>
        %parallel_loop3A_564 = arith.addi %parallel_loop3A_563, %iota3A : vector<16xi32>
        %parallel_loop3A_565 = vector.extract_strided_slice %parallel_loop3A_101 {offsets = [8], sizes = [1], strides = [1]} : vector<16xf32> to vector<1xf32>
        %parallel_loop3A_566 = vector.extract %parallel_loop3A_565[0] : f32 from vector<1xf32>
        %parallel_loop3A_567 = vector.broadcast %parallel_loop3A_566 : f32 to vector<16xf32>
        %parallel_loop3A_568 = arith.constant 16 : i32
        %parallel_loop3A_569 = arith.muli %parallel_loop3A_94, %parallel_loop3A_568 : i32
        %parallel_loop3A_570 = arith.constant 8 : i32
        %parallel_loop3A_571 = arith.addi %parallel_loop3A_569, %parallel_loop3A_570 : i32
        %parallel_loop3A_572 = arith.constant 64 : i32
        %parallel_loop3A_573 = arith.muli %parallel_loop3A_571, %parallel_loop3A_572 : i32
        %parallel_loop3A_574 = arith.constant 0 : i32
        %parallel_loop3A_575 = vector.broadcast %parallel_loop3A_574 : i32 to vector<16xi32>
        %parallel_loop3A_576 = arith.addi %parallel_loop3A_564, %parallel_loop3A_575 : vector<16xi32>
        %parallel_loop3A_577 = arith.constant 16 : i32
        %parallel_loop3A_578 = vector.broadcast %parallel_loop3A_577 : i32 to vector<16xi32>
        %parallel_loop3A_579 = arith.addi %parallel_loop3A_564, %parallel_loop3A_578 : vector<16xi32>
        %parallel_loop3A_580 = arith.constant 32 : i32
        %parallel_loop3A_581 = vector.broadcast %parallel_loop3A_580 : i32 to vector<16xi32>
        %parallel_loop3A_582 = arith.addi %parallel_loop3A_564, %parallel_loop3A_581 : vector<16xi32>
        %parallel_loop3A_583 = arith.constant 48 : i32
        %parallel_loop3A_584 = vector.broadcast %parallel_loop3A_583 : i32 to vector<16xi32>
        %parallel_loop3A_585 = arith.addi %parallel_loop3A_564, %parallel_loop3A_584 : vector<16xi32>
        %parallel_loop3A_586 = tpu.vector_load_idx %arg5[%parallel_loop3A_576] : memref<16384xf32, #tpu.memory_space<vmem>>[vector<16xi32>], vector<16xf32>,
        %parallel_loop3A_587 = tpu.vector_load_idx %arg5[%parallel_loop3A_579] : memref<16384xf32, #tpu.memory_space<vmem>>[vector<16xi32>], vector<16xf32>,
        %parallel_loop3A_588 = tpu.vector_load_idx %arg5[%parallel_loop3A_582] : memref<16384xf32, #tpu.memory_space<vmem>>[vector<16xi32>], vector<16xf32>,
        %parallel_loop3A_589 = tpu.vector_load_idx %arg5[%parallel_loop3A_585] : memref<16384xf32, #tpu.memory_space<vmem>>[vector<16xi32>], vector<16xf32>,
        %parallel_loop3A_590 = tpu.vector_load_idx %arg6[%parallel_loop3A_576] : memref<16384xf32, #tpu.memory_space<vmem>>[vector<16xi32>], vector<16xf32>,
        %parallel_loop3A_591 = tpu.vector_load_idx %arg6[%parallel_loop3A_579] : memref<16384xf32, #tpu.memory_space<vmem>>[vector<16xi32>], vector<16xf32>,
        %parallel_loop3A_592 = tpu.vector_load_idx %arg6[%parallel_loop3A_582] : memref<16384xf32, #tpu.memory_space<vmem>>[vector<16xi32>], vector<16xf32>,
        %parallel_loop3A_593 = tpu.vector_load_idx %arg6[%parallel_loop3A_585] : memref<16384xf32, #tpu.memory_space<vmem>>[vector<16xi32>], vector<16xf32>,
        %parallel_loop3A_594 = arith.mulf %parallel_loop3A_567, %parallel_loop3A_590 : vector<16xf32>
        %parallel_loop3A_595 = arith.addf %parallel_loop3A_586, %parallel_loop3A_594 : vector<16xf32>
        %parallel_loop3A_596 = arith.constant 0 : i32
        %parallel_loop3A_597 = arith.addi %parallel_loop3A_573, %parallel_loop3A_596 : i32
        %parallel_loop3A_598 = arith.index_cast %parallel_loop3A_597 : i32 to index
        %parallel_loop3A_599 = tpu.vector_load %arg9[%parallel_loop3A_598] {strides = array<i32>} : memref<32768xf32, #tpu.memory_space<vmem>>, vector<16xf32>,
        tpu.vector_store %arg9[%parallel_loop3A_598], %parallel_loop3A_595 {strides = array<i32>} : memref<32768xf32, #tpu.memory_space<vmem>>, vector<16xf32>,
        %parallel_loop3A_600 = arith.mulf %parallel_loop3A_567, %parallel_loop3A_591 : vector<16xf32>
        %parallel_loop3A_601 = arith.addf %parallel_loop3A_587, %parallel_loop3A_600 : vector<16xf32>
        %parallel_loop3A_602 = arith.constant 16 : i32
        %parallel_loop3A_603 = arith.addi %parallel_loop3A_573, %parallel_loop3A_602 : i32
        %parallel_loop3A_604 = arith.index_cast %parallel_loop3A_603 : i32 to index
        %parallel_loop3A_605 = tpu.vector_load %arg9[%parallel_loop3A_604] {strides = array<i32>} : memref<32768xf32, #tpu.memory_space<vmem>>, vector<16xf32>,
        tpu.vector_store %arg9[%parallel_loop3A_604], %parallel_loop3A_601 {strides = array<i32>} : memref<32768xf32, #tpu.memory_space<vmem>>, vector<16xf32>,
        %parallel_loop3A_606 = arith.mulf %parallel_loop3A_567, %parallel_loop3A_592 : vector<16xf32>
        %parallel_loop3A_607 = arith.addf %parallel_loop3A_588, %parallel_loop3A_606 : vector<16xf32>
        %parallel_loop3A_608 = arith.constant 32 : i32
        %parallel_loop3A_609 = arith.addi %parallel_loop3A_573, %parallel_loop3A_608 : i32
        %parallel_loop3A_610 = arith.index_cast %parallel_loop3A_609 : i32 to index
        %parallel_loop3A_611 = tpu.vector_load %arg9[%parallel_loop3A_610] {strides = array<i32>} : memref<32768xf32, #tpu.memory_space<vmem>>, vector<16xf32>,
        tpu.vector_store %arg9[%parallel_loop3A_610], %parallel_loop3A_607 {strides = array<i32>} : memref<32768xf32, #tpu.memory_space<vmem>>, vector<16xf32>,
        %parallel_loop3A_612 = arith.mulf %parallel_loop3A_567, %parallel_loop3A_593 : vector<16xf32>
        %parallel_loop3A_613 = arith.addf %parallel_loop3A_589, %parallel_loop3A_612 : vector<16xf32>
        %parallel_loop3A_614 = arith.constant 48 : i32
        %parallel_loop3A_615 = arith.addi %parallel_loop3A_573, %parallel_loop3A_614 : i32
        %parallel_loop3A_616 = arith.index_cast %parallel_loop3A_615 : i32 to index
        %parallel_loop3A_617 = tpu.vector_load %arg9[%parallel_loop3A_616] {strides = array<i32>} : memref<32768xf32, #tpu.memory_space<vmem>>, vector<16xf32>,
        tpu.vector_store %arg9[%parallel_loop3A_616], %parallel_loop3A_613 {strides = array<i32>} : memref<32768xf32, #tpu.memory_space<vmem>>, vector<16xf32>,
        %parallel_loop3A_618 = vector.extract_strided_slice %parallel_loop3A_104 {offsets = [9], sizes = [1], strides = [1]} : vector<16xi32> to vector<1xi32>
        %parallel_loop3A_619 = vector.extract %parallel_loop3A_618[0] : i32 from vector<1xi32>
        %parallel_loop3A_620 = vector.broadcast %parallel_loop3A_619 : i32 to vector<16xi32>
        %parallel_loop3A_621 = arith.addi %parallel_loop3A_620, %iota3A : vector<16xi32>
        %parallel_loop3A_622 = vector.extract_strided_slice %parallel_loop3A_101 {offsets = [9], sizes = [1], strides = [1]} : vector<16xf32> to vector<1xf32>
        %parallel_loop3A_623 = vector.extract %parallel_loop3A_622[0] : f32 from vector<1xf32>
        %parallel_loop3A_624 = vector.broadcast %parallel_loop3A_623 : f32 to vector<16xf32>
        %parallel_loop3A_625 = arith.constant 16 : i32
        %parallel_loop3A_626 = arith.muli %parallel_loop3A_94, %parallel_loop3A_625 : i32
        %parallel_loop3A_627 = arith.constant 9 : i32
        %parallel_loop3A_628 = arith.addi %parallel_loop3A_626, %parallel_loop3A_627 : i32
        %parallel_loop3A_629 = arith.constant 64 : i32
        %parallel_loop3A_630 = arith.muli %parallel_loop3A_628, %parallel_loop3A_629 : i32
        %parallel_loop3A_631 = arith.constant 0 : i32
        %parallel_loop3A_632 = vector.broadcast %parallel_loop3A_631 : i32 to vector<16xi32>
        %parallel_loop3A_633 = arith.addi %parallel_loop3A_621, %parallel_loop3A_632 : vector<16xi32>
        %parallel_loop3A_634 = arith.constant 16 : i32
        %parallel_loop3A_635 = vector.broadcast %parallel_loop3A_634 : i32 to vector<16xi32>
        %parallel_loop3A_636 = arith.addi %parallel_loop3A_621, %parallel_loop3A_635 : vector<16xi32>
        %parallel_loop3A_637 = arith.constant 32 : i32
        %parallel_loop3A_638 = vector.broadcast %parallel_loop3A_637 : i32 to vector<16xi32>
        %parallel_loop3A_639 = arith.addi %parallel_loop3A_621, %parallel_loop3A_638 : vector<16xi32>
        %parallel_loop3A_640 = arith.constant 48 : i32
        %parallel_loop3A_641 = vector.broadcast %parallel_loop3A_640 : i32 to vector<16xi32>
        %parallel_loop3A_642 = arith.addi %parallel_loop3A_621, %parallel_loop3A_641 : vector<16xi32>
        %parallel_loop3A_643 = tpu.vector_load_idx %arg5[%parallel_loop3A_633] : memref<16384xf32, #tpu.memory_space<vmem>>[vector<16xi32>], vector<16xf32>,
        %parallel_loop3A_644 = tpu.vector_load_idx %arg5[%parallel_loop3A_636] : memref<16384xf32, #tpu.memory_space<vmem>>[vector<16xi32>], vector<16xf32>,
        %parallel_loop3A_645 = tpu.vector_load_idx %arg5[%parallel_loop3A_639] : memref<16384xf32, #tpu.memory_space<vmem>>[vector<16xi32>], vector<16xf32>,
        %parallel_loop3A_646 = tpu.vector_load_idx %arg5[%parallel_loop3A_642] : memref<16384xf32, #tpu.memory_space<vmem>>[vector<16xi32>], vector<16xf32>,
        %parallel_loop3A_647 = tpu.vector_load_idx %arg6[%parallel_loop3A_633] : memref<16384xf32, #tpu.memory_space<vmem>>[vector<16xi32>], vector<16xf32>,
        %parallel_loop3A_648 = tpu.vector_load_idx %arg6[%parallel_loop3A_636] : memref<16384xf32, #tpu.memory_space<vmem>>[vector<16xi32>], vector<16xf32>,
        %parallel_loop3A_649 = tpu.vector_load_idx %arg6[%parallel_loop3A_639] : memref<16384xf32, #tpu.memory_space<vmem>>[vector<16xi32>], vector<16xf32>,
        %parallel_loop3A_650 = tpu.vector_load_idx %arg6[%parallel_loop3A_642] : memref<16384xf32, #tpu.memory_space<vmem>>[vector<16xi32>], vector<16xf32>,
        %parallel_loop3A_651 = arith.mulf %parallel_loop3A_624, %parallel_loop3A_647 : vector<16xf32>
        %parallel_loop3A_652 = arith.addf %parallel_loop3A_643, %parallel_loop3A_651 : vector<16xf32>
        %parallel_loop3A_653 = arith.constant 0 : i32
        %parallel_loop3A_654 = arith.addi %parallel_loop3A_630, %parallel_loop3A_653 : i32
        %parallel_loop3A_655 = arith.index_cast %parallel_loop3A_654 : i32 to index
        %parallel_loop3A_656 = tpu.vector_load %arg9[%parallel_loop3A_655] {strides = array<i32>} : memref<32768xf32, #tpu.memory_space<vmem>>, vector<16xf32>,
        tpu.vector_store %arg9[%parallel_loop3A_655], %parallel_loop3A_652 {strides = array<i32>} : memref<32768xf32, #tpu.memory_space<vmem>>, vector<16xf32>,
        %parallel_loop3A_657 = arith.mulf %parallel_loop3A_624, %parallel_loop3A_648 : vector<16xf32>
        %parallel_loop3A_658 = arith.addf %parallel_loop3A_644, %parallel_loop3A_657 : vector<16xf32>
        %parallel_loop3A_659 = arith.constant 16 : i32
        %parallel_loop3A_660 = arith.addi %parallel_loop3A_630, %parallel_loop3A_659 : i32
        %parallel_loop3A_661 = arith.index_cast %parallel_loop3A_660 : i32 to index
        %parallel_loop3A_662 = tpu.vector_load %arg9[%parallel_loop3A_661] {strides = array<i32>} : memref<32768xf32, #tpu.memory_space<vmem>>, vector<16xf32>,
        tpu.vector_store %arg9[%parallel_loop3A_661], %parallel_loop3A_658 {strides = array<i32>} : memref<32768xf32, #tpu.memory_space<vmem>>, vector<16xf32>,
        %parallel_loop3A_663 = arith.mulf %parallel_loop3A_624, %parallel_loop3A_649 : vector<16xf32>
        %parallel_loop3A_664 = arith.addf %parallel_loop3A_645, %parallel_loop3A_663 : vector<16xf32>
        %parallel_loop3A_665 = arith.constant 32 : i32
        %parallel_loop3A_666 = arith.addi %parallel_loop3A_630, %parallel_loop3A_665 : i32
        %parallel_loop3A_667 = arith.index_cast %parallel_loop3A_666 : i32 to index
        %parallel_loop3A_668 = tpu.vector_load %arg9[%parallel_loop3A_667] {strides = array<i32>} : memref<32768xf32, #tpu.memory_space<vmem>>, vector<16xf32>,
        tpu.vector_store %arg9[%parallel_loop3A_667], %parallel_loop3A_664 {strides = array<i32>} : memref<32768xf32, #tpu.memory_space<vmem>>, vector<16xf32>,
        %parallel_loop3A_669 = arith.mulf %parallel_loop3A_624, %parallel_loop3A_650 : vector<16xf32>
        %parallel_loop3A_670 = arith.addf %parallel_loop3A_646, %parallel_loop3A_669 : vector<16xf32>
        %parallel_loop3A_671 = arith.constant 48 : i32
        %parallel_loop3A_672 = arith.addi %parallel_loop3A_630, %parallel_loop3A_671 : i32
        %parallel_loop3A_673 = arith.index_cast %parallel_loop3A_672 : i32 to index
        %parallel_loop3A_674 = tpu.vector_load %arg9[%parallel_loop3A_673] {strides = array<i32>} : memref<32768xf32, #tpu.memory_space<vmem>>, vector<16xf32>,
        tpu.vector_store %arg9[%parallel_loop3A_673], %parallel_loop3A_670 {strides = array<i32>} : memref<32768xf32, #tpu.memory_space<vmem>>, vector<16xf32>,
        %parallel_loop3A_675 = vector.extract_strided_slice %parallel_loop3A_104 {offsets = [10], sizes = [1], strides = [1]} : vector<16xi32> to vector<1xi32>
        %parallel_loop3A_676 = vector.extract %parallel_loop3A_675[0] : i32 from vector<1xi32>
        %parallel_loop3A_677 = vector.broadcast %parallel_loop3A_676 : i32 to vector<16xi32>
        %parallel_loop3A_678 = arith.addi %parallel_loop3A_677, %iota3A : vector<16xi32>
        %parallel_loop3A_679 = vector.extract_strided_slice %parallel_loop3A_101 {offsets = [10], sizes = [1], strides = [1]} : vector<16xf32> to vector<1xf32>
        %parallel_loop3A_680 = vector.extract %parallel_loop3A_679[0] : f32 from vector<1xf32>
        %parallel_loop3A_681 = vector.broadcast %parallel_loop3A_680 : f32 to vector<16xf32>
        %parallel_loop3A_682 = arith.constant 16 : i32
        %parallel_loop3A_683 = arith.muli %parallel_loop3A_94, %parallel_loop3A_682 : i32
        %parallel_loop3A_684 = arith.constant 10 : i32
        %parallel_loop3A_685 = arith.addi %parallel_loop3A_683, %parallel_loop3A_684 : i32
        %parallel_loop3A_686 = arith.constant 64 : i32
        %parallel_loop3A_687 = arith.muli %parallel_loop3A_685, %parallel_loop3A_686 : i32
        %parallel_loop3A_688 = arith.constant 0 : i32
        %parallel_loop3A_689 = vector.broadcast %parallel_loop3A_688 : i32 to vector<16xi32>
        %parallel_loop3A_690 = arith.addi %parallel_loop3A_678, %parallel_loop3A_689 : vector<16xi32>
        %parallel_loop3A_691 = arith.constant 16 : i32
        %parallel_loop3A_692 = vector.broadcast %parallel_loop3A_691 : i32 to vector<16xi32>
        %parallel_loop3A_693 = arith.addi %parallel_loop3A_678, %parallel_loop3A_692 : vector<16xi32>
        %parallel_loop3A_694 = arith.constant 32 : i32
        %parallel_loop3A_695 = vector.broadcast %parallel_loop3A_694 : i32 to vector<16xi32>
        %parallel_loop3A_696 = arith.addi %parallel_loop3A_678, %parallel_loop3A_695 : vector<16xi32>
        %parallel_loop3A_697 = arith.constant 48 : i32
        %parallel_loop3A_698 = vector.broadcast %parallel_loop3A_697 : i32 to vector<16xi32>
        %parallel_loop3A_699 = arith.addi %parallel_loop3A_678, %parallel_loop3A_698 : vector<16xi32>
        %parallel_loop3A_700 = tpu.vector_load_idx %arg5[%parallel_loop3A_690] : memref<16384xf32, #tpu.memory_space<vmem>>[vector<16xi32>], vector<16xf32>,
        %parallel_loop3A_701 = tpu.vector_load_idx %arg5[%parallel_loop3A_693] : memref<16384xf32, #tpu.memory_space<vmem>>[vector<16xi32>], vector<16xf32>,
        %parallel_loop3A_702 = tpu.vector_load_idx %arg5[%parallel_loop3A_696] : memref<16384xf32, #tpu.memory_space<vmem>>[vector<16xi32>], vector<16xf32>,
        %parallel_loop3A_703 = tpu.vector_load_idx %arg5[%parallel_loop3A_699] : memref<16384xf32, #tpu.memory_space<vmem>>[vector<16xi32>], vector<16xf32>,
        %parallel_loop3A_704 = tpu.vector_load_idx %arg6[%parallel_loop3A_690] : memref<16384xf32, #tpu.memory_space<vmem>>[vector<16xi32>], vector<16xf32>,
        %parallel_loop3A_705 = tpu.vector_load_idx %arg6[%parallel_loop3A_693] : memref<16384xf32, #tpu.memory_space<vmem>>[vector<16xi32>], vector<16xf32>,
        %parallel_loop3A_706 = tpu.vector_load_idx %arg6[%parallel_loop3A_696] : memref<16384xf32, #tpu.memory_space<vmem>>[vector<16xi32>], vector<16xf32>,
        %parallel_loop3A_707 = tpu.vector_load_idx %arg6[%parallel_loop3A_699] : memref<16384xf32, #tpu.memory_space<vmem>>[vector<16xi32>], vector<16xf32>,
        %parallel_loop3A_708 = arith.mulf %parallel_loop3A_681, %parallel_loop3A_704 : vector<16xf32>
        %parallel_loop3A_709 = arith.addf %parallel_loop3A_700, %parallel_loop3A_708 : vector<16xf32>
        %parallel_loop3A_710 = arith.constant 0 : i32
        %parallel_loop3A_711 = arith.addi %parallel_loop3A_687, %parallel_loop3A_710 : i32
        %parallel_loop3A_712 = arith.index_cast %parallel_loop3A_711 : i32 to index
        %parallel_loop3A_713 = tpu.vector_load %arg9[%parallel_loop3A_712] {strides = array<i32>} : memref<32768xf32, #tpu.memory_space<vmem>>, vector<16xf32>,
        tpu.vector_store %arg9[%parallel_loop3A_712], %parallel_loop3A_709 {strides = array<i32>} : memref<32768xf32, #tpu.memory_space<vmem>>, vector<16xf32>,
        %parallel_loop3A_714 = arith.mulf %parallel_loop3A_681, %parallel_loop3A_705 : vector<16xf32>
        %parallel_loop3A_715 = arith.addf %parallel_loop3A_701, %parallel_loop3A_714 : vector<16xf32>
        %parallel_loop3A_716 = arith.constant 16 : i32
        %parallel_loop3A_717 = arith.addi %parallel_loop3A_687, %parallel_loop3A_716 : i32
        %parallel_loop3A_718 = arith.index_cast %parallel_loop3A_717 : i32 to index
        %parallel_loop3A_719 = tpu.vector_load %arg9[%parallel_loop3A_718] {strides = array<i32>} : memref<32768xf32, #tpu.memory_space<vmem>>, vector<16xf32>,
        tpu.vector_store %arg9[%parallel_loop3A_718], %parallel_loop3A_715 {strides = array<i32>} : memref<32768xf32, #tpu.memory_space<vmem>>, vector<16xf32>,
        %parallel_loop3A_720 = arith.mulf %parallel_loop3A_681, %parallel_loop3A_706 : vector<16xf32>
        %parallel_loop3A_721 = arith.addf %parallel_loop3A_702, %parallel_loop3A_720 : vector<16xf32>
        %parallel_loop3A_722 = arith.constant 32 : i32
        %parallel_loop3A_723 = arith.addi %parallel_loop3A_687, %parallel_loop3A_722 : i32
        %parallel_loop3A_724 = arith.index_cast %parallel_loop3A_723 : i32 to index
        %parallel_loop3A_725 = tpu.vector_load %arg9[%parallel_loop3A_724] {strides = array<i32>} : memref<32768xf32, #tpu.memory_space<vmem>>, vector<16xf32>,
        tpu.vector_store %arg9[%parallel_loop3A_724], %parallel_loop3A_721 {strides = array<i32>} : memref<32768xf32, #tpu.memory_space<vmem>>, vector<16xf32>,
        %parallel_loop3A_726 = arith.mulf %parallel_loop3A_681, %parallel_loop3A_707 : vector<16xf32>
        %parallel_loop3A_727 = arith.addf %parallel_loop3A_703, %parallel_loop3A_726 : vector<16xf32>
        %parallel_loop3A_728 = arith.constant 48 : i32
        %parallel_loop3A_729 = arith.addi %parallel_loop3A_687, %parallel_loop3A_728 : i32
        %parallel_loop3A_730 = arith.index_cast %parallel_loop3A_729 : i32 to index
        %parallel_loop3A_731 = tpu.vector_load %arg9[%parallel_loop3A_730] {strides = array<i32>} : memref<32768xf32, #tpu.memory_space<vmem>>, vector<16xf32>,
        tpu.vector_store %arg9[%parallel_loop3A_730], %parallel_loop3A_727 {strides = array<i32>} : memref<32768xf32, #tpu.memory_space<vmem>>, vector<16xf32>,
        %parallel_loop3A_732 = vector.extract_strided_slice %parallel_loop3A_104 {offsets = [11], sizes = [1], strides = [1]} : vector<16xi32> to vector<1xi32>
        %parallel_loop3A_733 = vector.extract %parallel_loop3A_732[0] : i32 from vector<1xi32>
        %parallel_loop3A_734 = vector.broadcast %parallel_loop3A_733 : i32 to vector<16xi32>
        %parallel_loop3A_735 = arith.addi %parallel_loop3A_734, %iota3A : vector<16xi32>
        %parallel_loop3A_736 = vector.extract_strided_slice %parallel_loop3A_101 {offsets = [11], sizes = [1], strides = [1]} : vector<16xf32> to vector<1xf32>
        %parallel_loop3A_737 = vector.extract %parallel_loop3A_736[0] : f32 from vector<1xf32>
        %parallel_loop3A_738 = vector.broadcast %parallel_loop3A_737 : f32 to vector<16xf32>
        %parallel_loop3A_739 = arith.constant 16 : i32
        %parallel_loop3A_740 = arith.muli %parallel_loop3A_94, %parallel_loop3A_739 : i32
        %parallel_loop3A_741 = arith.constant 11 : i32
        %parallel_loop3A_742 = arith.addi %parallel_loop3A_740, %parallel_loop3A_741 : i32
        %parallel_loop3A_743 = arith.constant 64 : i32
        %parallel_loop3A_744 = arith.muli %parallel_loop3A_742, %parallel_loop3A_743 : i32
        %parallel_loop3A_745 = arith.constant 0 : i32
        %parallel_loop3A_746 = vector.broadcast %parallel_loop3A_745 : i32 to vector<16xi32>
        %parallel_loop3A_747 = arith.addi %parallel_loop3A_735, %parallel_loop3A_746 : vector<16xi32>
        %parallel_loop3A_748 = arith.constant 16 : i32
        %parallel_loop3A_749 = vector.broadcast %parallel_loop3A_748 : i32 to vector<16xi32>
        %parallel_loop3A_750 = arith.addi %parallel_loop3A_735, %parallel_loop3A_749 : vector<16xi32>
        %parallel_loop3A_751 = arith.constant 32 : i32
        %parallel_loop3A_752 = vector.broadcast %parallel_loop3A_751 : i32 to vector<16xi32>
        %parallel_loop3A_753 = arith.addi %parallel_loop3A_735, %parallel_loop3A_752 : vector<16xi32>
        %parallel_loop3A_754 = arith.constant 48 : i32
        %parallel_loop3A_755 = vector.broadcast %parallel_loop3A_754 : i32 to vector<16xi32>
        %parallel_loop3A_756 = arith.addi %parallel_loop3A_735, %parallel_loop3A_755 : vector<16xi32>
        %parallel_loop3A_757 = tpu.vector_load_idx %arg5[%parallel_loop3A_747] : memref<16384xf32, #tpu.memory_space<vmem>>[vector<16xi32>], vector<16xf32>,
        %parallel_loop3A_758 = tpu.vector_load_idx %arg5[%parallel_loop3A_750] : memref<16384xf32, #tpu.memory_space<vmem>>[vector<16xi32>], vector<16xf32>,
        %parallel_loop3A_759 = tpu.vector_load_idx %arg5[%parallel_loop3A_753] : memref<16384xf32, #tpu.memory_space<vmem>>[vector<16xi32>], vector<16xf32>,
        %parallel_loop3A_760 = tpu.vector_load_idx %arg5[%parallel_loop3A_756] : memref<16384xf32, #tpu.memory_space<vmem>>[vector<16xi32>], vector<16xf32>,
        %parallel_loop3A_761 = tpu.vector_load_idx %arg6[%parallel_loop3A_747] : memref<16384xf32, #tpu.memory_space<vmem>>[vector<16xi32>], vector<16xf32>,
        %parallel_loop3A_762 = tpu.vector_load_idx %arg6[%parallel_loop3A_750] : memref<16384xf32, #tpu.memory_space<vmem>>[vector<16xi32>], vector<16xf32>,
        %parallel_loop3A_763 = tpu.vector_load_idx %arg6[%parallel_loop3A_753] : memref<16384xf32, #tpu.memory_space<vmem>>[vector<16xi32>], vector<16xf32>,
        %parallel_loop3A_764 = tpu.vector_load_idx %arg6[%parallel_loop3A_756] : memref<16384xf32, #tpu.memory_space<vmem>>[vector<16xi32>], vector<16xf32>,
        %parallel_loop3A_765 = arith.mulf %parallel_loop3A_738, %parallel_loop3A_761 : vector<16xf32>
        %parallel_loop3A_766 = arith.addf %parallel_loop3A_757, %parallel_loop3A_765 : vector<16xf32>
        %parallel_loop3A_767 = arith.constant 0 : i32
        %parallel_loop3A_768 = arith.addi %parallel_loop3A_744, %parallel_loop3A_767 : i32
        %parallel_loop3A_769 = arith.index_cast %parallel_loop3A_768 : i32 to index
        %parallel_loop3A_770 = tpu.vector_load %arg9[%parallel_loop3A_769] {strides = array<i32>} : memref<32768xf32, #tpu.memory_space<vmem>>, vector<16xf32>,
        tpu.vector_store %arg9[%parallel_loop3A_769], %parallel_loop3A_766 {strides = array<i32>} : memref<32768xf32, #tpu.memory_space<vmem>>, vector<16xf32>,
        %parallel_loop3A_771 = arith.mulf %parallel_loop3A_738, %parallel_loop3A_762 : vector<16xf32>
        %parallel_loop3A_772 = arith.addf %parallel_loop3A_758, %parallel_loop3A_771 : vector<16xf32>
        %parallel_loop3A_773 = arith.constant 16 : i32
        %parallel_loop3A_774 = arith.addi %parallel_loop3A_744, %parallel_loop3A_773 : i32
        %parallel_loop3A_775 = arith.index_cast %parallel_loop3A_774 : i32 to index
        %parallel_loop3A_776 = tpu.vector_load %arg9[%parallel_loop3A_775] {strides = array<i32>} : memref<32768xf32, #tpu.memory_space<vmem>>, vector<16xf32>,
        tpu.vector_store %arg9[%parallel_loop3A_775], %parallel_loop3A_772 {strides = array<i32>} : memref<32768xf32, #tpu.memory_space<vmem>>, vector<16xf32>,
        %parallel_loop3A_777 = arith.mulf %parallel_loop3A_738, %parallel_loop3A_763 : vector<16xf32>
        %parallel_loop3A_778 = arith.addf %parallel_loop3A_759, %parallel_loop3A_777 : vector<16xf32>
        %parallel_loop3A_779 = arith.constant 32 : i32
        %parallel_loop3A_780 = arith.addi %parallel_loop3A_744, %parallel_loop3A_779 : i32
        %parallel_loop3A_781 = arith.index_cast %parallel_loop3A_780 : i32 to index
        %parallel_loop3A_782 = tpu.vector_load %arg9[%parallel_loop3A_781] {strides = array<i32>} : memref<32768xf32, #tpu.memory_space<vmem>>, vector<16xf32>,
        tpu.vector_store %arg9[%parallel_loop3A_781], %parallel_loop3A_778 {strides = array<i32>} : memref<32768xf32, #tpu.memory_space<vmem>>, vector<16xf32>,
        %parallel_loop3A_783 = arith.mulf %parallel_loop3A_738, %parallel_loop3A_764 : vector<16xf32>
        %parallel_loop3A_784 = arith.addf %parallel_loop3A_760, %parallel_loop3A_783 : vector<16xf32>
        %parallel_loop3A_785 = arith.constant 48 : i32
        %parallel_loop3A_786 = arith.addi %parallel_loop3A_744, %parallel_loop3A_785 : i32
        %parallel_loop3A_787 = arith.index_cast %parallel_loop3A_786 : i32 to index
        %parallel_loop3A_788 = tpu.vector_load %arg9[%parallel_loop3A_787] {strides = array<i32>} : memref<32768xf32, #tpu.memory_space<vmem>>, vector<16xf32>,
        tpu.vector_store %arg9[%parallel_loop3A_787], %parallel_loop3A_784 {strides = array<i32>} : memref<32768xf32, #tpu.memory_space<vmem>>, vector<16xf32>,
        %parallel_loop3A_789 = vector.extract_strided_slice %parallel_loop3A_104 {offsets = [12], sizes = [1], strides = [1]} : vector<16xi32> to vector<1xi32>
        %parallel_loop3A_790 = vector.extract %parallel_loop3A_789[0] : i32 from vector<1xi32>
        %parallel_loop3A_791 = vector.broadcast %parallel_loop3A_790 : i32 to vector<16xi32>
        %parallel_loop3A_792 = arith.addi %parallel_loop3A_791, %iota3A : vector<16xi32>
        %parallel_loop3A_793 = vector.extract_strided_slice %parallel_loop3A_101 {offsets = [12], sizes = [1], strides = [1]} : vector<16xf32> to vector<1xf32>
        %parallel_loop3A_794 = vector.extract %parallel_loop3A_793[0] : f32 from vector<1xf32>
        %parallel_loop3A_795 = vector.broadcast %parallel_loop3A_794 : f32 to vector<16xf32>
        %parallel_loop3A_796 = arith.constant 16 : i32
        %parallel_loop3A_797 = arith.muli %parallel_loop3A_94, %parallel_loop3A_796 : i32
        %parallel_loop3A_798 = arith.constant 12 : i32
        %parallel_loop3A_799 = arith.addi %parallel_loop3A_797, %parallel_loop3A_798 : i32
        %parallel_loop3A_800 = arith.constant 64 : i32
        %parallel_loop3A_801 = arith.muli %parallel_loop3A_799, %parallel_loop3A_800 : i32
        %parallel_loop3A_802 = arith.constant 0 : i32
        %parallel_loop3A_803 = vector.broadcast %parallel_loop3A_802 : i32 to vector<16xi32>
        %parallel_loop3A_804 = arith.addi %parallel_loop3A_792, %parallel_loop3A_803 : vector<16xi32>
        %parallel_loop3A_805 = arith.constant 16 : i32
        %parallel_loop3A_806 = vector.broadcast %parallel_loop3A_805 : i32 to vector<16xi32>
        %parallel_loop3A_807 = arith.addi %parallel_loop3A_792, %parallel_loop3A_806 : vector<16xi32>
        %parallel_loop3A_808 = arith.constant 32 : i32
        %parallel_loop3A_809 = vector.broadcast %parallel_loop3A_808 : i32 to vector<16xi32>
        %parallel_loop3A_810 = arith.addi %parallel_loop3A_792, %parallel_loop3A_809 : vector<16xi32>
        %parallel_loop3A_811 = arith.constant 48 : i32
        %parallel_loop3A_812 = vector.broadcast %parallel_loop3A_811 : i32 to vector<16xi32>
        %parallel_loop3A_813 = arith.addi %parallel_loop3A_792, %parallel_loop3A_812 : vector<16xi32>
        %parallel_loop3A_814 = tpu.vector_load_idx %arg5[%parallel_loop3A_804] : memref<16384xf32, #tpu.memory_space<vmem>>[vector<16xi32>], vector<16xf32>,
        %parallel_loop3A_815 = tpu.vector_load_idx %arg5[%parallel_loop3A_807] : memref<16384xf32, #tpu.memory_space<vmem>>[vector<16xi32>], vector<16xf32>,
        %parallel_loop3A_816 = tpu.vector_load_idx %arg5[%parallel_loop3A_810] : memref<16384xf32, #tpu.memory_space<vmem>>[vector<16xi32>], vector<16xf32>,
        %parallel_loop3A_817 = tpu.vector_load_idx %arg5[%parallel_loop3A_813] : memref<16384xf32, #tpu.memory_space<vmem>>[vector<16xi32>], vector<16xf32>,
        %parallel_loop3A_818 = tpu.vector_load_idx %arg6[%parallel_loop3A_804] : memref<16384xf32, #tpu.memory_space<vmem>>[vector<16xi32>], vector<16xf32>,
        %parallel_loop3A_819 = tpu.vector_load_idx %arg6[%parallel_loop3A_807] : memref<16384xf32, #tpu.memory_space<vmem>>[vector<16xi32>], vector<16xf32>,
        %parallel_loop3A_820 = tpu.vector_load_idx %arg6[%parallel_loop3A_810] : memref<16384xf32, #tpu.memory_space<vmem>>[vector<16xi32>], vector<16xf32>,
        %parallel_loop3A_821 = tpu.vector_load_idx %arg6[%parallel_loop3A_813] : memref<16384xf32, #tpu.memory_space<vmem>>[vector<16xi32>], vector<16xf32>,
        %parallel_loop3A_822 = arith.mulf %parallel_loop3A_795, %parallel_loop3A_818 : vector<16xf32>
        %parallel_loop3A_823 = arith.addf %parallel_loop3A_814, %parallel_loop3A_822 : vector<16xf32>
        %parallel_loop3A_824 = arith.constant 0 : i32
        %parallel_loop3A_825 = arith.addi %parallel_loop3A_801, %parallel_loop3A_824 : i32
        %parallel_loop3A_826 = arith.index_cast %parallel_loop3A_825 : i32 to index
        %parallel_loop3A_827 = tpu.vector_load %arg9[%parallel_loop3A_826] {strides = array<i32>} : memref<32768xf32, #tpu.memory_space<vmem>>, vector<16xf32>,
        tpu.vector_store %arg9[%parallel_loop3A_826], %parallel_loop3A_823 {strides = array<i32>} : memref<32768xf32, #tpu.memory_space<vmem>>, vector<16xf32>,
        %parallel_loop3A_828 = arith.mulf %parallel_loop3A_795, %parallel_loop3A_819 : vector<16xf32>
        %parallel_loop3A_829 = arith.addf %parallel_loop3A_815, %parallel_loop3A_828 : vector<16xf32>
        %parallel_loop3A_830 = arith.constant 16 : i32
        %parallel_loop3A_831 = arith.addi %parallel_loop3A_801, %parallel_loop3A_830 : i32
        %parallel_loop3A_832 = arith.index_cast %parallel_loop3A_831 : i32 to index
        %parallel_loop3A_833 = tpu.vector_load %arg9[%parallel_loop3A_832] {strides = array<i32>} : memref<32768xf32, #tpu.memory_space<vmem>>, vector<16xf32>,
        tpu.vector_store %arg9[%parallel_loop3A_832], %parallel_loop3A_829 {strides = array<i32>} : memref<32768xf32, #tpu.memory_space<vmem>>, vector<16xf32>,
        %parallel_loop3A_834 = arith.mulf %parallel_loop3A_795, %parallel_loop3A_820 : vector<16xf32>
        %parallel_loop3A_835 = arith.addf %parallel_loop3A_816, %parallel_loop3A_834 : vector<16xf32>
        %parallel_loop3A_836 = arith.constant 32 : i32
        %parallel_loop3A_837 = arith.addi %parallel_loop3A_801, %parallel_loop3A_836 : i32
        %parallel_loop3A_838 = arith.index_cast %parallel_loop3A_837 : i32 to index
        %parallel_loop3A_839 = tpu.vector_load %arg9[%parallel_loop3A_838] {strides = array<i32>} : memref<32768xf32, #tpu.memory_space<vmem>>, vector<16xf32>,
        tpu.vector_store %arg9[%parallel_loop3A_838], %parallel_loop3A_835 {strides = array<i32>} : memref<32768xf32, #tpu.memory_space<vmem>>, vector<16xf32>,
        %parallel_loop3A_840 = arith.mulf %parallel_loop3A_795, %parallel_loop3A_821 : vector<16xf32>
        %parallel_loop3A_841 = arith.addf %parallel_loop3A_817, %parallel_loop3A_840 : vector<16xf32>
        %parallel_loop3A_842 = arith.constant 48 : i32
        %parallel_loop3A_843 = arith.addi %parallel_loop3A_801, %parallel_loop3A_842 : i32
        %parallel_loop3A_844 = arith.index_cast %parallel_loop3A_843 : i32 to index
        %parallel_loop3A_845 = tpu.vector_load %arg9[%parallel_loop3A_844] {strides = array<i32>} : memref<32768xf32, #tpu.memory_space<vmem>>, vector<16xf32>,
        tpu.vector_store %arg9[%parallel_loop3A_844], %parallel_loop3A_841 {strides = array<i32>} : memref<32768xf32, #tpu.memory_space<vmem>>, vector<16xf32>,
        %parallel_loop3A_846 = vector.extract_strided_slice %parallel_loop3A_104 {offsets = [13], sizes = [1], strides = [1]} : vector<16xi32> to vector<1xi32>
        %parallel_loop3A_847 = vector.extract %parallel_loop3A_846[0] : i32 from vector<1xi32>
        %parallel_loop3A_848 = vector.broadcast %parallel_loop3A_847 : i32 to vector<16xi32>
        %parallel_loop3A_849 = arith.addi %parallel_loop3A_848, %iota3A : vector<16xi32>
        %parallel_loop3A_850 = vector.extract_strided_slice %parallel_loop3A_101 {offsets = [13], sizes = [1], strides = [1]} : vector<16xf32> to vector<1xf32>
        %parallel_loop3A_851 = vector.extract %parallel_loop3A_850[0] : f32 from vector<1xf32>
        %parallel_loop3A_852 = vector.broadcast %parallel_loop3A_851 : f32 to vector<16xf32>
        %parallel_loop3A_853 = arith.constant 16 : i32
        %parallel_loop3A_854 = arith.muli %parallel_loop3A_94, %parallel_loop3A_853 : i32
        %parallel_loop3A_855 = arith.constant 13 : i32
        %parallel_loop3A_856 = arith.addi %parallel_loop3A_854, %parallel_loop3A_855 : i32
        %parallel_loop3A_857 = arith.constant 64 : i32
        %parallel_loop3A_858 = arith.muli %parallel_loop3A_856, %parallel_loop3A_857 : i32
        %parallel_loop3A_859 = arith.constant 0 : i32
        %parallel_loop3A_860 = vector.broadcast %parallel_loop3A_859 : i32 to vector<16xi32>
        %parallel_loop3A_861 = arith.addi %parallel_loop3A_849, %parallel_loop3A_860 : vector<16xi32>
        %parallel_loop3A_862 = arith.constant 16 : i32
        %parallel_loop3A_863 = vector.broadcast %parallel_loop3A_862 : i32 to vector<16xi32>
        %parallel_loop3A_864 = arith.addi %parallel_loop3A_849, %parallel_loop3A_863 : vector<16xi32>
        %parallel_loop3A_865 = arith.constant 32 : i32
        %parallel_loop3A_866 = vector.broadcast %parallel_loop3A_865 : i32 to vector<16xi32>
        %parallel_loop3A_867 = arith.addi %parallel_loop3A_849, %parallel_loop3A_866 : vector<16xi32>
        %parallel_loop3A_868 = arith.constant 48 : i32
        %parallel_loop3A_869 = vector.broadcast %parallel_loop3A_868 : i32 to vector<16xi32>
        %parallel_loop3A_870 = arith.addi %parallel_loop3A_849, %parallel_loop3A_869 : vector<16xi32>
        %parallel_loop3A_871 = tpu.vector_load_idx %arg5[%parallel_loop3A_861] : memref<16384xf32, #tpu.memory_space<vmem>>[vector<16xi32>], vector<16xf32>,
        %parallel_loop3A_872 = tpu.vector_load_idx %arg5[%parallel_loop3A_864] : memref<16384xf32, #tpu.memory_space<vmem>>[vector<16xi32>], vector<16xf32>,
        %parallel_loop3A_873 = tpu.vector_load_idx %arg5[%parallel_loop3A_867] : memref<16384xf32, #tpu.memory_space<vmem>>[vector<16xi32>], vector<16xf32>,
        %parallel_loop3A_874 = tpu.vector_load_idx %arg5[%parallel_loop3A_870] : memref<16384xf32, #tpu.memory_space<vmem>>[vector<16xi32>], vector<16xf32>,
        %parallel_loop3A_875 = tpu.vector_load_idx %arg6[%parallel_loop3A_861] : memref<16384xf32, #tpu.memory_space<vmem>>[vector<16xi32>], vector<16xf32>,
        %parallel_loop3A_876 = tpu.vector_load_idx %arg6[%parallel_loop3A_864] : memref<16384xf32, #tpu.memory_space<vmem>>[vector<16xi32>], vector<16xf32>,
        %parallel_loop3A_877 = tpu.vector_load_idx %arg6[%parallel_loop3A_867] : memref<16384xf32, #tpu.memory_space<vmem>>[vector<16xi32>], vector<16xf32>,
        %parallel_loop3A_878 = tpu.vector_load_idx %arg6[%parallel_loop3A_870] : memref<16384xf32, #tpu.memory_space<vmem>>[vector<16xi32>], vector<16xf32>,
        %parallel_loop3A_879 = arith.mulf %parallel_loop3A_852, %parallel_loop3A_875 : vector<16xf32>
        %parallel_loop3A_880 = arith.addf %parallel_loop3A_871, %parallel_loop3A_879 : vector<16xf32>
        %parallel_loop3A_881 = arith.constant 0 : i32
        %parallel_loop3A_882 = arith.addi %parallel_loop3A_858, %parallel_loop3A_881 : i32
        %parallel_loop3A_883 = arith.index_cast %parallel_loop3A_882 : i32 to index
        %parallel_loop3A_884 = tpu.vector_load %arg9[%parallel_loop3A_883] {strides = array<i32>} : memref<32768xf32, #tpu.memory_space<vmem>>, vector<16xf32>,
        tpu.vector_store %arg9[%parallel_loop3A_883], %parallel_loop3A_880 {strides = array<i32>} : memref<32768xf32, #tpu.memory_space<vmem>>, vector<16xf32>,
        %parallel_loop3A_885 = arith.mulf %parallel_loop3A_852, %parallel_loop3A_876 : vector<16xf32>
        %parallel_loop3A_886 = arith.addf %parallel_loop3A_872, %parallel_loop3A_885 : vector<16xf32>
        %parallel_loop3A_887 = arith.constant 16 : i32
        %parallel_loop3A_888 = arith.addi %parallel_loop3A_858, %parallel_loop3A_887 : i32
        %parallel_loop3A_889 = arith.index_cast %parallel_loop3A_888 : i32 to index
        %parallel_loop3A_890 = tpu.vector_load %arg9[%parallel_loop3A_889] {strides = array<i32>} : memref<32768xf32, #tpu.memory_space<vmem>>, vector<16xf32>,
        tpu.vector_store %arg9[%parallel_loop3A_889], %parallel_loop3A_886 {strides = array<i32>} : memref<32768xf32, #tpu.memory_space<vmem>>, vector<16xf32>,
        %parallel_loop3A_891 = arith.mulf %parallel_loop3A_852, %parallel_loop3A_877 : vector<16xf32>
        %parallel_loop3A_892 = arith.addf %parallel_loop3A_873, %parallel_loop3A_891 : vector<16xf32>
        %parallel_loop3A_893 = arith.constant 32 : i32
        %parallel_loop3A_894 = arith.addi %parallel_loop3A_858, %parallel_loop3A_893 : i32
        %parallel_loop3A_895 = arith.index_cast %parallel_loop3A_894 : i32 to index
        %parallel_loop3A_896 = tpu.vector_load %arg9[%parallel_loop3A_895] {strides = array<i32>} : memref<32768xf32, #tpu.memory_space<vmem>>, vector<16xf32>,
        tpu.vector_store %arg9[%parallel_loop3A_895], %parallel_loop3A_892 {strides = array<i32>} : memref<32768xf32, #tpu.memory_space<vmem>>, vector<16xf32>,
        %parallel_loop3A_897 = arith.mulf %parallel_loop3A_852, %parallel_loop3A_878 : vector<16xf32>
        %parallel_loop3A_898 = arith.addf %parallel_loop3A_874, %parallel_loop3A_897 : vector<16xf32>
        %parallel_loop3A_899 = arith.constant 48 : i32
        %parallel_loop3A_900 = arith.addi %parallel_loop3A_858, %parallel_loop3A_899 : i32
        %parallel_loop3A_901 = arith.index_cast %parallel_loop3A_900 : i32 to index
        %parallel_loop3A_902 = tpu.vector_load %arg9[%parallel_loop3A_901] {strides = array<i32>} : memref<32768xf32, #tpu.memory_space<vmem>>, vector<16xf32>,
        tpu.vector_store %arg9[%parallel_loop3A_901], %parallel_loop3A_898 {strides = array<i32>} : memref<32768xf32, #tpu.memory_space<vmem>>, vector<16xf32>,
        %parallel_loop3A_903 = vector.extract_strided_slice %parallel_loop3A_104 {offsets = [14], sizes = [1], strides = [1]} : vector<16xi32> to vector<1xi32>
        %parallel_loop3A_904 = vector.extract %parallel_loop3A_903[0] : i32 from vector<1xi32>
        %parallel_loop3A_905 = vector.broadcast %parallel_loop3A_904 : i32 to vector<16xi32>
        %parallel_loop3A_906 = arith.addi %parallel_loop3A_905, %iota3A : vector<16xi32>
        %parallel_loop3A_907 = vector.extract_strided_slice %parallel_loop3A_101 {offsets = [14], sizes = [1], strides = [1]} : vector<16xf32> to vector<1xf32>
        %parallel_loop3A_908 = vector.extract %parallel_loop3A_907[0] : f32 from vector<1xf32>
        %parallel_loop3A_909 = vector.broadcast %parallel_loop3A_908 : f32 to vector<16xf32>
        %parallel_loop3A_910 = arith.constant 16 : i32
        %parallel_loop3A_911 = arith.muli %parallel_loop3A_94, %parallel_loop3A_910 : i32
        %parallel_loop3A_912 = arith.constant 14 : i32
        %parallel_loop3A_913 = arith.addi %parallel_loop3A_911, %parallel_loop3A_912 : i32
        %parallel_loop3A_914 = arith.constant 64 : i32
        %parallel_loop3A_915 = arith.muli %parallel_loop3A_913, %parallel_loop3A_914 : i32
        %parallel_loop3A_916 = arith.constant 0 : i32
        %parallel_loop3A_917 = vector.broadcast %parallel_loop3A_916 : i32 to vector<16xi32>
        %parallel_loop3A_918 = arith.addi %parallel_loop3A_906, %parallel_loop3A_917 : vector<16xi32>
        %parallel_loop3A_919 = arith.constant 16 : i32
        %parallel_loop3A_920 = vector.broadcast %parallel_loop3A_919 : i32 to vector<16xi32>
        %parallel_loop3A_921 = arith.addi %parallel_loop3A_906, %parallel_loop3A_920 : vector<16xi32>
        %parallel_loop3A_922 = arith.constant 32 : i32
        %parallel_loop3A_923 = vector.broadcast %parallel_loop3A_922 : i32 to vector<16xi32>
        %parallel_loop3A_924 = arith.addi %parallel_loop3A_906, %parallel_loop3A_923 : vector<16xi32>
        %parallel_loop3A_925 = arith.constant 48 : i32
        %parallel_loop3A_926 = vector.broadcast %parallel_loop3A_925 : i32 to vector<16xi32>
        %parallel_loop3A_927 = arith.addi %parallel_loop3A_906, %parallel_loop3A_926 : vector<16xi32>
        %parallel_loop3A_928 = tpu.vector_load_idx %arg5[%parallel_loop3A_918] : memref<16384xf32, #tpu.memory_space<vmem>>[vector<16xi32>], vector<16xf32>,
        %parallel_loop3A_929 = tpu.vector_load_idx %arg5[%parallel_loop3A_921] : memref<16384xf32, #tpu.memory_space<vmem>>[vector<16xi32>], vector<16xf32>,
        %parallel_loop3A_930 = tpu.vector_load_idx %arg5[%parallel_loop3A_924] : memref<16384xf32, #tpu.memory_space<vmem>>[vector<16xi32>], vector<16xf32>,
        %parallel_loop3A_931 = tpu.vector_load_idx %arg5[%parallel_loop3A_927] : memref<16384xf32, #tpu.memory_space<vmem>>[vector<16xi32>], vector<16xf32>,
        %parallel_loop3A_932 = tpu.vector_load_idx %arg6[%parallel_loop3A_918] : memref<16384xf32, #tpu.memory_space<vmem>>[vector<16xi32>], vector<16xf32>,
        %parallel_loop3A_933 = tpu.vector_load_idx %arg6[%parallel_loop3A_921] : memref<16384xf32, #tpu.memory_space<vmem>>[vector<16xi32>], vector<16xf32>,
        %parallel_loop3A_934 = tpu.vector_load_idx %arg6[%parallel_loop3A_924] : memref<16384xf32, #tpu.memory_space<vmem>>[vector<16xi32>], vector<16xf32>,
        %parallel_loop3A_935 = tpu.vector_load_idx %arg6[%parallel_loop3A_927] : memref<16384xf32, #tpu.memory_space<vmem>>[vector<16xi32>], vector<16xf32>,
        %parallel_loop3A_936 = arith.mulf %parallel_loop3A_909, %parallel_loop3A_932 : vector<16xf32>
        %parallel_loop3A_937 = arith.addf %parallel_loop3A_928, %parallel_loop3A_936 : vector<16xf32>
        %parallel_loop3A_938 = arith.constant 0 : i32
        %parallel_loop3A_939 = arith.addi %parallel_loop3A_915, %parallel_loop3A_938 : i32
        %parallel_loop3A_940 = arith.index_cast %parallel_loop3A_939 : i32 to index
        %parallel_loop3A_941 = tpu.vector_load %arg9[%parallel_loop3A_940] {strides = array<i32>} : memref<32768xf32, #tpu.memory_space<vmem>>, vector<16xf32>,
        tpu.vector_store %arg9[%parallel_loop3A_940], %parallel_loop3A_937 {strides = array<i32>} : memref<32768xf32, #tpu.memory_space<vmem>>, vector<16xf32>,
        %parallel_loop3A_942 = arith.mulf %parallel_loop3A_909, %parallel_loop3A_933 : vector<16xf32>
        %parallel_loop3A_943 = arith.addf %parallel_loop3A_929, %parallel_loop3A_942 : vector<16xf32>
        %parallel_loop3A_944 = arith.constant 16 : i32
        %parallel_loop3A_945 = arith.addi %parallel_loop3A_915, %parallel_loop3A_944 : i32
        %parallel_loop3A_946 = arith.index_cast %parallel_loop3A_945 : i32 to index
        %parallel_loop3A_947 = tpu.vector_load %arg9[%parallel_loop3A_946] {strides = array<i32>} : memref<32768xf32, #tpu.memory_space<vmem>>, vector<16xf32>,
        tpu.vector_store %arg9[%parallel_loop3A_946], %parallel_loop3A_943 {strides = array<i32>} : memref<32768xf32, #tpu.memory_space<vmem>>, vector<16xf32>,
        %parallel_loop3A_948 = arith.mulf %parallel_loop3A_909, %parallel_loop3A_934 : vector<16xf32>
        %parallel_loop3A_949 = arith.addf %parallel_loop3A_930, %parallel_loop3A_948 : vector<16xf32>
        %parallel_loop3A_950 = arith.constant 32 : i32
        %parallel_loop3A_951 = arith.addi %parallel_loop3A_915, %parallel_loop3A_950 : i32
        %parallel_loop3A_952 = arith.index_cast %parallel_loop3A_951 : i32 to index
        %parallel_loop3A_953 = tpu.vector_load %arg9[%parallel_loop3A_952] {strides = array<i32>} : memref<32768xf32, #tpu.memory_space<vmem>>, vector<16xf32>,
        tpu.vector_store %arg9[%parallel_loop3A_952], %parallel_loop3A_949 {strides = array<i32>} : memref<32768xf32, #tpu.memory_space<vmem>>, vector<16xf32>,
        %parallel_loop3A_954 = arith.mulf %parallel_loop3A_909, %parallel_loop3A_935 : vector<16xf32>
        %parallel_loop3A_955 = arith.addf %parallel_loop3A_931, %parallel_loop3A_954 : vector<16xf32>
        %parallel_loop3A_956 = arith.constant 48 : i32
        %parallel_loop3A_957 = arith.addi %parallel_loop3A_915, %parallel_loop3A_956 : i32
        %parallel_loop3A_958 = arith.index_cast %parallel_loop3A_957 : i32 to index
        %parallel_loop3A_959 = tpu.vector_load %arg9[%parallel_loop3A_958] {strides = array<i32>} : memref<32768xf32, #tpu.memory_space<vmem>>, vector<16xf32>,
        tpu.vector_store %arg9[%parallel_loop3A_958], %parallel_loop3A_955 {strides = array<i32>} : memref<32768xf32, #tpu.memory_space<vmem>>, vector<16xf32>,
        %parallel_loop3A_960 = vector.extract_strided_slice %parallel_loop3A_104 {offsets = [15], sizes = [1], strides = [1]} : vector<16xi32> to vector<1xi32>
        %parallel_loop3A_961 = vector.extract %parallel_loop3A_960[0] : i32 from vector<1xi32>
        %parallel_loop3A_962 = vector.broadcast %parallel_loop3A_961 : i32 to vector<16xi32>
        %parallel_loop3A_963 = arith.addi %parallel_loop3A_962, %iota3A : vector<16xi32>
        %parallel_loop3A_964 = vector.extract_strided_slice %parallel_loop3A_101 {offsets = [15], sizes = [1], strides = [1]} : vector<16xf32> to vector<1xf32>
        %parallel_loop3A_965 = vector.extract %parallel_loop3A_964[0] : f32 from vector<1xf32>
        %parallel_loop3A_966 = vector.broadcast %parallel_loop3A_965 : f32 to vector<16xf32>
        %parallel_loop3A_967 = arith.constant 16 : i32
        %parallel_loop3A_968 = arith.muli %parallel_loop3A_94, %parallel_loop3A_967 : i32
        %parallel_loop3A_969 = arith.constant 15 : i32
        %parallel_loop3A_970 = arith.addi %parallel_loop3A_968, %parallel_loop3A_969 : i32
        %parallel_loop3A_971 = arith.constant 64 : i32
        %parallel_loop3A_972 = arith.muli %parallel_loop3A_970, %parallel_loop3A_971 : i32
        %parallel_loop3A_973 = arith.constant 0 : i32
        %parallel_loop3A_974 = vector.broadcast %parallel_loop3A_973 : i32 to vector<16xi32>
        %parallel_loop3A_975 = arith.addi %parallel_loop3A_963, %parallel_loop3A_974 : vector<16xi32>
        %parallel_loop3A_976 = arith.constant 16 : i32
        %parallel_loop3A_977 = vector.broadcast %parallel_loop3A_976 : i32 to vector<16xi32>
        %parallel_loop3A_978 = arith.addi %parallel_loop3A_963, %parallel_loop3A_977 : vector<16xi32>
        %parallel_loop3A_979 = arith.constant 32 : i32
        %parallel_loop3A_980 = vector.broadcast %parallel_loop3A_979 : i32 to vector<16xi32>
        %parallel_loop3A_981 = arith.addi %parallel_loop3A_963, %parallel_loop3A_980 : vector<16xi32>
        %parallel_loop3A_982 = arith.constant 48 : i32
        %parallel_loop3A_983 = vector.broadcast %parallel_loop3A_982 : i32 to vector<16xi32>
        %parallel_loop3A_984 = arith.addi %parallel_loop3A_963, %parallel_loop3A_983 : vector<16xi32>
        %parallel_loop3A_985 = tpu.vector_load_idx %arg5[%parallel_loop3A_975] : memref<16384xf32, #tpu.memory_space<vmem>>[vector<16xi32>], vector<16xf32>,
        %parallel_loop3A_986 = tpu.vector_load_idx %arg5[%parallel_loop3A_978] : memref<16384xf32, #tpu.memory_space<vmem>>[vector<16xi32>], vector<16xf32>,
        %parallel_loop3A_987 = tpu.vector_load_idx %arg5[%parallel_loop3A_981] : memref<16384xf32, #tpu.memory_space<vmem>>[vector<16xi32>], vector<16xf32>,
        %parallel_loop3A_988 = tpu.vector_load_idx %arg5[%parallel_loop3A_984] : memref<16384xf32, #tpu.memory_space<vmem>>[vector<16xi32>], vector<16xf32>,
        %parallel_loop3A_989 = tpu.vector_load_idx %arg6[%parallel_loop3A_975] : memref<16384xf32, #tpu.memory_space<vmem>>[vector<16xi32>], vector<16xf32>,
        %parallel_loop3A_990 = tpu.vector_load_idx %arg6[%parallel_loop3A_978] : memref<16384xf32, #tpu.memory_space<vmem>>[vector<16xi32>], vector<16xf32>,
        %parallel_loop3A_991 = tpu.vector_load_idx %arg6[%parallel_loop3A_981] : memref<16384xf32, #tpu.memory_space<vmem>>[vector<16xi32>], vector<16xf32>,
        %parallel_loop3A_992 = tpu.vector_load_idx %arg6[%parallel_loop3A_984] : memref<16384xf32, #tpu.memory_space<vmem>>[vector<16xi32>], vector<16xf32>,
        %parallel_loop3A_993 = arith.mulf %parallel_loop3A_966, %parallel_loop3A_989 : vector<16xf32>
        %parallel_loop3A_994 = arith.addf %parallel_loop3A_985, %parallel_loop3A_993 : vector<16xf32>
        %parallel_loop3A_995 = arith.constant 0 : i32
        %parallel_loop3A_996 = arith.addi %parallel_loop3A_972, %parallel_loop3A_995 : i32
        %parallel_loop3A_997 = arith.index_cast %parallel_loop3A_996 : i32 to index
        %parallel_loop3A_998 = tpu.vector_load %arg9[%parallel_loop3A_997] {strides = array<i32>} : memref<32768xf32, #tpu.memory_space<vmem>>, vector<16xf32>,
        tpu.vector_store %arg9[%parallel_loop3A_997], %parallel_loop3A_994 {strides = array<i32>} : memref<32768xf32, #tpu.memory_space<vmem>>, vector<16xf32>,
        %parallel_loop3A_999 = arith.mulf %parallel_loop3A_966, %parallel_loop3A_990 : vector<16xf32>
        %parallel_loop3A_1000 = arith.addf %parallel_loop3A_986, %parallel_loop3A_999 : vector<16xf32>
        %parallel_loop3A_1001 = arith.constant 16 : i32
        %parallel_loop3A_1002 = arith.addi %parallel_loop3A_972, %parallel_loop3A_1001 : i32
        %parallel_loop3A_1003 = arith.index_cast %parallel_loop3A_1002 : i32 to index
        %parallel_loop3A_1004 = tpu.vector_load %arg9[%parallel_loop3A_1003] {strides = array<i32>} : memref<32768xf32, #tpu.memory_space<vmem>>, vector<16xf32>,
        tpu.vector_store %arg9[%parallel_loop3A_1003], %parallel_loop3A_1000 {strides = array<i32>} : memref<32768xf32, #tpu.memory_space<vmem>>, vector<16xf32>,
        %parallel_loop3A_1005 = arith.mulf %parallel_loop3A_966, %parallel_loop3A_991 : vector<16xf32>
        %parallel_loop3A_1006 = arith.addf %parallel_loop3A_987, %parallel_loop3A_1005 : vector<16xf32>
        %parallel_loop3A_1007 = arith.constant 32 : i32
        %parallel_loop3A_1008 = arith.addi %parallel_loop3A_972, %parallel_loop3A_1007 : i32
        %parallel_loop3A_1009 = arith.index_cast %parallel_loop3A_1008 : i32 to index
        %parallel_loop3A_1010 = tpu.vector_load %arg9[%parallel_loop3A_1009] {strides = array<i32>} : memref<32768xf32, #tpu.memory_space<vmem>>, vector<16xf32>,
        tpu.vector_store %arg9[%parallel_loop3A_1009], %parallel_loop3A_1006 {strides = array<i32>} : memref<32768xf32, #tpu.memory_space<vmem>>, vector<16xf32>,
        %parallel_loop3A_1011 = arith.mulf %parallel_loop3A_966, %parallel_loop3A_992 : vector<16xf32>
        %parallel_loop3A_1012 = arith.addf %parallel_loop3A_988, %parallel_loop3A_1011 : vector<16xf32>
        %parallel_loop3A_1013 = arith.constant 48 : i32
        %parallel_loop3A_1014 = arith.addi %parallel_loop3A_972, %parallel_loop3A_1013 : i32
        %parallel_loop3A_1015 = arith.index_cast %parallel_loop3A_1014 : i32 to index
        %parallel_loop3A_1016 = tpu.vector_load %arg9[%parallel_loop3A_1015] {strides = array<i32>} : memref<32768xf32, #tpu.memory_space<vmem>>, vector<16xf32>,
        tpu.vector_store %arg9[%parallel_loop3A_1015], %parallel_loop3A_1012 {strides = array<i32>} : memref<32768xf32, #tpu.memory_space<vmem>>, vector<16xf32>,
      } {sc.loop_unroll_factor = 4 : i64, sc.parallel_access}
      %mul3A_55 = arith.constant 64 : i32
      %mul3A_56 = arith.muli %add3A_47, %mul3A_55 : i32
      %dma_start3A_57 = tpu.memref_slice %arg4[%mul3A_56] : memref<52428800xf32, #tpu.memory_space<hbm>> -> memref<32768xf32, #tpu.memory_space<hbm>>
      %dma_start3A_58 = tpu.memref_slice %arg4[%mul3A_56] : memref<52428800xf32, #tpu.memory_space<hbm>> -> memref<32768xf32, #tpu.memory_space<hbm>>
      tpu.enqueue_dma source(%arg9 : memref<32768xf32, #tpu.memory_space<vmem>>) target(%dma_start3A_58 : memref<32768xf32, #tpu.memory_space<hbm>>) target_semaphore(%arg13 : memref<!tpu.dma_semaphore, #tpu.memory_space<semaphore_mem>>)
      %add3A_59 = arith.constant 2 : i32
      %add3A_60 = arith.addi %add3A_44, %add3A_59 : i32
      %lt3A = arith.constant 50 : i32
      %lt3A_61 = arith.cmpi slt, %add3A_60, %lt3A : i32
      %convert_element_type3A_62 = arith.extui %lt3A_61 : i1 to i32
      %cond3A_63 = arith.constant 0 : i32
      %cond3A_64 = arith.cmpi ne, %convert_element_type3A_62, %cond3A_63 : i32
      scf.if %cond3A_64 {
        %add3A_94 = arith.constant 1024 : i32
        %add3A_95 = arith.addi %add3A_47, %add3A_94 : i32
        %dma_start3A_96 = tpu.memref_slice %arg2[%add3A_95] : memref<819200xf32, #tpu.memory_space<hbm>> -> memref<512xf32, #tpu.memory_space<hbm>>
        %dma_start3A_97 = tpu.memref_slice %arg2[%add3A_95] : memref<819200xf32, #tpu.memory_space<hbm>> -> memref<512xf32, #tpu.memory_space<hbm>>
        tpu.enqueue_dma source(%dma_start3A_97 : memref<512xf32, #tpu.memory_space<hbm>>) target(%arg7 : memref<512xf32, #tpu.memory_space<vmem>>) target_semaphore(%arg11 : memref<!tpu.dma_semaphore, #tpu.memory_space<semaphore_mem>>)
      } else {
      }
      %mul3A_65 = arith.constant 2 : i32
      %mul3A_66 = arith.muli %mul3A_65, %scan3A_39 : i32
      %add3A_67 = arith.constant 1 : i32
      %add3A_68 = arith.addi %mul3A_66, %add3A_67 : i32
      %mul3A_69 = arith.constant 512 : i32
      %mul3A_70 = arith.muli %add3A_68, %mul3A_69 : i32
      %add3A_71 = arith.addi %mul3A_2, %mul3A_70 : i32
      %gt3A_72 = arith.constant 0 : i32
      %gt3A_73 = arith.cmpi sgt, %scan3A_39, %gt3A_72 : i32
      %convert_element_type3A_74 = arith.extui %gt3A_73 : i1 to i32
      %cond3A_75 = arith.constant 0 : i32
      %cond3A_76 = arith.cmpi ne, %convert_element_type3A_74, %cond3A_75 : i32
      scf.if %cond3A_76 {
        %mul3A_94 = arith.constant 64 : i32
        %mul3A_95 = arith.muli %add3A_71, %mul3A_94 : i32
        %dma_wait3A_96 = tpu.memref_slice %arg4[%mul3A_95] : memref<52428800xf32, #tpu.memory_space<hbm>> -> memref<32768xf32, #tpu.memory_space<hbm>>
        %dma_wait3A_97 = tpu.memref_slice %arg4[%mul3A_95] : memref<52428800xf32, #tpu.memory_space<hbm>> -> memref<32768xf32, #tpu.memory_space<hbm>>
        tpu.wait_dma2 semaphore(%arg14 : memref<!tpu.dma_semaphore, #tpu.memory_space<semaphore_mem>>) src(%arg10 : memref<32768xf32, #tpu.memory_space<vmem>>) dst(%dma_wait3A_97 : memref<32768xf32, #tpu.memory_space<hbm>>)
      } else {
      }
      %dma_wait3A_77 = tpu.memref_slice %arg2[%add3A_71] : memref<819200xf32, #tpu.memory_space<hbm>> -> memref<512xf32, #tpu.memory_space<hbm>>
      %dma_wait3A_78 = tpu.memref_slice %arg2[%add3A_71] : memref<819200xf32, #tpu.memory_space<hbm>> -> memref<512xf32, #tpu.memory_space<hbm>>
      tpu.wait_dma2 semaphore(%arg12 : memref<!tpu.dma_semaphore, #tpu.memory_space<semaphore_mem>>) src(%dma_wait3A_78 : memref<512xf32, #tpu.memory_space<hbm>>) dst(%arg8 : memref<512xf32, #tpu.memory_space<vmem>>)
      %parallel_loop3A_79 = arith.constant 0 : i32
      %parallel_loop3A_80 = arith.constant 32 : i32
      %parallel_loop3A_81 = arith.constant 1 : i32
      scf.for %parallel_loop3A_94 = %parallel_loop3A_79 to %parallel_loop3A_80 step %parallel_loop3A_81  : i32 {
        %parallel_loop3A_95 = arith.constant 16 : i32
        %parallel_loop3A_96 = arith.muli %parallel_loop3A_94, %parallel_loop3A_95 : i32
        %parallel_loop3A_97 = arith.index_cast %parallel_loop3A_96 : i32 to index
        %parallel_loop3A_98 = tpu.vector_load %arg8[%parallel_loop3A_97] {strides = array<i32>} : memref<512xf32, #tpu.memory_space<vmem>>, vector<16xf32>,
        %parallel_loop3A_99 = arith.fptosi %parallel_loop3A_98 : vector<16xf32> to vector<16xi32>
        %parallel_loop3A_100 = arith.sitofp %parallel_loop3A_99 : vector<16xi32> to vector<16xf32>
        %parallel_loop3A_101 = arith.subf %parallel_loop3A_98, %parallel_loop3A_100 : vector<16xf32>
        %parallel_loop3A_102 = arith.constant 64 : i32
        %parallel_loop3A_103 = vector.broadcast %parallel_loop3A_102 : i32 to vector<16xi32>
        %parallel_loop3A_104 = arith.muli %parallel_loop3A_99, %parallel_loop3A_103 : vector<16xi32>
        %parallel_loop3A_105 = vector.extract_strided_slice %parallel_loop3A_104 {offsets = [0], sizes = [1], strides = [1]} : vector<16xi32> to vector<1xi32>
        %parallel_loop3A_106 = vector.extract %parallel_loop3A_105[0] : i32 from vector<1xi32>
        %parallel_loop3A_107 = vector.broadcast %parallel_loop3A_106 : i32 to vector<16xi32>
        %parallel_loop3A_108 = arith.addi %parallel_loop3A_107, %iota3A : vector<16xi32>
        %parallel_loop3A_109 = vector.extract_strided_slice %parallel_loop3A_101 {offsets = [0], sizes = [1], strides = [1]} : vector<16xf32> to vector<1xf32>
        %parallel_loop3A_110 = vector.extract %parallel_loop3A_109[0] : f32 from vector<1xf32>
        %parallel_loop3A_111 = vector.broadcast %parallel_loop3A_110 : f32 to vector<16xf32>
        %parallel_loop3A_112 = arith.constant 16 : i32
        %parallel_loop3A_113 = arith.muli %parallel_loop3A_94, %parallel_loop3A_112 : i32
        %parallel_loop3A_114 = arith.constant 0 : i32
        %parallel_loop3A_115 = arith.addi %parallel_loop3A_113, %parallel_loop3A_114 : i32
        %parallel_loop3A_116 = arith.constant 64 : i32
        %parallel_loop3A_117 = arith.muli %parallel_loop3A_115, %parallel_loop3A_116 : i32
        %parallel_loop3A_118 = arith.constant 0 : i32
        %parallel_loop3A_119 = vector.broadcast %parallel_loop3A_118 : i32 to vector<16xi32>
        %parallel_loop3A_120 = arith.addi %parallel_loop3A_108, %parallel_loop3A_119 : vector<16xi32>
        %parallel_loop3A_121 = arith.constant 16 : i32
        %parallel_loop3A_122 = vector.broadcast %parallel_loop3A_121 : i32 to vector<16xi32>
        %parallel_loop3A_123 = arith.addi %parallel_loop3A_108, %parallel_loop3A_122 : vector<16xi32>
        %parallel_loop3A_124 = arith.constant 32 : i32
        %parallel_loop3A_125 = vector.broadcast %parallel_loop3A_124 : i32 to vector<16xi32>
        %parallel_loop3A_126 = arith.addi %parallel_loop3A_108, %parallel_loop3A_125 : vector<16xi32>
        %parallel_loop3A_127 = arith.constant 48 : i32
        %parallel_loop3A_128 = vector.broadcast %parallel_loop3A_127 : i32 to vector<16xi32>
        %parallel_loop3A_129 = arith.addi %parallel_loop3A_108, %parallel_loop3A_128 : vector<16xi32>
        %parallel_loop3A_130 = tpu.vector_load_idx %arg5[%parallel_loop3A_120] : memref<16384xf32, #tpu.memory_space<vmem>>[vector<16xi32>], vector<16xf32>,
        %parallel_loop3A_131 = tpu.vector_load_idx %arg5[%parallel_loop3A_123] : memref<16384xf32, #tpu.memory_space<vmem>>[vector<16xi32>], vector<16xf32>,
        %parallel_loop3A_132 = tpu.vector_load_idx %arg5[%parallel_loop3A_126] : memref<16384xf32, #tpu.memory_space<vmem>>[vector<16xi32>], vector<16xf32>,
        %parallel_loop3A_133 = tpu.vector_load_idx %arg5[%parallel_loop3A_129] : memref<16384xf32, #tpu.memory_space<vmem>>[vector<16xi32>], vector<16xf32>,
        %parallel_loop3A_134 = tpu.vector_load_idx %arg6[%parallel_loop3A_120] : memref<16384xf32, #tpu.memory_space<vmem>>[vector<16xi32>], vector<16xf32>,
        %parallel_loop3A_135 = tpu.vector_load_idx %arg6[%parallel_loop3A_123] : memref<16384xf32, #tpu.memory_space<vmem>>[vector<16xi32>], vector<16xf32>,
        %parallel_loop3A_136 = tpu.vector_load_idx %arg6[%parallel_loop3A_126] : memref<16384xf32, #tpu.memory_space<vmem>>[vector<16xi32>], vector<16xf32>,
        %parallel_loop3A_137 = tpu.vector_load_idx %arg6[%parallel_loop3A_129] : memref<16384xf32, #tpu.memory_space<vmem>>[vector<16xi32>], vector<16xf32>,
        %parallel_loop3A_138 = arith.mulf %parallel_loop3A_111, %parallel_loop3A_134 : vector<16xf32>
        %parallel_loop3A_139 = arith.addf %parallel_loop3A_130, %parallel_loop3A_138 : vector<16xf32>
        %parallel_loop3A_140 = arith.constant 0 : i32
        %parallel_loop3A_141 = arith.addi %parallel_loop3A_117, %parallel_loop3A_140 : i32
        %parallel_loop3A_142 = arith.index_cast %parallel_loop3A_141 : i32 to index
        %parallel_loop3A_143 = tpu.vector_load %arg10[%parallel_loop3A_142] {strides = array<i32>} : memref<32768xf32, #tpu.memory_space<vmem>>, vector<16xf32>,
        tpu.vector_store %arg10[%parallel_loop3A_142], %parallel_loop3A_139 {strides = array<i32>} : memref<32768xf32, #tpu.memory_space<vmem>>, vector<16xf32>,
        %parallel_loop3A_144 = arith.mulf %parallel_loop3A_111, %parallel_loop3A_135 : vector<16xf32>
        %parallel_loop3A_145 = arith.addf %parallel_loop3A_131, %parallel_loop3A_144 : vector<16xf32>
        %parallel_loop3A_146 = arith.constant 16 : i32
        %parallel_loop3A_147 = arith.addi %parallel_loop3A_117, %parallel_loop3A_146 : i32
        %parallel_loop3A_148 = arith.index_cast %parallel_loop3A_147 : i32 to index
        %parallel_loop3A_149 = tpu.vector_load %arg10[%parallel_loop3A_148] {strides = array<i32>} : memref<32768xf32, #tpu.memory_space<vmem>>, vector<16xf32>,
        tpu.vector_store %arg10[%parallel_loop3A_148], %parallel_loop3A_145 {strides = array<i32>} : memref<32768xf32, #tpu.memory_space<vmem>>, vector<16xf32>,
        %parallel_loop3A_150 = arith.mulf %parallel_loop3A_111, %parallel_loop3A_136 : vector<16xf32>
        %parallel_loop3A_151 = arith.addf %parallel_loop3A_132, %parallel_loop3A_150 : vector<16xf32>
        %parallel_loop3A_152 = arith.constant 32 : i32
        %parallel_loop3A_153 = arith.addi %parallel_loop3A_117, %parallel_loop3A_152 : i32
        %parallel_loop3A_154 = arith.index_cast %parallel_loop3A_153 : i32 to index
        %parallel_loop3A_155 = tpu.vector_load %arg10[%parallel_loop3A_154] {strides = array<i32>} : memref<32768xf32, #tpu.memory_space<vmem>>, vector<16xf32>,
        tpu.vector_store %arg10[%parallel_loop3A_154], %parallel_loop3A_151 {strides = array<i32>} : memref<32768xf32, #tpu.memory_space<vmem>>, vector<16xf32>,
        %parallel_loop3A_156 = arith.mulf %parallel_loop3A_111, %parallel_loop3A_137 : vector<16xf32>
        %parallel_loop3A_157 = arith.addf %parallel_loop3A_133, %parallel_loop3A_156 : vector<16xf32>
        %parallel_loop3A_158 = arith.constant 48 : i32
        %parallel_loop3A_159 = arith.addi %parallel_loop3A_117, %parallel_loop3A_158 : i32
        %parallel_loop3A_160 = arith.index_cast %parallel_loop3A_159 : i32 to index
        %parallel_loop3A_161 = tpu.vector_load %arg10[%parallel_loop3A_160] {strides = array<i32>} : memref<32768xf32, #tpu.memory_space<vmem>>, vector<16xf32>,
        tpu.vector_store %arg10[%parallel_loop3A_160], %parallel_loop3A_157 {strides = array<i32>} : memref<32768xf32, #tpu.memory_space<vmem>>, vector<16xf32>,
        %parallel_loop3A_162 = vector.extract_strided_slice %parallel_loop3A_104 {offsets = [1], sizes = [1], strides = [1]} : vector<16xi32> to vector<1xi32>
        %parallel_loop3A_163 = vector.extract %parallel_loop3A_162[0] : i32 from vector<1xi32>
        %parallel_loop3A_164 = vector.broadcast %parallel_loop3A_163 : i32 to vector<16xi32>
        %parallel_loop3A_165 = arith.addi %parallel_loop3A_164, %iota3A : vector<16xi32>
        %parallel_loop3A_166 = vector.extract_strided_slice %parallel_loop3A_101 {offsets = [1], sizes = [1], strides = [1]} : vector<16xf32> to vector<1xf32>
        %parallel_loop3A_167 = vector.extract %parallel_loop3A_166[0] : f32 from vector<1xf32>
        %parallel_loop3A_168 = vector.broadcast %parallel_loop3A_167 : f32 to vector<16xf32>
        %parallel_loop3A_169 = arith.constant 16 : i32
        %parallel_loop3A_170 = arith.muli %parallel_loop3A_94, %parallel_loop3A_169 : i32
        %parallel_loop3A_171 = arith.constant 1 : i32
        %parallel_loop3A_172 = arith.addi %parallel_loop3A_170, %parallel_loop3A_171 : i32
        %parallel_loop3A_173 = arith.constant 64 : i32
        %parallel_loop3A_174 = arith.muli %parallel_loop3A_172, %parallel_loop3A_173 : i32
        %parallel_loop3A_175 = arith.constant 0 : i32
        %parallel_loop3A_176 = vector.broadcast %parallel_loop3A_175 : i32 to vector<16xi32>
        %parallel_loop3A_177 = arith.addi %parallel_loop3A_165, %parallel_loop3A_176 : vector<16xi32>
        %parallel_loop3A_178 = arith.constant 16 : i32
        %parallel_loop3A_179 = vector.broadcast %parallel_loop3A_178 : i32 to vector<16xi32>
        %parallel_loop3A_180 = arith.addi %parallel_loop3A_165, %parallel_loop3A_179 : vector<16xi32>
        %parallel_loop3A_181 = arith.constant 32 : i32
        %parallel_loop3A_182 = vector.broadcast %parallel_loop3A_181 : i32 to vector<16xi32>
        %parallel_loop3A_183 = arith.addi %parallel_loop3A_165, %parallel_loop3A_182 : vector<16xi32>
        %parallel_loop3A_184 = arith.constant 48 : i32
        %parallel_loop3A_185 = vector.broadcast %parallel_loop3A_184 : i32 to vector<16xi32>
        %parallel_loop3A_186 = arith.addi %parallel_loop3A_165, %parallel_loop3A_185 : vector<16xi32>
        %parallel_loop3A_187 = tpu.vector_load_idx %arg5[%parallel_loop3A_177] : memref<16384xf32, #tpu.memory_space<vmem>>[vector<16xi32>], vector<16xf32>,
        %parallel_loop3A_188 = tpu.vector_load_idx %arg5[%parallel_loop3A_180] : memref<16384xf32, #tpu.memory_space<vmem>>[vector<16xi32>], vector<16xf32>,
        %parallel_loop3A_189 = tpu.vector_load_idx %arg5[%parallel_loop3A_183] : memref<16384xf32, #tpu.memory_space<vmem>>[vector<16xi32>], vector<16xf32>,
        %parallel_loop3A_190 = tpu.vector_load_idx %arg5[%parallel_loop3A_186] : memref<16384xf32, #tpu.memory_space<vmem>>[vector<16xi32>], vector<16xf32>,
        %parallel_loop3A_191 = tpu.vector_load_idx %arg6[%parallel_loop3A_177] : memref<16384xf32, #tpu.memory_space<vmem>>[vector<16xi32>], vector<16xf32>,
        %parallel_loop3A_192 = tpu.vector_load_idx %arg6[%parallel_loop3A_180] : memref<16384xf32, #tpu.memory_space<vmem>>[vector<16xi32>], vector<16xf32>,
        %parallel_loop3A_193 = tpu.vector_load_idx %arg6[%parallel_loop3A_183] : memref<16384xf32, #tpu.memory_space<vmem>>[vector<16xi32>], vector<16xf32>,
        %parallel_loop3A_194 = tpu.vector_load_idx %arg6[%parallel_loop3A_186] : memref<16384xf32, #tpu.memory_space<vmem>>[vector<16xi32>], vector<16xf32>,
        %parallel_loop3A_195 = arith.mulf %parallel_loop3A_168, %parallel_loop3A_191 : vector<16xf32>
        %parallel_loop3A_196 = arith.addf %parallel_loop3A_187, %parallel_loop3A_195 : vector<16xf32>
        %parallel_loop3A_197 = arith.constant 0 : i32
        %parallel_loop3A_198 = arith.addi %parallel_loop3A_174, %parallel_loop3A_197 : i32
        %parallel_loop3A_199 = arith.index_cast %parallel_loop3A_198 : i32 to index
        %parallel_loop3A_200 = tpu.vector_load %arg10[%parallel_loop3A_199] {strides = array<i32>} : memref<32768xf32, #tpu.memory_space<vmem>>, vector<16xf32>,
        tpu.vector_store %arg10[%parallel_loop3A_199], %parallel_loop3A_196 {strides = array<i32>} : memref<32768xf32, #tpu.memory_space<vmem>>, vector<16xf32>,
        %parallel_loop3A_201 = arith.mulf %parallel_loop3A_168, %parallel_loop3A_192 : vector<16xf32>
        %parallel_loop3A_202 = arith.addf %parallel_loop3A_188, %parallel_loop3A_201 : vector<16xf32>
        %parallel_loop3A_203 = arith.constant 16 : i32
        %parallel_loop3A_204 = arith.addi %parallel_loop3A_174, %parallel_loop3A_203 : i32
        %parallel_loop3A_205 = arith.index_cast %parallel_loop3A_204 : i32 to index
        %parallel_loop3A_206 = tpu.vector_load %arg10[%parallel_loop3A_205] {strides = array<i32>} : memref<32768xf32, #tpu.memory_space<vmem>>, vector<16xf32>,
        tpu.vector_store %arg10[%parallel_loop3A_205], %parallel_loop3A_202 {strides = array<i32>} : memref<32768xf32, #tpu.memory_space<vmem>>, vector<16xf32>,
        %parallel_loop3A_207 = arith.mulf %parallel_loop3A_168, %parallel_loop3A_193 : vector<16xf32>
        %parallel_loop3A_208 = arith.addf %parallel_loop3A_189, %parallel_loop3A_207 : vector<16xf32>
        %parallel_loop3A_209 = arith.constant 32 : i32
        %parallel_loop3A_210 = arith.addi %parallel_loop3A_174, %parallel_loop3A_209 : i32
        %parallel_loop3A_211 = arith.index_cast %parallel_loop3A_210 : i32 to index
        %parallel_loop3A_212 = tpu.vector_load %arg10[%parallel_loop3A_211] {strides = array<i32>} : memref<32768xf32, #tpu.memory_space<vmem>>, vector<16xf32>,
        tpu.vector_store %arg10[%parallel_loop3A_211], %parallel_loop3A_208 {strides = array<i32>} : memref<32768xf32, #tpu.memory_space<vmem>>, vector<16xf32>,
        %parallel_loop3A_213 = arith.mulf %parallel_loop3A_168, %parallel_loop3A_194 : vector<16xf32>
        %parallel_loop3A_214 = arith.addf %parallel_loop3A_190, %parallel_loop3A_213 : vector<16xf32>
        %parallel_loop3A_215 = arith.constant 48 : i32
        %parallel_loop3A_216 = arith.addi %parallel_loop3A_174, %parallel_loop3A_215 : i32
        %parallel_loop3A_217 = arith.index_cast %parallel_loop3A_216 : i32 to index
        %parallel_loop3A_218 = tpu.vector_load %arg10[%parallel_loop3A_217] {strides = array<i32>} : memref<32768xf32, #tpu.memory_space<vmem>>, vector<16xf32>,
        tpu.vector_store %arg10[%parallel_loop3A_217], %parallel_loop3A_214 {strides = array<i32>} : memref<32768xf32, #tpu.memory_space<vmem>>, vector<16xf32>,
        %parallel_loop3A_219 = vector.extract_strided_slice %parallel_loop3A_104 {offsets = [2], sizes = [1], strides = [1]} : vector<16xi32> to vector<1xi32>
        %parallel_loop3A_220 = vector.extract %parallel_loop3A_219[0] : i32 from vector<1xi32>
        %parallel_loop3A_221 = vector.broadcast %parallel_loop3A_220 : i32 to vector<16xi32>
        %parallel_loop3A_222 = arith.addi %parallel_loop3A_221, %iota3A : vector<16xi32>
        %parallel_loop3A_223 = vector.extract_strided_slice %parallel_loop3A_101 {offsets = [2], sizes = [1], strides = [1]} : vector<16xf32> to vector<1xf32>
        %parallel_loop3A_224 = vector.extract %parallel_loop3A_223[0] : f32 from vector<1xf32>
        %parallel_loop3A_225 = vector.broadcast %parallel_loop3A_224 : f32 to vector<16xf32>
        %parallel_loop3A_226 = arith.constant 16 : i32
        %parallel_loop3A_227 = arith.muli %parallel_loop3A_94, %parallel_loop3A_226 : i32
        %parallel_loop3A_228 = arith.constant 2 : i32
        %parallel_loop3A_229 = arith.addi %parallel_loop3A_227, %parallel_loop3A_228 : i32
        %parallel_loop3A_230 = arith.constant 64 : i32
        %parallel_loop3A_231 = arith.muli %parallel_loop3A_229, %parallel_loop3A_230 : i32
        %parallel_loop3A_232 = arith.constant 0 : i32
        %parallel_loop3A_233 = vector.broadcast %parallel_loop3A_232 : i32 to vector<16xi32>
        %parallel_loop3A_234 = arith.addi %parallel_loop3A_222, %parallel_loop3A_233 : vector<16xi32>
        %parallel_loop3A_235 = arith.constant 16 : i32
        %parallel_loop3A_236 = vector.broadcast %parallel_loop3A_235 : i32 to vector<16xi32>
        %parallel_loop3A_237 = arith.addi %parallel_loop3A_222, %parallel_loop3A_236 : vector<16xi32>
        %parallel_loop3A_238 = arith.constant 32 : i32
        %parallel_loop3A_239 = vector.broadcast %parallel_loop3A_238 : i32 to vector<16xi32>
        %parallel_loop3A_240 = arith.addi %parallel_loop3A_222, %parallel_loop3A_239 : vector<16xi32>
        %parallel_loop3A_241 = arith.constant 48 : i32
        %parallel_loop3A_242 = vector.broadcast %parallel_loop3A_241 : i32 to vector<16xi32>
        %parallel_loop3A_243 = arith.addi %parallel_loop3A_222, %parallel_loop3A_242 : vector<16xi32>
        %parallel_loop3A_244 = tpu.vector_load_idx %arg5[%parallel_loop3A_234] : memref<16384xf32, #tpu.memory_space<vmem>>[vector<16xi32>], vector<16xf32>,
        %parallel_loop3A_245 = tpu.vector_load_idx %arg5[%parallel_loop3A_237] : memref<16384xf32, #tpu.memory_space<vmem>>[vector<16xi32>], vector<16xf32>,
        %parallel_loop3A_246 = tpu.vector_load_idx %arg5[%parallel_loop3A_240] : memref<16384xf32, #tpu.memory_space<vmem>>[vector<16xi32>], vector<16xf32>,
        %parallel_loop3A_247 = tpu.vector_load_idx %arg5[%parallel_loop3A_243] : memref<16384xf32, #tpu.memory_space<vmem>>[vector<16xi32>], vector<16xf32>,
        %parallel_loop3A_248 = tpu.vector_load_idx %arg6[%parallel_loop3A_234] : memref<16384xf32, #tpu.memory_space<vmem>>[vector<16xi32>], vector<16xf32>,
        %parallel_loop3A_249 = tpu.vector_load_idx %arg6[%parallel_loop3A_237] : memref<16384xf32, #tpu.memory_space<vmem>>[vector<16xi32>], vector<16xf32>,
        %parallel_loop3A_250 = tpu.vector_load_idx %arg6[%parallel_loop3A_240] : memref<16384xf32, #tpu.memory_space<vmem>>[vector<16xi32>], vector<16xf32>,
        %parallel_loop3A_251 = tpu.vector_load_idx %arg6[%parallel_loop3A_243] : memref<16384xf32, #tpu.memory_space<vmem>>[vector<16xi32>], vector<16xf32>,
        %parallel_loop3A_252 = arith.mulf %parallel_loop3A_225, %parallel_loop3A_248 : vector<16xf32>
        %parallel_loop3A_253 = arith.addf %parallel_loop3A_244, %parallel_loop3A_252 : vector<16xf32>
        %parallel_loop3A_254 = arith.constant 0 : i32
        %parallel_loop3A_255 = arith.addi %parallel_loop3A_231, %parallel_loop3A_254 : i32
        %parallel_loop3A_256 = arith.index_cast %parallel_loop3A_255 : i32 to index
        %parallel_loop3A_257 = tpu.vector_load %arg10[%parallel_loop3A_256] {strides = array<i32>} : memref<32768xf32, #tpu.memory_space<vmem>>, vector<16xf32>,
        tpu.vector_store %arg10[%parallel_loop3A_256], %parallel_loop3A_253 {strides = array<i32>} : memref<32768xf32, #tpu.memory_space<vmem>>, vector<16xf32>,
        %parallel_loop3A_258 = arith.mulf %parallel_loop3A_225, %parallel_loop3A_249 : vector<16xf32>
        %parallel_loop3A_259 = arith.addf %parallel_loop3A_245, %parallel_loop3A_258 : vector<16xf32>
        %parallel_loop3A_260 = arith.constant 16 : i32
        %parallel_loop3A_261 = arith.addi %parallel_loop3A_231, %parallel_loop3A_260 : i32
        %parallel_loop3A_262 = arith.index_cast %parallel_loop3A_261 : i32 to index
        %parallel_loop3A_263 = tpu.vector_load %arg10[%parallel_loop3A_262] {strides = array<i32>} : memref<32768xf32, #tpu.memory_space<vmem>>, vector<16xf32>,
        tpu.vector_store %arg10[%parallel_loop3A_262], %parallel_loop3A_259 {strides = array<i32>} : memref<32768xf32, #tpu.memory_space<vmem>>, vector<16xf32>,
        %parallel_loop3A_264 = arith.mulf %parallel_loop3A_225, %parallel_loop3A_250 : vector<16xf32>
        %parallel_loop3A_265 = arith.addf %parallel_loop3A_246, %parallel_loop3A_264 : vector<16xf32>
        %parallel_loop3A_266 = arith.constant 32 : i32
        %parallel_loop3A_267 = arith.addi %parallel_loop3A_231, %parallel_loop3A_266 : i32
        %parallel_loop3A_268 = arith.index_cast %parallel_loop3A_267 : i32 to index
        %parallel_loop3A_269 = tpu.vector_load %arg10[%parallel_loop3A_268] {strides = array<i32>} : memref<32768xf32, #tpu.memory_space<vmem>>, vector<16xf32>,
        tpu.vector_store %arg10[%parallel_loop3A_268], %parallel_loop3A_265 {strides = array<i32>} : memref<32768xf32, #tpu.memory_space<vmem>>, vector<16xf32>,
        %parallel_loop3A_270 = arith.mulf %parallel_loop3A_225, %parallel_loop3A_251 : vector<16xf32>
        %parallel_loop3A_271 = arith.addf %parallel_loop3A_247, %parallel_loop3A_270 : vector<16xf32>
        %parallel_loop3A_272 = arith.constant 48 : i32
        %parallel_loop3A_273 = arith.addi %parallel_loop3A_231, %parallel_loop3A_272 : i32
        %parallel_loop3A_274 = arith.index_cast %parallel_loop3A_273 : i32 to index
        %parallel_loop3A_275 = tpu.vector_load %arg10[%parallel_loop3A_274] {strides = array<i32>} : memref<32768xf32, #tpu.memory_space<vmem>>, vector<16xf32>,
        tpu.vector_store %arg10[%parallel_loop3A_274], %parallel_loop3A_271 {strides = array<i32>} : memref<32768xf32, #tpu.memory_space<vmem>>, vector<16xf32>,
        %parallel_loop3A_276 = vector.extract_strided_slice %parallel_loop3A_104 {offsets = [3], sizes = [1], strides = [1]} : vector<16xi32> to vector<1xi32>
        %parallel_loop3A_277 = vector.extract %parallel_loop3A_276[0] : i32 from vector<1xi32>
        %parallel_loop3A_278 = vector.broadcast %parallel_loop3A_277 : i32 to vector<16xi32>
        %parallel_loop3A_279 = arith.addi %parallel_loop3A_278, %iota3A : vector<16xi32>
        %parallel_loop3A_280 = vector.extract_strided_slice %parallel_loop3A_101 {offsets = [3], sizes = [1], strides = [1]} : vector<16xf32> to vector<1xf32>
        %parallel_loop3A_281 = vector.extract %parallel_loop3A_280[0] : f32 from vector<1xf32>
        %parallel_loop3A_282 = vector.broadcast %parallel_loop3A_281 : f32 to vector<16xf32>
        %parallel_loop3A_283 = arith.constant 16 : i32
        %parallel_loop3A_284 = arith.muli %parallel_loop3A_94, %parallel_loop3A_283 : i32
        %parallel_loop3A_285 = arith.constant 3 : i32
        %parallel_loop3A_286 = arith.addi %parallel_loop3A_284, %parallel_loop3A_285 : i32
        %parallel_loop3A_287 = arith.constant 64 : i32
        %parallel_loop3A_288 = arith.muli %parallel_loop3A_286, %parallel_loop3A_287 : i32
        %parallel_loop3A_289 = arith.constant 0 : i32
        %parallel_loop3A_290 = vector.broadcast %parallel_loop3A_289 : i32 to vector<16xi32>
        %parallel_loop3A_291 = arith.addi %parallel_loop3A_279, %parallel_loop3A_290 : vector<16xi32>
        %parallel_loop3A_292 = arith.constant 16 : i32
        %parallel_loop3A_293 = vector.broadcast %parallel_loop3A_292 : i32 to vector<16xi32>
        %parallel_loop3A_294 = arith.addi %parallel_loop3A_279, %parallel_loop3A_293 : vector<16xi32>
        %parallel_loop3A_295 = arith.constant 32 : i32
        %parallel_loop3A_296 = vector.broadcast %parallel_loop3A_295 : i32 to vector<16xi32>
        %parallel_loop3A_297 = arith.addi %parallel_loop3A_279, %parallel_loop3A_296 : vector<16xi32>
        %parallel_loop3A_298 = arith.constant 48 : i32
        %parallel_loop3A_299 = vector.broadcast %parallel_loop3A_298 : i32 to vector<16xi32>
        %parallel_loop3A_300 = arith.addi %parallel_loop3A_279, %parallel_loop3A_299 : vector<16xi32>
        %parallel_loop3A_301 = tpu.vector_load_idx %arg5[%parallel_loop3A_291] : memref<16384xf32, #tpu.memory_space<vmem>>[vector<16xi32>], vector<16xf32>,
        %parallel_loop3A_302 = tpu.vector_load_idx %arg5[%parallel_loop3A_294] : memref<16384xf32, #tpu.memory_space<vmem>>[vector<16xi32>], vector<16xf32>,
        %parallel_loop3A_303 = tpu.vector_load_idx %arg5[%parallel_loop3A_297] : memref<16384xf32, #tpu.memory_space<vmem>>[vector<16xi32>], vector<16xf32>,
        %parallel_loop3A_304 = tpu.vector_load_idx %arg5[%parallel_loop3A_300] : memref<16384xf32, #tpu.memory_space<vmem>>[vector<16xi32>], vector<16xf32>,
        %parallel_loop3A_305 = tpu.vector_load_idx %arg6[%parallel_loop3A_291] : memref<16384xf32, #tpu.memory_space<vmem>>[vector<16xi32>], vector<16xf32>,
        %parallel_loop3A_306 = tpu.vector_load_idx %arg6[%parallel_loop3A_294] : memref<16384xf32, #tpu.memory_space<vmem>>[vector<16xi32>], vector<16xf32>,
        %parallel_loop3A_307 = tpu.vector_load_idx %arg6[%parallel_loop3A_297] : memref<16384xf32, #tpu.memory_space<vmem>>[vector<16xi32>], vector<16xf32>,
        %parallel_loop3A_308 = tpu.vector_load_idx %arg6[%parallel_loop3A_300] : memref<16384xf32, #tpu.memory_space<vmem>>[vector<16xi32>], vector<16xf32>,
        %parallel_loop3A_309 = arith.mulf %parallel_loop3A_282, %parallel_loop3A_305 : vector<16xf32>
        %parallel_loop3A_310 = arith.addf %parallel_loop3A_301, %parallel_loop3A_309 : vector<16xf32>
        %parallel_loop3A_311 = arith.constant 0 : i32
        %parallel_loop3A_312 = arith.addi %parallel_loop3A_288, %parallel_loop3A_311 : i32
        %parallel_loop3A_313 = arith.index_cast %parallel_loop3A_312 : i32 to index
        %parallel_loop3A_314 = tpu.vector_load %arg10[%parallel_loop3A_313] {strides = array<i32>} : memref<32768xf32, #tpu.memory_space<vmem>>, vector<16xf32>,
        tpu.vector_store %arg10[%parallel_loop3A_313], %parallel_loop3A_310 {strides = array<i32>} : memref<32768xf32, #tpu.memory_space<vmem>>, vector<16xf32>,
        %parallel_loop3A_315 = arith.mulf %parallel_loop3A_282, %parallel_loop3A_306 : vector<16xf32>
        %parallel_loop3A_316 = arith.addf %parallel_loop3A_302, %parallel_loop3A_315 : vector<16xf32>
        %parallel_loop3A_317 = arith.constant 16 : i32
        %parallel_loop3A_318 = arith.addi %parallel_loop3A_288, %parallel_loop3A_317 : i32
        %parallel_loop3A_319 = arith.index_cast %parallel_loop3A_318 : i32 to index
        %parallel_loop3A_320 = tpu.vector_load %arg10[%parallel_loop3A_319] {strides = array<i32>} : memref<32768xf32, #tpu.memory_space<vmem>>, vector<16xf32>,
        tpu.vector_store %arg10[%parallel_loop3A_319], %parallel_loop3A_316 {strides = array<i32>} : memref<32768xf32, #tpu.memory_space<vmem>>, vector<16xf32>,
        %parallel_loop3A_321 = arith.mulf %parallel_loop3A_282, %parallel_loop3A_307 : vector<16xf32>
        %parallel_loop3A_322 = arith.addf %parallel_loop3A_303, %parallel_loop3A_321 : vector<16xf32>
        %parallel_loop3A_323 = arith.constant 32 : i32
        %parallel_loop3A_324 = arith.addi %parallel_loop3A_288, %parallel_loop3A_323 : i32
        %parallel_loop3A_325 = arith.index_cast %parallel_loop3A_324 : i32 to index
        %parallel_loop3A_326 = tpu.vector_load %arg10[%parallel_loop3A_325] {strides = array<i32>} : memref<32768xf32, #tpu.memory_space<vmem>>, vector<16xf32>,
        tpu.vector_store %arg10[%parallel_loop3A_325], %parallel_loop3A_322 {strides = array<i32>} : memref<32768xf32, #tpu.memory_space<vmem>>, vector<16xf32>,
        %parallel_loop3A_327 = arith.mulf %parallel_loop3A_282, %parallel_loop3A_308 : vector<16xf32>
        %parallel_loop3A_328 = arith.addf %parallel_loop3A_304, %parallel_loop3A_327 : vector<16xf32>
        %parallel_loop3A_329 = arith.constant 48 : i32
        %parallel_loop3A_330 = arith.addi %parallel_loop3A_288, %parallel_loop3A_329 : i32
        %parallel_loop3A_331 = arith.index_cast %parallel_loop3A_330 : i32 to index
        %parallel_loop3A_332 = tpu.vector_load %arg10[%parallel_loop3A_331] {strides = array<i32>} : memref<32768xf32, #tpu.memory_space<vmem>>, vector<16xf32>,
        tpu.vector_store %arg10[%parallel_loop3A_331], %parallel_loop3A_328 {strides = array<i32>} : memref<32768xf32, #tpu.memory_space<vmem>>, vector<16xf32>,
        %parallel_loop3A_333 = vector.extract_strided_slice %parallel_loop3A_104 {offsets = [4], sizes = [1], strides = [1]} : vector<16xi32> to vector<1xi32>
        %parallel_loop3A_334 = vector.extract %parallel_loop3A_333[0] : i32 from vector<1xi32>
        %parallel_loop3A_335 = vector.broadcast %parallel_loop3A_334 : i32 to vector<16xi32>
        %parallel_loop3A_336 = arith.addi %parallel_loop3A_335, %iota3A : vector<16xi32>
        %parallel_loop3A_337 = vector.extract_strided_slice %parallel_loop3A_101 {offsets = [4], sizes = [1], strides = [1]} : vector<16xf32> to vector<1xf32>
        %parallel_loop3A_338 = vector.extract %parallel_loop3A_337[0] : f32 from vector<1xf32>
        %parallel_loop3A_339 = vector.broadcast %parallel_loop3A_338 : f32 to vector<16xf32>
        %parallel_loop3A_340 = arith.constant 16 : i32
        %parallel_loop3A_341 = arith.muli %parallel_loop3A_94, %parallel_loop3A_340 : i32
        %parallel_loop3A_342 = arith.constant 4 : i32
        %parallel_loop3A_343 = arith.addi %parallel_loop3A_341, %parallel_loop3A_342 : i32
        %parallel_loop3A_344 = arith.constant 64 : i32
        %parallel_loop3A_345 = arith.muli %parallel_loop3A_343, %parallel_loop3A_344 : i32
        %parallel_loop3A_346 = arith.constant 0 : i32
        %parallel_loop3A_347 = vector.broadcast %parallel_loop3A_346 : i32 to vector<16xi32>
        %parallel_loop3A_348 = arith.addi %parallel_loop3A_336, %parallel_loop3A_347 : vector<16xi32>
        %parallel_loop3A_349 = arith.constant 16 : i32
        %parallel_loop3A_350 = vector.broadcast %parallel_loop3A_349 : i32 to vector<16xi32>
        %parallel_loop3A_351 = arith.addi %parallel_loop3A_336, %parallel_loop3A_350 : vector<16xi32>
        %parallel_loop3A_352 = arith.constant 32 : i32
        %parallel_loop3A_353 = vector.broadcast %parallel_loop3A_352 : i32 to vector<16xi32>
        %parallel_loop3A_354 = arith.addi %parallel_loop3A_336, %parallel_loop3A_353 : vector<16xi32>
        %parallel_loop3A_355 = arith.constant 48 : i32
        %parallel_loop3A_356 = vector.broadcast %parallel_loop3A_355 : i32 to vector<16xi32>
        %parallel_loop3A_357 = arith.addi %parallel_loop3A_336, %parallel_loop3A_356 : vector<16xi32>
        %parallel_loop3A_358 = tpu.vector_load_idx %arg5[%parallel_loop3A_348] : memref<16384xf32, #tpu.memory_space<vmem>>[vector<16xi32>], vector<16xf32>,
        %parallel_loop3A_359 = tpu.vector_load_idx %arg5[%parallel_loop3A_351] : memref<16384xf32, #tpu.memory_space<vmem>>[vector<16xi32>], vector<16xf32>,
        %parallel_loop3A_360 = tpu.vector_load_idx %arg5[%parallel_loop3A_354] : memref<16384xf32, #tpu.memory_space<vmem>>[vector<16xi32>], vector<16xf32>,
        %parallel_loop3A_361 = tpu.vector_load_idx %arg5[%parallel_loop3A_357] : memref<16384xf32, #tpu.memory_space<vmem>>[vector<16xi32>], vector<16xf32>,
        %parallel_loop3A_362 = tpu.vector_load_idx %arg6[%parallel_loop3A_348] : memref<16384xf32, #tpu.memory_space<vmem>>[vector<16xi32>], vector<16xf32>,
        %parallel_loop3A_363 = tpu.vector_load_idx %arg6[%parallel_loop3A_351] : memref<16384xf32, #tpu.memory_space<vmem>>[vector<16xi32>], vector<16xf32>,
        %parallel_loop3A_364 = tpu.vector_load_idx %arg6[%parallel_loop3A_354] : memref<16384xf32, #tpu.memory_space<vmem>>[vector<16xi32>], vector<16xf32>,
        %parallel_loop3A_365 = tpu.vector_load_idx %arg6[%parallel_loop3A_357] : memref<16384xf32, #tpu.memory_space<vmem>>[vector<16xi32>], vector<16xf32>,
        %parallel_loop3A_366 = arith.mulf %parallel_loop3A_339, %parallel_loop3A_362 : vector<16xf32>
        %parallel_loop3A_367 = arith.addf %parallel_loop3A_358, %parallel_loop3A_366 : vector<16xf32>
        %parallel_loop3A_368 = arith.constant 0 : i32
        %parallel_loop3A_369 = arith.addi %parallel_loop3A_345, %parallel_loop3A_368 : i32
        %parallel_loop3A_370 = arith.index_cast %parallel_loop3A_369 : i32 to index
        %parallel_loop3A_371 = tpu.vector_load %arg10[%parallel_loop3A_370] {strides = array<i32>} : memref<32768xf32, #tpu.memory_space<vmem>>, vector<16xf32>,
        tpu.vector_store %arg10[%parallel_loop3A_370], %parallel_loop3A_367 {strides = array<i32>} : memref<32768xf32, #tpu.memory_space<vmem>>, vector<16xf32>,
        %parallel_loop3A_372 = arith.mulf %parallel_loop3A_339, %parallel_loop3A_363 : vector<16xf32>
        %parallel_loop3A_373 = arith.addf %parallel_loop3A_359, %parallel_loop3A_372 : vector<16xf32>
        %parallel_loop3A_374 = arith.constant 16 : i32
        %parallel_loop3A_375 = arith.addi %parallel_loop3A_345, %parallel_loop3A_374 : i32
        %parallel_loop3A_376 = arith.index_cast %parallel_loop3A_375 : i32 to index
        %parallel_loop3A_377 = tpu.vector_load %arg10[%parallel_loop3A_376] {strides = array<i32>} : memref<32768xf32, #tpu.memory_space<vmem>>, vector<16xf32>,
        tpu.vector_store %arg10[%parallel_loop3A_376], %parallel_loop3A_373 {strides = array<i32>} : memref<32768xf32, #tpu.memory_space<vmem>>, vector<16xf32>,
        %parallel_loop3A_378 = arith.mulf %parallel_loop3A_339, %parallel_loop3A_364 : vector<16xf32>
        %parallel_loop3A_379 = arith.addf %parallel_loop3A_360, %parallel_loop3A_378 : vector<16xf32>
        %parallel_loop3A_380 = arith.constant 32 : i32
        %parallel_loop3A_381 = arith.addi %parallel_loop3A_345, %parallel_loop3A_380 : i32
        %parallel_loop3A_382 = arith.index_cast %parallel_loop3A_381 : i32 to index
        %parallel_loop3A_383 = tpu.vector_load %arg10[%parallel_loop3A_382] {strides = array<i32>} : memref<32768xf32, #tpu.memory_space<vmem>>, vector<16xf32>,
        tpu.vector_store %arg10[%parallel_loop3A_382], %parallel_loop3A_379 {strides = array<i32>} : memref<32768xf32, #tpu.memory_space<vmem>>, vector<16xf32>,
        %parallel_loop3A_384 = arith.mulf %parallel_loop3A_339, %parallel_loop3A_365 : vector<16xf32>
        %parallel_loop3A_385 = arith.addf %parallel_loop3A_361, %parallel_loop3A_384 : vector<16xf32>
        %parallel_loop3A_386 = arith.constant 48 : i32
        %parallel_loop3A_387 = arith.addi %parallel_loop3A_345, %parallel_loop3A_386 : i32
        %parallel_loop3A_388 = arith.index_cast %parallel_loop3A_387 : i32 to index
        %parallel_loop3A_389 = tpu.vector_load %arg10[%parallel_loop3A_388] {strides = array<i32>} : memref<32768xf32, #tpu.memory_space<vmem>>, vector<16xf32>,
        tpu.vector_store %arg10[%parallel_loop3A_388], %parallel_loop3A_385 {strides = array<i32>} : memref<32768xf32, #tpu.memory_space<vmem>>, vector<16xf32>,
        %parallel_loop3A_390 = vector.extract_strided_slice %parallel_loop3A_104 {offsets = [5], sizes = [1], strides = [1]} : vector<16xi32> to vector<1xi32>
        %parallel_loop3A_391 = vector.extract %parallel_loop3A_390[0] : i32 from vector<1xi32>
        %parallel_loop3A_392 = vector.broadcast %parallel_loop3A_391 : i32 to vector<16xi32>
        %parallel_loop3A_393 = arith.addi %parallel_loop3A_392, %iota3A : vector<16xi32>
        %parallel_loop3A_394 = vector.extract_strided_slice %parallel_loop3A_101 {offsets = [5], sizes = [1], strides = [1]} : vector<16xf32> to vector<1xf32>
        %parallel_loop3A_395 = vector.extract %parallel_loop3A_394[0] : f32 from vector<1xf32>
        %parallel_loop3A_396 = vector.broadcast %parallel_loop3A_395 : f32 to vector<16xf32>
        %parallel_loop3A_397 = arith.constant 16 : i32
        %parallel_loop3A_398 = arith.muli %parallel_loop3A_94, %parallel_loop3A_397 : i32
        %parallel_loop3A_399 = arith.constant 5 : i32
        %parallel_loop3A_400 = arith.addi %parallel_loop3A_398, %parallel_loop3A_399 : i32
        %parallel_loop3A_401 = arith.constant 64 : i32
        %parallel_loop3A_402 = arith.muli %parallel_loop3A_400, %parallel_loop3A_401 : i32
        %parallel_loop3A_403 = arith.constant 0 : i32
        %parallel_loop3A_404 = vector.broadcast %parallel_loop3A_403 : i32 to vector<16xi32>
        %parallel_loop3A_405 = arith.addi %parallel_loop3A_393, %parallel_loop3A_404 : vector<16xi32>
        %parallel_loop3A_406 = arith.constant 16 : i32
        %parallel_loop3A_407 = vector.broadcast %parallel_loop3A_406 : i32 to vector<16xi32>
        %parallel_loop3A_408 = arith.addi %parallel_loop3A_393, %parallel_loop3A_407 : vector<16xi32>
        %parallel_loop3A_409 = arith.constant 32 : i32
        %parallel_loop3A_410 = vector.broadcast %parallel_loop3A_409 : i32 to vector<16xi32>
        %parallel_loop3A_411 = arith.addi %parallel_loop3A_393, %parallel_loop3A_410 : vector<16xi32>
        %parallel_loop3A_412 = arith.constant 48 : i32
        %parallel_loop3A_413 = vector.broadcast %parallel_loop3A_412 : i32 to vector<16xi32>
        %parallel_loop3A_414 = arith.addi %parallel_loop3A_393, %parallel_loop3A_413 : vector<16xi32>
        %parallel_loop3A_415 = tpu.vector_load_idx %arg5[%parallel_loop3A_405] : memref<16384xf32, #tpu.memory_space<vmem>>[vector<16xi32>], vector<16xf32>,
        %parallel_loop3A_416 = tpu.vector_load_idx %arg5[%parallel_loop3A_408] : memref<16384xf32, #tpu.memory_space<vmem>>[vector<16xi32>], vector<16xf32>,
        %parallel_loop3A_417 = tpu.vector_load_idx %arg5[%parallel_loop3A_411] : memref<16384xf32, #tpu.memory_space<vmem>>[vector<16xi32>], vector<16xf32>,
        %parallel_loop3A_418 = tpu.vector_load_idx %arg5[%parallel_loop3A_414] : memref<16384xf32, #tpu.memory_space<vmem>>[vector<16xi32>], vector<16xf32>,
        %parallel_loop3A_419 = tpu.vector_load_idx %arg6[%parallel_loop3A_405] : memref<16384xf32, #tpu.memory_space<vmem>>[vector<16xi32>], vector<16xf32>,
        %parallel_loop3A_420 = tpu.vector_load_idx %arg6[%parallel_loop3A_408] : memref<16384xf32, #tpu.memory_space<vmem>>[vector<16xi32>], vector<16xf32>,
        %parallel_loop3A_421 = tpu.vector_load_idx %arg6[%parallel_loop3A_411] : memref<16384xf32, #tpu.memory_space<vmem>>[vector<16xi32>], vector<16xf32>,
        %parallel_loop3A_422 = tpu.vector_load_idx %arg6[%parallel_loop3A_414] : memref<16384xf32, #tpu.memory_space<vmem>>[vector<16xi32>], vector<16xf32>,
        %parallel_loop3A_423 = arith.mulf %parallel_loop3A_396, %parallel_loop3A_419 : vector<16xf32>
        %parallel_loop3A_424 = arith.addf %parallel_loop3A_415, %parallel_loop3A_423 : vector<16xf32>
        %parallel_loop3A_425 = arith.constant 0 : i32
        %parallel_loop3A_426 = arith.addi %parallel_loop3A_402, %parallel_loop3A_425 : i32
        %parallel_loop3A_427 = arith.index_cast %parallel_loop3A_426 : i32 to index
        %parallel_loop3A_428 = tpu.vector_load %arg10[%parallel_loop3A_427] {strides = array<i32>} : memref<32768xf32, #tpu.memory_space<vmem>>, vector<16xf32>,
        tpu.vector_store %arg10[%parallel_loop3A_427], %parallel_loop3A_424 {strides = array<i32>} : memref<32768xf32, #tpu.memory_space<vmem>>, vector<16xf32>,
        %parallel_loop3A_429 = arith.mulf %parallel_loop3A_396, %parallel_loop3A_420 : vector<16xf32>
        %parallel_loop3A_430 = arith.addf %parallel_loop3A_416, %parallel_loop3A_429 : vector<16xf32>
        %parallel_loop3A_431 = arith.constant 16 : i32
        %parallel_loop3A_432 = arith.addi %parallel_loop3A_402, %parallel_loop3A_431 : i32
        %parallel_loop3A_433 = arith.index_cast %parallel_loop3A_432 : i32 to index
        %parallel_loop3A_434 = tpu.vector_load %arg10[%parallel_loop3A_433] {strides = array<i32>} : memref<32768xf32, #tpu.memory_space<vmem>>, vector<16xf32>,
        tpu.vector_store %arg10[%parallel_loop3A_433], %parallel_loop3A_430 {strides = array<i32>} : memref<32768xf32, #tpu.memory_space<vmem>>, vector<16xf32>,
        %parallel_loop3A_435 = arith.mulf %parallel_loop3A_396, %parallel_loop3A_421 : vector<16xf32>
        %parallel_loop3A_436 = arith.addf %parallel_loop3A_417, %parallel_loop3A_435 : vector<16xf32>
        %parallel_loop3A_437 = arith.constant 32 : i32
        %parallel_loop3A_438 = arith.addi %parallel_loop3A_402, %parallel_loop3A_437 : i32
        %parallel_loop3A_439 = arith.index_cast %parallel_loop3A_438 : i32 to index
        %parallel_loop3A_440 = tpu.vector_load %arg10[%parallel_loop3A_439] {strides = array<i32>} : memref<32768xf32, #tpu.memory_space<vmem>>, vector<16xf32>,
        tpu.vector_store %arg10[%parallel_loop3A_439], %parallel_loop3A_436 {strides = array<i32>} : memref<32768xf32, #tpu.memory_space<vmem>>, vector<16xf32>,
        %parallel_loop3A_441 = arith.mulf %parallel_loop3A_396, %parallel_loop3A_422 : vector<16xf32>
        %parallel_loop3A_442 = arith.addf %parallel_loop3A_418, %parallel_loop3A_441 : vector<16xf32>
        %parallel_loop3A_443 = arith.constant 48 : i32
        %parallel_loop3A_444 = arith.addi %parallel_loop3A_402, %parallel_loop3A_443 : i32
        %parallel_loop3A_445 = arith.index_cast %parallel_loop3A_444 : i32 to index
        %parallel_loop3A_446 = tpu.vector_load %arg10[%parallel_loop3A_445] {strides = array<i32>} : memref<32768xf32, #tpu.memory_space<vmem>>, vector<16xf32>,
        tpu.vector_store %arg10[%parallel_loop3A_445], %parallel_loop3A_442 {strides = array<i32>} : memref<32768xf32, #tpu.memory_space<vmem>>, vector<16xf32>,
        %parallel_loop3A_447 = vector.extract_strided_slice %parallel_loop3A_104 {offsets = [6], sizes = [1], strides = [1]} : vector<16xi32> to vector<1xi32>
        %parallel_loop3A_448 = vector.extract %parallel_loop3A_447[0] : i32 from vector<1xi32>
        %parallel_loop3A_449 = vector.broadcast %parallel_loop3A_448 : i32 to vector<16xi32>
        %parallel_loop3A_450 = arith.addi %parallel_loop3A_449, %iota3A : vector<16xi32>
        %parallel_loop3A_451 = vector.extract_strided_slice %parallel_loop3A_101 {offsets = [6], sizes = [1], strides = [1]} : vector<16xf32> to vector<1xf32>
        %parallel_loop3A_452 = vector.extract %parallel_loop3A_451[0] : f32 from vector<1xf32>
        %parallel_loop3A_453 = vector.broadcast %parallel_loop3A_452 : f32 to vector<16xf32>
        %parallel_loop3A_454 = arith.constant 16 : i32
        %parallel_loop3A_455 = arith.muli %parallel_loop3A_94, %parallel_loop3A_454 : i32
        %parallel_loop3A_456 = arith.constant 6 : i32
        %parallel_loop3A_457 = arith.addi %parallel_loop3A_455, %parallel_loop3A_456 : i32
        %parallel_loop3A_458 = arith.constant 64 : i32
        %parallel_loop3A_459 = arith.muli %parallel_loop3A_457, %parallel_loop3A_458 : i32
        %parallel_loop3A_460 = arith.constant 0 : i32
        %parallel_loop3A_461 = vector.broadcast %parallel_loop3A_460 : i32 to vector<16xi32>
        %parallel_loop3A_462 = arith.addi %parallel_loop3A_450, %parallel_loop3A_461 : vector<16xi32>
        %parallel_loop3A_463 = arith.constant 16 : i32
        %parallel_loop3A_464 = vector.broadcast %parallel_loop3A_463 : i32 to vector<16xi32>
        %parallel_loop3A_465 = arith.addi %parallel_loop3A_450, %parallel_loop3A_464 : vector<16xi32>
        %parallel_loop3A_466 = arith.constant 32 : i32
        %parallel_loop3A_467 = vector.broadcast %parallel_loop3A_466 : i32 to vector<16xi32>
        %parallel_loop3A_468 = arith.addi %parallel_loop3A_450, %parallel_loop3A_467 : vector<16xi32>
        %parallel_loop3A_469 = arith.constant 48 : i32
        %parallel_loop3A_470 = vector.broadcast %parallel_loop3A_469 : i32 to vector<16xi32>
        %parallel_loop3A_471 = arith.addi %parallel_loop3A_450, %parallel_loop3A_470 : vector<16xi32>
        %parallel_loop3A_472 = tpu.vector_load_idx %arg5[%parallel_loop3A_462] : memref<16384xf32, #tpu.memory_space<vmem>>[vector<16xi32>], vector<16xf32>,
        %parallel_loop3A_473 = tpu.vector_load_idx %arg5[%parallel_loop3A_465] : memref<16384xf32, #tpu.memory_space<vmem>>[vector<16xi32>], vector<16xf32>,
        %parallel_loop3A_474 = tpu.vector_load_idx %arg5[%parallel_loop3A_468] : memref<16384xf32, #tpu.memory_space<vmem>>[vector<16xi32>], vector<16xf32>,
        %parallel_loop3A_475 = tpu.vector_load_idx %arg5[%parallel_loop3A_471] : memref<16384xf32, #tpu.memory_space<vmem>>[vector<16xi32>], vector<16xf32>,
        %parallel_loop3A_476 = tpu.vector_load_idx %arg6[%parallel_loop3A_462] : memref<16384xf32, #tpu.memory_space<vmem>>[vector<16xi32>], vector<16xf32>,
        %parallel_loop3A_477 = tpu.vector_load_idx %arg6[%parallel_loop3A_465] : memref<16384xf32, #tpu.memory_space<vmem>>[vector<16xi32>], vector<16xf32>,
        %parallel_loop3A_478 = tpu.vector_load_idx %arg6[%parallel_loop3A_468] : memref<16384xf32, #tpu.memory_space<vmem>>[vector<16xi32>], vector<16xf32>,
        %parallel_loop3A_479 = tpu.vector_load_idx %arg6[%parallel_loop3A_471] : memref<16384xf32, #tpu.memory_space<vmem>>[vector<16xi32>], vector<16xf32>,
        %parallel_loop3A_480 = arith.mulf %parallel_loop3A_453, %parallel_loop3A_476 : vector<16xf32>
        %parallel_loop3A_481 = arith.addf %parallel_loop3A_472, %parallel_loop3A_480 : vector<16xf32>
        %parallel_loop3A_482 = arith.constant 0 : i32
        %parallel_loop3A_483 = arith.addi %parallel_loop3A_459, %parallel_loop3A_482 : i32
        %parallel_loop3A_484 = arith.index_cast %parallel_loop3A_483 : i32 to index
        %parallel_loop3A_485 = tpu.vector_load %arg10[%parallel_loop3A_484] {strides = array<i32>} : memref<32768xf32, #tpu.memory_space<vmem>>, vector<16xf32>,
        tpu.vector_store %arg10[%parallel_loop3A_484], %parallel_loop3A_481 {strides = array<i32>} : memref<32768xf32, #tpu.memory_space<vmem>>, vector<16xf32>,
        %parallel_loop3A_486 = arith.mulf %parallel_loop3A_453, %parallel_loop3A_477 : vector<16xf32>
        %parallel_loop3A_487 = arith.addf %parallel_loop3A_473, %parallel_loop3A_486 : vector<16xf32>
        %parallel_loop3A_488 = arith.constant 16 : i32
        %parallel_loop3A_489 = arith.addi %parallel_loop3A_459, %parallel_loop3A_488 : i32
        %parallel_loop3A_490 = arith.index_cast %parallel_loop3A_489 : i32 to index
        %parallel_loop3A_491 = tpu.vector_load %arg10[%parallel_loop3A_490] {strides = array<i32>} : memref<32768xf32, #tpu.memory_space<vmem>>, vector<16xf32>,
        tpu.vector_store %arg10[%parallel_loop3A_490], %parallel_loop3A_487 {strides = array<i32>} : memref<32768xf32, #tpu.memory_space<vmem>>, vector<16xf32>,
        %parallel_loop3A_492 = arith.mulf %parallel_loop3A_453, %parallel_loop3A_478 : vector<16xf32>
        %parallel_loop3A_493 = arith.addf %parallel_loop3A_474, %parallel_loop3A_492 : vector<16xf32>
        %parallel_loop3A_494 = arith.constant 32 : i32
        %parallel_loop3A_495 = arith.addi %parallel_loop3A_459, %parallel_loop3A_494 : i32
        %parallel_loop3A_496 = arith.index_cast %parallel_loop3A_495 : i32 to index
        %parallel_loop3A_497 = tpu.vector_load %arg10[%parallel_loop3A_496] {strides = array<i32>} : memref<32768xf32, #tpu.memory_space<vmem>>, vector<16xf32>,
        tpu.vector_store %arg10[%parallel_loop3A_496], %parallel_loop3A_493 {strides = array<i32>} : memref<32768xf32, #tpu.memory_space<vmem>>, vector<16xf32>,
        %parallel_loop3A_498 = arith.mulf %parallel_loop3A_453, %parallel_loop3A_479 : vector<16xf32>
        %parallel_loop3A_499 = arith.addf %parallel_loop3A_475, %parallel_loop3A_498 : vector<16xf32>
        %parallel_loop3A_500 = arith.constant 48 : i32
        %parallel_loop3A_501 = arith.addi %parallel_loop3A_459, %parallel_loop3A_500 : i32
        %parallel_loop3A_502 = arith.index_cast %parallel_loop3A_501 : i32 to index
        %parallel_loop3A_503 = tpu.vector_load %arg10[%parallel_loop3A_502] {strides = array<i32>} : memref<32768xf32, #tpu.memory_space<vmem>>, vector<16xf32>,
        tpu.vector_store %arg10[%parallel_loop3A_502], %parallel_loop3A_499 {strides = array<i32>} : memref<32768xf32, #tpu.memory_space<vmem>>, vector<16xf32>,
        %parallel_loop3A_504 = vector.extract_strided_slice %parallel_loop3A_104 {offsets = [7], sizes = [1], strides = [1]} : vector<16xi32> to vector<1xi32>
        %parallel_loop3A_505 = vector.extract %parallel_loop3A_504[0] : i32 from vector<1xi32>
        %parallel_loop3A_506 = vector.broadcast %parallel_loop3A_505 : i32 to vector<16xi32>
        %parallel_loop3A_507 = arith.addi %parallel_loop3A_506, %iota3A : vector<16xi32>
        %parallel_loop3A_508 = vector.extract_strided_slice %parallel_loop3A_101 {offsets = [7], sizes = [1], strides = [1]} : vector<16xf32> to vector<1xf32>
        %parallel_loop3A_509 = vector.extract %parallel_loop3A_508[0] : f32 from vector<1xf32>
        %parallel_loop3A_510 = vector.broadcast %parallel_loop3A_509 : f32 to vector<16xf32>
        %parallel_loop3A_511 = arith.constant 16 : i32
        %parallel_loop3A_512 = arith.muli %parallel_loop3A_94, %parallel_loop3A_511 : i32
        %parallel_loop3A_513 = arith.constant 7 : i32
        %parallel_loop3A_514 = arith.addi %parallel_loop3A_512, %parallel_loop3A_513 : i32
        %parallel_loop3A_515 = arith.constant 64 : i32
        %parallel_loop3A_516 = arith.muli %parallel_loop3A_514, %parallel_loop3A_515 : i32
        %parallel_loop3A_517 = arith.constant 0 : i32
        %parallel_loop3A_518 = vector.broadcast %parallel_loop3A_517 : i32 to vector<16xi32>
        %parallel_loop3A_519 = arith.addi %parallel_loop3A_507, %parallel_loop3A_518 : vector<16xi32>
        %parallel_loop3A_520 = arith.constant 16 : i32
        %parallel_loop3A_521 = vector.broadcast %parallel_loop3A_520 : i32 to vector<16xi32>
        %parallel_loop3A_522 = arith.addi %parallel_loop3A_507, %parallel_loop3A_521 : vector<16xi32>
        %parallel_loop3A_523 = arith.constant 32 : i32
        %parallel_loop3A_524 = vector.broadcast %parallel_loop3A_523 : i32 to vector<16xi32>
        %parallel_loop3A_525 = arith.addi %parallel_loop3A_507, %parallel_loop3A_524 : vector<16xi32>
        %parallel_loop3A_526 = arith.constant 48 : i32
        %parallel_loop3A_527 = vector.broadcast %parallel_loop3A_526 : i32 to vector<16xi32>
        %parallel_loop3A_528 = arith.addi %parallel_loop3A_507, %parallel_loop3A_527 : vector<16xi32>
        %parallel_loop3A_529 = tpu.vector_load_idx %arg5[%parallel_loop3A_519] : memref<16384xf32, #tpu.memory_space<vmem>>[vector<16xi32>], vector<16xf32>,
        %parallel_loop3A_530 = tpu.vector_load_idx %arg5[%parallel_loop3A_522] : memref<16384xf32, #tpu.memory_space<vmem>>[vector<16xi32>], vector<16xf32>,
        %parallel_loop3A_531 = tpu.vector_load_idx %arg5[%parallel_loop3A_525] : memref<16384xf32, #tpu.memory_space<vmem>>[vector<16xi32>], vector<16xf32>,
        %parallel_loop3A_532 = tpu.vector_load_idx %arg5[%parallel_loop3A_528] : memref<16384xf32, #tpu.memory_space<vmem>>[vector<16xi32>], vector<16xf32>,
        %parallel_loop3A_533 = tpu.vector_load_idx %arg6[%parallel_loop3A_519] : memref<16384xf32, #tpu.memory_space<vmem>>[vector<16xi32>], vector<16xf32>,
        %parallel_loop3A_534 = tpu.vector_load_idx %arg6[%parallel_loop3A_522] : memref<16384xf32, #tpu.memory_space<vmem>>[vector<16xi32>], vector<16xf32>,
        %parallel_loop3A_535 = tpu.vector_load_idx %arg6[%parallel_loop3A_525] : memref<16384xf32, #tpu.memory_space<vmem>>[vector<16xi32>], vector<16xf32>,
        %parallel_loop3A_536 = tpu.vector_load_idx %arg6[%parallel_loop3A_528] : memref<16384xf32, #tpu.memory_space<vmem>>[vector<16xi32>], vector<16xf32>,
        %parallel_loop3A_537 = arith.mulf %parallel_loop3A_510, %parallel_loop3A_533 : vector<16xf32>
        %parallel_loop3A_538 = arith.addf %parallel_loop3A_529, %parallel_loop3A_537 : vector<16xf32>
        %parallel_loop3A_539 = arith.constant 0 : i32
        %parallel_loop3A_540 = arith.addi %parallel_loop3A_516, %parallel_loop3A_539 : i32
        %parallel_loop3A_541 = arith.index_cast %parallel_loop3A_540 : i32 to index
        %parallel_loop3A_542 = tpu.vector_load %arg10[%parallel_loop3A_541] {strides = array<i32>} : memref<32768xf32, #tpu.memory_space<vmem>>, vector<16xf32>,
        tpu.vector_store %arg10[%parallel_loop3A_541], %parallel_loop3A_538 {strides = array<i32>} : memref<32768xf32, #tpu.memory_space<vmem>>, vector<16xf32>,
        %parallel_loop3A_543 = arith.mulf %parallel_loop3A_510, %parallel_loop3A_534 : vector<16xf32>
        %parallel_loop3A_544 = arith.addf %parallel_loop3A_530, %parallel_loop3A_543 : vector<16xf32>
        %parallel_loop3A_545 = arith.constant 16 : i32
        %parallel_loop3A_546 = arith.addi %parallel_loop3A_516, %parallel_loop3A_545 : i32
        %parallel_loop3A_547 = arith.index_cast %parallel_loop3A_546 : i32 to index
        %parallel_loop3A_548 = tpu.vector_load %arg10[%parallel_loop3A_547] {strides = array<i32>} : memref<32768xf32, #tpu.memory_space<vmem>>, vector<16xf32>,
        tpu.vector_store %arg10[%parallel_loop3A_547], %parallel_loop3A_544 {strides = array<i32>} : memref<32768xf32, #tpu.memory_space<vmem>>, vector<16xf32>,
        %parallel_loop3A_549 = arith.mulf %parallel_loop3A_510, %parallel_loop3A_535 : vector<16xf32>
        %parallel_loop3A_550 = arith.addf %parallel_loop3A_531, %parallel_loop3A_549 : vector<16xf32>
        %parallel_loop3A_551 = arith.constant 32 : i32
        %parallel_loop3A_552 = arith.addi %parallel_loop3A_516, %parallel_loop3A_551 : i32
        %parallel_loop3A_553 = arith.index_cast %parallel_loop3A_552 : i32 to index
        %parallel_loop3A_554 = tpu.vector_load %arg10[%parallel_loop3A_553] {strides = array<i32>} : memref<32768xf32, #tpu.memory_space<vmem>>, vector<16xf32>,
        tpu.vector_store %arg10[%parallel_loop3A_553], %parallel_loop3A_550 {strides = array<i32>} : memref<32768xf32, #tpu.memory_space<vmem>>, vector<16xf32>,
        %parallel_loop3A_555 = arith.mulf %parallel_loop3A_510, %parallel_loop3A_536 : vector<16xf32>
        %parallel_loop3A_556 = arith.addf %parallel_loop3A_532, %parallel_loop3A_555 : vector<16xf32>
        %parallel_loop3A_557 = arith.constant 48 : i32
        %parallel_loop3A_558 = arith.addi %parallel_loop3A_516, %parallel_loop3A_557 : i32
        %parallel_loop3A_559 = arith.index_cast %parallel_loop3A_558 : i32 to index
        %parallel_loop3A_560 = tpu.vector_load %arg10[%parallel_loop3A_559] {strides = array<i32>} : memref<32768xf32, #tpu.memory_space<vmem>>, vector<16xf32>,
        tpu.vector_store %arg10[%parallel_loop3A_559], %parallel_loop3A_556 {strides = array<i32>} : memref<32768xf32, #tpu.memory_space<vmem>>, vector<16xf32>,
        %parallel_loop3A_561 = vector.extract_strided_slice %parallel_loop3A_104 {offsets = [8], sizes = [1], strides = [1]} : vector<16xi32> to vector<1xi32>
        %parallel_loop3A_562 = vector.extract %parallel_loop3A_561[0] : i32 from vector<1xi32>
        %parallel_loop3A_563 = vector.broadcast %parallel_loop3A_562 : i32 to vector<16xi32>
        %parallel_loop3A_564 = arith.addi %parallel_loop3A_563, %iota3A : vector<16xi32>
        %parallel_loop3A_565 = vector.extract_strided_slice %parallel_loop3A_101 {offsets = [8], sizes = [1], strides = [1]} : vector<16xf32> to vector<1xf32>
        %parallel_loop3A_566 = vector.extract %parallel_loop3A_565[0] : f32 from vector<1xf32>
        %parallel_loop3A_567 = vector.broadcast %parallel_loop3A_566 : f32 to vector<16xf32>
        %parallel_loop3A_568 = arith.constant 16 : i32
        %parallel_loop3A_569 = arith.muli %parallel_loop3A_94, %parallel_loop3A_568 : i32
        %parallel_loop3A_570 = arith.constant 8 : i32
        %parallel_loop3A_571 = arith.addi %parallel_loop3A_569, %parallel_loop3A_570 : i32
        %parallel_loop3A_572 = arith.constant 64 : i32
        %parallel_loop3A_573 = arith.muli %parallel_loop3A_571, %parallel_loop3A_572 : i32
        %parallel_loop3A_574 = arith.constant 0 : i32
        %parallel_loop3A_575 = vector.broadcast %parallel_loop3A_574 : i32 to vector<16xi32>
        %parallel_loop3A_576 = arith.addi %parallel_loop3A_564, %parallel_loop3A_575 : vector<16xi32>
        %parallel_loop3A_577 = arith.constant 16 : i32
        %parallel_loop3A_578 = vector.broadcast %parallel_loop3A_577 : i32 to vector<16xi32>
        %parallel_loop3A_579 = arith.addi %parallel_loop3A_564, %parallel_loop3A_578 : vector<16xi32>
        %parallel_loop3A_580 = arith.constant 32 : i32
        %parallel_loop3A_581 = vector.broadcast %parallel_loop3A_580 : i32 to vector<16xi32>
        %parallel_loop3A_582 = arith.addi %parallel_loop3A_564, %parallel_loop3A_581 : vector<16xi32>
        %parallel_loop3A_583 = arith.constant 48 : i32
        %parallel_loop3A_584 = vector.broadcast %parallel_loop3A_583 : i32 to vector<16xi32>
        %parallel_loop3A_585 = arith.addi %parallel_loop3A_564, %parallel_loop3A_584 : vector<16xi32>
        %parallel_loop3A_586 = tpu.vector_load_idx %arg5[%parallel_loop3A_576] : memref<16384xf32, #tpu.memory_space<vmem>>[vector<16xi32>], vector<16xf32>,
        %parallel_loop3A_587 = tpu.vector_load_idx %arg5[%parallel_loop3A_579] : memref<16384xf32, #tpu.memory_space<vmem>>[vector<16xi32>], vector<16xf32>,
        %parallel_loop3A_588 = tpu.vector_load_idx %arg5[%parallel_loop3A_582] : memref<16384xf32, #tpu.memory_space<vmem>>[vector<16xi32>], vector<16xf32>,
        %parallel_loop3A_589 = tpu.vector_load_idx %arg5[%parallel_loop3A_585] : memref<16384xf32, #tpu.memory_space<vmem>>[vector<16xi32>], vector<16xf32>,
        %parallel_loop3A_590 = tpu.vector_load_idx %arg6[%parallel_loop3A_576] : memref<16384xf32, #tpu.memory_space<vmem>>[vector<16xi32>], vector<16xf32>,
        %parallel_loop3A_591 = tpu.vector_load_idx %arg6[%parallel_loop3A_579] : memref<16384xf32, #tpu.memory_space<vmem>>[vector<16xi32>], vector<16xf32>,
        %parallel_loop3A_592 = tpu.vector_load_idx %arg6[%parallel_loop3A_582] : memref<16384xf32, #tpu.memory_space<vmem>>[vector<16xi32>], vector<16xf32>,
        %parallel_loop3A_593 = tpu.vector_load_idx %arg6[%parallel_loop3A_585] : memref<16384xf32, #tpu.memory_space<vmem>>[vector<16xi32>], vector<16xf32>,
        %parallel_loop3A_594 = arith.mulf %parallel_loop3A_567, %parallel_loop3A_590 : vector<16xf32>
        %parallel_loop3A_595 = arith.addf %parallel_loop3A_586, %parallel_loop3A_594 : vector<16xf32>
        %parallel_loop3A_596 = arith.constant 0 : i32
        %parallel_loop3A_597 = arith.addi %parallel_loop3A_573, %parallel_loop3A_596 : i32
        %parallel_loop3A_598 = arith.index_cast %parallel_loop3A_597 : i32 to index
        %parallel_loop3A_599 = tpu.vector_load %arg10[%parallel_loop3A_598] {strides = array<i32>} : memref<32768xf32, #tpu.memory_space<vmem>>, vector<16xf32>,
        tpu.vector_store %arg10[%parallel_loop3A_598], %parallel_loop3A_595 {strides = array<i32>} : memref<32768xf32, #tpu.memory_space<vmem>>, vector<16xf32>,
        %parallel_loop3A_600 = arith.mulf %parallel_loop3A_567, %parallel_loop3A_591 : vector<16xf32>
        %parallel_loop3A_601 = arith.addf %parallel_loop3A_587, %parallel_loop3A_600 : vector<16xf32>
        %parallel_loop3A_602 = arith.constant 16 : i32
        %parallel_loop3A_603 = arith.addi %parallel_loop3A_573, %parallel_loop3A_602 : i32
        %parallel_loop3A_604 = arith.index_cast %parallel_loop3A_603 : i32 to index
        %parallel_loop3A_605 = tpu.vector_load %arg10[%parallel_loop3A_604] {strides = array<i32>} : memref<32768xf32, #tpu.memory_space<vmem>>, vector<16xf32>,
        tpu.vector_store %arg10[%parallel_loop3A_604], %parallel_loop3A_601 {strides = array<i32>} : memref<32768xf32, #tpu.memory_space<vmem>>, vector<16xf32>,
        %parallel_loop3A_606 = arith.mulf %parallel_loop3A_567, %parallel_loop3A_592 : vector<16xf32>
        %parallel_loop3A_607 = arith.addf %parallel_loop3A_588, %parallel_loop3A_606 : vector<16xf32>
        %parallel_loop3A_608 = arith.constant 32 : i32
        %parallel_loop3A_609 = arith.addi %parallel_loop3A_573, %parallel_loop3A_608 : i32
        %parallel_loop3A_610 = arith.index_cast %parallel_loop3A_609 : i32 to index
        %parallel_loop3A_611 = tpu.vector_load %arg10[%parallel_loop3A_610] {strides = array<i32>} : memref<32768xf32, #tpu.memory_space<vmem>>, vector<16xf32>,
        tpu.vector_store %arg10[%parallel_loop3A_610], %parallel_loop3A_607 {strides = array<i32>} : memref<32768xf32, #tpu.memory_space<vmem>>, vector<16xf32>,
        %parallel_loop3A_612 = arith.mulf %parallel_loop3A_567, %parallel_loop3A_593 : vector<16xf32>
        %parallel_loop3A_613 = arith.addf %parallel_loop3A_589, %parallel_loop3A_612 : vector<16xf32>
        %parallel_loop3A_614 = arith.constant 48 : i32
        %parallel_loop3A_615 = arith.addi %parallel_loop3A_573, %parallel_loop3A_614 : i32
        %parallel_loop3A_616 = arith.index_cast %parallel_loop3A_615 : i32 to index
        %parallel_loop3A_617 = tpu.vector_load %arg10[%parallel_loop3A_616] {strides = array<i32>} : memref<32768xf32, #tpu.memory_space<vmem>>, vector<16xf32>,
        tpu.vector_store %arg10[%parallel_loop3A_616], %parallel_loop3A_613 {strides = array<i32>} : memref<32768xf32, #tpu.memory_space<vmem>>, vector<16xf32>,
        %parallel_loop3A_618 = vector.extract_strided_slice %parallel_loop3A_104 {offsets = [9], sizes = [1], strides = [1]} : vector<16xi32> to vector<1xi32>
        %parallel_loop3A_619 = vector.extract %parallel_loop3A_618[0] : i32 from vector<1xi32>
        %parallel_loop3A_620 = vector.broadcast %parallel_loop3A_619 : i32 to vector<16xi32>
        %parallel_loop3A_621 = arith.addi %parallel_loop3A_620, %iota3A : vector<16xi32>
        %parallel_loop3A_622 = vector.extract_strided_slice %parallel_loop3A_101 {offsets = [9], sizes = [1], strides = [1]} : vector<16xf32> to vector<1xf32>
        %parallel_loop3A_623 = vector.extract %parallel_loop3A_622[0] : f32 from vector<1xf32>
        %parallel_loop3A_624 = vector.broadcast %parallel_loop3A_623 : f32 to vector<16xf32>
        %parallel_loop3A_625 = arith.constant 16 : i32
        %parallel_loop3A_626 = arith.muli %parallel_loop3A_94, %parallel_loop3A_625 : i32
        %parallel_loop3A_627 = arith.constant 9 : i32
        %parallel_loop3A_628 = arith.addi %parallel_loop3A_626, %parallel_loop3A_627 : i32
        %parallel_loop3A_629 = arith.constant 64 : i32
        %parallel_loop3A_630 = arith.muli %parallel_loop3A_628, %parallel_loop3A_629 : i32
        %parallel_loop3A_631 = arith.constant 0 : i32
        %parallel_loop3A_632 = vector.broadcast %parallel_loop3A_631 : i32 to vector<16xi32>
        %parallel_loop3A_633 = arith.addi %parallel_loop3A_621, %parallel_loop3A_632 : vector<16xi32>
        %parallel_loop3A_634 = arith.constant 16 : i32
        %parallel_loop3A_635 = vector.broadcast %parallel_loop3A_634 : i32 to vector<16xi32>
        %parallel_loop3A_636 = arith.addi %parallel_loop3A_621, %parallel_loop3A_635 : vector<16xi32>
        %parallel_loop3A_637 = arith.constant 32 : i32
        %parallel_loop3A_638 = vector.broadcast %parallel_loop3A_637 : i32 to vector<16xi32>
        %parallel_loop3A_639 = arith.addi %parallel_loop3A_621, %parallel_loop3A_638 : vector<16xi32>
        %parallel_loop3A_640 = arith.constant 48 : i32
        %parallel_loop3A_641 = vector.broadcast %parallel_loop3A_640 : i32 to vector<16xi32>
        %parallel_loop3A_642 = arith.addi %parallel_loop3A_621, %parallel_loop3A_641 : vector<16xi32>
        %parallel_loop3A_643 = tpu.vector_load_idx %arg5[%parallel_loop3A_633] : memref<16384xf32, #tpu.memory_space<vmem>>[vector<16xi32>], vector<16xf32>,
        %parallel_loop3A_644 = tpu.vector_load_idx %arg5[%parallel_loop3A_636] : memref<16384xf32, #tpu.memory_space<vmem>>[vector<16xi32>], vector<16xf32>,
        %parallel_loop3A_645 = tpu.vector_load_idx %arg5[%parallel_loop3A_639] : memref<16384xf32, #tpu.memory_space<vmem>>[vector<16xi32>], vector<16xf32>,
        %parallel_loop3A_646 = tpu.vector_load_idx %arg5[%parallel_loop3A_642] : memref<16384xf32, #tpu.memory_space<vmem>>[vector<16xi32>], vector<16xf32>,
        %parallel_loop3A_647 = tpu.vector_load_idx %arg6[%parallel_loop3A_633] : memref<16384xf32, #tpu.memory_space<vmem>>[vector<16xi32>], vector<16xf32>,
        %parallel_loop3A_648 = tpu.vector_load_idx %arg6[%parallel_loop3A_636] : memref<16384xf32, #tpu.memory_space<vmem>>[vector<16xi32>], vector<16xf32>,
        %parallel_loop3A_649 = tpu.vector_load_idx %arg6[%parallel_loop3A_639] : memref<16384xf32, #tpu.memory_space<vmem>>[vector<16xi32>], vector<16xf32>,
        %parallel_loop3A_650 = tpu.vector_load_idx %arg6[%parallel_loop3A_642] : memref<16384xf32, #tpu.memory_space<vmem>>[vector<16xi32>], vector<16xf32>,
        %parallel_loop3A_651 = arith.mulf %parallel_loop3A_624, %parallel_loop3A_647 : vector<16xf32>
        %parallel_loop3A_652 = arith.addf %parallel_loop3A_643, %parallel_loop3A_651 : vector<16xf32>
        %parallel_loop3A_653 = arith.constant 0 : i32
        %parallel_loop3A_654 = arith.addi %parallel_loop3A_630, %parallel_loop3A_653 : i32
        %parallel_loop3A_655 = arith.index_cast %parallel_loop3A_654 : i32 to index
        %parallel_loop3A_656 = tpu.vector_load %arg10[%parallel_loop3A_655] {strides = array<i32>} : memref<32768xf32, #tpu.memory_space<vmem>>, vector<16xf32>,
        tpu.vector_store %arg10[%parallel_loop3A_655], %parallel_loop3A_652 {strides = array<i32>} : memref<32768xf32, #tpu.memory_space<vmem>>, vector<16xf32>,
        %parallel_loop3A_657 = arith.mulf %parallel_loop3A_624, %parallel_loop3A_648 : vector<16xf32>
        %parallel_loop3A_658 = arith.addf %parallel_loop3A_644, %parallel_loop3A_657 : vector<16xf32>
        %parallel_loop3A_659 = arith.constant 16 : i32
        %parallel_loop3A_660 = arith.addi %parallel_loop3A_630, %parallel_loop3A_659 : i32
        %parallel_loop3A_661 = arith.index_cast %parallel_loop3A_660 : i32 to index
        %parallel_loop3A_662 = tpu.vector_load %arg10[%parallel_loop3A_661] {strides = array<i32>} : memref<32768xf32, #tpu.memory_space<vmem>>, vector<16xf32>,
        tpu.vector_store %arg10[%parallel_loop3A_661], %parallel_loop3A_658 {strides = array<i32>} : memref<32768xf32, #tpu.memory_space<vmem>>, vector<16xf32>,
        %parallel_loop3A_663 = arith.mulf %parallel_loop3A_624, %parallel_loop3A_649 : vector<16xf32>
        %parallel_loop3A_664 = arith.addf %parallel_loop3A_645, %parallel_loop3A_663 : vector<16xf32>
        %parallel_loop3A_665 = arith.constant 32 : i32
        %parallel_loop3A_666 = arith.addi %parallel_loop3A_630, %parallel_loop3A_665 : i32
        %parallel_loop3A_667 = arith.index_cast %parallel_loop3A_666 : i32 to index
        %parallel_loop3A_668 = tpu.vector_load %arg10[%parallel_loop3A_667] {strides = array<i32>} : memref<32768xf32, #tpu.memory_space<vmem>>, vector<16xf32>,
        tpu.vector_store %arg10[%parallel_loop3A_667], %parallel_loop3A_664 {strides = array<i32>} : memref<32768xf32, #tpu.memory_space<vmem>>, vector<16xf32>,
        %parallel_loop3A_669 = arith.mulf %parallel_loop3A_624, %parallel_loop3A_650 : vector<16xf32>
        %parallel_loop3A_670 = arith.addf %parallel_loop3A_646, %parallel_loop3A_669 : vector<16xf32>
        %parallel_loop3A_671 = arith.constant 48 : i32
        %parallel_loop3A_672 = arith.addi %parallel_loop3A_630, %parallel_loop3A_671 : i32
        %parallel_loop3A_673 = arith.index_cast %parallel_loop3A_672 : i32 to index
        %parallel_loop3A_674 = tpu.vector_load %arg10[%parallel_loop3A_673] {strides = array<i32>} : memref<32768xf32, #tpu.memory_space<vmem>>, vector<16xf32>,
        tpu.vector_store %arg10[%parallel_loop3A_673], %parallel_loop3A_670 {strides = array<i32>} : memref<32768xf32, #tpu.memory_space<vmem>>, vector<16xf32>,
        %parallel_loop3A_675 = vector.extract_strided_slice %parallel_loop3A_104 {offsets = [10], sizes = [1], strides = [1]} : vector<16xi32> to vector<1xi32>
        %parallel_loop3A_676 = vector.extract %parallel_loop3A_675[0] : i32 from vector<1xi32>
        %parallel_loop3A_677 = vector.broadcast %parallel_loop3A_676 : i32 to vector<16xi32>
        %parallel_loop3A_678 = arith.addi %parallel_loop3A_677, %iota3A : vector<16xi32>
        %parallel_loop3A_679 = vector.extract_strided_slice %parallel_loop3A_101 {offsets = [10], sizes = [1], strides = [1]} : vector<16xf32> to vector<1xf32>
        %parallel_loop3A_680 = vector.extract %parallel_loop3A_679[0] : f32 from vector<1xf32>
        %parallel_loop3A_681 = vector.broadcast %parallel_loop3A_680 : f32 to vector<16xf32>
        %parallel_loop3A_682 = arith.constant 16 : i32
        %parallel_loop3A_683 = arith.muli %parallel_loop3A_94, %parallel_loop3A_682 : i32
        %parallel_loop3A_684 = arith.constant 10 : i32
        %parallel_loop3A_685 = arith.addi %parallel_loop3A_683, %parallel_loop3A_684 : i32
        %parallel_loop3A_686 = arith.constant 64 : i32
        %parallel_loop3A_687 = arith.muli %parallel_loop3A_685, %parallel_loop3A_686 : i32
        %parallel_loop3A_688 = arith.constant 0 : i32
        %parallel_loop3A_689 = vector.broadcast %parallel_loop3A_688 : i32 to vector<16xi32>
        %parallel_loop3A_690 = arith.addi %parallel_loop3A_678, %parallel_loop3A_689 : vector<16xi32>
        %parallel_loop3A_691 = arith.constant 16 : i32
        %parallel_loop3A_692 = vector.broadcast %parallel_loop3A_691 : i32 to vector<16xi32>
        %parallel_loop3A_693 = arith.addi %parallel_loop3A_678, %parallel_loop3A_692 : vector<16xi32>
        %parallel_loop3A_694 = arith.constant 32 : i32
        %parallel_loop3A_695 = vector.broadcast %parallel_loop3A_694 : i32 to vector<16xi32>
        %parallel_loop3A_696 = arith.addi %parallel_loop3A_678, %parallel_loop3A_695 : vector<16xi32>
        %parallel_loop3A_697 = arith.constant 48 : i32
        %parallel_loop3A_698 = vector.broadcast %parallel_loop3A_697 : i32 to vector<16xi32>
        %parallel_loop3A_699 = arith.addi %parallel_loop3A_678, %parallel_loop3A_698 : vector<16xi32>
        %parallel_loop3A_700 = tpu.vector_load_idx %arg5[%parallel_loop3A_690] : memref<16384xf32, #tpu.memory_space<vmem>>[vector<16xi32>], vector<16xf32>,
        %parallel_loop3A_701 = tpu.vector_load_idx %arg5[%parallel_loop3A_693] : memref<16384xf32, #tpu.memory_space<vmem>>[vector<16xi32>], vector<16xf32>,
        %parallel_loop3A_702 = tpu.vector_load_idx %arg5[%parallel_loop3A_696] : memref<16384xf32, #tpu.memory_space<vmem>>[vector<16xi32>], vector<16xf32>,
        %parallel_loop3A_703 = tpu.vector_load_idx %arg5[%parallel_loop3A_699] : memref<16384xf32, #tpu.memory_space<vmem>>[vector<16xi32>], vector<16xf32>,
        %parallel_loop3A_704 = tpu.vector_load_idx %arg6[%parallel_loop3A_690] : memref<16384xf32, #tpu.memory_space<vmem>>[vector<16xi32>], vector<16xf32>,
        %parallel_loop3A_705 = tpu.vector_load_idx %arg6[%parallel_loop3A_693] : memref<16384xf32, #tpu.memory_space<vmem>>[vector<16xi32>], vector<16xf32>,
        %parallel_loop3A_706 = tpu.vector_load_idx %arg6[%parallel_loop3A_696] : memref<16384xf32, #tpu.memory_space<vmem>>[vector<16xi32>], vector<16xf32>,
        %parallel_loop3A_707 = tpu.vector_load_idx %arg6[%parallel_loop3A_699] : memref<16384xf32, #tpu.memory_space<vmem>>[vector<16xi32>], vector<16xf32>,
        %parallel_loop3A_708 = arith.mulf %parallel_loop3A_681, %parallel_loop3A_704 : vector<16xf32>
        %parallel_loop3A_709 = arith.addf %parallel_loop3A_700, %parallel_loop3A_708 : vector<16xf32>
        %parallel_loop3A_710 = arith.constant 0 : i32
        %parallel_loop3A_711 = arith.addi %parallel_loop3A_687, %parallel_loop3A_710 : i32
        %parallel_loop3A_712 = arith.index_cast %parallel_loop3A_711 : i32 to index
        %parallel_loop3A_713 = tpu.vector_load %arg10[%parallel_loop3A_712] {strides = array<i32>} : memref<32768xf32, #tpu.memory_space<vmem>>, vector<16xf32>,
        tpu.vector_store %arg10[%parallel_loop3A_712], %parallel_loop3A_709 {strides = array<i32>} : memref<32768xf32, #tpu.memory_space<vmem>>, vector<16xf32>,
        %parallel_loop3A_714 = arith.mulf %parallel_loop3A_681, %parallel_loop3A_705 : vector<16xf32>
        %parallel_loop3A_715 = arith.addf %parallel_loop3A_701, %parallel_loop3A_714 : vector<16xf32>
        %parallel_loop3A_716 = arith.constant 16 : i32
        %parallel_loop3A_717 = arith.addi %parallel_loop3A_687, %parallel_loop3A_716 : i32
        %parallel_loop3A_718 = arith.index_cast %parallel_loop3A_717 : i32 to index
        %parallel_loop3A_719 = tpu.vector_load %arg10[%parallel_loop3A_718] {strides = array<i32>} : memref<32768xf32, #tpu.memory_space<vmem>>, vector<16xf32>,
        tpu.vector_store %arg10[%parallel_loop3A_718], %parallel_loop3A_715 {strides = array<i32>} : memref<32768xf32, #tpu.memory_space<vmem>>, vector<16xf32>,
        %parallel_loop3A_720 = arith.mulf %parallel_loop3A_681, %parallel_loop3A_706 : vector<16xf32>
        %parallel_loop3A_721 = arith.addf %parallel_loop3A_702, %parallel_loop3A_720 : vector<16xf32>
        %parallel_loop3A_722 = arith.constant 32 : i32
        %parallel_loop3A_723 = arith.addi %parallel_loop3A_687, %parallel_loop3A_722 : i32
        %parallel_loop3A_724 = arith.index_cast %parallel_loop3A_723 : i32 to index
        %parallel_loop3A_725 = tpu.vector_load %arg10[%parallel_loop3A_724] {strides = array<i32>} : memref<32768xf32, #tpu.memory_space<vmem>>, vector<16xf32>,
        tpu.vector_store %arg10[%parallel_loop3A_724], %parallel_loop3A_721 {strides = array<i32>} : memref<32768xf32, #tpu.memory_space<vmem>>, vector<16xf32>,
        %parallel_loop3A_726 = arith.mulf %parallel_loop3A_681, %parallel_loop3A_707 : vector<16xf32>
        %parallel_loop3A_727 = arith.addf %parallel_loop3A_703, %parallel_loop3A_726 : vector<16xf32>
        %parallel_loop3A_728 = arith.constant 48 : i32
        %parallel_loop3A_729 = arith.addi %parallel_loop3A_687, %parallel_loop3A_728 : i32
        %parallel_loop3A_730 = arith.index_cast %parallel_loop3A_729 : i32 to index
        %parallel_loop3A_731 = tpu.vector_load %arg10[%parallel_loop3A_730] {strides = array<i32>} : memref<32768xf32, #tpu.memory_space<vmem>>, vector<16xf32>,
        tpu.vector_store %arg10[%parallel_loop3A_730], %parallel_loop3A_727 {strides = array<i32>} : memref<32768xf32, #tpu.memory_space<vmem>>, vector<16xf32>,
        %parallel_loop3A_732 = vector.extract_strided_slice %parallel_loop3A_104 {offsets = [11], sizes = [1], strides = [1]} : vector<16xi32> to vector<1xi32>
        %parallel_loop3A_733 = vector.extract %parallel_loop3A_732[0] : i32 from vector<1xi32>
        %parallel_loop3A_734 = vector.broadcast %parallel_loop3A_733 : i32 to vector<16xi32>
        %parallel_loop3A_735 = arith.addi %parallel_loop3A_734, %iota3A : vector<16xi32>
        %parallel_loop3A_736 = vector.extract_strided_slice %parallel_loop3A_101 {offsets = [11], sizes = [1], strides = [1]} : vector<16xf32> to vector<1xf32>
        %parallel_loop3A_737 = vector.extract %parallel_loop3A_736[0] : f32 from vector<1xf32>
        %parallel_loop3A_738 = vector.broadcast %parallel_loop3A_737 : f32 to vector<16xf32>
        %parallel_loop3A_739 = arith.constant 16 : i32
        %parallel_loop3A_740 = arith.muli %parallel_loop3A_94, %parallel_loop3A_739 : i32
        %parallel_loop3A_741 = arith.constant 11 : i32
        %parallel_loop3A_742 = arith.addi %parallel_loop3A_740, %parallel_loop3A_741 : i32
        %parallel_loop3A_743 = arith.constant 64 : i32
        %parallel_loop3A_744 = arith.muli %parallel_loop3A_742, %parallel_loop3A_743 : i32
        %parallel_loop3A_745 = arith.constant 0 : i32
        %parallel_loop3A_746 = vector.broadcast %parallel_loop3A_745 : i32 to vector<16xi32>
        %parallel_loop3A_747 = arith.addi %parallel_loop3A_735, %parallel_loop3A_746 : vector<16xi32>
        %parallel_loop3A_748 = arith.constant 16 : i32
        %parallel_loop3A_749 = vector.broadcast %parallel_loop3A_748 : i32 to vector<16xi32>
        %parallel_loop3A_750 = arith.addi %parallel_loop3A_735, %parallel_loop3A_749 : vector<16xi32>
        %parallel_loop3A_751 = arith.constant 32 : i32
        %parallel_loop3A_752 = vector.broadcast %parallel_loop3A_751 : i32 to vector<16xi32>
        %parallel_loop3A_753 = arith.addi %parallel_loop3A_735, %parallel_loop3A_752 : vector<16xi32>
        %parallel_loop3A_754 = arith.constant 48 : i32
        %parallel_loop3A_755 = vector.broadcast %parallel_loop3A_754 : i32 to vector<16xi32>
        %parallel_loop3A_756 = arith.addi %parallel_loop3A_735, %parallel_loop3A_755 : vector<16xi32>
        %parallel_loop3A_757 = tpu.vector_load_idx %arg5[%parallel_loop3A_747] : memref<16384xf32, #tpu.memory_space<vmem>>[vector<16xi32>], vector<16xf32>,
        %parallel_loop3A_758 = tpu.vector_load_idx %arg5[%parallel_loop3A_750] : memref<16384xf32, #tpu.memory_space<vmem>>[vector<16xi32>], vector<16xf32>,
        %parallel_loop3A_759 = tpu.vector_load_idx %arg5[%parallel_loop3A_753] : memref<16384xf32, #tpu.memory_space<vmem>>[vector<16xi32>], vector<16xf32>,
        %parallel_loop3A_760 = tpu.vector_load_idx %arg5[%parallel_loop3A_756] : memref<16384xf32, #tpu.memory_space<vmem>>[vector<16xi32>], vector<16xf32>,
        %parallel_loop3A_761 = tpu.vector_load_idx %arg6[%parallel_loop3A_747] : memref<16384xf32, #tpu.memory_space<vmem>>[vector<16xi32>], vector<16xf32>,
        %parallel_loop3A_762 = tpu.vector_load_idx %arg6[%parallel_loop3A_750] : memref<16384xf32, #tpu.memory_space<vmem>>[vector<16xi32>], vector<16xf32>,
        %parallel_loop3A_763 = tpu.vector_load_idx %arg6[%parallel_loop3A_753] : memref<16384xf32, #tpu.memory_space<vmem>>[vector<16xi32>], vector<16xf32>,
        %parallel_loop3A_764 = tpu.vector_load_idx %arg6[%parallel_loop3A_756] : memref<16384xf32, #tpu.memory_space<vmem>>[vector<16xi32>], vector<16xf32>,
        %parallel_loop3A_765 = arith.mulf %parallel_loop3A_738, %parallel_loop3A_761 : vector<16xf32>
        %parallel_loop3A_766 = arith.addf %parallel_loop3A_757, %parallel_loop3A_765 : vector<16xf32>
        %parallel_loop3A_767 = arith.constant 0 : i32
        %parallel_loop3A_768 = arith.addi %parallel_loop3A_744, %parallel_loop3A_767 : i32
        %parallel_loop3A_769 = arith.index_cast %parallel_loop3A_768 : i32 to index
        %parallel_loop3A_770 = tpu.vector_load %arg10[%parallel_loop3A_769] {strides = array<i32>} : memref<32768xf32, #tpu.memory_space<vmem>>, vector<16xf32>,
        tpu.vector_store %arg10[%parallel_loop3A_769], %parallel_loop3A_766 {strides = array<i32>} : memref<32768xf32, #tpu.memory_space<vmem>>, vector<16xf32>,
        %parallel_loop3A_771 = arith.mulf %parallel_loop3A_738, %parallel_loop3A_762 : vector<16xf32>
        %parallel_loop3A_772 = arith.addf %parallel_loop3A_758, %parallel_loop3A_771 : vector<16xf32>
        %parallel_loop3A_773 = arith.constant 16 : i32
        %parallel_loop3A_774 = arith.addi %parallel_loop3A_744, %parallel_loop3A_773 : i32
        %parallel_loop3A_775 = arith.index_cast %parallel_loop3A_774 : i32 to index
        %parallel_loop3A_776 = tpu.vector_load %arg10[%parallel_loop3A_775] {strides = array<i32>} : memref<32768xf32, #tpu.memory_space<vmem>>, vector<16xf32>,
        tpu.vector_store %arg10[%parallel_loop3A_775], %parallel_loop3A_772 {strides = array<i32>} : memref<32768xf32, #tpu.memory_space<vmem>>, vector<16xf32>,
        %parallel_loop3A_777 = arith.mulf %parallel_loop3A_738, %parallel_loop3A_763 : vector<16xf32>
        %parallel_loop3A_778 = arith.addf %parallel_loop3A_759, %parallel_loop3A_777 : vector<16xf32>
        %parallel_loop3A_779 = arith.constant 32 : i32
        %parallel_loop3A_780 = arith.addi %parallel_loop3A_744, %parallel_loop3A_779 : i32
        %parallel_loop3A_781 = arith.index_cast %parallel_loop3A_780 : i32 to index
        %parallel_loop3A_782 = tpu.vector_load %arg10[%parallel_loop3A_781] {strides = array<i32>} : memref<32768xf32, #tpu.memory_space<vmem>>, vector<16xf32>,
        tpu.vector_store %arg10[%parallel_loop3A_781], %parallel_loop3A_778 {strides = array<i32>} : memref<32768xf32, #tpu.memory_space<vmem>>, vector<16xf32>,
        %parallel_loop3A_783 = arith.mulf %parallel_loop3A_738, %parallel_loop3A_764 : vector<16xf32>
        %parallel_loop3A_784 = arith.addf %parallel_loop3A_760, %parallel_loop3A_783 : vector<16xf32>
        %parallel_loop3A_785 = arith.constant 48 : i32
        %parallel_loop3A_786 = arith.addi %parallel_loop3A_744, %parallel_loop3A_785 : i32
        %parallel_loop3A_787 = arith.index_cast %parallel_loop3A_786 : i32 to index
        %parallel_loop3A_788 = tpu.vector_load %arg10[%parallel_loop3A_787] {strides = array<i32>} : memref<32768xf32, #tpu.memory_space<vmem>>, vector<16xf32>,
        tpu.vector_store %arg10[%parallel_loop3A_787], %parallel_loop3A_784 {strides = array<i32>} : memref<32768xf32, #tpu.memory_space<vmem>>, vector<16xf32>,
        %parallel_loop3A_789 = vector.extract_strided_slice %parallel_loop3A_104 {offsets = [12], sizes = [1], strides = [1]} : vector<16xi32> to vector<1xi32>
        %parallel_loop3A_790 = vector.extract %parallel_loop3A_789[0] : i32 from vector<1xi32>
        %parallel_loop3A_791 = vector.broadcast %parallel_loop3A_790 : i32 to vector<16xi32>
        %parallel_loop3A_792 = arith.addi %parallel_loop3A_791, %iota3A : vector<16xi32>
        %parallel_loop3A_793 = vector.extract_strided_slice %parallel_loop3A_101 {offsets = [12], sizes = [1], strides = [1]} : vector<16xf32> to vector<1xf32>
        %parallel_loop3A_794 = vector.extract %parallel_loop3A_793[0] : f32 from vector<1xf32>
        %parallel_loop3A_795 = vector.broadcast %parallel_loop3A_794 : f32 to vector<16xf32>
        %parallel_loop3A_796 = arith.constant 16 : i32
        %parallel_loop3A_797 = arith.muli %parallel_loop3A_94, %parallel_loop3A_796 : i32
        %parallel_loop3A_798 = arith.constant 12 : i32
        %parallel_loop3A_799 = arith.addi %parallel_loop3A_797, %parallel_loop3A_798 : i32
        %parallel_loop3A_800 = arith.constant 64 : i32
        %parallel_loop3A_801 = arith.muli %parallel_loop3A_799, %parallel_loop3A_800 : i32
        %parallel_loop3A_802 = arith.constant 0 : i32
        %parallel_loop3A_803 = vector.broadcast %parallel_loop3A_802 : i32 to vector<16xi32>
        %parallel_loop3A_804 = arith.addi %parallel_loop3A_792, %parallel_loop3A_803 : vector<16xi32>
        %parallel_loop3A_805 = arith.constant 16 : i32
        %parallel_loop3A_806 = vector.broadcast %parallel_loop3A_805 : i32 to vector<16xi32>
        %parallel_loop3A_807 = arith.addi %parallel_loop3A_792, %parallel_loop3A_806 : vector<16xi32>
        %parallel_loop3A_808 = arith.constant 32 : i32
        %parallel_loop3A_809 = vector.broadcast %parallel_loop3A_808 : i32 to vector<16xi32>
        %parallel_loop3A_810 = arith.addi %parallel_loop3A_792, %parallel_loop3A_809 : vector<16xi32>
        %parallel_loop3A_811 = arith.constant 48 : i32
        %parallel_loop3A_812 = vector.broadcast %parallel_loop3A_811 : i32 to vector<16xi32>
        %parallel_loop3A_813 = arith.addi %parallel_loop3A_792, %parallel_loop3A_812 : vector<16xi32>
        %parallel_loop3A_814 = tpu.vector_load_idx %arg5[%parallel_loop3A_804] : memref<16384xf32, #tpu.memory_space<vmem>>[vector<16xi32>], vector<16xf32>,
        %parallel_loop3A_815 = tpu.vector_load_idx %arg5[%parallel_loop3A_807] : memref<16384xf32, #tpu.memory_space<vmem>>[vector<16xi32>], vector<16xf32>,
        %parallel_loop3A_816 = tpu.vector_load_idx %arg5[%parallel_loop3A_810] : memref<16384xf32, #tpu.memory_space<vmem>>[vector<16xi32>], vector<16xf32>,
        %parallel_loop3A_817 = tpu.vector_load_idx %arg5[%parallel_loop3A_813] : memref<16384xf32, #tpu.memory_space<vmem>>[vector<16xi32>], vector<16xf32>,
        %parallel_loop3A_818 = tpu.vector_load_idx %arg6[%parallel_loop3A_804] : memref<16384xf32, #tpu.memory_space<vmem>>[vector<16xi32>], vector<16xf32>,
        %parallel_loop3A_819 = tpu.vector_load_idx %arg6[%parallel_loop3A_807] : memref<16384xf32, #tpu.memory_space<vmem>>[vector<16xi32>], vector<16xf32>,
        %parallel_loop3A_820 = tpu.vector_load_idx %arg6[%parallel_loop3A_810] : memref<16384xf32, #tpu.memory_space<vmem>>[vector<16xi32>], vector<16xf32>,
        %parallel_loop3A_821 = tpu.vector_load_idx %arg6[%parallel_loop3A_813] : memref<16384xf32, #tpu.memory_space<vmem>>[vector<16xi32>], vector<16xf32>,
        %parallel_loop3A_822 = arith.mulf %parallel_loop3A_795, %parallel_loop3A_818 : vector<16xf32>
        %parallel_loop3A_823 = arith.addf %parallel_loop3A_814, %parallel_loop3A_822 : vector<16xf32>
        %parallel_loop3A_824 = arith.constant 0 : i32
        %parallel_loop3A_825 = arith.addi %parallel_loop3A_801, %parallel_loop3A_824 : i32
        %parallel_loop3A_826 = arith.index_cast %parallel_loop3A_825 : i32 to index
        %parallel_loop3A_827 = tpu.vector_load %arg10[%parallel_loop3A_826] {strides = array<i32>} : memref<32768xf32, #tpu.memory_space<vmem>>, vector<16xf32>,
        tpu.vector_store %arg10[%parallel_loop3A_826], %parallel_loop3A_823 {strides = array<i32>} : memref<32768xf32, #tpu.memory_space<vmem>>, vector<16xf32>,
        %parallel_loop3A_828 = arith.mulf %parallel_loop3A_795, %parallel_loop3A_819 : vector<16xf32>
        %parallel_loop3A_829 = arith.addf %parallel_loop3A_815, %parallel_loop3A_828 : vector<16xf32>
        %parallel_loop3A_830 = arith.constant 16 : i32
        %parallel_loop3A_831 = arith.addi %parallel_loop3A_801, %parallel_loop3A_830 : i32
        %parallel_loop3A_832 = arith.index_cast %parallel_loop3A_831 : i32 to index
        %parallel_loop3A_833 = tpu.vector_load %arg10[%parallel_loop3A_832] {strides = array<i32>} : memref<32768xf32, #tpu.memory_space<vmem>>, vector<16xf32>,
        tpu.vector_store %arg10[%parallel_loop3A_832], %parallel_loop3A_829 {strides = array<i32>} : memref<32768xf32, #tpu.memory_space<vmem>>, vector<16xf32>,
        %parallel_loop3A_834 = arith.mulf %parallel_loop3A_795, %parallel_loop3A_820 : vector<16xf32>
        %parallel_loop3A_835 = arith.addf %parallel_loop3A_816, %parallel_loop3A_834 : vector<16xf32>
        %parallel_loop3A_836 = arith.constant 32 : i32
        %parallel_loop3A_837 = arith.addi %parallel_loop3A_801, %parallel_loop3A_836 : i32
        %parallel_loop3A_838 = arith.index_cast %parallel_loop3A_837 : i32 to index
        %parallel_loop3A_839 = tpu.vector_load %arg10[%parallel_loop3A_838] {strides = array<i32>} : memref<32768xf32, #tpu.memory_space<vmem>>, vector<16xf32>,
        tpu.vector_store %arg10[%parallel_loop3A_838], %parallel_loop3A_835 {strides = array<i32>} : memref<32768xf32, #tpu.memory_space<vmem>>, vector<16xf32>,
        %parallel_loop3A_840 = arith.mulf %parallel_loop3A_795, %parallel_loop3A_821 : vector<16xf32>
        %parallel_loop3A_841 = arith.addf %parallel_loop3A_817, %parallel_loop3A_840 : vector<16xf32>
        %parallel_loop3A_842 = arith.constant 48 : i32
        %parallel_loop3A_843 = arith.addi %parallel_loop3A_801, %parallel_loop3A_842 : i32
        %parallel_loop3A_844 = arith.index_cast %parallel_loop3A_843 : i32 to index
        %parallel_loop3A_845 = tpu.vector_load %arg10[%parallel_loop3A_844] {strides = array<i32>} : memref<32768xf32, #tpu.memory_space<vmem>>, vector<16xf32>,
        tpu.vector_store %arg10[%parallel_loop3A_844], %parallel_loop3A_841 {strides = array<i32>} : memref<32768xf32, #tpu.memory_space<vmem>>, vector<16xf32>,
        %parallel_loop3A_846 = vector.extract_strided_slice %parallel_loop3A_104 {offsets = [13], sizes = [1], strides = [1]} : vector<16xi32> to vector<1xi32>
        %parallel_loop3A_847 = vector.extract %parallel_loop3A_846[0] : i32 from vector<1xi32>
        %parallel_loop3A_848 = vector.broadcast %parallel_loop3A_847 : i32 to vector<16xi32>
        %parallel_loop3A_849 = arith.addi %parallel_loop3A_848, %iota3A : vector<16xi32>
        %parallel_loop3A_850 = vector.extract_strided_slice %parallel_loop3A_101 {offsets = [13], sizes = [1], strides = [1]} : vector<16xf32> to vector<1xf32>
        %parallel_loop3A_851 = vector.extract %parallel_loop3A_850[0] : f32 from vector<1xf32>
        %parallel_loop3A_852 = vector.broadcast %parallel_loop3A_851 : f32 to vector<16xf32>
        %parallel_loop3A_853 = arith.constant 16 : i32
        %parallel_loop3A_854 = arith.muli %parallel_loop3A_94, %parallel_loop3A_853 : i32
        %parallel_loop3A_855 = arith.constant 13 : i32
        %parallel_loop3A_856 = arith.addi %parallel_loop3A_854, %parallel_loop3A_855 : i32
        %parallel_loop3A_857 = arith.constant 64 : i32
        %parallel_loop3A_858 = arith.muli %parallel_loop3A_856, %parallel_loop3A_857 : i32
        %parallel_loop3A_859 = arith.constant 0 : i32
        %parallel_loop3A_860 = vector.broadcast %parallel_loop3A_859 : i32 to vector<16xi32>
        %parallel_loop3A_861 = arith.addi %parallel_loop3A_849, %parallel_loop3A_860 : vector<16xi32>
        %parallel_loop3A_862 = arith.constant 16 : i32
        %parallel_loop3A_863 = vector.broadcast %parallel_loop3A_862 : i32 to vector<16xi32>
        %parallel_loop3A_864 = arith.addi %parallel_loop3A_849, %parallel_loop3A_863 : vector<16xi32>
        %parallel_loop3A_865 = arith.constant 32 : i32
        %parallel_loop3A_866 = vector.broadcast %parallel_loop3A_865 : i32 to vector<16xi32>
        %parallel_loop3A_867 = arith.addi %parallel_loop3A_849, %parallel_loop3A_866 : vector<16xi32>
        %parallel_loop3A_868 = arith.constant 48 : i32
        %parallel_loop3A_869 = vector.broadcast %parallel_loop3A_868 : i32 to vector<16xi32>
        %parallel_loop3A_870 = arith.addi %parallel_loop3A_849, %parallel_loop3A_869 : vector<16xi32>
        %parallel_loop3A_871 = tpu.vector_load_idx %arg5[%parallel_loop3A_861] : memref<16384xf32, #tpu.memory_space<vmem>>[vector<16xi32>], vector<16xf32>,
        %parallel_loop3A_872 = tpu.vector_load_idx %arg5[%parallel_loop3A_864] : memref<16384xf32, #tpu.memory_space<vmem>>[vector<16xi32>], vector<16xf32>,
        %parallel_loop3A_873 = tpu.vector_load_idx %arg5[%parallel_loop3A_867] : memref<16384xf32, #tpu.memory_space<vmem>>[vector<16xi32>], vector<16xf32>,
        %parallel_loop3A_874 = tpu.vector_load_idx %arg5[%parallel_loop3A_870] : memref<16384xf32, #tpu.memory_space<vmem>>[vector<16xi32>], vector<16xf32>,
        %parallel_loop3A_875 = tpu.vector_load_idx %arg6[%parallel_loop3A_861] : memref<16384xf32, #tpu.memory_space<vmem>>[vector<16xi32>], vector<16xf32>,
        %parallel_loop3A_876 = tpu.vector_load_idx %arg6[%parallel_loop3A_864] : memref<16384xf32, #tpu.memory_space<vmem>>[vector<16xi32>], vector<16xf32>,
        %parallel_loop3A_877 = tpu.vector_load_idx %arg6[%parallel_loop3A_867] : memref<16384xf32, #tpu.memory_space<vmem>>[vector<16xi32>], vector<16xf32>,
        %parallel_loop3A_878 = tpu.vector_load_idx %arg6[%parallel_loop3A_870] : memref<16384xf32, #tpu.memory_space<vmem>>[vector<16xi32>], vector<16xf32>,
        %parallel_loop3A_879 = arith.mulf %parallel_loop3A_852, %parallel_loop3A_875 : vector<16xf32>
        %parallel_loop3A_880 = arith.addf %parallel_loop3A_871, %parallel_loop3A_879 : vector<16xf32>
        %parallel_loop3A_881 = arith.constant 0 : i32
        %parallel_loop3A_882 = arith.addi %parallel_loop3A_858, %parallel_loop3A_881 : i32
        %parallel_loop3A_883 = arith.index_cast %parallel_loop3A_882 : i32 to index
        %parallel_loop3A_884 = tpu.vector_load %arg10[%parallel_loop3A_883] {strides = array<i32>} : memref<32768xf32, #tpu.memory_space<vmem>>, vector<16xf32>,
        tpu.vector_store %arg10[%parallel_loop3A_883], %parallel_loop3A_880 {strides = array<i32>} : memref<32768xf32, #tpu.memory_space<vmem>>, vector<16xf32>,
        %parallel_loop3A_885 = arith.mulf %parallel_loop3A_852, %parallel_loop3A_876 : vector<16xf32>
        %parallel_loop3A_886 = arith.addf %parallel_loop3A_872, %parallel_loop3A_885 : vector<16xf32>
        %parallel_loop3A_887 = arith.constant 16 : i32
        %parallel_loop3A_888 = arith.addi %parallel_loop3A_858, %parallel_loop3A_887 : i32
        %parallel_loop3A_889 = arith.index_cast %parallel_loop3A_888 : i32 to index
        %parallel_loop3A_890 = tpu.vector_load %arg10[%parallel_loop3A_889] {strides = array<i32>} : memref<32768xf32, #tpu.memory_space<vmem>>, vector<16xf32>,
        tpu.vector_store %arg10[%parallel_loop3A_889], %parallel_loop3A_886 {strides = array<i32>} : memref<32768xf32, #tpu.memory_space<vmem>>, vector<16xf32>,
        %parallel_loop3A_891 = arith.mulf %parallel_loop3A_852, %parallel_loop3A_877 : vector<16xf32>
        %parallel_loop3A_892 = arith.addf %parallel_loop3A_873, %parallel_loop3A_891 : vector<16xf32>
        %parallel_loop3A_893 = arith.constant 32 : i32
        %parallel_loop3A_894 = arith.addi %parallel_loop3A_858, %parallel_loop3A_893 : i32
        %parallel_loop3A_895 = arith.index_cast %parallel_loop3A_894 : i32 to index
        %parallel_loop3A_896 = tpu.vector_load %arg10[%parallel_loop3A_895] {strides = array<i32>} : memref<32768xf32, #tpu.memory_space<vmem>>, vector<16xf32>,
        tpu.vector_store %arg10[%parallel_loop3A_895], %parallel_loop3A_892 {strides = array<i32>} : memref<32768xf32, #tpu.memory_space<vmem>>, vector<16xf32>,
        %parallel_loop3A_897 = arith.mulf %parallel_loop3A_852, %parallel_loop3A_878 : vector<16xf32>
        %parallel_loop3A_898 = arith.addf %parallel_loop3A_874, %parallel_loop3A_897 : vector<16xf32>
        %parallel_loop3A_899 = arith.constant 48 : i32
        %parallel_loop3A_900 = arith.addi %parallel_loop3A_858, %parallel_loop3A_899 : i32
        %parallel_loop3A_901 = arith.index_cast %parallel_loop3A_900 : i32 to index
        %parallel_loop3A_902 = tpu.vector_load %arg10[%parallel_loop3A_901] {strides = array<i32>} : memref<32768xf32, #tpu.memory_space<vmem>>, vector<16xf32>,
        tpu.vector_store %arg10[%parallel_loop3A_901], %parallel_loop3A_898 {strides = array<i32>} : memref<32768xf32, #tpu.memory_space<vmem>>, vector<16xf32>,
        %parallel_loop3A_903 = vector.extract_strided_slice %parallel_loop3A_104 {offsets = [14], sizes = [1], strides = [1]} : vector<16xi32> to vector<1xi32>
        %parallel_loop3A_904 = vector.extract %parallel_loop3A_903[0] : i32 from vector<1xi32>
        %parallel_loop3A_905 = vector.broadcast %parallel_loop3A_904 : i32 to vector<16xi32>
        %parallel_loop3A_906 = arith.addi %parallel_loop3A_905, %iota3A : vector<16xi32>
        %parallel_loop3A_907 = vector.extract_strided_slice %parallel_loop3A_101 {offsets = [14], sizes = [1], strides = [1]} : vector<16xf32> to vector<1xf32>
        %parallel_loop3A_908 = vector.extract %parallel_loop3A_907[0] : f32 from vector<1xf32>
        %parallel_loop3A_909 = vector.broadcast %parallel_loop3A_908 : f32 to vector<16xf32>
        %parallel_loop3A_910 = arith.constant 16 : i32
        %parallel_loop3A_911 = arith.muli %parallel_loop3A_94, %parallel_loop3A_910 : i32
        %parallel_loop3A_912 = arith.constant 14 : i32
        %parallel_loop3A_913 = arith.addi %parallel_loop3A_911, %parallel_loop3A_912 : i32
        %parallel_loop3A_914 = arith.constant 64 : i32
        %parallel_loop3A_915 = arith.muli %parallel_loop3A_913, %parallel_loop3A_914 : i32
        %parallel_loop3A_916 = arith.constant 0 : i32
        %parallel_loop3A_917 = vector.broadcast %parallel_loop3A_916 : i32 to vector<16xi32>
        %parallel_loop3A_918 = arith.addi %parallel_loop3A_906, %parallel_loop3A_917 : vector<16xi32>
        %parallel_loop3A_919 = arith.constant 16 : i32
        %parallel_loop3A_920 = vector.broadcast %parallel_loop3A_919 : i32 to vector<16xi32>
        %parallel_loop3A_921 = arith.addi %parallel_loop3A_906, %parallel_loop3A_920 : vector<16xi32>
        %parallel_loop3A_922 = arith.constant 32 : i32
        %parallel_loop3A_923 = vector.broadcast %parallel_loop3A_922 : i32 to vector<16xi32>
        %parallel_loop3A_924 = arith.addi %parallel_loop3A_906, %parallel_loop3A_923 : vector<16xi32>
        %parallel_loop3A_925 = arith.constant 48 : i32
        %parallel_loop3A_926 = vector.broadcast %parallel_loop3A_925 : i32 to vector<16xi32>
        %parallel_loop3A_927 = arith.addi %parallel_loop3A_906, %parallel_loop3A_926 : vector<16xi32>
        %parallel_loop3A_928 = tpu.vector_load_idx %arg5[%parallel_loop3A_918] : memref<16384xf32, #tpu.memory_space<vmem>>[vector<16xi32>], vector<16xf32>,
        %parallel_loop3A_929 = tpu.vector_load_idx %arg5[%parallel_loop3A_921] : memref<16384xf32, #tpu.memory_space<vmem>>[vector<16xi32>], vector<16xf32>,
        %parallel_loop3A_930 = tpu.vector_load_idx %arg5[%parallel_loop3A_924] : memref<16384xf32, #tpu.memory_space<vmem>>[vector<16xi32>], vector<16xf32>,
        %parallel_loop3A_931 = tpu.vector_load_idx %arg5[%parallel_loop3A_927] : memref<16384xf32, #tpu.memory_space<vmem>>[vector<16xi32>], vector<16xf32>,
        %parallel_loop3A_932 = tpu.vector_load_idx %arg6[%parallel_loop3A_918] : memref<16384xf32, #tpu.memory_space<vmem>>[vector<16xi32>], vector<16xf32>,
        %parallel_loop3A_933 = tpu.vector_load_idx %arg6[%parallel_loop3A_921] : memref<16384xf32, #tpu.memory_space<vmem>>[vector<16xi32>], vector<16xf32>,
        %parallel_loop3A_934 = tpu.vector_load_idx %arg6[%parallel_loop3A_924] : memref<16384xf32, #tpu.memory_space<vmem>>[vector<16xi32>], vector<16xf32>,
        %parallel_loop3A_935 = tpu.vector_load_idx %arg6[%parallel_loop3A_927] : memref<16384xf32, #tpu.memory_space<vmem>>[vector<16xi32>], vector<16xf32>,
        %parallel_loop3A_936 = arith.mulf %parallel_loop3A_909, %parallel_loop3A_932 : vector<16xf32>
        %parallel_loop3A_937 = arith.addf %parallel_loop3A_928, %parallel_loop3A_936 : vector<16xf32>
        %parallel_loop3A_938 = arith.constant 0 : i32
        %parallel_loop3A_939 = arith.addi %parallel_loop3A_915, %parallel_loop3A_938 : i32
        %parallel_loop3A_940 = arith.index_cast %parallel_loop3A_939 : i32 to index
        %parallel_loop3A_941 = tpu.vector_load %arg10[%parallel_loop3A_940] {strides = array<i32>} : memref<32768xf32, #tpu.memory_space<vmem>>, vector<16xf32>,
        tpu.vector_store %arg10[%parallel_loop3A_940], %parallel_loop3A_937 {strides = array<i32>} : memref<32768xf32, #tpu.memory_space<vmem>>, vector<16xf32>,
        %parallel_loop3A_942 = arith.mulf %parallel_loop3A_909, %parallel_loop3A_933 : vector<16xf32>
        %parallel_loop3A_943 = arith.addf %parallel_loop3A_929, %parallel_loop3A_942 : vector<16xf32>
        %parallel_loop3A_944 = arith.constant 16 : i32
        %parallel_loop3A_945 = arith.addi %parallel_loop3A_915, %parallel_loop3A_944 : i32
        %parallel_loop3A_946 = arith.index_cast %parallel_loop3A_945 : i32 to index
        %parallel_loop3A_947 = tpu.vector_load %arg10[%parallel_loop3A_946] {strides = array<i32>} : memref<32768xf32, #tpu.memory_space<vmem>>, vector<16xf32>,
        tpu.vector_store %arg10[%parallel_loop3A_946], %parallel_loop3A_943 {strides = array<i32>} : memref<32768xf32, #tpu.memory_space<vmem>>, vector<16xf32>,
        %parallel_loop3A_948 = arith.mulf %parallel_loop3A_909, %parallel_loop3A_934 : vector<16xf32>
        %parallel_loop3A_949 = arith.addf %parallel_loop3A_930, %parallel_loop3A_948 : vector<16xf32>
        %parallel_loop3A_950 = arith.constant 32 : i32
        %parallel_loop3A_951 = arith.addi %parallel_loop3A_915, %parallel_loop3A_950 : i32
        %parallel_loop3A_952 = arith.index_cast %parallel_loop3A_951 : i32 to index
        %parallel_loop3A_953 = tpu.vector_load %arg10[%parallel_loop3A_952] {strides = array<i32>} : memref<32768xf32, #tpu.memory_space<vmem>>, vector<16xf32>,
        tpu.vector_store %arg10[%parallel_loop3A_952], %parallel_loop3A_949 {strides = array<i32>} : memref<32768xf32, #tpu.memory_space<vmem>>, vector<16xf32>,
        %parallel_loop3A_954 = arith.mulf %parallel_loop3A_909, %parallel_loop3A_935 : vector<16xf32>
        %parallel_loop3A_955 = arith.addf %parallel_loop3A_931, %parallel_loop3A_954 : vector<16xf32>
        %parallel_loop3A_956 = arith.constant 48 : i32
        %parallel_loop3A_957 = arith.addi %parallel_loop3A_915, %parallel_loop3A_956 : i32
        %parallel_loop3A_958 = arith.index_cast %parallel_loop3A_957 : i32 to index
        %parallel_loop3A_959 = tpu.vector_load %arg10[%parallel_loop3A_958] {strides = array<i32>} : memref<32768xf32, #tpu.memory_space<vmem>>, vector<16xf32>,
        tpu.vector_store %arg10[%parallel_loop3A_958], %parallel_loop3A_955 {strides = array<i32>} : memref<32768xf32, #tpu.memory_space<vmem>>, vector<16xf32>,
        %parallel_loop3A_960 = vector.extract_strided_slice %parallel_loop3A_104 {offsets = [15], sizes = [1], strides = [1]} : vector<16xi32> to vector<1xi32>
        %parallel_loop3A_961 = vector.extract %parallel_loop3A_960[0] : i32 from vector<1xi32>
        %parallel_loop3A_962 = vector.broadcast %parallel_loop3A_961 : i32 to vector<16xi32>
        %parallel_loop3A_963 = arith.addi %parallel_loop3A_962, %iota3A : vector<16xi32>
        %parallel_loop3A_964 = vector.extract_strided_slice %parallel_loop3A_101 {offsets = [15], sizes = [1], strides = [1]} : vector<16xf32> to vector<1xf32>
        %parallel_loop3A_965 = vector.extract %parallel_loop3A_964[0] : f32 from vector<1xf32>
        %parallel_loop3A_966 = vector.broadcast %parallel_loop3A_965 : f32 to vector<16xf32>
        %parallel_loop3A_967 = arith.constant 16 : i32
        %parallel_loop3A_968 = arith.muli %parallel_loop3A_94, %parallel_loop3A_967 : i32
        %parallel_loop3A_969 = arith.constant 15 : i32
        %parallel_loop3A_970 = arith.addi %parallel_loop3A_968, %parallel_loop3A_969 : i32
        %parallel_loop3A_971 = arith.constant 64 : i32
        %parallel_loop3A_972 = arith.muli %parallel_loop3A_970, %parallel_loop3A_971 : i32
        %parallel_loop3A_973 = arith.constant 0 : i32
        %parallel_loop3A_974 = vector.broadcast %parallel_loop3A_973 : i32 to vector<16xi32>
        %parallel_loop3A_975 = arith.addi %parallel_loop3A_963, %parallel_loop3A_974 : vector<16xi32>
        %parallel_loop3A_976 = arith.constant 16 : i32
        %parallel_loop3A_977 = vector.broadcast %parallel_loop3A_976 : i32 to vector<16xi32>
        %parallel_loop3A_978 = arith.addi %parallel_loop3A_963, %parallel_loop3A_977 : vector<16xi32>
        %parallel_loop3A_979 = arith.constant 32 : i32
        %parallel_loop3A_980 = vector.broadcast %parallel_loop3A_979 : i32 to vector<16xi32>
        %parallel_loop3A_981 = arith.addi %parallel_loop3A_963, %parallel_loop3A_980 : vector<16xi32>
        %parallel_loop3A_982 = arith.constant 48 : i32
        %parallel_loop3A_983 = vector.broadcast %parallel_loop3A_982 : i32 to vector<16xi32>
        %parallel_loop3A_984 = arith.addi %parallel_loop3A_963, %parallel_loop3A_983 : vector<16xi32>
        %parallel_loop3A_985 = tpu.vector_load_idx %arg5[%parallel_loop3A_975] : memref<16384xf32, #tpu.memory_space<vmem>>[vector<16xi32>], vector<16xf32>,
        %parallel_loop3A_986 = tpu.vector_load_idx %arg5[%parallel_loop3A_978] : memref<16384xf32, #tpu.memory_space<vmem>>[vector<16xi32>], vector<16xf32>,
        %parallel_loop3A_987 = tpu.vector_load_idx %arg5[%parallel_loop3A_981] : memref<16384xf32, #tpu.memory_space<vmem>>[vector<16xi32>], vector<16xf32>,
        %parallel_loop3A_988 = tpu.vector_load_idx %arg5[%parallel_loop3A_984] : memref<16384xf32, #tpu.memory_space<vmem>>[vector<16xi32>], vector<16xf32>,
        %parallel_loop3A_989 = tpu.vector_load_idx %arg6[%parallel_loop3A_975] : memref<16384xf32, #tpu.memory_space<vmem>>[vector<16xi32>], vector<16xf32>,
        %parallel_loop3A_990 = tpu.vector_load_idx %arg6[%parallel_loop3A_978] : memref<16384xf32, #tpu.memory_space<vmem>>[vector<16xi32>], vector<16xf32>,
        %parallel_loop3A_991 = tpu.vector_load_idx %arg6[%parallel_loop3A_981] : memref<16384xf32, #tpu.memory_space<vmem>>[vector<16xi32>], vector<16xf32>,
        %parallel_loop3A_992 = tpu.vector_load_idx %arg6[%parallel_loop3A_984] : memref<16384xf32, #tpu.memory_space<vmem>>[vector<16xi32>], vector<16xf32>,
        %parallel_loop3A_993 = arith.mulf %parallel_loop3A_966, %parallel_loop3A_989 : vector<16xf32>
        %parallel_loop3A_994 = arith.addf %parallel_loop3A_985, %parallel_loop3A_993 : vector<16xf32>
        %parallel_loop3A_995 = arith.constant 0 : i32
        %parallel_loop3A_996 = arith.addi %parallel_loop3A_972, %parallel_loop3A_995 : i32
        %parallel_loop3A_997 = arith.index_cast %parallel_loop3A_996 : i32 to index
        %parallel_loop3A_998 = tpu.vector_load %arg10[%parallel_loop3A_997] {strides = array<i32>} : memref<32768xf32, #tpu.memory_space<vmem>>, vector<16xf32>,
        tpu.vector_store %arg10[%parallel_loop3A_997], %parallel_loop3A_994 {strides = array<i32>} : memref<32768xf32, #tpu.memory_space<vmem>>, vector<16xf32>,
        %parallel_loop3A_999 = arith.mulf %parallel_loop3A_966, %parallel_loop3A_990 : vector<16xf32>
        %parallel_loop3A_1000 = arith.addf %parallel_loop3A_986, %parallel_loop3A_999 : vector<16xf32>
        %parallel_loop3A_1001 = arith.constant 16 : i32
        %parallel_loop3A_1002 = arith.addi %parallel_loop3A_972, %parallel_loop3A_1001 : i32
        %parallel_loop3A_1003 = arith.index_cast %parallel_loop3A_1002 : i32 to index
        %parallel_loop3A_1004 = tpu.vector_load %arg10[%parallel_loop3A_1003] {strides = array<i32>} : memref<32768xf32, #tpu.memory_space<vmem>>, vector<16xf32>,
        tpu.vector_store %arg10[%parallel_loop3A_1003], %parallel_loop3A_1000 {strides = array<i32>} : memref<32768xf32, #tpu.memory_space<vmem>>, vector<16xf32>,
        %parallel_loop3A_1005 = arith.mulf %parallel_loop3A_966, %parallel_loop3A_991 : vector<16xf32>
        %parallel_loop3A_1006 = arith.addf %parallel_loop3A_987, %parallel_loop3A_1005 : vector<16xf32>
        %parallel_loop3A_1007 = arith.constant 32 : i32
        %parallel_loop3A_1008 = arith.addi %parallel_loop3A_972, %parallel_loop3A_1007 : i32
        %parallel_loop3A_1009 = arith.index_cast %parallel_loop3A_1008 : i32 to index
        %parallel_loop3A_1010 = tpu.vector_load %arg10[%parallel_loop3A_1009] {strides = array<i32>} : memref<32768xf32, #tpu.memory_space<vmem>>, vector<16xf32>,
        tpu.vector_store %arg10[%parallel_loop3A_1009], %parallel_loop3A_1006 {strides = array<i32>} : memref<32768xf32, #tpu.memory_space<vmem>>, vector<16xf32>,
        %parallel_loop3A_1011 = arith.mulf %parallel_loop3A_966, %parallel_loop3A_992 : vector<16xf32>
        %parallel_loop3A_1012 = arith.addf %parallel_loop3A_988, %parallel_loop3A_1011 : vector<16xf32>
        %parallel_loop3A_1013 = arith.constant 48 : i32
        %parallel_loop3A_1014 = arith.addi %parallel_loop3A_972, %parallel_loop3A_1013 : i32
        %parallel_loop3A_1015 = arith.index_cast %parallel_loop3A_1014 : i32 to index
        %parallel_loop3A_1016 = tpu.vector_load %arg10[%parallel_loop3A_1015] {strides = array<i32>} : memref<32768xf32, #tpu.memory_space<vmem>>, vector<16xf32>,
        tpu.vector_store %arg10[%parallel_loop3A_1015], %parallel_loop3A_1012 {strides = array<i32>} : memref<32768xf32, #tpu.memory_space<vmem>>, vector<16xf32>,
      } {sc.loop_unroll_factor = 4 : i64, sc.parallel_access}
      %mul3A_82 = arith.constant 64 : i32
      %mul3A_83 = arith.muli %add3A_71, %mul3A_82 : i32
      %dma_start3A_84 = tpu.memref_slice %arg4[%mul3A_83] : memref<52428800xf32, #tpu.memory_space<hbm>> -> memref<32768xf32, #tpu.memory_space<hbm>>
      %dma_start3A_85 = tpu.memref_slice %arg4[%mul3A_83] : memref<52428800xf32, #tpu.memory_space<hbm>> -> memref<32768xf32, #tpu.memory_space<hbm>>
      tpu.enqueue_dma source(%arg10 : memref<32768xf32, #tpu.memory_space<vmem>>) target(%dma_start3A_85 : memref<32768xf32, #tpu.memory_space<hbm>>) target_semaphore(%arg14 : memref<!tpu.dma_semaphore, #tpu.memory_space<semaphore_mem>>)
      %add3A_86 = arith.constant 2 : i32
      %add3A_87 = arith.addi %add3A_68, %add3A_86 : i32
      %lt3A_88 = arith.constant 50 : i32
      %lt3A_89 = arith.cmpi slt, %add3A_87, %lt3A_88 : i32
      %convert_element_type3A_90 = arith.extui %lt3A_89 : i1 to i32
      %cond3A_91 = arith.constant 0 : i32
      %cond3A_92 = arith.cmpi ne, %convert_element_type3A_90, %cond3A_91 : i32
      scf.if %cond3A_92 {
        %add3A_94 = arith.constant 1024 : i32
        %add3A_95 = arith.addi %add3A_71, %add3A_94 : i32
        %dma_start3A_96 = tpu.memref_slice %arg2[%add3A_95] : memref<819200xf32, #tpu.memory_space<hbm>> -> memref<512xf32, #tpu.memory_space<hbm>>
        %dma_start3A_97 = tpu.memref_slice %arg2[%add3A_95] : memref<819200xf32, #tpu.memory_space<hbm>> -> memref<512xf32, #tpu.memory_space<hbm>>
        tpu.enqueue_dma source(%dma_start3A_97 : memref<512xf32, #tpu.memory_space<hbm>>) target(%arg8 : memref<512xf32, #tpu.memory_space<vmem>>) target_semaphore(%arg12 : memref<!tpu.dma_semaphore, #tpu.memory_space<semaphore_mem>>)
      } else {
      }
      %scan3A_93 = arith.constant 0 : i32
      scf.yield %scan3A_93 : i32
    }
    %scan3A_31 = arith.constant 25 : i32
    %mul3A_32 = arith.constant 64 : i32
    %mul3A_33 = arith.muli %mul3A_2, %mul3A_32 : i32
    %dma_wait3A = tpu.memref_slice %arg4[%mul3A_33] : memref<52428800xf32, #tpu.memory_space<hbm>> -> memref<32768xf32, #tpu.memory_space<hbm>>
    %dma_wait3A_34 = tpu.memref_slice %arg4[%mul3A_33] : memref<52428800xf32, #tpu.memory_space<hbm>> -> memref<32768xf32, #tpu.memory_space<hbm>>
    tpu.wait_dma2 semaphore(%arg13 : memref<!tpu.dma_semaphore, #tpu.memory_space<semaphore_mem>>) src(%arg9 : memref<32768xf32, #tpu.memory_space<vmem>>) dst(%dma_wait3A_34 : memref<32768xf32, #tpu.memory_space<hbm>>)
    %mul3A_35 = arith.constant 64 : i32
    %mul3A_36 = arith.muli %mul3A_2, %mul3A_35 : i32
    %dma_wait3A_37 = tpu.memref_slice %arg4[%mul3A_36] : memref<52428800xf32, #tpu.memory_space<hbm>> -> memref<32768xf32, #tpu.memory_space<hbm>>
    %dma_wait3A_38 = tpu.memref_slice %arg4[%mul3A_36] : memref<52428800xf32, #tpu.memory_space<hbm>> -> memref<32768xf32, #tpu.memory_space<hbm>>
    tpu.wait_dma2 semaphore(%arg14 : memref<!tpu.dma_semaphore, #tpu.memory_space<semaphore_mem>>) src(%arg10 : memref<32768xf32, #tpu.memory_space<vmem>>) dst(%dma_wait3A_38 : memref<32768xf32, #tpu.memory_space<hbm>>)
    return
  }
}

</mosaic_0001>

<sc_bundles>
// kernel: _run.3.cloned.1.call-start
scs
__scs_entry_jumppad:
0x0: {  	(pc) =	sbr.rel $0x88, $3  }
0x1: {  	(tag) =	ssettag $0x0;
	lr =	simm.s32 $0x1  }
0x2: {  	[smem:$0x3F9F] =	sst lr;
	_ =	strace $0xD0000000  }
0x3: {  	_ = 	snop  }
0x4: {  	_ = 	snop  }
0x5: {  	_ = 	snop  }
0x6: {  	_ = 	snop  }
0x7: {  	_ = 	snop  }
__scs_overlays_trampoline_lowered:
0x8: {  	[smem:$0x3FAE] =	sst s0  }
0x9: {  	[smem:$0x3FAF] =	sst s1  }
0xa: {  	[smem:$0x3FB0] =	sst s2  }
0xb: {  	[smem:$0x3FB1] =	sst s3  }
0xc: {  	[smem:$0x3FB2] =	sst s4  }
0xd: {  	[smem:$0x3FB3] =	sst s5  }
0xe: {  	[smem:$0x3FB4] =	sst s6  }
0xf: {  	[smem:$0x3FB5] =	sst s7  }
0x10: {  	[smem:$0x3FB6] =	sst s8  }
0x11: {  	[smem:$0x3FB7] =	sst s9;
	s0 =	simm.s32 @!p0 $0x0  }
0x12: {  	s1 =	sld [smem:$0x3F9D];
	s0 =	simm.s32 @p0 $0x1  }
0x13: {  	[smem:$0x3FB8] =	sst s0;
	s0 =	simm.s32 @!p1 $0x0  }
0x14: {  	s2 =	sld [smem:$0x3F9C];
	s0 =	simm.s32 @p1 $0x1  }
0x15: {  	[smem:$0x3FB9] =	sst s0;
	s0 =	simm.s32 @!p2 $0x0  }
0x16: {  	s3 =	sld [smem:$0x3FDB];
	s0 =	simm.s32 @p2 $0x1  }
0x17: {  	s4 =	simm.s32 $0x1BF5;
	[smem:$0x3FBB] =	sst s0  }
0x18: {  	s0 =	sld [smem:$0x3F9E];
	_ =	swait.ge [sflag:s4], $0x0  }
0x19: {  	s7 =	sld [smem:$0x3F9F]  }
0x1a: {  	s8 =	sadd.s32 $0xFFFFE003, lr  }
0x1b: {  	s9 =	sadd.s32 $0xFFFFFEF7, lr;
	s5 =	simm.s32 $0xFFFFFFFF;
	p2 =	slt.u32 s8, $0xFFFFF086  }
0x1c: {  	p1 =	slt.u32 s9, $0xF7A;
	s5 =	simm.s32 @!p2 $0x0  }
0x1d: {  	s5 =	simm.s32 @p1 $0x1;
	p0 =	seq.s32 s7, s2  }
0x1e: {  	s7 =	smul.u32 @!p0 $0xF7A, s2;
	p2 =	seq.s32 @!p0 s5, $0x0  }
0x1f: {  	s9 =	smul.u32 $0xF7A, s1;
	s8 =	simm.s32 @!p0 $0x1BF5;
	p2 =	por !p2, p0  }
0x20: {  	[sflag:s8] =	ssyncset.s32 @!p0 $0xFFFFF086;
	s6 =	sadd.s32 @!p0 s3, s7;
	s7 =	simm.s32 @!p0 $0x108  }
0x21: {  	s3 =	sadd.s32 s3, s9;
	s6 =	sadd.s32 @!p0 $0x88, s6;
	s7 =	simm.s32 @p2 $0x1082  }
0x22: {  	[simem:s7], [sflag:s8] =	dma.local @!p0 [hbm:s6], $0xF7A  }
0x23: {  	s9 =	sor.u32 $0xD0000000, s2;
	s6 =	simm.s32 $0x108;
	_ =	swait.ge @!p0 [sflag:s8], $0x0  }
0x24: {  	s3 =	sadd.s32 $0x88, s3;
	s6 =	simm.s32 @!p1 $0x1082;
	[sflag:s4] =	ssyncset.s32 $0xFFFFF086  }
0x25: {  	[simem:s6], [sflag:s4] =	dma.local [hbm:s3], $0xF7A  }
0x26: {  	[smem:$0x3F9F] =	sst s1;
	(tag) =	ssettag s2;
	_ =	strace s9  }
0x27: {  	s1 =	sld [smem:$0x3FAF]  }
0x28: {  	s2 =	sld [smem:$0x3FB0]  }
0x29: {  	s4 =	sld [smem:$0x3FB2]  }
0x2a: {  	p0 =	seq.s32 s5, $0x0;
	s5 =	sld [smem:$0x3FB3]  }
0x2b: {  	s6 =	sld [smem:$0x3FB4]  }
0x2c: {  	s7 =	sld [smem:$0x3FB5]  }
0x2d: {  	s3 =	simm.s32 $0x108;
	s8 =	sld [smem:$0x3FB6]  }
0x2e: {  	s3 =	simm.s32 @!p0 $0x1082;
	s9 =	sld [smem:$0x3FB7]  }
0x2f: {  	lr =	sadd.s32 s0, s3;
	s0 =	sld [smem:$0x3FAE]  }
0x30: {  	s3 =	sld [smem:$0x3FB1]  }
0x31: {  	[smem:$0x3FBA] =	sst s10  }
0x32: {  	s10 =	sld [smem:$0x3FB8];
	_ =	sdelay $0x3  }
0x33: {  	p0 =	seq.s32 s10, $0x1;
	s10 =	sld [smem:$0x3FBA];
	_ =	sdelay $0x3  }
0x34: {  	[smem:$0x3FBA] =	sst s10  }
0x35: {  	s10 =	sld [smem:$0x3FB9];
	_ =	sdelay $0x3  }
0x36: {  	p1 =	seq.s32 s10, $0x1;
	s10 =	sld [smem:$0x3FBA];
	_ =	sdelay $0x3  }
0x37: {  	[smem:$0x3FBA] =	sst s10  }
0x38: {  	s10 =	sld [smem:$0x3FBB]  }
0x39: {  	_ = 	snop;
	(pc) =	sbr.ind lr, $3  }
0x3a: {  	_ = 	snop  }
0x3b: {  	_ = 	snop  }
0x3c: {  	p2 =	seq.s32 s10, $0x1;
	s10 =	sld [smem:$0x3FBA]  }
0x3d: {  	_ =	shalt  }
0x3e: {  	_ =	shalt  }
0x3f: {  	_ =	shalt  }
0x40: {  	_ =	shalt  }
0x41: {  	_ =	shalt  }
0x42: {  	_ =	shalt  }
0x43: {  	_ =	shalt  }
0x44: {  	_ =	shalt  }
0x45: {  	_ =	shalt  }
0x46: {  	_ =	shalt  }
0x47: {  	_ =	shalt  }
0x48: {  	_ =	shalt  }
0x49: {  	_ =	shalt  }
0x4a: {  	_ =	shalt  }
0x4b: {  	_ =	shalt  }
0x4c: {  	_ =	shalt  }
0x4d: {  	_ =	shalt  }
0x4e: {  	_ =	shalt  }
0x4f: {  	_ =	shalt  }
0x50: {  	_ =	shalt  }
0x51: {  	_ =	shalt  }
0x52: {  	_ =	shalt  }
0x53: {  	_ =	shalt  }
0x54: {  	_ =	shalt  }
0x55: {  	_ =	shalt  }
0x56: {  	_ =	shalt  }
0x57: {  	_ =	shalt  }
0x58: {  	_ =	shalt  }
0x59: {  	_ =	shalt  }
0x5a: {  	_ =	shalt  }
0x5b: {  	_ =	shalt  }
0x5c: {  	_ =	shalt  }
0x5d: {  	_ =	shalt  }
0x5e: {  	_ =	shalt  }
0x5f: {  	_ =	shalt  }
0x60: {  	_ =	shalt  }
0x61: {  	_ =	shalt  }
0x62: {  	_ =	shalt  }
0x63: {  	_ =	shalt  }
0x64: {  	_ =	shalt  }
0x65: {  	_ =	shalt  }
0x66: {  	_ =	shalt  }
0x67: {  	_ =	shalt  }
0x68: {  	_ =	shalt  }
0x69: {  	_ =	shalt  }
0x6a: {  	_ =	shalt  }
0x6b: {  	_ =	shalt  }
0x6c: {  	_ =	shalt  }
0x6d: {  	_ =	shalt  }
0x6e: {  	_ =	shalt  }
0x6f: {  	_ =	shalt  }
0x70: {  	_ =	shalt  }
0x71: {  	_ =	shalt  }
0x72: {  	_ =	shalt  }
0x73: {  	_ =	shalt  }
0x74: {  	_ =	shalt  }
0x75: {  	_ =	shalt  }
0x76: {  	_ =	shalt  }
0x77: {  	_ =	shalt  }
0x78: {  	_ =	shalt  }
0x79: {  	_ =	shalt  }
0x7a: {  	_ =	shalt  }
0x7b: {  	_ =	shalt  }
0x7c: {  	_ =	shalt  }
0x7d: {  	_ =	shalt  }
0x7e: {  	_ =	shalt  }
0x7f: {  	_ =	shalt  }
0x80: {  	_ =	shalt  }
0x81: {  	_ =	shalt  }
0x82: {  	_ =	shalt  }
0x83: {  	_ =	shalt  }
0x84: {  	_ =	shalt  }
0x85: {  	_ =	shalt  }
0x86: {  	_ =	shalt  }
0x87: {  	_ =	shalt  }
.Lfunc_end0:
.L_simem_size_0:
called_computation_lowered:
.L_overlay_start_0:
0x88: {  	s2 =	sld [smem:$0x3FD9]  }
0x89: {  	s3 =	sld [smem:$0x3FFE];
	_ =	sdelay $0x1  }
0x8a: {  	s1 =	srdreg.scid  }
0x8b: {  	s0 =	sand.u32 $0x1, s1  }
0x8c: {  	s18 =	sshll.u32 s0, $0xA;
	s2 =	sadd.s32 s3, s2  }
0x8d: {  	s2 =	sadd.s32 s2, s18  }
0x8e: {  	[smem:$0x3FC6] =	sst s2  }
0x8f: {  	_ = 	snop  }
0x90: {  	s2 =	sld [smem:$0x3FC9]  }
0x91: {  	s19 =	sld [smem:$0x3FC8]  }
0x92: {  	s4 =	sld [smem:$0x3FD0];
	(tm) =	ssettm $0x1  }
0x93: {  	s5 =	sld [smem:$0x3FFB];
	_ =	sdelay $0x3  }
0x94: {  	_ =	strace s5  }
0x95: {  	s5 =	sld [smem:$0x3FFC];
	_ =	sdelay $0x3  }
0x96: {  	_ =	strace s5  }
0x97: {  	s5 =	sld [smem:$0x3FFD];
	_ =	sdelay $0x3  }
0x98: {  	_ =	strace s5  }
0x99: {  	_ =	strace $0x8FFFFFFF  }
0x9a: {  	s20 =	sld [smem:$0x3FDB];
	_ =	sdelay $0x1  }
0x9b: {  	s6 =	simm.s32 $_scs_section_size  }
0x9c: {  	s7 =	simm.s32 $_size__tile_overlayer_lowered;
	s8 =	simm.s32 $_tile_overlayer_lowered  }
0x9d: {  	s23 =	simm.s32 $0x1BFF;
	s22 =	sshll.u32 s8, $0x1;
	s5 =	sadd.s32 s6, s20  }
0x9e: {  	s9 =	simm.s32 $0x0;
	s21 =	sshll.u32 s7, $0x1;
	s7 =	sadd.s32 s22, s5  }
0x9f: {  	[timem:s9], [sflag:s23] =	dma.local [hbm:s7], s21  }
0xa0: {  	_ =	swait.ge [sflag:s23], s21  }
0xa1: {  	s6 =	ssub.s32 $0x0, s21;
	[sflag:s23] =	ssyncset.done $0x0  }
0xa2: {  	[sflag:s23] =	ssyncadd.s32 s6;
	_ =	sdelay $0x1  }
0xa3: {  	s24 =	simm.s32 $0x1B8B  }
0xa4: {  	_ =	swait.ge [sflag:s24], $0x1  }
0xa5: {  	[sflag:s24] =	ssyncset.done $0x0  }
0xa6: {  	s25 =	simm.s32 $0x1B8E;
	[sflag:s24] =	ssyncadd.s32 $0xFFFFFFFF  }
0xa7: {  	s26 =	simm.s32 $execute0_lowered;
	[smem:$0x3FD2] =	sst s25  }
0xa8: {  	s6 =	sshll.u32 s26, $0x1;
	_ =	strace $0x80000046;
	[dreg:$0x1] =	wrdreg $0xFFFFFFFF  }
0xa9: {  	s28 =	simm.s32 $_size_execute0_lowered;
	s5 =	sadd.s32 s5, s6;
	[dreg:$0x0] =	wrdreg $0x0  }
0xaa: {  	s6 =	sshll.u32 s28, $0x1;
	[dreg:$0x2] =	wrdreg s5  }
0xab: {  	[dreg:$0x3] =	wrdreg s6  }
0xac: {  	[dreg:$0x4] =	wrdreg $0xC0  }
0xad: {  	_ =	task [dreg:s9], $0x5FFFF  }
0xae: {  	[dreg:$0x1] =	wrdreg $0xFFFFFFFF  }
0xaf: {  	[dreg:$0x0] =	wrdreg $0x60  }
0xb0: {  	[dreg:$0x2] =	wrdreg s2  }
0xb1: {  	[dreg:$0x3] =	wrdreg s19  }
0xb2: {  	[dreg:$0x4] =	wrdreg s4  }
0xb3: {  	[dreg:$0x5] =	wrdreg $0x9  }
0xb4: {  	_ =	task.clear_ibuf [dreg:s9], $0x6FFFF;
	_ =	strace $0x90000046  }
0xb5: {  	s29 =	simm.s32 $0x9;
	_ =	strace $0x80000048  }
0xb6: {  	_ =	swait.ge [sflag:s29], $0x1  }
0xb7: {  	[sflag:s29] =	ssyncadd.s32 $0xFFFFFFFF  }
0xb8: {  	_ =	strace $0x90000048  }
0xb9: {  	_ =	sfence  }
0xba: {  	s30 =	sld [smem:$0x0];
	_ =	sdelay $0x2  }
0xbb: {  	s31 =	sshll.u32 s1, $0xD;
	s1 =	sshrl.u32 s1, $0x2  }
0xbc: {  	s3 =	sand.u32 $0x4000, s31;
	s1 =	sadd.s32 s1, s30  }
0xbd: {  	s0 =	sor.u32 s3, s0;
	s1 =	sshll.u32 s1, $0x11  }
0xbe: {  	s0 =	sor.u32 s1, s0  }
0xbf: {  	s0 =	sadd.s32 $0x8F2B, s0  }
0xc0: {  	[sflag:s0] =	ssyncadd.remote.s32 $0x1  }
0xc1: {  	_ =	sfence.sel $0xFFFF  }
0xc2: {  	[dreg:$0x0] =	wrdreg $0xFFFFFFFF;
	(pc) =	sbr.abs _section_cstart, $3  }
0xc3: {  	[dreg:$0x1] =	wrdreg $0xFFFFFFFF  }
0xc4: {  	_ =	task.clear_ibuf [dreg:s9], $0x2FFFF;
	_ =	strace $0x9FFFFFFF  }
0xc5: {  	(tm) =	ssettm $0x7FFFFFFF  }
tec
execute0_lowered:
.L_overlay_start_1:
0x0: {  	(tag) =	ssettag $0x1  }
0x1: {  	s1 =	rddreg [dreg:$0x0]  }
0x2: {  	s2 =	srdreg.scid;
	s3 =	rddreg [dreg:$0x1]  }
0x3: {  	s0 =	stileid.u32;
	s4 =	rddreg [dreg:$0x2];
	s6 =	simm.s32 $0x0  }
0x4: {  	s11 =	simm.s32 $0x5;
	s12 =	simm.s32 $0x8000;
	s13 =	simm.s32 $0x8200  }
0x5: {  	s14 =	simm.s32 $0x1;
	s7 =	sand.u32 $0x1, s2;
	s30 =	sshll.u32 s0, $0x1  }
0x6: {  	s15 =	simm.s32 $0x4000;
	s16 =	simm.s32 $0x8400;
	s2 =	sor.u32 s7, s30  }
0x7: {  	s17 =	simm.s32 $0x2;
	s18 =	simm.s32 $0x10400;
	s5 =	smul.u32 $0x6400, s2  }
.Ltmp0:
0x8: {  	s19 =	simm.s32 $0x3;
	s20 =	simm.s32 $0x4;
	(pc) =	sbr.rel .LBB2_1-.Ltmp0, $4  }
0x9: {  	s21 =	simm.s32 $0x0;
	[smem:$0x7FF] =	sst s6;
	s8 =	ssub.s32 $0x2, s7  }
0xa: {  	s2 =	rddreg [dreg:$0x3];
	s9 =	sshrl.u32 s8, $0x1;
	s31 =	sshrl.u32 s5, $0x3  }
0xb: {  	v0 =	vimm.f32 $0.0e+00;
	v1 =	vlaneseq.u32;
	_ =	strace $0x80000047;
	s10 =	ssub.s32 s8, s9;
	s7 =	sadd.s32 s1, s31  }
0xc: {  	v2 =	vor.u32 $0x10, v1;
	v3 =	vor.u32 $0x20, v1;
	v4 =	vor.u32 $0x30, v1;
	s9 =	sadd.s32 $0x6200, s5;
	s10 =	smax.u32 s10, $0x1;
	s8 =	sadd.s32 $0x40, s7  }
.LBB2_12:
0xd: {  	s21 =	sadd.s32 $0x1, s21  }
0xe: {  	_ =	swait.ge [sflag:s19], $0x8000;
	p0 =	sne.s32 s21, s10  }
.Ltmp1:
0xf: {  	[sflag:s19] =	ssyncset.done $0x0;
	(pc) =	sbr.rel @!p0 .LBB2_13-.Ltmp1, $4  }
0x10: {  	[sflag:s19] =	ssyncadd.s32 $0xFFFF8000  }
0x11: {  	_ =	swait.ge [sflag:s20], $0x8000  }
0x12: {  	[sflag:s20] =	ssyncset.done $0x0  }
0x13: {  	[sflag:s20] =	ssyncadd.s32 $0xFFFF8000  }
.LBB2_1:
0x14: {  	[tilespmem:s6], [sflag:$0x5] =	stream.linear.gather [hbm4b:s3+s6], $0x4000, $0x38;
	[tilespmem:$0x18400] =	vst v63  }
0x15: {  	_ =	swait.ge [sflag:s11], $0x4000  }
0x16: {  	[sflag:s11] =	ssyncset.done $0x0  }
0x17: {  	s24 =	simm.s32 $0x40;
	[sflag:s11] =	ssyncadd.s32 $0xFFFFC000  }
0x18: {  	v10 =	vld [tilespmem:s24+$0x30]  }
0x19: {  	v11 =	vld [tilespmem:s24+$0xFFFFFFF0]  }
0x1a: {  	v7 =	vld [tilespmem:s24+$0xFFFFFFC0]  }
0x1b: {  	v5 =	vld [tilespmem:s24+$0x10]  }
0x1c: {  	v9 =	vld [tilespmem:s24+$0xFFFFFFD0]  }
0x1d: {  	v6 =	vld [tilespmem:s24+$0x20]  }
0x1e: {  	v8 =	vld [tilespmem:s24+$0xFFFFFFE0];
	v11 =	vsub.f32 v10, v11  }
0x1f: {  	s22 =	simm.s32 $0x4020;
	s23 =	simm.s32 $0x0;
	v10 =	vld [tilespmem:s24+$0x0];
	s24 =	simm.s32 $0x80  }
.LBB2_2:
0x20: {  	v12 =	vld [tilespmem:s24+$0x30];
	[tilespmem:s22+$0x10] =	vst v11  }
0x21: {  	s23 =	sadd.s32 $0x4, s23;
	v11 =	vld [tilespmem:s24+$0xFFFFFFF0];
	v9 =	vsub.f32 v5, v9  }
0x22: {  	p0 =	slt.u32 s23, $0x3F8;
	v13 =	vld [tilespmem:s24+$0xFFFFFFC0]  }
.Ltmp2:
0x23: {  	v5 =	vld [tilespmem:s24+$0x10];
	[tilespmem:s22+$0xFFFFFFF0] =	vst v9;
	v8 =	vsub.f32 v6, v8;
	(pc) =	sbr.rel @p0 .LBB2_2-.Ltmp2, $4  }
0x24: {  	v9 =	vld [tilespmem:s24+$0xFFFFFFD0];
	v14 =	vsub.f32 v10, v7  }
0x25: {  	v6 =	vld [tilespmem:s24+$0x20];
	[tilespmem:s22+$0x0] =	vst v8  }
0x26: {  	v8 =	vld [tilespmem:s24+$0xFFFFFFE0];
	v11 =	vsub.f32 v12, v11;
	[tilespmem:s22+$0xFFFFFFE0] =	vst v14  }
0x27: {  	s22 =	sadd.s32 $0x40, s22;
	v10 =	vld [tilespmem:s24+$0x0];
	s24 =	sadd.s32 $0x40, s24;
	v7 =	vmov v13  }
0x28: {  	_ =	sdelay $0x1  }
0x29: {  	v5 =	vsub.f32 v5, v9  }
0x2a: {  	[tilespmem:s22+$0x10] =	vst v11;
	v6 =	vsub.f32 v6, v8  }
0x2b: {  	[tilespmem:s22+$0xFFFFFFF0] =	vst v5;
	v5 =	vsub.f32 v10, v7  }
0x2c: {  	[tilespmem:s22+$0x0] =	vst v6  }
0x2d: {  	[tilespmem:s22+$0xFFFFFFE0] =	vst v5  }
0x2e: {  	[tilespmem:$0x7FC0] =	vst v0  }
0x2f: {  	[tilespmem:$0x7FD0] =	vst v0  }
0x30: {  	[tilespmem:$0x7FE0] =	vst v0  }
0x31: {  	s22 =	simm.s32 $0x0;
	[tilespmem:$0x7FF0] =	vst v0  }
0x32: {  	[tilespmem:s12], [sflag:$0x1] =	stream.linear.gather [hbm4b:s7+s22], $0x200, $0x38;
	[tilespmem:$0x18400] =	vst v63  }
0x33: {  	_ = 	snop  }
0x34: {  	[tilespmem:s13], [sflag:$0x2] =	stream.linear.gather [hbm4b:s8+s22], $0x200, $0x38;
	[tilespmem:$0x18400] =	vst v63  }
.LBB2_4:
0x35: {  	p0 =	seq.s32 s22, $0x0  }
0x36: {  	s23 =	simm.s32 @!p0 $0x3  }
0x37: {  	_ =	swait.ge @!p0 [sflag:s23], $0x8000  }
0x38: {  	[sflag:s23] =	ssyncset.done @!p0 $0x0  }
0x39: {  	[sflag:s23] =	ssyncadd.s32 @!p0 $0xFFFF8000  }
0x3a: {  	_ =	swait.ge [sflag:s14], $0x200  }
0x3b: {  	s23 =	sshll.u32 s22, $0xA;
	[sflag:s14] =	ssyncset.done $0x0  }
0x3c: {  	s25 =	simm.s32 $0x0;
	s24 =	sadd.s32 s5, s23;
	[sflag:s14] =	ssyncadd.s32 $0xFFFFFE00  }
.LBB2_5:
0x3d: {  	s26 =	sshll.u32 s25, $0x4  }
0x3e: {  	s26 =	sand.u32 $0x3FFFFFF0, s26  }
0x3f: {  	v5 =	vld [tilespmem:s26+$0x8000];
	_ =	sdelay $0x4  }
0x40: {  	v6 =	vtrunc.f32 v5  }
0x41: {  	v6 =	vcvt.f32.s32 v6;
	_ =	sdelay $0x1  }
0x42: {  	v8 =	vshll.u32 v6, $0x6  }
0x43: {  	v7 =	vbroadcast v8, $0x0;
	_ =	sdelay $0x1  }
0x44: {  	v9 =	vor.u32 v1, v7  }
0x45: {  	v10 =	vor.u32 v2, v7;
	_ =	sdelay $0x2  }
0x46: {  	v11 =	vor.u32 v3, v7  }
0x47: {  	v13 =	vor.u32 v4, v7;
	v12 =	vld.idx.msk [tilespmem:v9+s6+$0x0], $0xffff  }
0x48: {  	v6 =	vcvt.s32.f32 v6;
	v14 =	vld.idx.msk [tilespmem:v10+s6+$0x0], $0xffff  }
0x49: {  	v9 =	vld.idx.msk [tilespmem:v9+s15+$0x0], $0xffff  }
0x4a: {  	v7 =	vsub.f32 v5, v6;
	v5 =	vld.idx.msk [tilespmem:v10+s15+$0x0], $0xffff  }
0x4b: {  	v6 =	vld.idx.msk [tilespmem:v11+s15+$0x0], $0xffff  }
0x4c: {  	v22 =	vbroadcast v7, $0x0;
	v15 =	vld.idx.msk [tilespmem:v13+s15+$0x0], $0xffff  }
0x4d: {  	v11 =	vld.idx.msk [tilespmem:v11+s6+$0x0], $0xffff  }
0x4e: {  	v13 =	vld.idx.msk [tilespmem:v13+s6+$0x0], $0xffff;
	v9 =	vmul.f32 v9, v22  }
0x4f: {  	v16 =	vbroadcast v8, $0x1;
	v5 =	vmul.f32 v5, v22  }
0x50: {  	s29 =	sshll.u32 s25, $0xA;
	v6 =	vmul.f32 v6, v22;
	v9 =	vadd.f32 v9, v12  }
0x51: {  	s28 =	sand.u32 $0x3FFFFC00, s29;
	v23 =	vor.u32 v1, v16;
	v10 =	vmul.f32 v15, v22;
	v5 =	vadd.f32 v5, v14  }
0x52: {  	v24 =	vor.u32 v2, v16;
	v6 =	vadd.f32 v6, v11;
	[tilespmem:s28+$0x8400] =	vst v9  }
0x53: {  	[tilespmem:s28+$0x8410] =	vst v5;
	v5 =	vadd.f32 v10, v13  }
0x54: {  	[tilespmem:s28+$0x8420] =	vst v6  }
0x55: {  	v25 =	vor.u32 v4, v16;
	[tilespmem:s28+$0x8430] =	vst v5  }
0x56: {  	v5 =	vor.u32 v3, v16;
	v6 =	vld.idx.msk [tilespmem:v23+s6+$0x0], $0xffff  }
0x57: {  	v26 =	vld.idx.msk [tilespmem:v24+s6+$0x0], $0xffff  }
0x58: {  	v12 =	vld.idx.msk [tilespmem:v23+s15+$0x0], $0xffff  }
0x59: {  	v9 =	vld.idx.msk [tilespmem:v24+s15+$0x0], $0xffff  }
0x5a: {  	v29 =	vld.idx.msk [tilespmem:v25+s15+$0x0], $0xffff  }
0x5b: {  	v28 =	vbroadcast v7, $0x1;
	v27 =	vld.idx.msk [tilespmem:v5+s15+$0x0], $0xffff  }
0x5c: {  	v10 =	vld.idx.msk [tilespmem:v25+s6+$0x0], $0xffff  }
0x5d: {  	v5 =	vld.idx.msk [tilespmem:v5+s6+$0x0], $0xffff;
	v12 =	vmul.f32 v12, v28  }
0x5e: {  	v30 =	vbroadcast v8, $0x2;
	v9 =	vmul.f32 v9, v28  }
0x5f: {  	v32 =	vmul.f32 v29, v28;
	v6 =	vadd.f32 v12, v6  }
0x60: {  	v33 =	vor.u32 v1, v30;
	v9 =	vadd.f32 v9, v26;
	v31 =	vmul.f32 v27, v28  }
0x61: {  	v34 =	vadd.f32 v32, v10;
	[tilespmem:s28+$0x8440] =	vst v6;
	v6 =	vor.u32 v2, v30  }
0x62: {  	[tilespmem:s28+$0x8450] =	vst v9;
	v5 =	vadd.f32 v31, v5  }
0x63: {  	[tilespmem:s28+$0x8470] =	vst v34  }
0x64: {  	v35 =	vor.u32 v4, v30;
	[tilespmem:s28+$0x8460] =	vst v5  }
0x65: {  	v5 =	vor.u32 v3, v30;
	v9 =	vld.idx.msk [tilespmem:v33+s6+$0x0], $0xffff  }
0x66: {  	v36 =	vld.idx.msk [tilespmem:v6+s6+$0x0], $0xffff  }
0x67: {  	v6 =	vld.idx.msk [tilespmem:v6+s15+$0x0], $0xffff  }
0x68: {  	v37 =	vld.idx.msk [tilespmem:v33+s15+$0x0], $0xffff  }
0x69: {  	v40 =	vld.idx.msk [tilespmem:v35+s15+$0x0], $0xffff  }
0x6a: {  	v39 =	vbroadcast v7, $0x2;
	v38 =	vld.idx.msk [tilespmem:v5+s15+$0x0], $0xffff  }
0x6b: {  	v10 =	vld.idx.msk [tilespmem:v35+s6+$0x0], $0xffff  }
0x6c: {  	v5 =	vld.idx.msk [tilespmem:v5+s6+$0x0], $0xffff;
	v6 =	vmul.f32 v6, v39  }
0x6d: {  	v41 =	vbroadcast v8, $0x3;
	v12 =	vmul.f32 v37, v39  }
0x6e: {  	v43 =	vmul.f32 v40, v39;
	v6 =	vadd.f32 v6, v36  }
0x6f: {  	v44 =	vor.u32 v1, v41;
	v9 =	vadd.f32 v12, v9;
	v42 =	vmul.f32 v38, v39  }
0x70: {  	v45 =	vor.u32 v2, v41;
	[tilespmem:s28+$0x8490] =	vst v6;
	v6 =	vadd.f32 v43, v10  }
0x71: {  	[tilespmem:s28+$0x8480] =	vst v9;
	v5 =	vadd.f32 v42, v5  }
0x72: {  	[tilespmem:s28+$0x84B0] =	vst v6  }
0x73: {  	v46 =	vor.u32 v4, v41;
	[tilespmem:s28+$0x84A0] =	vst v5  }
0x74: {  	v5 =	vor.u32 v3, v41;
	v6 =	vld.idx.msk [tilespmem:v44+s6+$0x0], $0xffff  }
0x75: {  	v47 =	vld.idx.msk [tilespmem:v45+s6+$0x0], $0xffff  }
0x76: {  	v48 =	vld.idx.msk [tilespmem:v44+s15+$0x0], $0xffff  }
0x77: {  	v9 =	vld.idx.msk [tilespmem:v45+s15+$0x0], $0xffff  }
0x78: {  	v51 =	vld.idx.msk [tilespmem:v46+s15+$0x0], $0xffff  }
0x79: {  	v50 =	vbroadcast v7, $0x3;
	v49 =	vld.idx.msk [tilespmem:v5+s15+$0x0], $0xffff  }
0x7a: {  	v10 =	vld.idx.msk [tilespmem:v46+s6+$0x0], $0xffff  }
0x7b: {  	v5 =	vld.idx.msk [tilespmem:v5+s6+$0x0], $0xffff;
	v12 =	vmul.f32 v48, v50  }
0x7c: {  	v52 =	vbroadcast v8, $0x4;
	v9 =	vmul.f32 v9, v50  }
0x7d: {  	v54 =	vmul.f32 v51, v50;
	v6 =	vadd.f32 v12, v6  }
0x7e: {  	v55 =	vor.u32 v1, v52;
	v9 =	vadd.f32 v9, v47;
	v53 =	vmul.f32 v49, v50  }
0x7f: {  	v56 =	vadd.f32 v54, v10;
	[tilespmem:s28+$0x84C0] =	vst v6;
	v6 =	vor.u32 v2, v52  }
0x80: {  	[tilespmem:s28+$0x84D0] =	vst v9;
	v5 =	vadd.f32 v53, v5  }
0x81: {  	[tilespmem:s28+$0x84F0] =	vst v56  }
0x82: {  	v57 =	vor.u32 v4, v52;
	[tilespmem:s28+$0x84E0] =	vst v5  }
0x83: {  	v5 =	vor.u32 v3, v52;
	v9 =	vld.idx.msk [tilespmem:v55+s6+$0x0], $0xffff  }
0x84: {  	v58 =	vld.idx.msk [tilespmem:v6+s6+$0x0], $0xffff  }
0x85: {  	v6 =	vld.idx.msk [tilespmem:v6+s15+$0x0], $0xffff  }
0x86: {  	v59 =	vld.idx.msk [tilespmem:v55+s15+$0x0], $0xffff  }
0x87: {  	v62 =	vld.idx.msk [tilespmem:v57+s15+$0x0], $0xffff  }
0x88: {  	v61 =	vbroadcast v7, $0x4;
	v60 =	vld.idx.msk [tilespmem:v5+s15+$0x0], $0xffff  }
0x89: {  	v10 =	vld.idx.msk [tilespmem:v57+s6+$0x0], $0xffff  }
0x8a: {  	v5 =	vld.idx.msk [tilespmem:v5+s6+$0x0], $0xffff;
	v6 =	vmul.f32 v6, v61  }
0x8b: {  	v63 =	vbroadcast v8, $0x5;
	v12 =	vmul.f32 v59, v61  }
0x8c: {  	v21 =	vmul.f32 v62, v61;
	v6 =	vadd.f32 v6, v58  }
0x8d: {  	v22 =	vor.u32 v1, v63;
	v9 =	vadd.f32 v12, v9;
	v20 =	vmul.f32 v60, v61  }
0x8e: {  	v23 =	vor.u32 v2, v63;
	[tilespmem:s28+$0x8510] =	vst v6;
	v6 =	vadd.f32 v21, v10  }
0x8f: {  	[tilespmem:s28+$0x8500] =	vst v9;
	v5 =	vadd.f32 v20, v5  }
0x90: {  	[tilespmem:s28+$0x8530] =	vst v6  }
0x91: {  	v24 =	vor.u32 v4, v63;
	[tilespmem:s28+$0x8520] =	vst v5  }
0x92: {  	v5 =	vor.u32 v3, v63;
	v6 =	vld.idx.msk [tilespmem:v22+s6+$0x0], $0xffff  }
0x93: {  	v25 =	vld.idx.msk [tilespmem:v23+s6+$0x0], $0xffff  }
0x94: {  	v26 =	vld.idx.msk [tilespmem:v22+s15+$0x0], $0xffff  }
0x95: {  	v9 =	vld.idx.msk [tilespmem:v23+s15+$0x0], $0xffff  }
0x96: {  	v29 =	vld.idx.msk [tilespmem:v24+s15+$0x0], $0xffff  }
0x97: {  	v28 =	vbroadcast v7, $0x5;
	v27 =	vld.idx.msk [tilespmem:v5+s15+$0x0], $0xffff  }
0x98: {  	v10 =	vld.idx.msk [tilespmem:v24+s6+$0x0], $0xffff  }
0x99: {  	v5 =	vld.idx.msk [tilespmem:v5+s6+$0x0], $0xffff;
	v12 =	vmul.f32 v26, v28  }
0x9a: {  	v30 =	vbroadcast v8, $0x6;
	v9 =	vmul.f32 v9, v28  }
0x9b: {  	v32 =	vmul.f32 v29, v28;
	v6 =	vadd.f32 v12, v6  }
0x9c: {  	v33 =	vor.u32 v1, v30;
	v9 =	vadd.f32 v9, v25;
	v31 =	vmul.f32 v27, v28  }
0x9d: {  	v34 =	vadd.f32 v32, v10;
	[tilespmem:s28+$0x8540] =	vst v6;
	v6 =	vor.u32 v2, v30  }
0x9e: {  	[tilespmem:s28+$0x8550] =	vst v9;
	v5 =	vadd.f32 v31, v5  }
0x9f: {  	[tilespmem:s28+$0x8570] =	vst v34  }
0xa0: {  	v35 =	vor.u32 v4, v30;
	[tilespmem:s28+$0x8560] =	vst v5  }
0xa1: {  	v5 =	vor.u32 v3, v30;
	v9 =	vld.idx.msk [tilespmem:v33+s6+$0x0], $0xffff  }
0xa2: {  	v36 =	vld.idx.msk [tilespmem:v6+s6+$0x0], $0xffff  }
0xa3: {  	v6 =	vld.idx.msk [tilespmem:v6+s15+$0x0], $0xffff  }
0xa4: {  	v37 =	vld.idx.msk [tilespmem:v33+s15+$0x0], $0xffff  }
0xa5: {  	v40 =	vld.idx.msk [tilespmem:v35+s15+$0x0], $0xffff  }
0xa6: {  	v39 =	vbroadcast v7, $0x6;
	v38 =	vld.idx.msk [tilespmem:v5+s15+$0x0], $0xffff  }
0xa7: {  	v10 =	vld.idx.msk [tilespmem:v35+s6+$0x0], $0xffff  }
0xa8: {  	v5 =	vld.idx.msk [tilespmem:v5+s6+$0x0], $0xffff;
	v6 =	vmul.f32 v6, v39  }
0xa9: {  	v41 =	vbroadcast v8, $0x7;
	v12 =	vmul.f32 v37, v39  }
0xaa: {  	v43 =	vmul.f32 v40, v39;
	v6 =	vadd.f32 v6, v36  }
0xab: {  	v44 =	vor.u32 v1, v41;
	v9 =	vadd.f32 v12, v9;
	v42 =	vmul.f32 v38, v39  }
0xac: {  	v45 =	vor.u32 v2, v41;
	[tilespmem:s28+$0x8590] =	vst v6;
	v6 =	vadd.f32 v43, v10  }
0xad: {  	[tilespmem:s28+$0x8580] =	vst v9;
	v5 =	vadd.f32 v42, v5  }
0xae: {  	[tilespmem:s28+$0x85B0] =	vst v6  }
0xaf: {  	v46 =	vor.u32 v4, v41;
	[tilespmem:s28+$0x85A0] =	vst v5  }
0xb0: {  	v5 =	vor.u32 v3, v41;
	v6 =	vld.idx.msk [tilespmem:v44+s6+$0x0], $0xffff  }
0xb1: {  	v47 =	vld.idx.msk [tilespmem:v45+s6+$0x0], $0xffff  }
0xb2: {  	v48 =	vld.idx.msk [tilespmem:v44+s15+$0x0], $0xffff  }
0xb3: {  	v9 =	vld.idx.msk [tilespmem:v45+s15+$0x0], $0xffff  }
0xb4: {  	v51 =	vld.idx.msk [tilespmem:v46+s15+$0x0], $0xffff  }
0xb5: {  	v50 =	vbroadcast v7, $0x7;
	v49 =	vld.idx.msk [tilespmem:v5+s15+$0x0], $0xffff  }
0xb6: {  	v10 =	vld.idx.msk [tilespmem:v46+s6+$0x0], $0xffff  }
0xb7: {  	v5 =	vld.idx.msk [tilespmem:v5+s6+$0x0], $0xffff;
	v12 =	vmul.f32 v48, v50  }
0xb8: {  	v52 =	vbroadcast v8, $0x8;
	v9 =	vmul.f32 v9, v50  }
0xb9: {  	v54 =	vmul.f32 v51, v50;
	v6 =	vadd.f32 v12, v6  }
0xba: {  	v55 =	vor.u32 v1, v52;
	v9 =	vadd.f32 v9, v47;
	v53 =	vmul.f32 v49, v50  }
0xbb: {  	v56 =	vadd.f32 v54, v10;
	[tilespmem:s28+$0x85C0] =	vst v6;
	v6 =	vor.u32 v2, v52  }
0xbc: {  	[tilespmem:s28+$0x85D0] =	vst v9;
	v5 =	vadd.f32 v53, v5  }
0xbd: {  	[tilespmem:s28+$0x85F0] =	vst v56  }
0xbe: {  	v57 =	vor.u32 v4, v52;
	[tilespmem:s28+$0x85E0] =	vst v5  }
0xbf: {  	v5 =	vor.u32 v3, v52;
	v9 =	vld.idx.msk [tilespmem:v55+s6+$0x0], $0xffff  }
0xc0: {  	v58 =	vld.idx.msk [tilespmem:v6+s6+$0x0], $0xffff  }
0xc1: {  	v6 =	vld.idx.msk [tilespmem:v6+s15+$0x0], $0xffff  }
0xc2: {  	v59 =	vld.idx.msk [tilespmem:v55+s15+$0x0], $0xffff  }
0xc3: {  	v62 =	vld.idx.msk [tilespmem:v57+s15+$0x0], $0xffff  }
0xc4: {  	v61 =	vbroadcast v7, $0x8;
	v60 =	vld.idx.msk [tilespmem:v5+s15+$0x0], $0xffff  }
0xc5: {  	v10 =	vld.idx.msk [tilespmem:v57+s6+$0x0], $0xffff  }
0xc6: {  	v5 =	vld.idx.msk [tilespmem:v5+s6+$0x0], $0xffff;
	v6 =	vmul.f32 v6, v61  }
0xc7: {  	v63 =	vbroadcast v8, $0x9;
	v12 =	vmul.f32 v59, v61  }
0xc8: {  	v19 =	vmul.f32 v62, v61;
	v6 =	vadd.f32 v6, v58  }
0xc9: {  	v20 =	vor.u32 v1, v63;
	v9 =	vadd.f32 v12, v9;
	v18 =	vmul.f32 v60, v61  }
0xca: {  	v21 =	vor.u32 v2, v63;
	[tilespmem:s28+$0x8610] =	vst v6;
	v6 =	vadd.f32 v19, v10  }
0xcb: {  	[tilespmem:s28+$0x8600] =	vst v9;
	v5 =	vadd.f32 v18, v5  }
0xcc: {  	[tilespmem:s28+$0x8630] =	vst v6  }
0xcd: {  	v22 =	vor.u32 v4, v63;
	[tilespmem:s28+$0x8620] =	vst v5  }
0xce: {  	v5 =	vor.u32 v3, v63;
	v6 =	vld.idx.msk [tilespmem:v20+s6+$0x0], $0xffff  }
0xcf: {  	v23 =	vld.idx.msk [tilespmem:v21+s6+$0x0], $0xffff  }
0xd0: {  	v24 =	vld.idx.msk [tilespmem:v20+s15+$0x0], $0xffff  }
0xd1: {  	v9 =	vld.idx.msk [tilespmem:v21+s15+$0x0], $0xffff  }
0xd2: {  	v27 =	vld.idx.msk [tilespmem:v22+s15+$0x0], $0xffff  }
0xd3: {  	v26 =	vbroadcast v7, $0x9;
	v25 =	vld.idx.msk [tilespmem:v5+s15+$0x0], $0xffff  }
0xd4: {  	v10 =	vld.idx.msk [tilespmem:v22+s6+$0x0], $0xffff  }
0xd5: {  	v5 =	vld.idx.msk [tilespmem:v5+s6+$0x0], $0xffff;
	v12 =	vmul.f32 v24, v26  }
0xd6: {  	v28 =	vbroadcast v8, $0xA;
	v9 =	vmul.f32 v9, v26  }
0xd7: {  	v30 =	vmul.f32 v27, v26;
	v6 =	vadd.f32 v12, v6  }
0xd8: {  	v31 =	vor.u32 v1, v28;
	v9 =	vadd.f32 v9, v23;
	v29 =	vmul.f32 v25, v26  }
0xd9: {  	v32 =	vadd.f32 v30, v10;
	[tilespmem:s28+$0x8640] =	vst v6;
	v6 =	vor.u32 v2, v28  }
0xda: {  	[tilespmem:s28+$0x8650] =	vst v9;
	v5 =	vadd.f32 v29, v5  }
0xdb: {  	[tilespmem:s28+$0x8670] =	vst v32  }
0xdc: {  	v33 =	vor.u32 v4, v28;
	[tilespmem:s28+$0x8660] =	vst v5  }
0xdd: {  	v5 =	vor.u32 v3, v28;
	v9 =	vld.idx.msk [tilespmem:v31+s6+$0x0], $0xffff  }
0xde: {  	v34 =	vld.idx.msk [tilespmem:v6+s6+$0x0], $0xffff  }
0xdf: {  	v6 =	vld.idx.msk [tilespmem:v6+s15+$0x0], $0xffff  }
0xe0: {  	v35 =	vld.idx.msk [tilespmem:v31+s15+$0x0], $0xffff  }
0xe1: {  	v38 =	vld.idx.msk [tilespmem:v33+s15+$0x0], $0xffff  }
0xe2: {  	v37 =	vbroadcast v7, $0xA;
	v36 =	vld.idx.msk [tilespmem:v5+s15+$0x0], $0xffff  }
0xe3: {  	v10 =	vld.idx.msk [tilespmem:v33+s6+$0x0], $0xffff  }
0xe4: {  	v5 =	vld.idx.msk [tilespmem:v5+s6+$0x0], $0xffff;
	v6 =	vmul.f32 v6, v37  }
0xe5: {  	v39 =	vbroadcast v8, $0xB;
	v12 =	vmul.f32 v35, v37  }
0xe6: {  	v41 =	vmul.f32 v38, v37;
	v6 =	vadd.f32 v6, v34  }
0xe7: {  	v42 =	vor.u32 v1, v39;
	v9 =	vadd.f32 v12, v9;
	v40 =	vmul.f32 v36, v37  }
0xe8: {  	s30 =	sor.u32 $0x1, s25;
	v43 =	vor.u32 v2, v39;
	[tilespmem:s28+$0x8690] =	vst v6;
	v6 =	vadd.f32 v41, v10  }
0xe9: {  	s29 =	sshll.u32 s30, $0x4;
	[tilespmem:s28+$0x8680] =	vst v9;
	v5 =	vadd.f32 v40, v5  }
0xea: {  	s29 =	sand.u32 $0x3FFFFFF0, s29;
	[tilespmem:s28+$0x86B0] =	vst v6  }
0xeb: {  	v44 =	vor.u32 v3, v39;
	v49 =	vld [tilespmem:s29+$0x8000];
	[tilespmem:s28+$0x86A0] =	vst v5  }
0xec: {  	v45 =	vor.u32 v4, v39;
	v5 =	vld.idx.msk [tilespmem:v42+s6+$0x0], $0xffff  }
0xed: {  	v6 =	vld.idx.msk [tilespmem:v43+s6+$0x0], $0xffff  }
0xee: {  	v13 =	vld.idx.msk [tilespmem:v42+s15+$0x0], $0xffff  }
0xef: {  	v9 =	vld.idx.msk [tilespmem:v43+s15+$0x0], $0xffff  }
0xf0: {  	v10 =	vld.idx.msk [tilespmem:v44+s15+$0x0], $0xffff  }
0xf1: {  	v47 =	vbroadcast v7, $0xB;
	v48 =	vld.idx.msk [tilespmem:v45+s15+$0x0], $0xffff  }
0xf2: {  	v46 =	vld.idx.msk [tilespmem:v44+s6+$0x0], $0xffff  }
0xf3: {  	v11 =	vld.idx.msk [tilespmem:v45+s6+$0x0], $0xffff;
	v13 =	vmul.f32 v13, v47  }
0xf4: {  	v17 =	vbroadcast v8, $0xC;
	v9 =	vmul.f32 v9, v47  }
0xf5: {  	v10 =	vmul.f32 v10, v47;
	v5 =	vadd.f32 v13, v5  }
0xf6: {  	v51 =	vor.u32 v1, v17;
	v50 =	vmul.f32 v48, v47;
	v6 =	vadd.f32 v9, v6  }
0xf7: {  	v52 =	vor.u32 v2, v17;
	[tilespmem:s28+$0x86C0] =	vst v5;
	v5 =	vadd.f32 v10, v46  }
0xf8: {  	v53 =	vor.u32 v3, v17;
	v54 =	vtrunc.f32 v49;
	[tilespmem:s28+$0x86D0] =	vst v6;
	v6 =	vadd.f32 v50, v11  }
0xf9: {  	v11 =	vcvt.f32.s32 v54;
	[tilespmem:s28+$0x86E0] =	vst v5  }
0xfa: {  	[tilespmem:s28+$0x86F0] =	vst v6  }
0xfb: {  	v6 =	vshll.u32 v11, $0x6;
	v55 =	vld.idx.msk [tilespmem:v51+s6+$0x0], $0xffff  }
0xfc: {  	v5 =	vor.u32 v4, v17;
	v56 =	vld.idx.msk [tilespmem:v52+s6+$0x0], $0xffff;
	v57 =	vbroadcast v6, $0x0  }
0xfd: {  	v58 =	vld.idx.msk [tilespmem:v53+s6+$0x0], $0xffff  }
0xfe: {  	v13 =	vld.idx.msk [tilespmem:v51+s15+$0x0], $0xffff;
	v19 =	vor.u32 v1, v57  }
0xff: {  	v10 =	vld.idx.msk [tilespmem:v52+s15+$0x0], $0xffff;
	v20 =	vor.u32 v2, v57  }
0x100: {  	v9 =	vld.idx.msk [tilespmem:v53+s15+$0x0], $0xffff  }
0x101: {  	v18 =	vld.idx.msk [tilespmem:v5+s6+$0x0], $0xffff  }
0x102: {  	v22 =	vor.u32 v3, v57;
	v21 =	vld.idx.msk [tilespmem:v5+s15+$0x0], $0xffff  }
0x103: {  	v15 =	vor.u32 v4, v57;
	v23 =	vld.idx.msk [tilespmem:v19+s6+$0x0], $0xffff  }
0x104: {  	v24 =	vbroadcast v7, $0xC;
	v5 =	vcvt.s32.f32 v11;
	v59 =	vld.idx.msk [tilespmem:v20+s6+$0x0], $0xffff  }
0x105: {  	v19 =	vld.idx.msk [tilespmem:v19+s15+$0x0], $0xffff  }
0x106: {  	v13 =	vmul.f32 v13, v24;
	v5 =	vsub.f32 v49, v5;
	v60 =	vld.idx.msk [tilespmem:v20+s15+$0x0], $0xffff  }
0x107: {  	v10 =	vmul.f32 v10, v24;
	v61 =	vld.idx.msk [tilespmem:v22+s15+$0x0], $0xffff  }
0x108: {  	v9 =	vmul.f32 v9, v24;
	v12 =	vadd.f32 v13, v55;
	v25 =	vld.idx.msk [tilespmem:v15+s15+$0x0], $0xffff;
	v62 =	vbroadcast v5, $0x0  }
0x109: {  	v10 =	vadd.f32 v10, v56;
	v63 =	vmul.f32 v21, v24;
	v24 =	vld.idx.msk [tilespmem:v22+s6+$0x0], $0xffff  }
0x10a: {  	v26 =	vbroadcast v8, $0xD;
	v9 =	vadd.f32 v9, v58;
	v15 =	vld.idx.msk [tilespmem:v15+s6+$0x0], $0xffff;
	[tilespmem:s28+$0x8700] =	vst v12;
	v27 =	vmul.f32 v19, v62  }
0x10b: {  	v30 =	vbroadcast v6, $0x1;
	[tilespmem:s28+$0x8710] =	vst v10;
	v28 =	vadd.f32 v63, v18;
	v29 =	vmul.f32 v60, v62  }
0x10c: {  	s26 =	sshll.u32 s30, $0xA;
	v31 =	vor.u32 v1, v26;
	[tilespmem:s28+$0x8720] =	vst v9;
	v32 =	vmul.f32 v61, v62;
	v17 =	vadd.f32 v27, v23  }
0x10d: {  	s26 =	sand.u32 $0x3FFFFC00, s26;
	v35 =	vor.u32 v1, v30;
	v34 =	vmul.f32 v25, v62;
	[tilespmem:s28+$0x8730] =	vst v28;
	v33 =	vadd.f32 v29, v59  }
0x10e: {  	v37 =	vor.u32 v2, v30;
	v36 =	vadd.f32 v32, v24;
	[tilespmem:s26+$0x8400] =	vst v17  }
0x10f: {  	v38 =	vadd.f32 v34, v15;
	[tilespmem:s26+$0x8410] =	vst v33  }
0x110: {  	[tilespmem:s26+$0x8420] =	vst v36  }
0x111: {  	v40 =	vor.u32 v3, v30;
	v39 =	vld.idx.msk [tilespmem:v31+s6+$0x0], $0xffff;
	[tilespmem:s26+$0x8430] =	vst v38  }
0x112: {  	v41 =	vor.u32 v4, v30;
	v14 =	vld.idx.msk [tilespmem:v35+s6+$0x0], $0xffff  }
0x113: {  	v42 =	vld.idx.msk [tilespmem:v37+s6+$0x0], $0xffff  }
0x114: {  	v13 =	vld.idx.msk [tilespmem:v35+s15+$0x0], $0xffff  }
0x115: {  	v43 =	vor.u32 v2, v26;
	v17 =	vld.idx.msk [tilespmem:v37+s15+$0x0], $0xffff  }
0x116: {  	v44 =	vor.u32 v3, v26;
	v45 =	vld.idx.msk [tilespmem:v40+s15+$0x0], $0xffff  }
0x117: {  	v46 =	vbroadcast v5, $0x1;
	v12 =	vor.u32 v4, v26;
	v47 =	vld.idx.msk [tilespmem:v41+s15+$0x0], $0xffff  }
0x118: {  	v10 =	vld.idx.msk [tilespmem:v40+s6+$0x0], $0xffff  }
0x119: {  	v15 =	vld.idx.msk [tilespmem:v41+s6+$0x0], $0xffff;
	v13 =	vmul.f32 v13, v46  }
0x11a: {  	v49 =	vbroadcast v6, $0x2;
	v48 =	vld.idx.msk [tilespmem:v43+s6+$0x0], $0xffff;
	v17 =	vmul.f32 v17, v46  }
0x11b: {  	v50 =	vld.idx.msk [tilespmem:v44+s6+$0x0], $0xffff;
	v51 =	vmul.f32 v45, v46;
	v13 =	vadd.f32 v13, v14  }
0x11c: {  	v54 =	vor.u32 v1, v49;
	v52 =	vld.idx.msk [tilespmem:v12+s6+$0x0], $0xffff;
	v53 =	vmul.f32 v47, v46;
	v16 =	vadd.f32 v17, v42  }
0x11d: {  	v55 =	vor.u32 v2, v49;
	v9 =	vld.idx.msk [tilespmem:v31+s15+$0x0], $0xffff;
	v10 =	vadd.f32 v51, v10;
	[tilespmem:s26+$0x8440] =	vst v13  }
0x11e: {  	v56 =	vld.idx.msk [tilespmem:v43+s15+$0x0], $0xffff;
	v15 =	vadd.f32 v53, v15;
	[tilespmem:s26+$0x8450] =	vst v16  }
0x11f: {  	v57 =	vld.idx.msk [tilespmem:v44+s15+$0x0], $0xffff;
	[tilespmem:s26+$0x8460] =	vst v10  }
0x120: {  	v58 =	vld.idx.msk [tilespmem:v12+s15+$0x0], $0xffff;
	v59 =	vor.u32 v3, v49;
	[tilespmem:s26+$0x8470] =	vst v15  }
0x121: {  	v60 =	vor.u32 v4, v49;
	v15 =	vld.idx.msk [tilespmem:v54+s6+$0x0], $0xffff  }
0x122: {  	v61 =	vbroadcast v7, $0xD;
	v62 =	vld.idx.msk [tilespmem:v55+s6+$0x0], $0xffff  }
0x123: {  	v21 =	vld.idx.msk [tilespmem:v54+s15+$0x0], $0xffff  }
0x124: {  	v9 =	vmul.f32 v9, v61;
	v13 =	vld.idx.msk [tilespmem:v55+s15+$0x0], $0xffff  }
0x125: {  	v28 =	vmul.f32 v57, v61;
	v63 =	vld.idx.msk [tilespmem:v59+s15+$0x0], $0xffff  }
0x126: {  	v29 =	vbroadcast v5, $0x2;
	v9 =	vadd.f32 v9, v39;
	v14 =	vmul.f32 v56, v61;
	v24 =	vld.idx.msk [tilespmem:v60+s15+$0x0], $0xffff  }
0x127: {  	v30 =	vadd.f32 v28, v50;
	v10 =	vmul.f32 v58, v61;
	v12 =	vld.idx.msk [tilespmem:v59+s6+$0x0], $0xffff  }
0x128: {  	v31 =	vbroadcast v8, $0xE;
	[tilespmem:s28+$0x8740] =	vst v9;
	v14 =	vadd.f32 v14, v48;
	v17 =	vld.idx.msk [tilespmem:v60+s6+$0x0], $0xffff;
	v32 =	vmul.f32 v21, v29  }
0x129: {  	v33 =	vbroadcast v6, $0x3;
	[tilespmem:s28+$0x8760] =	vst v30;
	v10 =	vadd.f32 v10, v52;
	v13 =	vmul.f32 v13, v29  }
0x12a: {  	v34 =	vor.u32 v1, v31;
	[tilespmem:s28+$0x8750] =	vst v14;
	v35 =	vmul.f32 v63, v29;
	v15 =	vadd.f32 v32, v15  }
0x12b: {  	v38 =	vor.u32 v1, v33;
	[tilespmem:s28+$0x8770] =	vst v10;
	v37 =	vmul.f32 v24, v29;
	v36 =	vadd.f32 v13, v62  }
0x12c: {  	v39 =	vor.u32 v2, v33;
	v12 =	vadd.f32 v35, v12;
	[tilespmem:s26+$0x8480] =	vst v15  }
0x12d: {  	v40 =	vadd.f32 v37, v17;
	[tilespmem:s26+$0x8490] =	vst v36  }
0x12e: {  	[tilespmem:s26+$0x84A0] =	vst v12  }
0x12f: {  	v42 =	vor.u32 v3, v33;
	v41 =	vld.idx.msk [tilespmem:v34+s6+$0x0], $0xffff;
	[tilespmem:s26+$0x84B0] =	vst v40  }
0x130: {  	v14 =	vor.u32 v4, v33;
	v43 =	vld.idx.msk [tilespmem:v38+s6+$0x0], $0xffff  }
0x131: {  	v44 =	vld.idx.msk [tilespmem:v39+s6+$0x0], $0xffff  }
0x132: {  	v16 =	vld.idx.msk [tilespmem:v38+s15+$0x0], $0xffff  }
0x133: {  	v45 =	vor.u32 v2, v31;
	v15 =	vld.idx.msk [tilespmem:v39+s15+$0x0], $0xffff  }
0x134: {  	v46 =	vor.u32 v3, v31;
	v47 =	vld.idx.msk [tilespmem:v42+s15+$0x0], $0xffff  }
0x135: {  	v11 =	vor.u32 v4, v31;
	v48 =	vbroadcast v5, $0x3;
	v49 =	vld.idx.msk [tilespmem:v14+s15+$0x0], $0xffff  }
0x136: {  	v10 =	vld.idx.msk [tilespmem:v42+s6+$0x0], $0xffff  }
0x137: {  	v14 =	vld.idx.msk [tilespmem:v14+s6+$0x0], $0xffff;
	v16 =	vmul.f32 v16, v48  }
0x138: {  	v51 =	vbroadcast v6, $0x4;
	v50 =	vld.idx.msk [tilespmem:v45+s6+$0x0], $0xffff;
	v15 =	vmul.f32 v15, v48  }
0x139: {  	v52 =	vld.idx.msk [tilespmem:v46+s6+$0x0], $0xffff;
	v53 =	vmul.f32 v47, v48;
	v13 =	vadd.f32 v16, v43  }
0x13a: {  	v56 =	vor.u32 v1, v51;
	v54 =	vld.idx.msk [tilespmem:v11+s6+$0x0], $0xffff;
	v55 =	vmul.f32 v49, v48;
	v15 =	vadd.f32 v15, v44  }
0x13b: {  	v57 =	vor.u32 v2, v51;
	v9 =	vld.idx.msk [tilespmem:v34+s15+$0x0], $0xffff;
	v10 =	vadd.f32 v53, v10;
	[tilespmem:s26+$0x84C0] =	vst v13  }
0x13c: {  	v58 =	vld.idx.msk [tilespmem:v45+s15+$0x0], $0xffff;
	v14 =	vadd.f32 v55, v14;
	[tilespmem:s26+$0x84D0] =	vst v15  }
0x13d: {  	v59 =	vld.idx.msk [tilespmem:v46+s15+$0x0], $0xffff;
	[tilespmem:s26+$0x84E0] =	vst v10  }
0x13e: {  	v61 =	vor.u32 v3, v51;
	v60 =	vld.idx.msk [tilespmem:v11+s15+$0x0], $0xffff;
	[tilespmem:s26+$0x84F0] =	vst v14  }
0x13f: {  	v26 =	vor.u32 v4, v51;
	v63 =	vld.idx.msk [tilespmem:v56+s6+$0x0], $0xffff  }
0x140: {  	v62 =	vbroadcast v7, $0xE;
	v27 =	vld.idx.msk [tilespmem:v57+s6+$0x0], $0xffff  }
0x141: {  	v21 =	vld.idx.msk [tilespmem:v56+s15+$0x0], $0xffff  }
0x142: {  	v9 =	vmul.f32 v9, v62;
	v13 =	vld.idx.msk [tilespmem:v57+s15+$0x0], $0xffff  }
0x143: {  	v28 =	vmul.f32 v58, v62;
	v29 =	vld.idx.msk [tilespmem:v61+s15+$0x0], $0xffff  }
0x144: {  	v30 =	vbroadcast v5, $0x4;
	v9 =	vadd.f32 v9, v41;
	v15 =	vmul.f32 v59, v62;
	v31 =	vld.idx.msk [tilespmem:v26+s15+$0x0], $0xffff  }
0x145: {  	v8 =	vbroadcast v8, $0xF;
	v32 =	vadd.f32 v28, v50;
	v10 =	vmul.f32 v60, v62;
	v11 =	vld.idx.msk [tilespmem:v61+s6+$0x0], $0xffff  }
0x146: {  	v37 =	vbroadcast v6, $0x5;
	[tilespmem:s28+$0x8780] =	vst v9;
	v34 =	vld.idx.msk [tilespmem:v26+s6+$0x0], $0xffff;
	v33 =	vadd.f32 v15, v52;
	v35 =	vmul.f32 v21, v30  }
0x147: {  	v36 =	vor.u32 v1, v8;
	[tilespmem:s28+$0x8790] =	vst v32;
	v10 =	vadd.f32 v10, v54;
	v13 =	vmul.f32 v13, v30  }
0x148: {  	v38 =	vor.u32 v2, v8;
	[tilespmem:s28+$0x87A0] =	vst v33;
	v16 =	vmul.f32 v29, v30;
	v17 =	vadd.f32 v35, v63  }
0x149: {  	v41 =	vor.u32 v1, v37;
	[tilespmem:s28+$0x87B0] =	vst v10;
	v40 =	vmul.f32 v31, v30;
	v39 =	vadd.f32 v13, v27  }
0x14a: {  	v42 =	vor.u32 v2, v37;
	v11 =	vadd.f32 v16, v11;
	[tilespmem:s26+$0x8500] =	vst v17  }
0x14b: {  	v43 =	vadd.f32 v40, v34;
	[tilespmem:s26+$0x8510] =	vst v39  }
0x14c: {  	v44 =	vld.idx.msk [tilespmem:v36+s6+$0x0], $0xffff;
	[tilespmem:s26+$0x8520] =	vst v11  }
0x14d: {  	v46 =	vor.u32 v3, v37;
	v45 =	vld.idx.msk [tilespmem:v38+s6+$0x0], $0xffff;
	[tilespmem:s26+$0x8530] =	vst v43  }
0x14e: {  	v48 =	vor.u32 v4, v37;
	v47 =	vld.idx.msk [tilespmem:v41+s6+$0x0], $0xffff  }
0x14f: {  	v49 =	vld.idx.msk [tilespmem:v42+s6+$0x0], $0xffff  }
0x150: {  	v14 =	vld.idx.msk [tilespmem:v41+s15+$0x0], $0xffff  }
0x151: {  	v16 =	vld.idx.msk [tilespmem:v42+s15+$0x0], $0xffff  }
0x152: {  	v50 =	vld.idx.msk [tilespmem:v46+s15+$0x0], $0xffff  }
0x153: {  	v51 =	vor.u32 v3, v8;
	v52 =	vbroadcast v5, $0x5;
	v53 =	vld.idx.msk [tilespmem:v48+s15+$0x0], $0xffff  }
0x154: {  	v8 =	vor.u32 v4, v8;
	v10 =	vld.idx.msk [tilespmem:v46+s6+$0x0], $0xffff  }
0x155: {  	v17 =	vld.idx.msk [tilespmem:v48+s6+$0x0], $0xffff;
	v14 =	vmul.f32 v14, v52  }
0x156: {  	v54 =	vbroadcast v6, $0x6;
	v9 =	vld.idx.msk [tilespmem:v36+s15+$0x0], $0xffff;
	v16 =	vmul.f32 v16, v52  }
0x157: {  	v12 =	vld.idx.msk [tilespmem:v38+s15+$0x0], $0xffff;
	v55 =	vmul.f32 v50, v52;
	v14 =	vadd.f32 v14, v47  }
0x158: {  	v58 =	vor.u32 v1, v54;
	v56 =	vld.idx.msk [tilespmem:v51+s15+$0x0], $0xffff;
	v57 =	vmul.f32 v53, v52;
	v16 =	vadd.f32 v16, v49  }
0x159: {  	v7 =	vbroadcast v7, $0xF;
	v60 =	vor.u32 v2, v54;
	v59 =	vld.idx.msk [tilespmem:v8+s15+$0x0], $0xffff;
	v10 =	vadd.f32 v55, v10;
	[tilespmem:s26+$0x8540] =	vst v14  }
0x15a: {  	v61 =	vld.idx.msk [tilespmem:v51+s6+$0x0], $0xffff;
	v63 =	vor.u32 v3, v54;
	v62 =	vadd.f32 v57, v17;
	[tilespmem:s26+$0x8550] =	vst v16  }
0x15b: {  	v20 =	vor.u32 v4, v54;
	v8 =	vld.idx.msk [tilespmem:v8+s6+$0x0], $0xffff;
	v9 =	vmul.f32 v9, v7;
	[tilespmem:s26+$0x8560] =	vst v10  }
0x15c: {  	v12 =	vmul.f32 v12, v7;
	[tilespmem:s26+$0x8570] =	vst v62  }
0x15d: {  	v23 =	vmul.f32 v56, v7;
	v9 =	vadd.f32 v9, v44;
	v16 =	vld.idx.msk [tilespmem:v58+s6+$0x0], $0xffff  }
0x15e: {  	v7 =	vmul.f32 v59, v7;
	v11 =	vadd.f32 v12, v45;
	v24 =	vld.idx.msk [tilespmem:v60+s6+$0x0], $0xffff  }
0x15f: {  	v25 =	vadd.f32 v23, v61;
	[tilespmem:s28+$0x87C0] =	vst v9;
	v26 =	vld.idx.msk [tilespmem:v63+s6+$0x0], $0xffff  }
0x160: {  	v7 =	vadd.f32 v7, v8;
	[tilespmem:s28+$0x87D0] =	vst v11;
	v27 =	vld.idx.msk [tilespmem:v20+s6+$0x0], $0xffff  }
0x161: {  	[tilespmem:s28+$0x87E0] =	vst v25;
	v28 =	vld.idx.msk [tilespmem:v58+s15+$0x0], $0xffff  }
0x162: {  	[tilespmem:s28+$0x87F0] =	vst v7;
	v7 =	vld.idx.msk [tilespmem:v60+s15+$0x0], $0xffff  }
0x163: {  	v11 =	vld.idx.msk [tilespmem:v63+s15+$0x0], $0xffff  }
0x164: {  	v29 =	vbroadcast v5, $0x6;
	v10 =	vld.idx.msk [tilespmem:v20+s15+$0x0], $0xffff;
	_ =	sdelay $0x1  }
0x165: {  	v9 =	vmul.f32 v28, v29  }
0x166: {  	v30 =	vbroadcast v6, $0x7;
	v7 =	vmul.f32 v7, v29  }
0x167: {  	s31 =	sor.u32 $0x2, s25;
	v11 =	vmul.f32 v11, v29;
	v9 =	vadd.f32 v9, v16  }
0x168: {  	s30 =	sshll.u32 s31, $0x4;
	v33 =	vor.u32 v2, v30;
	v10 =	vmul.f32 v10, v29;
	v7 =	vadd.f32 v7, v24  }
0x169: {  	s29 =	sand.u32 $0x3FFFFFF0, s30;
	v32 =	vadd.f32 v11, v26;
	[tilespmem:s26+$0x8580] =	vst v9  }
0x16a: {  	v35 =	vld [tilespmem:s29+$0x8000];
	[tilespmem:s26+$0x8590] =	vst v7;
	v7 =	vadd.f32 v10, v27  }
0x16b: {  	[tilespmem:s26+$0x85A0] =	vst v32  }
0x16c: {  	[tilespmem:s26+$0x85B0] =	vst v7  }
0x16d: {  	v31 =	vor.u32 v1, v30;
	v8 =	vld.idx.msk [tilespmem:v33+s15+$0x0], $0xffff  }
0x16e: {  	v7 =	vor.u32 v3, v30  }
0x16f: {  	v40 =	vtrunc.f32 v35  }
0x170: {  	v38 =	vbroadcast v5, $0x7;
	v17 =	vcvt.f32.s32 v40;
	_ =	sdelay $0x1  }
0x171: {  	v12 =	vld.idx.msk [tilespmem:v31+s15+$0x0], $0xffff;
	v41 =	vmul.f32 v8, v38;
	v8 =	vshll.u32 v17, $0x6  }
0x172: {  	v34 =	vor.u32 v4, v30;
	v37 =	vld.idx.msk [tilespmem:v7+s15+$0x0], $0xffff;
	v44 =	vbroadcast v8, $0x0  }
0x173: {  	v9 =	vld.idx.msk [tilespmem:v31+s6+$0x0], $0xffff  }
0x174: {  	v7 =	vld.idx.msk [tilespmem:v7+s6+$0x0], $0xffff;
	v46 =	vor.u32 v1, v44  }
0x175: {  	v47 =	vor.u32 v2, v44  }
0x176: {  	v36 =	vld.idx.msk [tilespmem:v33+s6+$0x0], $0xffff;
	v12 =	vmul.f32 v12, v38  }
0x177: {  	v39 =	vld.idx.msk [tilespmem:v34+s15+$0x0], $0xffff;
	v43 =	vmul.f32 v37, v38  }
0x178: {  	v10 =	vld.idx.msk [tilespmem:v34+s6+$0x0], $0xffff;
	v9 =	vadd.f32 v12, v9;
	v48 =	vor.u32 v3, v44  }
0x179: {  	v14 =	vor.u32 v4, v44;
	v7 =	vadd.f32 v43, v7;
	v49 =	vld.idx.msk [tilespmem:v46+s6+$0x0], $0xffff  }
0x17a: {  	v42 =	vbroadcast v6, $0x8;
	[tilespmem:s26+$0x85C0] =	vst v9;
	v50 =	vld.idx.msk [tilespmem:v47+s6+$0x0], $0xffff  }
0x17b: {  	[tilespmem:s26+$0x85E0] =	vst v7;
	v7 =	vcvt.s32.f32 v17;
	v9 =	vld.idx.msk [tilespmem:v46+s15+$0x0], $0xffff  }
0x17c: {  	v45 =	vor.u32 v1, v42;
	v15 =	vmul.f32 v39, v38;
	v52 =	vld.idx.msk [tilespmem:v47+s15+$0x0], $0xffff  }
0x17d: {  	v51 =	vor.u32 v2, v42;
	v13 =	vadd.f32 v41, v36;
	v54 =	vld.idx.msk [tilespmem:v48+s15+$0x0], $0xffff;
	v7 =	vsub.f32 v35, v7  }
0x17e: {  	v53 =	vor.u32 v3, v42;
	v10 =	vadd.f32 v15, v10;
	v56 =	vld.idx.msk [tilespmem:v14+s15+$0x0], $0xffff  }
0x17f: {  	v19 =	vor.u32 v4, v42;
	[tilespmem:s26+$0x85D0] =	vst v13;
	v13 =	vld.idx.msk [tilespmem:v48+s6+$0x0], $0xffff;
	v55 =	vbroadcast v7, $0x0  }
0x180: {  	[tilespmem:s26+$0x85F0] =	vst v10;
	v14 =	vld.idx.msk [tilespmem:v14+s6+$0x0], $0xffff  }
0x181: {  	v10 =	vld.idx.msk [tilespmem:v45+s6+$0x0], $0xffff;
	v9 =	vmul.f32 v9, v55  }
0x182: {  	v58 =	vbroadcast v8, $0x1;
	v57 =	vld.idx.msk [tilespmem:v51+s6+$0x0], $0xffff;
	v11 =	vmul.f32 v52, v55  }
0x183: {  	s28 =	sshll.u32 s31, $0xA;
	v59 =	vld.idx.msk [tilespmem:v53+s6+$0x0], $0xffff;
	v60 =	vmul.f32 v54, v55;
	v9 =	vadd.f32 v9, v49  }
0x184: {  	s28 =	sand.u32 $0x3FFFFC00, s28;
	v63 =	vor.u32 v1, v58;
	v61 =	vld.idx.msk [tilespmem:v19+s6+$0x0], $0xffff;
	v62 =	vmul.f32 v56, v55;
	v11 =	vadd.f32 v11, v50  }
0x185: {  	v27 =	vor.u32 v2, v58;
	v16 =	vld.idx.msk [tilespmem:v45+s15+$0x0], $0xffff;
	v26 =	vadd.f32 v60, v13;
	[tilespmem:s28+$0x8400] =	vst v9  }
0x186: {  	v28 =	vld.idx.msk [tilespmem:v51+s15+$0x0], $0xffff;
	v29 =	vadd.f32 v62, v14;
	[tilespmem:s28+$0x8410] =	vst v11  }
0x187: {  	v12 =	vld.idx.msk [tilespmem:v53+s15+$0x0], $0xffff;
	[tilespmem:s28+$0x8420] =	vst v26  }
0x188: {  	v31 =	vor.u32 v3, v58;
	v30 =	vld.idx.msk [tilespmem:v19+s15+$0x0], $0xffff;
	[tilespmem:s28+$0x8430] =	vst v29  }
0x189: {  	v33 =	vor.u32 v4, v58;
	v32 =	vld.idx.msk [tilespmem:v63+s6+$0x0], $0xffff  }
0x18a: {  	v34 =	vbroadcast v5, $0x8;
	v35 =	vld.idx.msk [tilespmem:v27+s6+$0x0], $0xffff  }
0x18b: {  	v21 =	vld.idx.msk [tilespmem:v63+s15+$0x0], $0xffff  }
0x18c: {  	v16 =	vmul.f32 v16, v34;
	v13 =	vld.idx.msk [tilespmem:v27+s15+$0x0], $0xffff  }
0x18d: {  	v15 =	vmul.f32 v28, v34;
	v36 =	vld.idx.msk [tilespmem:v31+s15+$0x0], $0xffff  }
0x18e: {  	v37 =	vbroadcast v7, $0x1;
	v12 =	vmul.f32 v12, v34;
	v10 =	vadd.f32 v16, v10;
	v24 =	vld.idx.msk [tilespmem:v33+s15+$0x0], $0xffff  }
0x18f: {  	v15 =	vadd.f32 v15, v57;
	v9 =	vmul.f32 v30, v34;
	v11 =	vld.idx.msk [tilespmem:v31+s6+$0x0], $0xffff  }
0x190: {  	v39 =	vbroadcast v6, $0x9;
	v38 =	vadd.f32 v12, v59;
	[tilespmem:s26+$0x8600] =	vst v10;
	v17 =	vld.idx.msk [tilespmem:v33+s6+$0x0], $0xffff;
	v40 =	vmul.f32 v21, v37  }
0x191: {  	v41 =	vbroadcast v8, $0x2;
	[tilespmem:s26+$0x8610] =	vst v15;
	v9 =	vadd.f32 v9, v61;
	v13 =	vmul.f32 v13, v37  }
0x192: {  	v42 =	vor.u32 v1, v39;
	[tilespmem:s26+$0x8620] =	vst v38;
	v43 =	vmul.f32 v36, v37;
	v14 =	vadd.f32 v40, v32  }
0x193: {  	v46 =	vor.u32 v1, v41;
	[tilespmem:s26+$0x8630] =	vst v9;
	v45 =	vmul.f32 v24, v37;
	v44 =	vadd.f32 v13, v35  }
0x194: {  	v47 =	vor.u32 v2, v41;
	v11 =	vadd.f32 v43, v11;
	[tilespmem:s28+$0x8440] =	vst v14  }
0x195: {  	v48 =	vadd.f32 v45, v17;
	[tilespmem:s28+$0x8450] =	vst v44  }
0x196: {  	[tilespmem:s28+$0x8460] =	vst v11  }
0x197: {  	v50 =	vor.u32 v3, v41;
	v49 =	vld.idx.msk [tilespmem:v42+s6+$0x0], $0xffff;
	[tilespmem:s28+$0x8470] =	vst v48  }
0x198: {  	v15 =	vor.u32 v4, v41;
	v51 =	vld.idx.msk [tilespmem:v46+s6+$0x0], $0xffff  }
0x199: {  	v52 =	vld.idx.msk [tilespmem:v47+s6+$0x0], $0xffff  }
0x19a: {  	v16 =	vld.idx.msk [tilespmem:v46+s15+$0x0], $0xffff  }
0x19b: {  	v53 =	vor.u32 v2, v39;
	v14 =	vld.idx.msk [tilespmem:v47+s15+$0x0], $0xffff  }
0x19c: {  	v54 =	vor.u32 v3, v39;
	v55 =	vld.idx.msk [tilespmem:v50+s15+$0x0], $0xffff  }
0x19d: {  	v56 =	vbroadcast v7, $0x2;
	v12 =	vor.u32 v4, v39;
	v57 =	vld.idx.msk [tilespmem:v15+s15+$0x0], $0xffff  }
0x19e: {  	v9 =	vld.idx.msk [tilespmem:v50+s6+$0x0], $0xffff  }
0x19f: {  	v15 =	vld.idx.msk [tilespmem:v15+s6+$0x0], $0xffff;
	v16 =	vmul.f32 v16, v56  }
0x1a0: {  	v59 =	vbroadcast v8, $0x3;
	v58 =	vld.idx.msk [tilespmem:v53+s6+$0x0], $0xffff;
	v14 =	vmul.f32 v14, v56  }
0x1a1: {  	v60 =	vld.idx.msk [tilespmem:v54+s6+$0x0], $0xffff;
	v61 =	vmul.f32 v55, v56;
	v13 =	vadd.f32 v16, v51  }
0x1a2: {  	v26 =	vor.u32 v1, v59;
	v62 =	vld.idx.msk [tilespmem:v12+s6+$0x0], $0xffff;
	v63 =	vmul.f32 v57, v56;
	v14 =	vadd.f32 v14, v52  }
0x1a3: {  	v27 =	vor.u32 v2, v59;
	v10 =	vld.idx.msk [tilespmem:v42+s15+$0x0], $0xffff;
	v9 =	vadd.f32 v61, v9;
	[tilespmem:s28+$0x8480] =	vst v13  }
0x1a4: {  	v28 =	vld.idx.msk [tilespmem:v53+s15+$0x0], $0xffff;
	v29 =	vadd.f32 v63, v15;
	[tilespmem:s28+$0x8490] =	vst v14  }
0x1a5: {  	v30 =	vld.idx.msk [tilespmem:v54+s15+$0x0], $0xffff;
	[tilespmem:s28+$0x84A0] =	vst v9  }
0x1a6: {  	v31 =	vld.idx.msk [tilespmem:v12+s15+$0x0], $0xffff;
	v32 =	vor.u32 v3, v59;
	[tilespmem:s28+$0x84B0] =	vst v29  }
0x1a7: {  	v33 =	vor.u32 v4, v59;
	v14 =	vld.idx.msk [tilespmem:v26+s6+$0x0], $0xffff  }
0x1a8: {  	v34 =	vbroadcast v5, $0x9;
	v35 =	vld.idx.msk [tilespmem:v27+s6+$0x0], $0xffff  }
0x1a9: {  	v21 =	vld.idx.msk [tilespmem:v26+s15+$0x0], $0xffff  }
0x1aa: {  	v10 =	vmul.f32 v10, v34;
	v13 =	vld.idx.msk [tilespmem:v27+s15+$0x0], $0xffff  }
0x1ab: {  	v37 =	vmul.f32 v30, v34;
	v36 =	vld.idx.msk [tilespmem:v32+s15+$0x0], $0xffff  }
0x1ac: {  	v38 =	vbroadcast v7, $0x3;
	v10 =	vadd.f32 v10, v49;
	v16 =	vmul.f32 v28, v34;
	v24 =	vld.idx.msk [tilespmem:v33+s15+$0x0], $0xffff  }
0x1ad: {  	v39 =	vadd.f32 v37, v60;
	v9 =	vmul.f32 v31, v34;
	v12 =	vld.idx.msk [tilespmem:v32+s6+$0x0], $0xffff  }
0x1ae: {  	v40 =	vbroadcast v6, $0xA;
	[tilespmem:s26+$0x8640] =	vst v10;
	v16 =	vadd.f32 v16, v58;
	v17 =	vld.idx.msk [tilespmem:v33+s6+$0x0], $0xffff;
	v41 =	vmul.f32 v21, v38  }
0x1af: {  	v42 =	vbroadcast v8, $0x4;
	[tilespmem:s26+$0x8660] =	vst v39;
	v9 =	vadd.f32 v9, v62;
	v13 =	vmul.f32 v13, v38  }
0x1b0: {  	v43 =	vor.u32 v1, v40;
	[tilespmem:s26+$0x8650] =	vst v16;
	v44 =	vmul.f32 v36, v38;
	v14 =	vadd.f32 v41, v14  }
0x1b1: {  	v47 =	vor.u32 v1, v42;
	[tilespmem:s26+$0x8670] =	vst v9;
	v46 =	vmul.f32 v24, v38;
	v45 =	vadd.f32 v13, v35  }
0x1b2: {  	v48 =	vor.u32 v2, v42;
	v12 =	vadd.f32 v44, v12;
	[tilespmem:s28+$0x84C0] =	vst v14  }
0x1b3: {  	v49 =	vadd.f32 v46, v17;
	[tilespmem:s28+$0x84D0] =	vst v45  }
0x1b4: {  	[tilespmem:s28+$0x84E0] =	vst v12  }
0x1b5: {  	v51 =	vor.u32 v3, v42;
	v50 =	vld.idx.msk [tilespmem:v43+s6+$0x0], $0xffff;
	[tilespmem:s28+$0x84F0] =	vst v49  }
0x1b6: {  	v16 =	vor.u32 v4, v42;
	v52 =	vld.idx.msk [tilespmem:v47+s6+$0x0], $0xffff  }
0x1b7: {  	v53 =	vld.idx.msk [tilespmem:v48+s6+$0x0], $0xffff  }
0x1b8: {  	v15 =	vld.idx.msk [tilespmem:v47+s15+$0x0], $0xffff  }
0x1b9: {  	v54 =	vor.u32 v2, v40;
	v14 =	vld.idx.msk [tilespmem:v48+s15+$0x0], $0xffff  }
0x1ba: {  	v55 =	vor.u32 v3, v40;
	v56 =	vld.idx.msk [tilespmem:v51+s15+$0x0], $0xffff  }
0x1bb: {  	v11 =	vor.u32 v4, v40;
	v57 =	vbroadcast v7, $0x4;
	v58 =	vld.idx.msk [tilespmem:v16+s15+$0x0], $0xffff  }
0x1bc: {  	v9 =	vld.idx.msk [tilespmem:v51+s6+$0x0], $0xffff  }
0x1bd: {  	v16 =	vld.idx.msk [tilespmem:v16+s6+$0x0], $0xffff;
	v15 =	vmul.f32 v15, v57  }
0x1be: {  	v60 =	vbroadcast v8, $0x5;
	v59 =	vld.idx.msk [tilespmem:v54+s6+$0x0], $0xffff;
	v14 =	vmul.f32 v14, v57  }
0x1bf: {  	v61 =	vld.idx.msk [tilespmem:v55+s6+$0x0], $0xffff;
	v62 =	vmul.f32 v56, v57;
	v13 =	vadd.f32 v15, v52  }
0x1c0: {  	v27 =	vor.u32 v1, v60;
	v63 =	vld.idx.msk [tilespmem:v11+s6+$0x0], $0xffff;
	v26 =	vmul.f32 v58, v57;
	v14 =	vadd.f32 v14, v53  }
0x1c1: {  	v28 =	vor.u32 v2, v60;
	v10 =	vld.idx.msk [tilespmem:v43+s15+$0x0], $0xffff;
	v9 =	vadd.f32 v62, v9;
	[tilespmem:s28+$0x8500] =	vst v13  }
0x1c2: {  	v29 =	vld.idx.msk [tilespmem:v54+s15+$0x0], $0xffff;
	v30 =	vadd.f32 v26, v16;
	[tilespmem:s28+$0x8510] =	vst v14  }
0x1c3: {  	v31 =	vld.idx.msk [tilespmem:v55+s15+$0x0], $0xffff;
	[tilespmem:s28+$0x8520] =	vst v9  }
0x1c4: {  	v33 =	vor.u32 v3, v60;
	v32 =	vld.idx.msk [tilespmem:v11+s15+$0x0], $0xffff;
	[tilespmem:s28+$0x8530] =	vst v30  }
0x1c5: {  	v34 =	vor.u32 v4, v60;
	v14 =	vld.idx.msk [tilespmem:v27+s6+$0x0], $0xffff  }
0x1c6: {  	v35 =	vbroadcast v5, $0xA;
	v36 =	vld.idx.msk [tilespmem:v28+s6+$0x0], $0xffff  }
0x1c7: {  	v21 =	vld.idx.msk [tilespmem:v27+s15+$0x0], $0xffff  }
0x1c8: {  	v10 =	vmul.f32 v10, v35;
	v13 =	vld.idx.msk [tilespmem:v28+s15+$0x0], $0xffff  }
0x1c9: {  	v38 =	vmul.f32 v31, v35;
	v37 =	vld.idx.msk [tilespmem:v33+s15+$0x0], $0xffff  }
0x1ca: {  	v39 =	vbroadcast v7, $0x5;
	v10 =	vadd.f32 v10, v50;
	v15 =	vmul.f32 v29, v35;
	v24 =	vld.idx.msk [tilespmem:v34+s15+$0x0], $0xffff  }
0x1cb: {  	v41 =	vbroadcast v6, $0xB;
	v40 =	vadd.f32 v38, v61;
	v9 =	vmul.f32 v32, v35;
	v11 =	vld.idx.msk [tilespmem:v33+s6+$0x0], $0xffff  }
0x1cc: {  	v43 =	vbroadcast v8, $0x6;
	[tilespmem:s26+$0x8680] =	vst v10;
	v15 =	vadd.f32 v15, v59;
	v17 =	vld.idx.msk [tilespmem:v34+s6+$0x0], $0xffff;
	v42 =	vmul.f32 v21, v39  }
0x1cd: {  	v44 =	vor.u32 v1, v41;
	[tilespmem:s26+$0x86A0] =	vst v40;
	v9 =	vadd.f32 v9, v63;
	v13 =	vmul.f32 v13, v39  }
0x1ce: {  	[tilespmem:s26+$0x8690] =	vst v15;
	v45 =	vmul.f32 v37, v39;
	v14 =	vadd.f32 v42, v14  }
0x1cf: {  	v48 =	vor.u32 v1, v43;
	[tilespmem:s26+$0x86B0] =	vst v9;
	v47 =	vmul.f32 v24, v39;
	v46 =	vadd.f32 v13, v36  }
0x1d0: {  	s31 =	sor.u32 $0x3, s25;
	v49 =	vor.u32 v2, v43;
	v11 =	vadd.f32 v45, v11;
	[tilespmem:s28+$0x8540] =	vst v14  }
0x1d1: {  	s30 =	sshll.u32 s31, $0x4;
	v50 =	vadd.f32 v47, v17;
	[tilespmem:s28+$0x8550] =	vst v46  }
0x1d2: {  	s30 =	sand.u32 $0x3FFFFFF0, s30;
	v10 =	vld.idx.msk [tilespmem:v44+s15+$0x0], $0xffff;
	[tilespmem:s28+$0x8560] =	vst v11  }
0x1d3: {  	v52 =	vor.u32 v3, v43;
	v17 =	vld [tilespmem:s30+$0x8000];
	[tilespmem:s28+$0x8570] =	vst v50  }
0x1d4: {  	v15 =	vor.u32 v4, v43;
	v53 =	vld.idx.msk [tilespmem:v48+s6+$0x0], $0xffff  }
0x1d5: {  	v54 =	vld.idx.msk [tilespmem:v49+s6+$0x0], $0xffff  }
0x1d6: {  	v16 =	vld.idx.msk [tilespmem:v48+s15+$0x0], $0xffff  }
0x1d7: {  	v14 =	vld.idx.msk [tilespmem:v49+s15+$0x0], $0xffff  }
0x1d8: {  	v55 =	vor.u32 v2, v41;
	v57 =	vld.idx.msk [tilespmem:v52+s15+$0x0], $0xffff  }
0x1d9: {  	v56 =	vor.u32 v3, v41;
	v58 =	vbroadcast v7, $0x6;
	v59 =	vld.idx.msk [tilespmem:v15+s15+$0x0], $0xffff  }
0x1da: {  	v9 =	vld.idx.msk [tilespmem:v52+s6+$0x0], $0xffff  }
0x1db: {  	v61 =	vbroadcast v8, $0x7;
	v15 =	vld.idx.msk [tilespmem:v15+s6+$0x0], $0xffff;
	v16 =	vmul.f32 v16, v58  }
0x1dc: {  	v12 =	vor.u32 v4, v41;
	v32 =	vbroadcast v5, $0xB;
	v51 =	vld.idx.msk [tilespmem:v44+s6+$0x0], $0xffff;
	v14 =	vmul.f32 v14, v58  }
0x1dd: {  	v27 =	vor.u32 v1, v61;
	v60 =	vld.idx.msk [tilespmem:v55+s6+$0x0], $0xffff;
	v62 =	vmul.f32 v57, v58;
	v13 =	vadd.f32 v16, v53  }
0x1de: {  	v28 =	vor.u32 v2, v61;
	v26 =	vld.idx.msk [tilespmem:v56+s6+$0x0], $0xffff;
	v63 =	vmul.f32 v59, v58;
	v14 =	vadd.f32 v14, v54  }
0x1df: {  	v19 =	vld.idx.msk [tilespmem:v55+s15+$0x0], $0xffff;
	v10 =	vmul.f32 v10, v32;
	v9 =	vadd.f32 v62, v9;
	[tilespmem:s28+$0x8580] =	vst v13  }
0x1e0: {  	v29 =	vld.idx.msk [tilespmem:v56+s15+$0x0], $0xffff;
	v44 =	vtrunc.f32 v17;
	v30 =	vadd.f32 v63, v15;
	[tilespmem:s28+$0x8590] =	vst v14  }
0x1e1: {  	v31 =	vld.idx.msk [tilespmem:v12+s15+$0x0], $0xffff;
	v10 =	vadd.f32 v10, v51;
	v24 =	vcvt.f32.s32 v44;
	[tilespmem:s28+$0x85A0] =	vst v9  }
0x1e2: {  	v33 =	vor.u32 v3, v61;
	v12 =	vld.idx.msk [tilespmem:v12+s6+$0x0], $0xffff;
	[tilespmem:s28+$0x85B0] =	vst v30  }
0x1e3: {  	v35 =	vor.u32 v4, v61;
	[tilespmem:s26+$0x86C0] =	vst v10;
	v10 =	vshll.u32 v24, $0x6;
	v34 =	vld.idx.msk [tilespmem:v27+s6+$0x0], $0xffff  }
0x1e4: {  	v47 =	vbroadcast v10, $0x0;
	v36 =	vld.idx.msk [tilespmem:v28+s6+$0x0], $0xffff  }
0x1e5: {  	v21 =	vld.idx.msk [tilespmem:v27+s15+$0x0], $0xffff  }
0x1e6: {  	v51 =	vor.u32 v1, v47;
	v37 =	vld.idx.msk [tilespmem:v28+s15+$0x0], $0xffff  }
0x1e7: {  	v53 =	vor.u32 v2, v47;
	v41 =	vld.idx.msk [tilespmem:v33+s15+$0x0], $0xffff  }
0x1e8: {  	v43 =	vld.idx.msk [tilespmem:v35+s15+$0x0], $0xffff  }
0x1e9: {  	v14 =	vld.idx.msk [tilespmem:v33+s6+$0x0], $0xffff  }
0x1ea: {  	v19 =	vmul.f32 v19, v32;
	v54 =	vor.u32 v3, v47;
	v20 =	vld.idx.msk [tilespmem:v35+s6+$0x0], $0xffff  }
0x1eb: {  	v18 =	vor.u32 v4, v47;
	v55 =	vld.idx.msk [tilespmem:v51+s6+$0x0], $0xffff  }
0x1ec: {  	v40 =	vbroadcast v6, $0xC;
	v38 =	vadd.f32 v19, v60;
	v16 =	vmul.f32 v29, v32;
	v57 =	vld.idx.msk [tilespmem:v53+s6+$0x0], $0xffff  }
0x1ed: {  	v42 =	vbroadcast v7, $0x7;
	v9 =	vmul.f32 v31, v32;
	v15 =	vld.idx.msk [tilespmem:v51+s15+$0x0], $0xffff  }
0x1ee: {  	[tilespmem:s26+$0x86D0] =	vst v38;
	v39 =	vadd.f32 v16, v26;
	v26 =	vor.u32 v2, v40;
	v28 =	vbroadcast v8, $0x8;
	v58 =	vld.idx.msk [tilespmem:v53+s15+$0x0], $0xffff  }
0x1ef: {  	v27 =	vor.u32 v3, v40;
	v9 =	vadd.f32 v9, v12;
	v30 =	vld.idx.msk [tilespmem:v54+s15+$0x0], $0xffff;
	v21 =	vmul.f32 v21, v42  }
0x1f0: {  	v56 =	vcvt.s32.f32 v24;
	[tilespmem:s26+$0x86E0] =	vst v39;
	v50 =	vor.u32 v1, v28;
	v32 =	vld.idx.msk [tilespmem:v18+s15+$0x0], $0xffff;
	v11 =	vmul.f32 v37, v42  }
0x1f1: {  	v29 =	vor.u32 v2, v28;
	v22 =	vld.idx.msk [tilespmem:v54+s6+$0x0], $0xffff;
	v46 =	vmul.f32 v41, v42;
	v45 =	vadd.f32 v21, v34  }
0x1f2: {  	[tilespmem:s26+$0x86F0] =	vst v9;
	v18 =	vld.idx.msk [tilespmem:v18+s6+$0x0], $0xffff;
	v49 =	vmul.f32 v43, v42;
	v48 =	vadd.f32 v11, v36  }
0x1f3: {  	v9 =	vsub.f32 v17, v56;
	v12 =	vld.idx.msk [tilespmem:v26+s6+$0x0], $0xffff;
	v14 =	vadd.f32 v46, v14;
	[tilespmem:s28+$0x85C0] =	vst v45  }
0x1f4: {  	v59 =	vor.u32 v3, v28;
	v26 =	vld.idx.msk [tilespmem:v26+s15+$0x0], $0xffff;
	v52 =	vadd.f32 v49, v20;
	[tilespmem:s28+$0x85D0] =	vst v48  }
0x1f5: {  	v28 =	vor.u32 v4, v28;
	v13 =	vld.idx.msk [tilespmem:v27+s6+$0x0], $0xffff;
	v31 =	vbroadcast v9, $0x0;
	[tilespmem:s28+$0x85E0] =	vst v14  }
0x1f6: {  	v27 =	vld.idx.msk [tilespmem:v27+s15+$0x0], $0xffff;
	[tilespmem:s28+$0x85F0] =	vst v52  }
0x1f7: {  	v15 =	vmul.f32 v15, v31;
	v14 =	vld.idx.msk [tilespmem:v50+s6+$0x0], $0xffff  }
0x1f8: {  	v34 =	vbroadcast v10, $0x1;
	v17 =	vmul.f32 v58, v31;
	v33 =	vld.idx.msk [tilespmem:v29+s6+$0x0], $0xffff  }
0x1f9: {  	s29 =	sshll.u32 s31, $0xA;
	v60 =	vmul.f32 v30, v31;
	v35 =	vld.idx.msk [tilespmem:v59+s6+$0x0], $0xffff;
	v15 =	vadd.f32 v15, v55  }
0x1fa: {  	s29 =	sand.u32 $0x3FFFFC00, s29;
	v62 =	vmul.f32 v32, v31;
	v63 =	vor.u32 v1, v34;
	v61 =	vld.idx.msk [tilespmem:v28+s6+$0x0], $0xffff;
	v17 =	vadd.f32 v17, v57  }
0x1fb: {  	v36 =	vor.u32 v2, v34;
	v19 =	vld.idx.msk [tilespmem:v50+s15+$0x0], $0xffff;
	v32 =	vadd.f32 v60, v22;
	[tilespmem:s29+$0x8400] =	vst v15  }
0x1fc: {  	v37 =	vld.idx.msk [tilespmem:v29+s15+$0x0], $0xffff;
	v38 =	vadd.f32 v62, v18;
	[tilespmem:s29+$0x8410] =	vst v17  }
0x1fd: {  	v25 =	vor.u32 v1, v40;
	v39 =	vld.idx.msk [tilespmem:v59+s15+$0x0], $0xffff;
	[tilespmem:s29+$0x8420] =	vst v32  }
0x1fe: {  	v16 =	vor.u32 v4, v40;
	v41 =	vor.u32 v3, v34;
	v40 =	vld.idx.msk [tilespmem:v28+s15+$0x0], $0xffff;
	[tilespmem:s29+$0x8430] =	vst v38  }
0x1ff: {  	v43 =	vor.u32 v4, v34;
	v42 =	vld.idx.msk [tilespmem:v63+s6+$0x0], $0xffff  }
0x200: {  	v44 =	vbroadcast v7, $0x8;
	v45 =	vld.idx.msk [tilespmem:v36+s6+$0x0], $0xffff  }
0x201: {  	v31 =	vld.idx.msk [tilespmem:v63+s15+$0x0], $0xffff  }
0x202: {  	v22 =	vld.idx.msk [tilespmem:v36+s15+$0x0], $0xffff;
	v19 =	vmul.f32 v19, v44  }
0x203: {  	v46 =	vld.idx.msk [tilespmem:v41+s15+$0x0], $0xffff;
	v23 =	vmul.f32 v37, v44  }
0x204: {  	v47 =	vbroadcast v9, $0x1;
	v34 =	vld.idx.msk [tilespmem:v43+s15+$0x0], $0xffff;
	v18 =	vmul.f32 v39, v44;
	v14 =	vadd.f32 v19, v14  }
0x205: {  	v17 =	vld.idx.msk [tilespmem:v41+s6+$0x0], $0xffff;
	v15 =	vmul.f32 v40, v44;
	v23 =	vadd.f32 v23, v33  }
0x206: {  	v49 =	vbroadcast v8, $0x9;
	v24 =	vld.idx.msk [tilespmem:v43+s6+$0x0], $0xffff;
	v48 =	vadd.f32 v18, v35;
	[tilespmem:s28+$0x8600] =	vst v14;
	v50 =	vmul.f32 v31, v47  }
0x207: {  	v51 =	vbroadcast v10, $0x2;
	v21 =	vld.idx.msk [tilespmem:v25+s6+$0x0], $0xffff;
	v15 =	vadd.f32 v15, v61;
	[tilespmem:s28+$0x8610] =	vst v23;
	v22 =	vmul.f32 v22, v47  }
0x208: {  	v62 =	vor.u32 v2, v49;
	[tilespmem:s28+$0x8620] =	vst v48;
	v53 =	vmul.f32 v46, v47;
	v20 =	vadd.f32 v50, v42  }
0x209: {  	v55 =	vor.u32 v1, v51;
	[tilespmem:s28+$0x8630] =	vst v15;
	v19 =	vmul.f32 v34, v47;
	v54 =	vadd.f32 v22, v45  }
0x20a: {  	v56 =	vor.u32 v2, v51;
	v11 =	vld.idx.msk [tilespmem:v16+s6+$0x0], $0xffff;
	v17 =	vadd.f32 v53, v17;
	[tilespmem:s29+$0x8440] =	vst v20  }
0x20b: {  	v25 =	vld.idx.msk [tilespmem:v25+s15+$0x0], $0xffff;
	v57 =	vadd.f32 v19, v24;
	[tilespmem:s29+$0x8450] =	vst v54  }
0x20c: {  	v16 =	vld.idx.msk [tilespmem:v16+s15+$0x0], $0xffff;
	[tilespmem:s29+$0x8460] =	vst v17  }
0x20d: {  	v58 =	vor.u32 v3, v51;
	v39 =	vld.idx.msk [tilespmem:v62+s6+$0x0], $0xffff;
	[tilespmem:s29+$0x8470] =	vst v57  }
0x20e: {  	v23 =	vor.u32 v4, v51;
	v59 =	vld.idx.msk [tilespmem:v55+s6+$0x0], $0xffff  }
0x20f: {  	v60 =	vld.idx.msk [tilespmem:v56+s6+$0x0], $0xffff  }
0x210: {  	v22 =	vld.idx.msk [tilespmem:v55+s15+$0x0], $0xffff  }
0x211: {  	v63 =	vor.u32 v3, v49;
	v20 =	vld.idx.msk [tilespmem:v56+s15+$0x0], $0xffff  }
0x212: {  	v52 =	vor.u32 v1, v49;
	v36 =	vld.idx.msk [tilespmem:v58+s15+$0x0], $0xffff  }
0x213: {  	v37 =	vbroadcast v9, $0x2;
	v38 =	vld.idx.msk [tilespmem:v23+s15+$0x0], $0xffff  }
0x214: {  	v15 =	vld.idx.msk [tilespmem:v58+s6+$0x0], $0xffff  }
0x215: {  	v18 =	vor.u32 v4, v49;
	v23 =	vld.idx.msk [tilespmem:v23+s6+$0x0], $0xffff;
	v22 =	vmul.f32 v22, v37  }
0x216: {  	v40 =	vbroadcast v10, $0x3;
	v41 =	vld.idx.msk [tilespmem:v63+s6+$0x0], $0xffff;
	v20 =	vmul.f32 v20, v37  }
0x217: {  	v61 =	vbroadcast v5, $0xC;
	v14 =	vld.idx.msk [tilespmem:v52+s15+$0x0], $0xffff;
	v42 =	vmul.f32 v36, v37;
	v19 =	vadd.f32 v22, v59  }
0x218: {  	v48 =	vld.idx.msk [tilespmem:v62+s15+$0x0], $0xffff;
	v45 =	vor.u32 v1, v40;
	v44 =	vmul.f32 v38, v37;
	v20 =	vadd.f32 v20, v60  }
0x219: {  	v46 =	vor.u32 v2, v40;
	v51 =	vld.idx.msk [tilespmem:v63+s15+$0x0], $0xffff;
	v15 =	vadd.f32 v42, v15;
	[tilespmem:s29+$0x8480] =	vst v19  }
0x21a: {  	v25 =	vmul.f32 v25, v61;
	v43 =	vld.idx.msk [tilespmem:v18+s6+$0x0], $0xffff;
	v49 =	vadd.f32 v44, v23;
	[tilespmem:s29+$0x8490] =	vst v20  }
0x21b: {  	v47 =	vmul.f32 v26, v61;
	v16 =	vmul.f32 v16, v61;
	v17 =	vld.idx.msk [tilespmem:v52+s6+$0x0], $0xffff;
	[tilespmem:s29+$0x84A0] =	vst v15  }
0x21c: {  	v21 =	vadd.f32 v25, v21;
	v53 =	vor.u32 v3, v40;
	v52 =	vld.idx.msk [tilespmem:v18+s15+$0x0], $0xffff;
	[tilespmem:s29+$0x84B0] =	vst v49  }
0x21d: {  	v50 =	vmul.f32 v27, v61;
	v12 =	vadd.f32 v47, v12;
	v54 =	vor.u32 v4, v40;
	v20 =	vld.idx.msk [tilespmem:v45+s6+$0x0], $0xffff  }
0x21e: {  	v11 =	vadd.f32 v16, v11;
	[tilespmem:s26+$0x8700] =	vst v21;
	v55 =	vbroadcast v6, $0xD;
	v56 =	vbroadcast v7, $0x9;
	v57 =	vld.idx.msk [tilespmem:v46+s6+$0x0], $0xffff  }
0x21f: {  	v13 =	vadd.f32 v50, v13;
	[tilespmem:s26+$0x8710] =	vst v12;
	v58 =	vld.idx.msk [tilespmem:v45+s15+$0x0], $0xffff  }
0x220: {  	[tilespmem:s26+$0x8730] =	vst v11;
	v16 =	vor.u32 v1, v55;
	v26 =	vmul.f32 v48, v56;
	v19 =	vld.idx.msk [tilespmem:v46+s15+$0x0], $0xffff  }
0x221: {  	v62 =	vbroadcast v9, $0x3;
	[tilespmem:s26+$0x8720] =	vst v13;
	v61 =	vmul.f32 v51, v56;
	v59 =	vld.idx.msk [tilespmem:v53+s15+$0x0], $0xffff  }
0x222: {  	v14 =	vmul.f32 v14, v56;
	v28 =	vor.u32 v2, v55;
	v35 =	vadd.f32 v26, v39;
	v63 =	vld.idx.msk [tilespmem:v54+s15+$0x0], $0xffff  }
0x223: {  	v32 =	vor.u32 v4, v55;
	v36 =	vadd.f32 v61, v41;
	v15 =	vmul.f32 v52, v56;
	v18 =	vld.idx.msk [tilespmem:v53+s6+$0x0], $0xffff  }
0x224: {  	v37 =	vbroadcast v8, $0xA;
	[tilespmem:s28+$0x8650] =	vst v35;
	v60 =	vadd.f32 v14, v17;
	v38 =	vld.idx.msk [tilespmem:v54+s6+$0x0], $0xffff;
	v13 =	vmul.f32 v58, v62  }
0x225: {  	v41 =	vbroadcast v10, $0x4;
	v22 =	vld.idx.msk [tilespmem:v16+s6+$0x0], $0xffff;
	[tilespmem:s28+$0x8660] =	vst v36;
	v39 =	vadd.f32 v15, v43;
	v40 =	vmul.f32 v19, v62  }
0x226: {  	v42 =	vor.u32 v1, v37;
	[tilespmem:s28+$0x8640] =	vst v60;
	v44 =	vmul.f32 v59, v62;
	v43 =	vadd.f32 v13, v20  }
0x227: {  	v45 =	vor.u32 v1, v41;
	[tilespmem:s28+$0x8670] =	vst v39;
	v17 =	vmul.f32 v63, v62;
	v15 =	vadd.f32 v40, v57  }
0x228: {  	v12 =	vld.idx.msk [tilespmem:v28+s6+$0x0], $0xffff;
	v46 =	vor.u32 v2, v41;
	v18 =	vadd.f32 v44, v18;
	[tilespmem:s29+$0x84C0] =	vst v43  }
0x229: {  	v11 =	vld.idx.msk [tilespmem:v32+s6+$0x0], $0xffff;
	v47 =	vadd.f32 v17, v38;
	[tilespmem:s29+$0x84D0] =	vst v15  }
0x22a: {  	v16 =	vld.idx.msk [tilespmem:v16+s15+$0x0], $0xffff;
	[tilespmem:s29+$0x84E0] =	vst v18  }
0x22b: {  	v49 =	vor.u32 v3, v41;
	v48 =	vld.idx.msk [tilespmem:v42+s6+$0x0], $0xffff;
	[tilespmem:s29+$0x84F0] =	vst v47  }
0x22c: {  	v19 =	vor.u32 v4, v41;
	v18 =	vld.idx.msk [tilespmem:v45+s6+$0x0], $0xffff  }
0x22d: {  	v50 =	vld.idx.msk [tilespmem:v46+s6+$0x0], $0xffff  }
0x22e: {  	v20 =	vld.idx.msk [tilespmem:v45+s15+$0x0], $0xffff  }
0x22f: {  	v51 =	vor.u32 v2, v37;
	v24 =	vld.idx.msk [tilespmem:v46+s15+$0x0], $0xffff  }
0x230: {  	v14 =	vor.u32 v4, v37;
	v53 =	vld.idx.msk [tilespmem:v49+s15+$0x0], $0xffff  }
0x231: {  	v29 =	vor.u32 v3, v55;
	v54 =	vbroadcast v9, $0x4;
	v55 =	vld.idx.msk [tilespmem:v19+s15+$0x0], $0xffff  }
0x232: {  	v15 =	vld.idx.msk [tilespmem:v49+s6+$0x0], $0xffff  }
0x233: {  	v52 =	vor.u32 v3, v37;
	v19 =	vld.idx.msk [tilespmem:v19+s6+$0x0], $0xffff;
	v20 =	vmul.f32 v20, v54  }
0x234: {  	v56 =	vld.idx.msk [tilespmem:v51+s6+$0x0], $0xffff;
	v57 =	vbroadcast v10, $0x5;
	v24 =	vmul.f32 v24, v54  }
0x235: {  	v60 =	vld.idx.msk [tilespmem:v14+s6+$0x0], $0xffff;
	v59 =	vmul.f32 v53, v54;
	v18 =	vadd.f32 v20, v18  }
0x236: {  	v23 =	vld.idx.msk [tilespmem:v42+s15+$0x0], $0xffff;
	v62 =	vor.u32 v1, v57;
	v61 =	vmul.f32 v55, v54;
	v21 =	vadd.f32 v24, v50  }
0x237: {  	v36 =	vld.idx.msk [tilespmem:v51+s15+$0x0], $0xffff;
	v63 =	vor.u32 v2, v57;
	v15 =	vadd.f32 v59, v15;
	[tilespmem:s29+$0x8500] =	vst v18  }
0x238: {  	v37 =	vld.idx.msk [tilespmem:v52+s15+$0x0], $0xffff;
	v19 =	vadd.f32 v61, v19;
	[tilespmem:s29+$0x8510] =	vst v21  }
0x239: {  	v14 =	vld.idx.msk [tilespmem:v14+s15+$0x0], $0xffff;
	[tilespmem:s29+$0x8520] =	vst v15  }
0x23a: {  	v58 =	vld.idx.msk [tilespmem:v52+s6+$0x0], $0xffff;
	v38 =	vor.u32 v3, v57;
	[tilespmem:s29+$0x8530] =	vst v19  }
0x23b: {  	v39 =	vor.u32 v4, v57;
	v19 =	vld.idx.msk [tilespmem:v62+s6+$0x0], $0xffff  }
0x23c: {  	v40 =	vbroadcast v7, $0xA;
	v41 =	vld.idx.msk [tilespmem:v63+s6+$0x0], $0xffff  }
0x23d: {  	v30 =	vld.idx.msk [tilespmem:v62+s15+$0x0], $0xffff  }
0x23e: {  	v23 =	vmul.f32 v23, v40;
	v18 =	vld.idx.msk [tilespmem:v63+s15+$0x0], $0xffff  }
0x23f: {  	v14 =	vmul.f32 v14, v40;
	v42 =	vld.idx.msk [tilespmem:v38+s15+$0x0], $0xffff  }
0x240: {  	v43 =	vbroadcast v9, $0x5;
	v17 =	vadd.f32 v23, v48;
	v20 =	vmul.f32 v36, v40;
	v34 =	vld.idx.msk [tilespmem:v39+s15+$0x0], $0xffff  }
0x241: {  	v14 =	vadd.f32 v14, v60;
	v21 =	vmul.f32 v37, v40;
	v15 =	vld.idx.msk [tilespmem:v38+s6+$0x0], $0xffff  }
0x242: {  	v45 =	vbroadcast v8, $0xB;
	[tilespmem:s28+$0x8680] =	vst v17;
	v20 =	vadd.f32 v20, v56;
	v24 =	vld.idx.msk [tilespmem:v39+s6+$0x0], $0xffff;
	v46 =	vmul.f32 v30, v43  }
0x243: {  	v13 =	vld.idx.msk [tilespmem:v29+s6+$0x0], $0xffff;
	v47 =	vbroadcast v10, $0x6;
	[tilespmem:s28+$0x86B0] =	vst v14;
	v44 =	vadd.f32 v21, v58;
	v18 =	vmul.f32 v18, v43  }
0x244: {  	v48 =	vor.u32 v1, v45;
	[tilespmem:s28+$0x8690] =	vst v20;
	v49 =	vmul.f32 v42, v43;
	v19 =	vadd.f32 v46, v19  }
0x245: {  	v52 =	vor.u32 v1, v47;
	[tilespmem:s28+$0x86A0] =	vst v44;
	v51 =	vmul.f32 v34, v43;
	v50 =	vadd.f32 v18, v41  }
0x246: {  	v57 =	vld.idx.msk [tilespmem:v32+s15+$0x0], $0xffff;
	v54 =	vor.u32 v2, v47;
	v15 =	vadd.f32 v49, v15;
	[tilespmem:s29+$0x8540] =	vst v19  }
0x247: {  	v53 =	vld.idx.msk [tilespmem:v28+s15+$0x0], $0xffff;
	v56 =	vadd.f32 v51, v24;
	[tilespmem:s29+$0x8550] =	vst v50  }
0x248: {  	v55 =	vld.idx.msk [tilespmem:v29+s15+$0x0], $0xffff;
	[tilespmem:s29+$0x8560] =	vst v15  }
0x249: {  	v58 =	vor.u32 v3, v47;
	v17 =	vld.idx.msk [tilespmem:v48+s15+$0x0], $0xffff;
	[tilespmem:s29+$0x8570] =	vst v56  }
0x24a: {  	v20 =	vor.u32 v4, v47;
	v59 =	vld.idx.msk [tilespmem:v52+s6+$0x0], $0xffff  }
0x24b: {  	v60 =	vld.idx.msk [tilespmem:v54+s6+$0x0], $0xffff  }
0x24c: {  	v23 =	vld.idx.msk [tilespmem:v52+s15+$0x0], $0xffff  }
0x24d: {  	v62 =	vor.u32 v2, v45;
	v19 =	vld.idx.msk [tilespmem:v54+s15+$0x0], $0xffff  }
0x24e: {  	v63 =	vor.u32 v3, v45;
	v36 =	vld.idx.msk [tilespmem:v58+s15+$0x0], $0xffff  }
0x24f: {  	v61 =	vbroadcast v5, $0xD;
	v37 =	vbroadcast v9, $0x6;
	v21 =	vor.u32 v4, v45;
	v38 =	vld.idx.msk [tilespmem:v20+s15+$0x0], $0xffff  }
0x250: {  	v14 =	vld.idx.msk [tilespmem:v58+s6+$0x0], $0xffff  }
0x251: {  	v16 =	vmul.f32 v16, v61;
	v20 =	vld.idx.msk [tilespmem:v20+s6+$0x0], $0xffff;
	v39 =	vmul.f32 v23, v37  }
0x252: {  	v40 =	vld.idx.msk [tilespmem:v62+s6+$0x0], $0xffff;
	v41 =	vbroadcast v10, $0x7;
	v19 =	vmul.f32 v19, v37  }
0x253: {  	v16 =	vadd.f32 v16, v22;
	v42 =	vld.idx.msk [tilespmem:v63+s6+$0x0], $0xffff;
	v43 =	vmul.f32 v36, v37;
	v22 =	vadd.f32 v39, v59  }
0x254: {  	v44 =	vld.idx.msk [tilespmem:v21+s6+$0x0], $0xffff;
	v46 =	vor.u32 v1, v41;
	v45 =	vmul.f32 v38, v37;
	v19 =	vadd.f32 v19, v60  }
0x255: {  	v49 =	vld.idx.msk [tilespmem:v62+s15+$0x0], $0xffff;
	v47 =	vor.u32 v2, v41;
	v14 =	vadd.f32 v43, v14;
	[tilespmem:s29+$0x8580] =	vst v22  }
0x256: {  	v15 =	vld.idx.msk [tilespmem:v48+s6+$0x0], $0xffff;
	v50 =	vadd.f32 v45, v20;
	[tilespmem:s29+$0x8590] =	vst v19  }
0x257: {  	v48 =	vmul.f32 v53, v61;
	v53 =	vld.idx.msk [tilespmem:v21+s15+$0x0], $0xffff;
	[tilespmem:s29+$0x85A0] =	vst v14  }
0x258: {  	v51 =	vmul.f32 v55, v61;
	v52 =	vld.idx.msk [tilespmem:v63+s15+$0x0], $0xffff;
	v54 =	vor.u32 v3, v41;
	[tilespmem:s29+$0x85B0] =	vst v50  }
0x259: {  	v18 =	vmul.f32 v57, v61;
	v57 =	vbroadcast v6, $0xE;
	v56 =	vor.u32 v4, v41;
	v55 =	vld.idx.msk [tilespmem:v46+s6+$0x0], $0xffff  }
0x25a: {  	[tilespmem:s26+$0x8740] =	vst v16;
	v58 =	vbroadcast v7, $0xB;
	v59 =	vld.idx.msk [tilespmem:v47+s6+$0x0], $0xffff  }
0x25b: {  	v13 =	vadd.f32 v51, v13;
	v11 =	vadd.f32 v18, v11;
	v18 =	vor.u32 v1, v57;
	v60 =	vld.idx.msk [tilespmem:v46+s15+$0x0], $0xffff  }
0x25c: {  	v28 =	vor.u32 v2, v57;
	v32 =	vor.u32 v4, v57;
	v17 =	vmul.f32 v17, v58;
	v22 =	vld.idx.msk [tilespmem:v47+s15+$0x0], $0xffff  }
0x25d: {  	v12 =	vadd.f32 v48, v12;
	[tilespmem:s26+$0x8760] =	vst v13;
	v26 =	vmul.f32 v49, v58;
	v61 =	vld.idx.msk [tilespmem:v54+s15+$0x0], $0xffff  }
0x25e: {  	[tilespmem:s26+$0x8770] =	vst v11;
	v62 =	vadd.f32 v17, v15;
	v63 =	vmul.f32 v52, v58;
	v36 =	vbroadcast v9, $0x7;
	v37 =	vld.idx.msk [tilespmem:v56+s15+$0x0], $0xffff  }
0x25f: {  	[tilespmem:s26+$0x8750] =	vst v12;
	v38 =	vadd.f32 v26, v40;
	v14 =	vmul.f32 v53, v58;
	v19 =	vld.idx.msk [tilespmem:v54+s6+$0x0], $0xffff  }
0x260: {  	v40 =	vbroadcast v8, $0xC;
	[tilespmem:s28+$0x86C0] =	vst v62;
	v39 =	vadd.f32 v63, v42;
	v41 =	vld.idx.msk [tilespmem:v56+s6+$0x0], $0xffff;
	v13 =	vmul.f32 v60, v36  }
0x261: {  	v21 =	vld.idx.msk [tilespmem:v18+s6+$0x0], $0xffff;
	[tilespmem:s28+$0x86D0] =	vst v38;
	v42 =	vadd.f32 v14, v44;
	v44 =	vbroadcast v10, $0x8;
	v43 =	vmul.f32 v22, v36  }
0x262: {  	v45 =	vor.u32 v1, v40;
	[tilespmem:s28+$0x86E0] =	vst v39;
	v47 =	vmul.f32 v61, v36;
	v46 =	vadd.f32 v13, v55  }
0x263: {  	[tilespmem:s28+$0x86F0] =	vst v42;
	v48 =	vor.u32 v1, v44;
	v17 =	vmul.f32 v37, v36;
	v14 =	vadd.f32 v43, v59  }
0x264: {  	v12 =	vld.idx.msk [tilespmem:v28+s6+$0x0], $0xffff;
	v49 =	vor.u32 v2, v44;
	v19 =	vadd.f32 v47, v19;
	[tilespmem:s29+$0x85C0] =	vst v46  }
0x265: {  	v11 =	vld.idx.msk [tilespmem:v32+s6+$0x0], $0xffff;
	v50 =	vadd.f32 v17, v41;
	[tilespmem:s29+$0x85D0] =	vst v14  }
0x266: {  	v18 =	vld.idx.msk [tilespmem:v18+s15+$0x0], $0xffff;
	[tilespmem:s29+$0x85E0] =	vst v19  }
0x267: {  	v52 =	vor.u32 v3, v44;
	v51 =	vld.idx.msk [tilespmem:v45+s6+$0x0], $0xffff;
	[tilespmem:s29+$0x85F0] =	vst v50  }
0x268: {  	v54 =	vor.u32 v4, v44;
	v53 =	vld.idx.msk [tilespmem:v48+s6+$0x0], $0xffff  }
0x269: {  	v55 =	vld.idx.msk [tilespmem:v49+s6+$0x0], $0xffff  }
0x26a: {  	v20 =	vld.idx.msk [tilespmem:v48+s15+$0x0], $0xffff  }
0x26b: {  	v29 =	vor.u32 v3, v57;
	v57 =	vor.u32 v3, v40;
	v24 =	vld.idx.msk [tilespmem:v49+s15+$0x0], $0xffff  }
0x26c: {  	v58 =	vld.idx.msk [tilespmem:v52+s15+$0x0], $0xffff  }
0x26d: {  	v59 =	vbroadcast v9, $0x8;
	v60 =	vld.idx.msk [tilespmem:v54+s15+$0x0], $0xffff  }
0x26e: {  	v56 =	vor.u32 v2, v40;
	v14 =	vld.idx.msk [tilespmem:v52+s6+$0x0], $0xffff  }
0x26f: {  	v15 =	vor.u32 v4, v40;
	v19 =	vld.idx.msk [tilespmem:v54+s6+$0x0], $0xffff;
	v20 =	vmul.f32 v20, v59  }
0x270: {  	v62 =	vbroadcast v10, $0x9;
	v63 =	vld.idx.msk [tilespmem:v57+s6+$0x0], $0xffff;
	v24 =	vmul.f32 v24, v59  }
0x271: {  	v23 =	vld.idx.msk [tilespmem:v45+s15+$0x0], $0xffff;
	v36 =	vmul.f32 v58, v59;
	v17 =	vadd.f32 v20, v53  }
0x272: {  	v39 =	vor.u32 v1, v62;
	v42 =	vld.idx.msk [tilespmem:v57+s15+$0x0], $0xffff;
	v38 =	vmul.f32 v60, v59;
	v22 =	vadd.f32 v24, v55  }
0x273: {  	v40 =	vor.u32 v2, v62;
	v61 =	vld.idx.msk [tilespmem:v56+s6+$0x0], $0xffff;
	v14 =	vadd.f32 v36, v14;
	[tilespmem:s29+$0x8600] =	vst v17  }
0x274: {  	v37 =	vld.idx.msk [tilespmem:v15+s6+$0x0], $0xffff;
	v19 =	vadd.f32 v38, v19;
	[tilespmem:s29+$0x8610] =	vst v22  }
0x275: {  	v41 =	vld.idx.msk [tilespmem:v56+s15+$0x0], $0xffff;
	[tilespmem:s29+$0x8620] =	vst v14  }
0x276: {  	v44 =	vor.u32 v3, v62;
	v43 =	vld.idx.msk [tilespmem:v15+s15+$0x0], $0xffff;
	[tilespmem:s29+$0x8630] =	vst v19  }
0x277: {  	v45 =	vor.u32 v4, v62;
	v19 =	vld.idx.msk [tilespmem:v39+s6+$0x0], $0xffff  }
0x278: {  	v46 =	vbroadcast v7, $0xC;
	v47 =	vld.idx.msk [tilespmem:v40+s6+$0x0], $0xffff  }
0x279: {  	v30 =	vld.idx.msk [tilespmem:v39+s15+$0x0], $0xffff  }
0x27a: {  	v23 =	vmul.f32 v23, v46;
	v17 =	vld.idx.msk [tilespmem:v40+s15+$0x0], $0xffff  }
0x27b: {  	v20 =	vmul.f32 v41, v46;
	v48 =	vld.idx.msk [tilespmem:v44+s15+$0x0], $0xffff  }
0x27c: {  	v49 =	vbroadcast v9, $0x9;
	v16 =	vadd.f32 v23, v51;
	v22 =	vmul.f32 v42, v46;
	v34 =	vld.idx.msk [tilespmem:v45+s15+$0x0], $0xffff  }
0x27d: {  	v20 =	vadd.f32 v20, v61;
	v14 =	vmul.f32 v43, v46;
	v15 =	vld.idx.msk [tilespmem:v44+s6+$0x0], $0xffff  }
0x27e: {  	v51 =	vbroadcast v8, $0xD;
	[tilespmem:s28+$0x8700] =	vst v16;
	v24 =	vld.idx.msk [tilespmem:v45+s6+$0x0], $0xffff;
	v50 =	vadd.f32 v22, v63;
	v52 =	vmul.f32 v30, v49  }
0x27f: {  	v13 =	vld.idx.msk [tilespmem:v29+s6+$0x0], $0xffff;
	v53 =	vbroadcast v10, $0xA;
	[tilespmem:s28+$0x8710] =	vst v20;
	v14 =	vadd.f32 v14, v37;
	v17 =	vmul.f32 v17, v49  }
0x280: {  	v54 =	vor.u32 v1, v51;
	[tilespmem:s28+$0x8720] =	vst v50;
	v55 =	vmul.f32 v48, v49;
	v19 =	vadd.f32 v52, v19  }
0x281: {  	v58 =	vor.u32 v1, v53;
	[tilespmem:s28+$0x8730] =	vst v14;
	v57 =	vmul.f32 v34, v49;
	v56 =	vadd.f32 v17, v47  }
0x282: {  	v59 =	vld.idx.msk [tilespmem:v28+s15+$0x0], $0xffff;
	v60 =	vor.u32 v2, v53;
	v15 =	vadd.f32 v55, v15;
	[tilespmem:s29+$0x8640] =	vst v19  }
0x283: {  	v61 =	vld.idx.msk [tilespmem:v29+s15+$0x0], $0xffff;
	v62 =	vadd.f32 v57, v24;
	[tilespmem:s29+$0x8650] =	vst v56  }
0x284: {  	v63 =	vld.idx.msk [tilespmem:v32+s15+$0x0], $0xffff;
	[tilespmem:s29+$0x8660] =	vst v15  }
0x285: {  	v36 =	vor.u32 v3, v53;
	v16 =	vld.idx.msk [tilespmem:v54+s15+$0x0], $0xffff;
	[tilespmem:s29+$0x8670] =	vst v62  }
0x286: {  	v20 =	vor.u32 v4, v53;
	v37 =	vld.idx.msk [tilespmem:v58+s6+$0x0], $0xffff  }
0x287: {  	v38 =	vld.idx.msk [tilespmem:v60+s6+$0x0], $0xffff  }
0x288: {  	v23 =	vld.idx.msk [tilespmem:v58+s15+$0x0], $0xffff  }
0x289: {  	v40 =	vor.u32 v2, v51;
	v19 =	vld.idx.msk [tilespmem:v60+s15+$0x0], $0xffff  }
0x28a: {  	v41 =	vor.u32 v3, v51;
	v42 =	vld.idx.msk [tilespmem:v36+s15+$0x0], $0xffff  }
0x28b: {  	v43 =	vbroadcast v9, $0xA;
	v39 =	vbroadcast v5, $0xE;
	v22 =	vor.u32 v4, v51;
	v44 =	vld.idx.msk [tilespmem:v20+s15+$0x0], $0xffff  }
0x28c: {  	v14 =	vld.idx.msk [tilespmem:v36+s6+$0x0], $0xffff  }
0x28d: {  	v18 =	vmul.f32 v18, v39;
	v20 =	vld.idx.msk [tilespmem:v20+s6+$0x0], $0xffff;
	v45 =	vmul.f32 v23, v43  }
0x28e: {  	v46 =	vld.idx.msk [tilespmem:v40+s6+$0x0], $0xffff;
	v47 =	vbroadcast v10, $0xB;
	v19 =	vmul.f32 v19, v43  }
0x28f: {  	v18 =	vadd.f32 v18, v21;
	v48 =	vld.idx.msk [tilespmem:v41+s6+$0x0], $0xffff;
	v49 =	vmul.f32 v42, v43;
	v21 =	vadd.f32 v45, v37  }
0x290: {  	v50 =	vld.idx.msk [tilespmem:v22+s6+$0x0], $0xffff;
	v52 =	vor.u32 v1, v47;
	v51 =	vmul.f32 v44, v43;
	v19 =	vadd.f32 v19, v38  }
0x291: {  	v55 =	vld.idx.msk [tilespmem:v40+s15+$0x0], $0xffff;
	v53 =	vor.u32 v2, v47;
	v14 =	vadd.f32 v49, v14;
	[tilespmem:s29+$0x8680] =	vst v21  }
0x292: {  	v15 =	vld.idx.msk [tilespmem:v54+s6+$0x0], $0xffff;
	v56 =	vadd.f32 v51, v20;
	[tilespmem:s29+$0x8690] =	vst v19  }
0x293: {  	v54 =	vmul.f32 v59, v39;
	v59 =	vld.idx.msk [tilespmem:v22+s15+$0x0], $0xffff;
	[tilespmem:s29+$0x86A0] =	vst v14  }
0x294: {  	v6 =	vbroadcast v6, $0xF;
	v58 =	vld.idx.msk [tilespmem:v41+s15+$0x0], $0xffff;
	v60 =	vor.u32 v3, v47;
	[tilespmem:s29+$0x86B0] =	vst v56  }
0x295: {  	v57 =	vmul.f32 v61, v39;
	v17 =	vmul.f32 v63, v39;
	v62 =	vor.u32 v4, v47;
	v61 =	vld.idx.msk [tilespmem:v52+s6+$0x0], $0xffff  }
0x296: {  	v27 =	vor.u32 v2, v6;
	v28 =	vor.u32 v3, v6;
	v63 =	vbroadcast v7, $0xD;
	v33 =	vld.idx.msk [tilespmem:v53+s6+$0x0], $0xffff  }
0x297: {  	[tilespmem:s26+$0x8780] =	vst v18;
	v13 =	vadd.f32 v57, v13;
	v11 =	vadd.f32 v17, v11;
	v34 =	vld.idx.msk [tilespmem:v52+s15+$0x0], $0xffff  }
0x298: {  	v17 =	vor.u32 v1, v6;
	v16 =	vmul.f32 v16, v63;
	v12 =	vadd.f32 v54, v12;
	v21 =	vld.idx.msk [tilespmem:v53+s15+$0x0], $0xffff  }
0x299: {  	v30 =	vor.u32 v4, v6;
	[tilespmem:s26+$0x87A0] =	vst v13;
	v26 =	vmul.f32 v55, v63;
	v35 =	vld.idx.msk [tilespmem:v60+s15+$0x0], $0xffff  }
0x29a: {  	[tilespmem:s26+$0x8790] =	vst v12;
	v36 =	vadd.f32 v16, v15;
	v12 =	vmul.f32 v59, v63;
	v38 =	vbroadcast v9, $0xB;
	v39 =	vld.idx.msk [tilespmem:v62+s15+$0x0], $0xffff  }
0x29b: {  	[tilespmem:s26+$0x87B0] =	vst v11;
	v23 =	vadd.f32 v26, v46;
	v37 =	vmul.f32 v58, v63;
	v40 =	vld.idx.msk [tilespmem:v60+s6+$0x0], $0xffff  }
0x29c: {  	v42 =	vbroadcast v8, $0xE;
	[tilespmem:s28+$0x8740] =	vst v36;
	v12 =	vadd.f32 v12, v50;
	v43 =	vld.idx.msk [tilespmem:v62+s6+$0x0], $0xffff;
	v13 =	vmul.f32 v34, v38  }
0x29d: {  	v6 =	vld.idx.msk [tilespmem:v17+s6+$0x0], $0xffff;
	[tilespmem:s28+$0x8750] =	vst v23;
	v45 =	vbroadcast v10, $0xC;
	v41 =	vadd.f32 v37, v48;
	v44 =	vmul.f32 v21, v38  }
0x29e: {  	v46 =	vor.u32 v1, v42;
	[tilespmem:s28+$0x8770] =	vst v12;
	v48 =	vmul.f32 v35, v38;
	v47 =	vadd.f32 v13, v61  }
0x29f: {  	v49 =	vor.u32 v1, v45;
	[tilespmem:s28+$0x8760] =	vst v41;
	v16 =	vmul.f32 v39, v38;
	v19 =	vadd.f32 v44, v33  }
0x2a0: {  	v11 =	vld.idx.msk [tilespmem:v30+s6+$0x0], $0xffff;
	v50 =	vor.u32 v2, v45;
	v14 =	vadd.f32 v48, v40;
	[tilespmem:s29+$0x86C0] =	vst v47  }
0x2a1: {  	v17 =	vld.idx.msk [tilespmem:v17+s15+$0x0], $0xffff;
	v16 =	vadd.f32 v16, v43;
	[tilespmem:s29+$0x86D0] =	vst v19  }
0x2a2: {  	v12 =	vld.idx.msk [tilespmem:v27+s6+$0x0], $0xffff;
	[tilespmem:s29+$0x86E0] =	vst v14  }
0x2a3: {  	v52 =	vor.u32 v3, v45;
	v51 =	vld.idx.msk [tilespmem:v46+s6+$0x0], $0xffff;
	[tilespmem:s29+$0x86F0] =	vst v16  }
0x2a4: {  	v54 =	vor.u32 v4, v45;
	v53 =	vld.idx.msk [tilespmem:v49+s6+$0x0], $0xffff  }
0x2a5: {  	v55 =	vld.idx.msk [tilespmem:v50+s6+$0x0], $0xffff  }
0x2a6: {  	v20 =	vld.idx.msk [tilespmem:v49+s15+$0x0], $0xffff  }
0x2a7: {  	v57 =	vor.u32 v3, v42;
	v23 =	vld.idx.msk [tilespmem:v50+s15+$0x0], $0xffff  }
0x2a8: {  	v15 =	vor.u32 v4, v42;
	v58 =	vld.idx.msk [tilespmem:v52+s15+$0x0], $0xffff  }
0x2a9: {  	v59 =	vbroadcast v9, $0xC;
	v60 =	vld.idx.msk [tilespmem:v54+s15+$0x0], $0xffff  }
0x2aa: {  	v16 =	vld.idx.msk [tilespmem:v52+s6+$0x0], $0xffff  }
0x2ab: {  	v19 =	vld.idx.msk [tilespmem:v54+s6+$0x0], $0xffff;
	v20 =	vmul.f32 v20, v59  }
0x2ac: {  	v56 =	vor.u32 v2, v42;
	v62 =	vbroadcast v10, $0xD;
	v63 =	vld.idx.msk [tilespmem:v57+s6+$0x0], $0xffff;
	v23 =	vmul.f32 v23, v59  }
0x2ad: {  	v36 =	vld.idx.msk [tilespmem:v15+s6+$0x0], $0xffff;
	v35 =	vmul.f32 v58, v59;
	v18 =	vadd.f32 v20, v53  }
0x2ae: {  	v22 =	vld.idx.msk [tilespmem:v46+s15+$0x0], $0xffff;
	v38 =	vor.u32 v1, v62;
	v37 =	vmul.f32 v60, v59;
	v21 =	vadd.f32 v23, v55  }
0x2af: {  	v41 =	vld.idx.msk [tilespmem:v57+s15+$0x0], $0xffff;
	v39 =	vor.u32 v2, v62;
	v16 =	vadd.f32 v35, v16;
	[tilespmem:s29+$0x8700] =	vst v18  }
0x2b0: {  	v15 =	vld.idx.msk [tilespmem:v15+s15+$0x0], $0xffff;
	v19 =	vadd.f32 v37, v19;
	[tilespmem:s29+$0x8710] =	vst v21  }
0x2b1: {  	v61 =	vld.idx.msk [tilespmem:v56+s6+$0x0], $0xffff;
	[tilespmem:s29+$0x8720] =	vst v16  }
0x2b2: {  	v42 =	vor.u32 v3, v62;
	v40 =	vld.idx.msk [tilespmem:v56+s15+$0x0], $0xffff;
	[tilespmem:s29+$0x8730] =	vst v19  }
0x2b3: {  	v43 =	vor.u32 v4, v62;
	v19 =	vld.idx.msk [tilespmem:v38+s6+$0x0], $0xffff  }
0x2b4: {  	v44 =	vbroadcast v7, $0xE;
	v45 =	vld.idx.msk [tilespmem:v39+s6+$0x0], $0xffff  }
0x2b5: {  	v29 =	vld.idx.msk [tilespmem:v38+s15+$0x0], $0xffff  }
0x2b6: {  	v22 =	vmul.f32 v22, v44;
	v18 =	vld.idx.msk [tilespmem:v39+s15+$0x0], $0xffff  }
0x2b7: {  	v15 =	vmul.f32 v15, v44;
	v46 =	vld.idx.msk [tilespmem:v42+s15+$0x0], $0xffff  }
0x2b8: {  	v47 =	vbroadcast v9, $0xD;
	v14 =	vadd.f32 v22, v51;
	v20 =	vmul.f32 v40, v44;
	v33 =	vld.idx.msk [tilespmem:v43+s15+$0x0], $0xffff  }
0x2b9: {  	v15 =	vadd.f32 v15, v36;
	v21 =	vmul.f32 v41, v44;
	v16 =	vld.idx.msk [tilespmem:v42+s6+$0x0], $0xffff  }
0x2ba: {  	v8 =	vbroadcast v8, $0xF;
	[tilespmem:s28+$0x8780] =	vst v14;
	v20 =	vadd.f32 v20, v61;
	v49 =	vld.idx.msk [tilespmem:v43+s6+$0x0], $0xffff;
	v50 =	vmul.f32 v29, v47  }
0x2bb: {  	v57 =	vld.idx.msk [tilespmem:v27+s15+$0x0], $0xffff;
	v51 =	vbroadcast v10, $0xE;
	[tilespmem:s28+$0x87B0] =	vst v15;
	v48 =	vadd.f32 v21, v63;
	v18 =	vmul.f32 v18, v47  }
0x2bc: {  	v52 =	vor.u32 v1, v8;
	[tilespmem:s28+$0x8790] =	vst v20;
	v53 =	vmul.f32 v46, v47;
	v19 =	vadd.f32 v50, v19  }
0x2bd: {  	v56 =	vor.u32 v1, v51;
	[tilespmem:s28+$0x87A0] =	vst v48;
	v55 =	vmul.f32 v33, v47;
	v54 =	vadd.f32 v18, v45  }
0x2be: {  	v13 =	vld.idx.msk [tilespmem:v28+s6+$0x0], $0xffff;
	v58 =	vor.u32 v2, v51;
	v16 =	vadd.f32 v53, v16;
	[tilespmem:s29+$0x8740] =	vst v19  }
0x2bf: {  	v59 =	vld.idx.msk [tilespmem:v28+s15+$0x0], $0xffff;
	v60 =	vadd.f32 v55, v49;
	[tilespmem:s29+$0x8750] =	vst v54  }
0x2c0: {  	v61 =	vld.idx.msk [tilespmem:v30+s15+$0x0], $0xffff;
	[tilespmem:s29+$0x8760] =	vst v16  }
0x2c1: {  	v63 =	vor.u32 v3, v51;
	v62 =	vld.idx.msk [tilespmem:v52+s6+$0x0], $0xffff;
	[tilespmem:s29+$0x8770] =	vst v60  }
0x2c2: {  	v20 =	vor.u32 v4, v51;
	v33 =	vld.idx.msk [tilespmem:v56+s6+$0x0], $0xffff  }
0x2c3: {  	v34 =	vld.idx.msk [tilespmem:v58+s6+$0x0], $0xffff  }
0x2c4: {  	v22 =	vld.idx.msk [tilespmem:v56+s15+$0x0], $0xffff  }
0x2c5: {  	v35 =	vor.u32 v2, v8;
	v19 =	vld.idx.msk [tilespmem:v58+s15+$0x0], $0xffff  }
0x2c6: {  	v36 =	vor.u32 v3, v8;
	v37 =	vld.idx.msk [tilespmem:v63+s15+$0x0], $0xffff  }
0x2c7: {  	v8 =	vor.u32 v4, v8;
	v38 =	vbroadcast v9, $0xE;
	v39 =	vld.idx.msk [tilespmem:v20+s15+$0x0], $0xffff  }
0x2c8: {  	v15 =	vld.idx.msk [tilespmem:v63+s6+$0x0], $0xffff  }
0x2c9: {  	v20 =	vld.idx.msk [tilespmem:v20+s6+$0x0], $0xffff;
	v22 =	vmul.f32 v22, v38  }
0x2ca: {  	v10 =	vbroadcast v10, $0xF;
	v40 =	vld.idx.msk [tilespmem:v35+s6+$0x0], $0xffff;
	v19 =	vmul.f32 v19, v38  }
0x2cb: {  	v41 =	vld.idx.msk [tilespmem:v36+s6+$0x0], $0xffff;
	v28 =	vmul.f32 v37, v38;
	v21 =	vadd.f32 v22, v33  }
0x2cc: {  	v43 =	vor.u32 v1, v10;
	v42 =	vld.idx.msk [tilespmem:v8+s6+$0x0], $0xffff;
	v29 =	vmul.f32 v39, v38;
	v19 =	vadd.f32 v19, v34  }
0x2cd: {  	v5 =	vbroadcast v5, $0xF;
	v44 =	vor.u32 v2, v10;
	v14 =	vld.idx.msk [tilespmem:v52+s15+$0x0], $0xffff;
	v15 =	vadd.f32 v28, v15;
	[tilespmem:s29+$0x8780] =	vst v21  }
0x2ce: {  	v8 =	vld.idx.msk [tilespmem:v8+s15+$0x0], $0xffff;
	v45 =	vadd.f32 v29, v20;
	[tilespmem:s29+$0x8790] =	vst v19  }
0x2cf: {  	v48 =	vmul.f32 v17, v5;
	v46 =	vld.idx.msk [tilespmem:v35+s15+$0x0], $0xffff;
	[tilespmem:s29+$0x87A0] =	vst v15  }
0x2d0: {  	v47 =	vld.idx.msk [tilespmem:v36+s15+$0x0], $0xffff;
	v49 =	vor.u32 v3, v10;
	[tilespmem:s29+$0x87B0] =	vst v45  }
0x2d1: {  	v52 =	vmul.f32 v59, v5;
	v6 =	vadd.f32 v48, v6;
	v10 =	vor.u32 v4, v10;
	v51 =	vld.idx.msk [tilespmem:v43+s6+$0x0], $0xffff  }
0x2d2: {  	v7 =	vbroadcast v7, $0xF;
	v50 =	vmul.f32 v57, v5;
	v53 =	vld.idx.msk [tilespmem:v44+s6+$0x0], $0xffff  }
0x2d3: {  	v5 =	vmul.f32 v61, v5;
	[tilespmem:s26+$0x87C0] =	vst v6;
	v6 =	vadd.f32 v52, v13;
	v54 =	vld.idx.msk [tilespmem:v43+s15+$0x0], $0xffff  }
0x2d4: {  	v12 =	vadd.f32 v50, v12;
	v55 =	vmul.f32 v14, v7;
	v56 =	vld.idx.msk [tilespmem:v44+s15+$0x0], $0xffff  }
0x2d5: {  	v5 =	vadd.f32 v5, v11;
	[tilespmem:s26+$0x87E0] =	vst v6;
	v57 =	vmul.f32 v46, v7;
	v58 =	vld.idx.msk [tilespmem:v49+s15+$0x0], $0xffff  }
0x2d6: {  	v9 =	vbroadcast v9, $0xF;
	v59 =	vmul.f32 v47, v7;
	[tilespmem:s26+$0x87D0] =	vst v12;
	v6 =	vadd.f32 v55, v62;
	v60 =	vld.idx.msk [tilespmem:v10+s15+$0x0], $0xffff  }
0x2d7: {  	v7 =	vmul.f32 v8, v7;
	[tilespmem:s26+$0x87F0] =	vst v5;
	v5 =	vadd.f32 v57, v40;
	v61 =	vld.idx.msk [tilespmem:v49+s6+$0x0], $0xffff  }
0x2d8: {  	[tilespmem:s28+$0x87C0] =	vst v6;
	v6 =	vadd.f32 v59, v41;
	v10 =	vld.idx.msk [tilespmem:v10+s6+$0x0], $0xffff;
	v62 =	vmul.f32 v54, v9  }
0x2d9: {  	[tilespmem:s28+$0x87D0] =	vst v5;
	v5 =	vadd.f32 v7, v42;
	v7 =	vmul.f32 v56, v9  }
0x2da: {  	p0 =	slt.u32 s25, $0x1C;
	[tilespmem:s28+$0x87E0] =	vst v6;
	v63 =	vmul.f32 v58, v9;
	v6 =	vadd.f32 v62, v51  }
.Ltmp3:
0x2db: {  	[tilespmem:s28+$0x87F0] =	vst v5;
	v5 =	vadd.f32 v7, v53;
	v7 =	vmul.f32 v60, v9;
	(pc) =	sbr.rel @p0 .LBB2_5-.Ltmp3, $4  }
0x2dc: {  	[tilespmem:s29+$0x87C0] =	vst v6;
	v6 =	vadd.f32 v63, v61  }
0x2dd: {  	[tilespmem:s29+$0x87D0] =	vst v5;
	v5 =	vadd.f32 v7, v10  }
0x2de: {  	s31 =	sadd.s32 $0x4, s25;
	[tilespmem:s29+$0x87E0] =	vst v6  }
0x2df: {  	s25 =	smov.u32 s31;
	[tilespmem:s29+$0x87F0] =	vst v5  }
0x2e0: {  	p0 =	seq.s32 s22, $0x18  }
0x2e1: {  	p1 =	seq.s32 @!p0 s22, $0x0  }
0x2e2: {  	s25 =	sshll.u32 s24, $0x3;
	p1 =	por p0, !p1  }
.Ltmp4:
0x2e3: {  	s25 =	sadd.s32 s4, s25;
	s24 =	sshrl.u32 @!p0 s24, $0x3;
	(pc) =	sbr.rel @!p1 .LBB2_8-.Ltmp4, $4  }
0x2e4: {  	[hbm4b:s25+s6] =	stream.linear.scatter [tilespmem:s16], [sflag:$0x3], $0x8000, $0x38;
	[tilespmem:$0x18400] =	vst v63  }
0x2e5: {  	s26 =	simm.s32 @!p0 $0x8000;
	s23 =	sadd.s32 @!p0 s23, s5;
	s24 =	sadd.s32 @!p0 s1, s24  }
0x2e6: {  	s25 =	simm.s32 @!p0 $0x0;
	s23 =	sadd.s32 @!p0 $0x200, s23;
	s24 =	sadd.s32 @!p0 $0x80, s24  }
0x2e7: {  	[tilespmem:s26], [sflag:$0x1] =	stream.linear.gather @!p0 [hbm4b:s24+s25], $0x200, $0x38;
	[tilespmem:$0x18400] =	vst v63  }
0x2e8: {  	_ =	swait.ge [sflag:s20], $0x8000  }
0x2e9: {  	[sflag:s20] =	ssyncset.done $0x0  }
0x2ea: {  	s23 =	smov.u32 @p0 s9;
	[sflag:s20] =	ssyncadd.s32 $0xFFFF8000  }
.LBB2_8:
0x2eb: {  	_ =	swait.ge [sflag:s17], $0x200  }
0x2ec: {  	[sflag:s17] =	ssyncset.done $0x0  }
0x2ed: {  	s24 =	simm.s32 $0x0;
	[sflag:s17] =	ssyncadd.s32 $0xFFFFFE00  }
.LBB2_9:
0x2ee: {  	s25 =	sshll.u32 s24, $0x4  }
0x2ef: {  	s25 =	sand.u32 $0x3FFFFFF0, s25  }
0x2f0: {  	v5 =	vld [tilespmem:s25+$0x8200];
	_ =	sdelay $0x4  }
0x2f1: {  	v6 =	vtrunc.f32 v5  }
0x2f2: {  	v6 =	vcvt.f32.s32 v6;
	_ =	sdelay $0x1  }
0x2f3: {  	v8 =	vshll.u32 v6, $0x6  }
0x2f4: {  	v7 =	vbroadcast v8, $0x0;
	_ =	sdelay $0x1  }
0x2f5: {  	v9 =	vor.u32 v1, v7  }
0x2f6: {  	v10 =	vor.u32 v2, v7;
	_ =	sdelay $0x2  }
0x2f7: {  	v11 =	vor.u32 v3, v7  }
0x2f8: {  	v13 =	vor.u32 v4, v7;
	v12 =	vld.idx.msk [tilespmem:v9+s6+$0x0], $0xffff  }
0x2f9: {  	v6 =	vcvt.s32.f32 v6;
	v14 =	vld.idx.msk [tilespmem:v10+s6+$0x0], $0xffff  }
0x2fa: {  	v9 =	vld.idx.msk [tilespmem:v9+s15+$0x0], $0xffff  }
0x2fb: {  	v7 =	vsub.f32 v5, v6;
	v5 =	vld.idx.msk [tilespmem:v10+s15+$0x0], $0xffff  }
0x2fc: {  	v6 =	vld.idx.msk [tilespmem:v11+s15+$0x0], $0xffff  }
0x2fd: {  	v22 =	vbroadcast v7, $0x0;
	v15 =	vld.idx.msk [tilespmem:v13+s15+$0x0], $0xffff  }
0x2fe: {  	v11 =	vld.idx.msk [tilespmem:v11+s6+$0x0], $0xffff  }
0x2ff: {  	v13 =	vld.idx.msk [tilespmem:v13+s6+$0x0], $0xffff;
	v9 =	vmul.f32 v9, v22  }
0x300: {  	v16 =	vbroadcast v8, $0x1;
	v5 =	vmul.f32 v5, v22  }
0x301: {  	s29 =	sshll.u32 s24, $0xA;
	v6 =	vmul.f32 v6, v22;
	v9 =	vadd.f32 v9, v12  }
0x302: {  	s26 =	sand.u32 $0x3FFFFC00, s29;
	v23 =	vor.u32 v1, v16;
	v10 =	vmul.f32 v15, v22;
	v5 =	vadd.f32 v5, v14  }
0x303: {  	v24 =	vor.u32 v2, v16;
	v6 =	vadd.f32 v6, v11;
	[tilespmem:s26+$0x10400] =	vst v9  }
0x304: {  	[tilespmem:s26+$0x10410] =	vst v5;
	v5 =	vadd.f32 v10, v13  }
0x305: {  	[tilespmem:s26+$0x10420] =	vst v6  }
0x306: {  	v25 =	vor.u32 v4, v16;
	[tilespmem:s26+$0x10430] =	vst v5  }
0x307: {  	v5 =	vor.u32 v3, v16;
	v6 =	vld.idx.msk [tilespmem:v23+s6+$0x0], $0xffff  }
0x308: {  	v26 =	vld.idx.msk [tilespmem:v24+s6+$0x0], $0xffff  }
0x309: {  	v12 =	vld.idx.msk [tilespmem:v23+s15+$0x0], $0xffff  }
0x30a: {  	v9 =	vld.idx.msk [tilespmem:v24+s15+$0x0], $0xffff  }
0x30b: {  	v29 =	vld.idx.msk [tilespmem:v25+s15+$0x0], $0xffff  }
0x30c: {  	v28 =	vbroadcast v7, $0x1;
	v27 =	vld.idx.msk [tilespmem:v5+s15+$0x0], $0xffff  }
0x30d: {  	v10 =	vld.idx.msk [tilespmem:v25+s6+$0x0], $0xffff  }
0x30e: {  	v5 =	vld.idx.msk [tilespmem:v5+s6+$0x0], $0xffff;
	v12 =	vmul.f32 v12, v28  }
0x30f: {  	v30 =	vbroadcast v8, $0x2;
	v9 =	vmul.f32 v9, v28  }
0x310: {  	v32 =	vmul.f32 v29, v28;
	v6 =	vadd.f32 v12, v6  }
0x311: {  	v33 =	vor.u32 v1, v30;
	v9 =	vadd.f32 v9, v26;
	v31 =	vmul.f32 v27, v28  }
0x312: {  	v34 =	vadd.f32 v32, v10;
	[tilespmem:s26+$0x10440] =	vst v6;
	v6 =	vor.u32 v2, v30  }
0x313: {  	[tilespmem:s26+$0x10450] =	vst v9;
	v5 =	vadd.f32 v31, v5  }
0x314: {  	[tilespmem:s26+$0x10470] =	vst v34  }
0x315: {  	v35 =	vor.u32 v4, v30;
	[tilespmem:s26+$0x10460] =	vst v5  }
0x316: {  	v5 =	vor.u32 v3, v30;
	v9 =	vld.idx.msk [tilespmem:v33+s6+$0x0], $0xffff  }
0x317: {  	v36 =	vld.idx.msk [tilespmem:v6+s6+$0x0], $0xffff  }
0x318: {  	v6 =	vld.idx.msk [tilespmem:v6+s15+$0x0], $0xffff  }
0x319: {  	v37 =	vld.idx.msk [tilespmem:v33+s15+$0x0], $0xffff  }
0x31a: {  	v40 =	vld.idx.msk [tilespmem:v35+s15+$0x0], $0xffff  }
0x31b: {  	v39 =	vbroadcast v7, $0x2;
	v38 =	vld.idx.msk [tilespmem:v5+s15+$0x0], $0xffff  }
0x31c: {  	v10 =	vld.idx.msk [tilespmem:v35+s6+$0x0], $0xffff  }
0x31d: {  	v5 =	vld.idx.msk [tilespmem:v5+s6+$0x0], $0xffff;
	v6 =	vmul.f32 v6, v39  }
0x31e: {  	v41 =	vbroadcast v8, $0x3;
	v12 =	vmul.f32 v37, v39  }
0x31f: {  	v43 =	vmul.f32 v40, v39;
	v6 =	vadd.f32 v6, v36  }
0x320: {  	v44 =	vor.u32 v1, v41;
	v9 =	vadd.f32 v12, v9;
	v42 =	vmul.f32 v38, v39  }
0x321: {  	v45 =	vor.u32 v2, v41;
	[tilespmem:s26+$0x10490] =	vst v6;
	v6 =	vadd.f32 v43, v10  }
0x322: {  	[tilespmem:s26+$0x10480] =	vst v9;
	v5 =	vadd.f32 v42, v5  }
0x323: {  	[tilespmem:s26+$0x104B0] =	vst v6  }
0x324: {  	v46 =	vor.u32 v4, v41;
	[tilespmem:s26+$0x104A0] =	vst v5  }
0x325: {  	v5 =	vor.u32 v3, v41;
	v6 =	vld.idx.msk [tilespmem:v44+s6+$0x0], $0xffff  }
0x326: {  	v47 =	vld.idx.msk [tilespmem:v45+s6+$0x0], $0xffff  }
0x327: {  	v48 =	vld.idx.msk [tilespmem:v44+s15+$0x0], $0xffff  }
0x328: {  	v9 =	vld.idx.msk [tilespmem:v45+s15+$0x0], $0xffff  }
0x329: {  	v51 =	vld.idx.msk [tilespmem:v46+s15+$0x0], $0xffff  }
0x32a: {  	v50 =	vbroadcast v7, $0x3;
	v49 =	vld.idx.msk [tilespmem:v5+s15+$0x0], $0xffff  }
0x32b: {  	v10 =	vld.idx.msk [tilespmem:v46+s6+$0x0], $0xffff  }
0x32c: {  	v5 =	vld.idx.msk [tilespmem:v5+s6+$0x0], $0xffff;
	v12 =	vmul.f32 v48, v50  }
0x32d: {  	v52 =	vbroadcast v8, $0x4;
	v9 =	vmul.f32 v9, v50  }
0x32e: {  	v54 =	vmul.f32 v51, v50;
	v6 =	vadd.f32 v12, v6  }
0x32f: {  	v55 =	vor.u32 v1, v52;
	v9 =	vadd.f32 v9, v47;
	v53 =	vmul.f32 v49, v50  }
0x330: {  	v56 =	vadd.f32 v54, v10;
	[tilespmem:s26+$0x104C0] =	vst v6;
	v6 =	vor.u32 v2, v52  }
0x331: {  	[tilespmem:s26+$0x104D0] =	vst v9;
	v5 =	vadd.f32 v53, v5  }
0x332: {  	[tilespmem:s26+$0x104F0] =	vst v56  }
0x333: {  	v57 =	vor.u32 v4, v52;
	[tilespmem:s26+$0x104E0] =	vst v5  }
0x334: {  	v5 =	vor.u32 v3, v52;
	v9 =	vld.idx.msk [tilespmem:v55+s6+$0x0], $0xffff  }
0x335: {  	v58 =	vld.idx.msk [tilespmem:v6+s6+$0x0], $0xffff  }
0x336: {  	v6 =	vld.idx.msk [tilespmem:v6+s15+$0x0], $0xffff  }
0x337: {  	v59 =	vld.idx.msk [tilespmem:v55+s15+$0x0], $0xffff  }
0x338: {  	v62 =	vld.idx.msk [tilespmem:v57+s15+$0x0], $0xffff  }
0x339: {  	v61 =	vbroadcast v7, $0x4;
	v60 =	vld.idx.msk [tilespmem:v5+s15+$0x0], $0xffff  }
0x33a: {  	v10 =	vld.idx.msk [tilespmem:v57+s6+$0x0], $0xffff  }
0x33b: {  	v5 =	vld.idx.msk [tilespmem:v5+s6+$0x0], $0xffff;
	v6 =	vmul.f32 v6, v61  }
0x33c: {  	v63 =	vbroadcast v8, $0x5;
	v12 =	vmul.f32 v59, v61  }
0x33d: {  	v21 =	vmul.f32 v62, v61;
	v6 =	vadd.f32 v6, v58  }
0x33e: {  	v22 =	vor.u32 v1, v63;
	v9 =	vadd.f32 v12, v9;
	v20 =	vmul.f32 v60, v61  }
0x33f: {  	v23 =	vor.u32 v2, v63;
	[tilespmem:s26+$0x10510] =	vst v6;
	v6 =	vadd.f32 v21, v10  }
0x340: {  	[tilespmem:s26+$0x10500] =	vst v9;
	v5 =	vadd.f32 v20, v5  }
0x341: {  	[tilespmem:s26+$0x10530] =	vst v6  }
0x342: {  	v24 =	vor.u32 v4, v63;
	[tilespmem:s26+$0x10520] =	vst v5  }
0x343: {  	v5 =	vor.u32 v3, v63;
	v6 =	vld.idx.msk [tilespmem:v22+s6+$0x0], $0xffff  }
0x344: {  	v25 =	vld.idx.msk [tilespmem:v23+s6+$0x0], $0xffff  }
0x345: {  	v26 =	vld.idx.msk [tilespmem:v22+s15+$0x0], $0xffff  }
0x346: {  	v9 =	vld.idx.msk [tilespmem:v23+s15+$0x0], $0xffff  }
0x347: {  	v29 =	vld.idx.msk [tilespmem:v24+s15+$0x0], $0xffff  }
0x348: {  	v28 =	vbroadcast v7, $0x5;
	v27 =	vld.idx.msk [tilespmem:v5+s15+$0x0], $0xffff  }
0x349: {  	v10 =	vld.idx.msk [tilespmem:v24+s6+$0x0], $0xffff  }
0x34a: {  	v5 =	vld.idx.msk [tilespmem:v5+s6+$0x0], $0xffff;
	v12 =	vmul.f32 v26, v28  }
0x34b: {  	v30 =	vbroadcast v8, $0x6;
	v9 =	vmul.f32 v9, v28  }
0x34c: {  	v32 =	vmul.f32 v29, v28;
	v6 =	vadd.f32 v12, v6  }
0x34d: {  	v33 =	vor.u32 v1, v30;
	v9 =	vadd.f32 v9, v25;
	v31 =	vmul.f32 v27, v28  }
0x34e: {  	v34 =	vadd.f32 v32, v10;
	[tilespmem:s26+$0x10540] =	vst v6;
	v6 =	vor.u32 v2, v30  }
0x34f: {  	[tilespmem:s26+$0x10550] =	vst v9;
	v5 =	vadd.f32 v31, v5  }
0x350: {  	[tilespmem:s26+$0x10570] =	vst v34  }
0x351: {  	v35 =	vor.u32 v4, v30;
	[tilespmem:s26+$0x10560] =	vst v5  }
0x352: {  	v5 =	vor.u32 v3, v30;
	v9 =	vld.idx.msk [tilespmem:v33+s6+$0x0], $0xffff  }
0x353: {  	v36 =	vld.idx.msk [tilespmem:v6+s6+$0x0], $0xffff  }
0x354: {  	v6 =	vld.idx.msk [tilespmem:v6+s15+$0x0], $0xffff  }
0x355: {  	v37 =	vld.idx.msk [tilespmem:v33+s15+$0x0], $0xffff  }
0x356: {  	v40 =	vld.idx.msk [tilespmem:v35+s15+$0x0], $0xffff  }
0x357: {  	v39 =	vbroadcast v7, $0x6;
	v38 =	vld.idx.msk [tilespmem:v5+s15+$0x0], $0xffff  }
0x358: {  	v10 =	vld.idx.msk [tilespmem:v35+s6+$0x0], $0xffff  }
0x359: {  	v5 =	vld.idx.msk [tilespmem:v5+s6+$0x0], $0xffff;
	v6 =	vmul.f32 v6, v39  }
0x35a: {  	v41 =	vbroadcast v8, $0x7;
	v12 =	vmul.f32 v37, v39  }
0x35b: {  	v43 =	vmul.f32 v40, v39;
	v6 =	vadd.f32 v6, v36  }
0x35c: {  	v44 =	vor.u32 v1, v41;
	v9 =	vadd.f32 v12, v9;
	v42 =	vmul.f32 v38, v39  }
0x35d: {  	v45 =	vor.u32 v2, v41;
	[tilespmem:s26+$0x10590] =	vst v6;
	v6 =	vadd.f32 v43, v10  }
0x35e: {  	[tilespmem:s26+$0x10580] =	vst v9;
	v5 =	vadd.f32 v42, v5  }
0x35f: {  	[tilespmem:s26+$0x105B0] =	vst v6  }
0x360: {  	v46 =	vor.u32 v4, v41;
	[tilespmem:s26+$0x105A0] =	vst v5  }
0x361: {  	v5 =	vor.u32 v3, v41;
	v6 =	vld.idx.msk [tilespmem:v44+s6+$0x0], $0xffff  }
0x362: {  	v47 =	vld.idx.msk [tilespmem:v45+s6+$0x0], $0xffff  }
0x363: {  	v48 =	vld.idx.msk [tilespmem:v44+s15+$0x0], $0xffff  }
0x364: {  	v9 =	vld.idx.msk [tilespmem:v45+s15+$0x0], $0xffff  }
0x365: {  	v51 =	vld.idx.msk [tilespmem:v46+s15+$0x0], $0xffff  }
0x366: {  	v50 =	vbroadcast v7, $0x7;
	v49 =	vld.idx.msk [tilespmem:v5+s15+$0x0], $0xffff  }
0x367: {  	v10 =	vld.idx.msk [tilespmem:v46+s6+$0x0], $0xffff  }
0x368: {  	v5 =	vld.idx.msk [tilespmem:v5+s6+$0x0], $0xffff;
	v12 =	vmul.f32 v48, v50  }
0x369: {  	v52 =	vbroadcast v8, $0x8;
	v9 =	vmul.f32 v9, v50  }
0x36a: {  	v54 =	vmul.f32 v51, v50;
	v6 =	vadd.f32 v12, v6  }
0x36b: {  	v55 =	vor.u32 v1, v52;
	v9 =	vadd.f32 v9, v47;
	v53 =	vmul.f32 v49, v50  }
0x36c: {  	v56 =	vadd.f32 v54, v10;
	[tilespmem:s26+$0x105C0] =	vst v6;
	v6 =	vor.u32 v2, v52  }
0x36d: {  	[tilespmem:s26+$0x105D0] =	vst v9;
	v5 =	vadd.f32 v53, v5  }
0x36e: {  	[tilespmem:s26+$0x105F0] =	vst v56  }
0x36f: {  	v57 =	vor.u32 v4, v52;
	[tilespmem:s26+$0x105E0] =	vst v5  }
0x370: {  	v5 =	vor.u32 v3, v52;
	v9 =	vld.idx.msk [tilespmem:v55+s6+$0x0], $0xffff  }
0x371: {  	v58 =	vld.idx.msk [tilespmem:v6+s6+$0x0], $0xffff  }
0x372: {  	v6 =	vld.idx.msk [tilespmem:v6+s15+$0x0], $0xffff  }
0x373: {  	v59 =	vld.idx.msk [tilespmem:v55+s15+$0x0], $0xffff  }
0x374: {  	v62 =	vld.idx.msk [tilespmem:v57+s15+$0x0], $0xffff  }
0x375: {  	v61 =	vbroadcast v7, $0x8;
	v60 =	vld.idx.msk [tilespmem:v5+s15+$0x0], $0xffff  }
0x376: {  	v10 =	vld.idx.msk [tilespmem:v57+s6+$0x0], $0xffff  }
0x377: {  	v5 =	vld.idx.msk [tilespmem:v5+s6+$0x0], $0xffff;
	v6 =	vmul.f32 v6, v61  }
0x378: {  	v63 =	vbroadcast v8, $0x9;
	v12 =	vmul.f32 v59, v61  }
0x379: {  	v19 =	vmul.f32 v62, v61;
	v6 =	vadd.f32 v6, v58  }
0x37a: {  	v20 =	vor.u32 v1, v63;
	v9 =	vadd.f32 v12, v9;
	v18 =	vmul.f32 v60, v61  }
0x37b: {  	v21 =	vor.u32 v2, v63;
	[tilespmem:s26+$0x10610] =	vst v6;
	v6 =	vadd.f32 v19, v10  }
0x37c: {  	[tilespmem:s26+$0x10600] =	vst v9;
	v5 =	vadd.f32 v18, v5  }
0x37d: {  	[tilespmem:s26+$0x10630] =	vst v6  }
0x37e: {  	v22 =	vor.u32 v4, v63;
	[tilespmem:s26+$0x10620] =	vst v5  }
0x37f: {  	v5 =	vor.u32 v3, v63;
	v6 =	vld.idx.msk [tilespmem:v20+s6+$0x0], $0xffff  }
0x380: {  	v23 =	vld.idx.msk [tilespmem:v21+s6+$0x0], $0xffff  }
0x381: {  	v24 =	vld.idx.msk [tilespmem:v20+s15+$0x0], $0xffff  }
0x382: {  	v9 =	vld.idx.msk [tilespmem:v21+s15+$0x0], $0xffff  }
0x383: {  	v27 =	vld.idx.msk [tilespmem:v22+s15+$0x0], $0xffff  }
0x384: {  	v26 =	vbroadcast v7, $0x9;
	v25 =	vld.idx.msk [tilespmem:v5+s15+$0x0], $0xffff  }
0x385: {  	v10 =	vld.idx.msk [tilespmem:v22+s6+$0x0], $0xffff  }
0x386: {  	v5 =	vld.idx.msk [tilespmem:v5+s6+$0x0], $0xffff;
	v12 =	vmul.f32 v24, v26  }
0x387: {  	v28 =	vbroadcast v8, $0xA;
	v9 =	vmul.f32 v9, v26  }
0x388: {  	v30 =	vmul.f32 v27, v26;
	v6 =	vadd.f32 v12, v6  }
0x389: {  	v31 =	vor.u32 v1, v28;
	v9 =	vadd.f32 v9, v23;
	v29 =	vmul.f32 v25, v26  }
0x38a: {  	v32 =	vadd.f32 v30, v10;
	[tilespmem:s26+$0x10640] =	vst v6;
	v6 =	vor.u32 v2, v28  }
0x38b: {  	[tilespmem:s26+$0x10650] =	vst v9;
	v5 =	vadd.f32 v29, v5  }
0x38c: {  	[tilespmem:s26+$0x10670] =	vst v32  }
0x38d: {  	v33 =	vor.u32 v4, v28;
	[tilespmem:s26+$0x10660] =	vst v5  }
0x38e: {  	v5 =	vor.u32 v3, v28;
	v9 =	vld.idx.msk [tilespmem:v31+s6+$0x0], $0xffff  }
0x38f: {  	v34 =	vld.idx.msk [tilespmem:v6+s6+$0x0], $0xffff  }
0x390: {  	v6 =	vld.idx.msk [tilespmem:v6+s15+$0x0], $0xffff  }
0x391: {  	v35 =	vld.idx.msk [tilespmem:v31+s15+$0x0], $0xffff  }
0x392: {  	v38 =	vld.idx.msk [tilespmem:v33+s15+$0x0], $0xffff  }
0x393: {  	v37 =	vbroadcast v7, $0xA;
	v36 =	vld.idx.msk [tilespmem:v5+s15+$0x0], $0xffff  }
0x394: {  	v10 =	vld.idx.msk [tilespmem:v33+s6+$0x0], $0xffff  }
0x395: {  	v5 =	vld.idx.msk [tilespmem:v5+s6+$0x0], $0xffff;
	v6 =	vmul.f32 v6, v37  }
0x396: {  	v39 =	vbroadcast v8, $0xB;
	v12 =	vmul.f32 v35, v37  }
0x397: {  	v41 =	vmul.f32 v38, v37;
	v6 =	vadd.f32 v6, v34  }
0x398: {  	v42 =	vor.u32 v1, v39;
	v9 =	vadd.f32 v12, v9;
	v40 =	vmul.f32 v36, v37  }
0x399: {  	s30 =	sor.u32 $0x1, s24;
	v43 =	vor.u32 v2, v39;
	[tilespmem:s26+$0x10690] =	vst v6;
	v6 =	vadd.f32 v41, v10  }
0x39a: {  	s28 =	sshll.u32 s30, $0x4;
	[tilespmem:s26+$0x10680] =	vst v9;
	v5 =	vadd.f32 v40, v5  }
0x39b: {  	s28 =	sand.u32 $0x3FFFFFF0, s28;
	[tilespmem:s26+$0x106B0] =	vst v6  }
0x39c: {  	v44 =	vor.u32 v3, v39;
	v49 =	vld [tilespmem:s28+$0x8200];
	[tilespmem:s26+$0x106A0] =	vst v5  }
0x39d: {  	v45 =	vor.u32 v4, v39;
	v5 =	vld.idx.msk [tilespmem:v42+s6+$0x0], $0xffff  }
0x39e: {  	v6 =	vld.idx.msk [tilespmem:v43+s6+$0x0], $0xffff  }
0x39f: {  	v13 =	vld.idx.msk [tilespmem:v42+s15+$0x0], $0xffff  }
0x3a0: {  	v9 =	vld.idx.msk [tilespmem:v43+s15+$0x0], $0xffff  }
0x3a1: {  	v10 =	vld.idx.msk [tilespmem:v44+s15+$0x0], $0xffff  }
0x3a2: {  	v47 =	vbroadcast v7, $0xB;
	v48 =	vld.idx.msk [tilespmem:v45+s15+$0x0], $0xffff  }
0x3a3: {  	v46 =	vld.idx.msk [tilespmem:v44+s6+$0x0], $0xffff  }
0x3a4: {  	v11 =	vld.idx.msk [tilespmem:v45+s6+$0x0], $0xffff;
	v13 =	vmul.f32 v13, v47  }
0x3a5: {  	v17 =	vbroadcast v8, $0xC;
	v9 =	vmul.f32 v9, v47  }
0x3a6: {  	v10 =	vmul.f32 v10, v47;
	v5 =	vadd.f32 v13, v5  }
0x3a7: {  	v51 =	vor.u32 v1, v17;
	v50 =	vmul.f32 v48, v47;
	v6 =	vadd.f32 v9, v6  }
0x3a8: {  	v52 =	vor.u32 v2, v17;
	[tilespmem:s26+$0x106C0] =	vst v5;
	v5 =	vadd.f32 v10, v46  }
0x3a9: {  	v53 =	vor.u32 v3, v17;
	v54 =	vtrunc.f32 v49;
	[tilespmem:s26+$0x106D0] =	vst v6;
	v6 =	vadd.f32 v50, v11  }
0x3aa: {  	v11 =	vcvt.f32.s32 v54;
	[tilespmem:s26+$0x106E0] =	vst v5  }
0x3ab: {  	[tilespmem:s26+$0x106F0] =	vst v6  }
0x3ac: {  	v6 =	vshll.u32 v11, $0x6;
	v55 =	vld.idx.msk [tilespmem:v51+s6+$0x0], $0xffff  }
0x3ad: {  	v5 =	vor.u32 v4, v17;
	v56 =	vld.idx.msk [tilespmem:v52+s6+$0x0], $0xffff;
	v57 =	vbroadcast v6, $0x0  }
0x3ae: {  	v58 =	vld.idx.msk [tilespmem:v53+s6+$0x0], $0xffff  }
0x3af: {  	v13 =	vld.idx.msk [tilespmem:v51+s15+$0x0], $0xffff;
	v19 =	vor.u32 v1, v57  }
0x3b0: {  	v10 =	vld.idx.msk [tilespmem:v52+s15+$0x0], $0xffff;
	v20 =	vor.u32 v2, v57  }
0x3b1: {  	v9 =	vld.idx.msk [tilespmem:v53+s15+$0x0], $0xffff  }
0x3b2: {  	v18 =	vld.idx.msk [tilespmem:v5+s6+$0x0], $0xffff  }
0x3b3: {  	v22 =	vor.u32 v3, v57;
	v21 =	vld.idx.msk [tilespmem:v5+s15+$0x0], $0xffff  }
0x3b4: {  	v15 =	vor.u32 v4, v57;
	v23 =	vld.idx.msk [tilespmem:v19+s6+$0x0], $0xffff  }
0x3b5: {  	v24 =	vbroadcast v7, $0xC;
	v5 =	vcvt.s32.f32 v11;
	v59 =	vld.idx.msk [tilespmem:v20+s6+$0x0], $0xffff  }
0x3b6: {  	v19 =	vld.idx.msk [tilespmem:v19+s15+$0x0], $0xffff  }
0x3b7: {  	v13 =	vmul.f32 v13, v24;
	v5 =	vsub.f32 v49, v5;
	v60 =	vld.idx.msk [tilespmem:v20+s15+$0x0], $0xffff  }
0x3b8: {  	v10 =	vmul.f32 v10, v24;
	v61 =	vld.idx.msk [tilespmem:v22+s15+$0x0], $0xffff  }
0x3b9: {  	v9 =	vmul.f32 v9, v24;
	v12 =	vadd.f32 v13, v55;
	v25 =	vld.idx.msk [tilespmem:v15+s15+$0x0], $0xffff;
	v62 =	vbroadcast v5, $0x0  }
0x3ba: {  	v10 =	vadd.f32 v10, v56;
	v63 =	vmul.f32 v21, v24;
	v24 =	vld.idx.msk [tilespmem:v22+s6+$0x0], $0xffff  }
0x3bb: {  	v26 =	vbroadcast v8, $0xD;
	v9 =	vadd.f32 v9, v58;
	v15 =	vld.idx.msk [tilespmem:v15+s6+$0x0], $0xffff;
	[tilespmem:s26+$0x10700] =	vst v12;
	v27 =	vmul.f32 v19, v62  }
0x3bc: {  	v30 =	vbroadcast v6, $0x1;
	[tilespmem:s26+$0x10710] =	vst v10;
	v28 =	vadd.f32 v63, v18;
	v29 =	vmul.f32 v60, v62  }
0x3bd: {  	s25 =	sshll.u32 s30, $0xA;
	v31 =	vor.u32 v1, v26;
	[tilespmem:s26+$0x10720] =	vst v9;
	v32 =	vmul.f32 v61, v62;
	v17 =	vadd.f32 v27, v23  }
0x3be: {  	s25 =	sand.u32 $0x3FFFFC00, s25;
	v35 =	vor.u32 v1, v30;
	v34 =	vmul.f32 v25, v62;
	[tilespmem:s26+$0x10730] =	vst v28;
	v33 =	vadd.f32 v29, v59  }
0x3bf: {  	v37 =	vor.u32 v2, v30;
	v36 =	vadd.f32 v32, v24;
	[tilespmem:s25+$0x10400] =	vst v17  }
0x3c0: {  	v38 =	vadd.f32 v34, v15;
	[tilespmem:s25+$0x10410] =	vst v33  }
0x3c1: {  	[tilespmem:s25+$0x10420] =	vst v36  }
0x3c2: {  	v40 =	vor.u32 v3, v30;
	v39 =	vld.idx.msk [tilespmem:v31+s6+$0x0], $0xffff;
	[tilespmem:s25+$0x10430] =	vst v38  }
0x3c3: {  	v41 =	vor.u32 v4, v30;
	v14 =	vld.idx.msk [tilespmem:v35+s6+$0x0], $0xffff  }
0x3c4: {  	v42 =	vld.idx.msk [tilespmem:v37+s6+$0x0], $0xffff  }
0x3c5: {  	v13 =	vld.idx.msk [tilespmem:v35+s15+$0x0], $0xffff  }
0x3c6: {  	v43 =	vor.u32 v2, v26;
	v17 =	vld.idx.msk [tilespmem:v37+s15+$0x0], $0xffff  }
0x3c7: {  	v44 =	vor.u32 v3, v26;
	v45 =	vld.idx.msk [tilespmem:v40+s15+$0x0], $0xffff  }
0x3c8: {  	v46 =	vbroadcast v5, $0x1;
	v12 =	vor.u32 v4, v26;
	v47 =	vld.idx.msk [tilespmem:v41+s15+$0x0], $0xffff  }
0x3c9: {  	v10 =	vld.idx.msk [tilespmem:v40+s6+$0x0], $0xffff  }
0x3ca: {  	v15 =	vld.idx.msk [tilespmem:v41+s6+$0x0], $0xffff;
	v13 =	vmul.f32 v13, v46  }
0x3cb: {  	v49 =	vbroadcast v6, $0x2;
	v48 =	vld.idx.msk [tilespmem:v43+s6+$0x0], $0xffff;
	v17 =	vmul.f32 v17, v46  }
0x3cc: {  	v50 =	vld.idx.msk [tilespmem:v44+s6+$0x0], $0xffff;
	v51 =	vmul.f32 v45, v46;
	v13 =	vadd.f32 v13, v14  }
0x3cd: {  	v54 =	vor.u32 v1, v49;
	v52 =	vld.idx.msk [tilespmem:v12+s6+$0x0], $0xffff;
	v53 =	vmul.f32 v47, v46;
	v16 =	vadd.f32 v17, v42  }
0x3ce: {  	v55 =	vor.u32 v2, v49;
	v9 =	vld.idx.msk [tilespmem:v31+s15+$0x0], $0xffff;
	v10 =	vadd.f32 v51, v10;
	[tilespmem:s25+$0x10440] =	vst v13  }
0x3cf: {  	v56 =	vld.idx.msk [tilespmem:v43+s15+$0x0], $0xffff;
	v15 =	vadd.f32 v53, v15;
	[tilespmem:s25+$0x10450] =	vst v16  }
0x3d0: {  	v57 =	vld.idx.msk [tilespmem:v44+s15+$0x0], $0xffff;
	[tilespmem:s25+$0x10460] =	vst v10  }
0x3d1: {  	v58 =	vld.idx.msk [tilespmem:v12+s15+$0x0], $0xffff;
	v59 =	vor.u32 v3, v49;
	[tilespmem:s25+$0x10470] =	vst v15  }
0x3d2: {  	v60 =	vor.u32 v4, v49;
	v15 =	vld.idx.msk [tilespmem:v54+s6+$0x0], $0xffff  }
0x3d3: {  	v61 =	vbroadcast v7, $0xD;
	v62 =	vld.idx.msk [tilespmem:v55+s6+$0x0], $0xffff  }
0x3d4: {  	v21 =	vld.idx.msk [tilespmem:v54+s15+$0x0], $0xffff  }
0x3d5: {  	v9 =	vmul.f32 v9, v61;
	v13 =	vld.idx.msk [tilespmem:v55+s15+$0x0], $0xffff  }
0x3d6: {  	v28 =	vmul.f32 v57, v61;
	v63 =	vld.idx.msk [tilespmem:v59+s15+$0x0], $0xffff  }
0x3d7: {  	v29 =	vbroadcast v5, $0x2;
	v9 =	vadd.f32 v9, v39;
	v14 =	vmul.f32 v56, v61;
	v24 =	vld.idx.msk [tilespmem:v60+s15+$0x0], $0xffff  }
0x3d8: {  	v30 =	vadd.f32 v28, v50;
	v10 =	vmul.f32 v58, v61;
	v12 =	vld.idx.msk [tilespmem:v59+s6+$0x0], $0xffff  }
0x3d9: {  	v31 =	vbroadcast v8, $0xE;
	[tilespmem:s26+$0x10740] =	vst v9;
	v14 =	vadd.f32 v14, v48;
	v17 =	vld.idx.msk [tilespmem:v60+s6+$0x0], $0xffff;
	v32 =	vmul.f32 v21, v29  }
0x3da: {  	v33 =	vbroadcast v6, $0x3;
	[tilespmem:s26+$0x10760] =	vst v30;
	v10 =	vadd.f32 v10, v52;
	v13 =	vmul.f32 v13, v29  }
0x3db: {  	v34 =	vor.u32 v1, v31;
	[tilespmem:s26+$0x10750] =	vst v14;
	v35 =	vmul.f32 v63, v29;
	v15 =	vadd.f32 v32, v15  }
0x3dc: {  	v38 =	vor.u32 v1, v33;
	[tilespmem:s26+$0x10770] =	vst v10;
	v37 =	vmul.f32 v24, v29;
	v36 =	vadd.f32 v13, v62  }
0x3dd: {  	v39 =	vor.u32 v2, v33;
	v12 =	vadd.f32 v35, v12;
	[tilespmem:s25+$0x10480] =	vst v15  }
0x3de: {  	v40 =	vadd.f32 v37, v17;
	[tilespmem:s25+$0x10490] =	vst v36  }
0x3df: {  	[tilespmem:s25+$0x104A0] =	vst v12  }
0x3e0: {  	v42 =	vor.u32 v3, v33;
	v41 =	vld.idx.msk [tilespmem:v34+s6+$0x0], $0xffff;
	[tilespmem:s25+$0x104B0] =	vst v40  }
0x3e1: {  	v14 =	vor.u32 v4, v33;
	v43 =	vld.idx.msk [tilespmem:v38+s6+$0x0], $0xffff  }
0x3e2: {  	v44 =	vld.idx.msk [tilespmem:v39+s6+$0x0], $0xffff  }
0x3e3: {  	v16 =	vld.idx.msk [tilespmem:v38+s15+$0x0], $0xffff  }
0x3e4: {  	v45 =	vor.u32 v2, v31;
	v15 =	vld.idx.msk [tilespmem:v39+s15+$0x0], $0xffff  }
0x3e5: {  	v46 =	vor.u32 v3, v31;
	v47 =	vld.idx.msk [tilespmem:v42+s15+$0x0], $0xffff  }
0x3e6: {  	v11 =	vor.u32 v4, v31;
	v48 =	vbroadcast v5, $0x3;
	v49 =	vld.idx.msk [tilespmem:v14+s15+$0x0], $0xffff  }
0x3e7: {  	v10 =	vld.idx.msk [tilespmem:v42+s6+$0x0], $0xffff  }
0x3e8: {  	v14 =	vld.idx.msk [tilespmem:v14+s6+$0x0], $0xffff;
	v16 =	vmul.f32 v16, v48  }
0x3e9: {  	v51 =	vbroadcast v6, $0x4;
	v50 =	vld.idx.msk [tilespmem:v45+s6+$0x0], $0xffff;
	v15 =	vmul.f32 v15, v48  }
0x3ea: {  	v52 =	vld.idx.msk [tilespmem:v46+s6+$0x0], $0xffff;
	v53 =	vmul.f32 v47, v48;
	v13 =	vadd.f32 v16, v43  }
0x3eb: {  	v56 =	vor.u32 v1, v51;
	v54 =	vld.idx.msk [tilespmem:v11+s6+$0x0], $0xffff;
	v55 =	vmul.f32 v49, v48;
	v15 =	vadd.f32 v15, v44  }
0x3ec: {  	v57 =	vor.u32 v2, v51;
	v9 =	vld.idx.msk [tilespmem:v34+s15+$0x0], $0xffff;
	v10 =	vadd.f32 v53, v10;
	[tilespmem:s25+$0x104C0] =	vst v13  }
0x3ed: {  	v58 =	vld.idx.msk [tilespmem:v45+s15+$0x0], $0xffff;
	v14 =	vadd.f32 v55, v14;
	[tilespmem:s25+$0x104D0] =	vst v15  }
0x3ee: {  	v59 =	vld.idx.msk [tilespmem:v46+s15+$0x0], $0xffff;
	[tilespmem:s25+$0x104E0] =	vst v10  }
0x3ef: {  	v61 =	vor.u32 v3, v51;
	v60 =	vld.idx.msk [tilespmem:v11+s15+$0x0], $0xffff;
	[tilespmem:s25+$0x104F0] =	vst v14  }
0x3f0: {  	v26 =	vor.u32 v4, v51;
	v63 =	vld.idx.msk [tilespmem:v56+s6+$0x0], $0xffff  }
0x3f1: {  	v62 =	vbroadcast v7, $0xE;
	v27 =	vld.idx.msk [tilespmem:v57+s6+$0x0], $0xffff  }
0x3f2: {  	v21 =	vld.idx.msk [tilespmem:v56+s15+$0x0], $0xffff  }
0x3f3: {  	v9 =	vmul.f32 v9, v62;
	v13 =	vld.idx.msk [tilespmem:v57+s15+$0x0], $0xffff  }
0x3f4: {  	v28 =	vmul.f32 v58, v62;
	v29 =	vld.idx.msk [tilespmem:v61+s15+$0x0], $0xffff  }
0x3f5: {  	v30 =	vbroadcast v5, $0x4;
	v9 =	vadd.f32 v9, v41;
	v15 =	vmul.f32 v59, v62;
	v31 =	vld.idx.msk [tilespmem:v26+s15+$0x0], $0xffff  }
0x3f6: {  	v8 =	vbroadcast v8, $0xF;
	v32 =	vadd.f32 v28, v50;
	v10 =	vmul.f32 v60, v62;
	v11 =	vld.idx.msk [tilespmem:v61+s6+$0x0], $0xffff  }
0x3f7: {  	v37 =	vbroadcast v6, $0x5;
	[tilespmem:s26+$0x10780] =	vst v9;
	v34 =	vld.idx.msk [tilespmem:v26+s6+$0x0], $0xffff;
	v33 =	vadd.f32 v15, v52;
	v35 =	vmul.f32 v21, v30  }
0x3f8: {  	v36 =	vor.u32 v1, v8;
	[tilespmem:s26+$0x10790] =	vst v32;
	v10 =	vadd.f32 v10, v54;
	v13 =	vmul.f32 v13, v30  }
0x3f9: {  	v38 =	vor.u32 v2, v8;
	[tilespmem:s26+$0x107A0] =	vst v33;
	v16 =	vmul.f32 v29, v30;
	v17 =	vadd.f32 v35, v63  }
0x3fa: {  	v41 =	vor.u32 v1, v37;
	[tilespmem:s26+$0x107B0] =	vst v10;
	v40 =	vmul.f32 v31, v30;
	v39 =	vadd.f32 v13, v27  }
0x3fb: {  	v42 =	vor.u32 v2, v37;
	v11 =	vadd.f32 v16, v11;
	[tilespmem:s25+$0x10500] =	vst v17  }
0x3fc: {  	v43 =	vadd.f32 v40, v34;
	[tilespmem:s25+$0x10510] =	vst v39  }
0x3fd: {  	v44 =	vld.idx.msk [tilespmem:v36+s6+$0x0], $0xffff;
	[tilespmem:s25+$0x10520] =	vst v11  }
0x3fe: {  	v46 =	vor.u32 v3, v37;
	v45 =	vld.idx.msk [tilespmem:v38+s6+$0x0], $0xffff;
	[tilespmem:s25+$0x10530] =	vst v43  }
0x3ff: {  	v48 =	vor.u32 v4, v37;
	v47 =	vld.idx.msk [tilespmem:v41+s6+$0x0], $0xffff  }
0x400: {  	v49 =	vld.idx.msk [tilespmem:v42+s6+$0x0], $0xffff  }
0x401: {  	v14 =	vld.idx.msk [tilespmem:v41+s15+$0x0], $0xffff  }
0x402: {  	v16 =	vld.idx.msk [tilespmem:v42+s15+$0x0], $0xffff  }
0x403: {  	v50 =	vld.idx.msk [tilespmem:v46+s15+$0x0], $0xffff  }
0x404: {  	v51 =	vor.u32 v3, v8;
	v52 =	vbroadcast v5, $0x5;
	v53 =	vld.idx.msk [tilespmem:v48+s15+$0x0], $0xffff  }
0x405: {  	v8 =	vor.u32 v4, v8;
	v10 =	vld.idx.msk [tilespmem:v46+s6+$0x0], $0xffff  }
0x406: {  	v17 =	vld.idx.msk [tilespmem:v48+s6+$0x0], $0xffff;
	v14 =	vmul.f32 v14, v52  }
0x407: {  	v54 =	vbroadcast v6, $0x6;
	v9 =	vld.idx.msk [tilespmem:v36+s15+$0x0], $0xffff;
	v16 =	vmul.f32 v16, v52  }
0x408: {  	v12 =	vld.idx.msk [tilespmem:v38+s15+$0x0], $0xffff;
	v55 =	vmul.f32 v50, v52;
	v14 =	vadd.f32 v14, v47  }
0x409: {  	v58 =	vor.u32 v1, v54;
	v56 =	vld.idx.msk [tilespmem:v51+s15+$0x0], $0xffff;
	v57 =	vmul.f32 v53, v52;
	v16 =	vadd.f32 v16, v49  }
0x40a: {  	v7 =	vbroadcast v7, $0xF;
	v60 =	vor.u32 v2, v54;
	v59 =	vld.idx.msk [tilespmem:v8+s15+$0x0], $0xffff;
	v10 =	vadd.f32 v55, v10;
	[tilespmem:s25+$0x10540] =	vst v14  }
0x40b: {  	v61 =	vld.idx.msk [tilespmem:v51+s6+$0x0], $0xffff;
	v63 =	vor.u32 v3, v54;
	v62 =	vadd.f32 v57, v17;
	[tilespmem:s25+$0x10550] =	vst v16  }
0x40c: {  	v20 =	vor.u32 v4, v54;
	v8 =	vld.idx.msk [tilespmem:v8+s6+$0x0], $0xffff;
	v9 =	vmul.f32 v9, v7;
	[tilespmem:s25+$0x10560] =	vst v10  }
0x40d: {  	v12 =	vmul.f32 v12, v7;
	[tilespmem:s25+$0x10570] =	vst v62  }
0x40e: {  	v23 =	vmul.f32 v56, v7;
	v9 =	vadd.f32 v9, v44;
	v16 =	vld.idx.msk [tilespmem:v58+s6+$0x0], $0xffff  }
0x40f: {  	v7 =	vmul.f32 v59, v7;
	v11 =	vadd.f32 v12, v45;
	v24 =	vld.idx.msk [tilespmem:v60+s6+$0x0], $0xffff  }
0x410: {  	v25 =	vadd.f32 v23, v61;
	[tilespmem:s26+$0x107C0] =	vst v9;
	v26 =	vld.idx.msk [tilespmem:v63+s6+$0x0], $0xffff  }
0x411: {  	v7 =	vadd.f32 v7, v8;
	[tilespmem:s26+$0x107D0] =	vst v11;
	v27 =	vld.idx.msk [tilespmem:v20+s6+$0x0], $0xffff  }
0x412: {  	[tilespmem:s26+$0x107E0] =	vst v25;
	v28 =	vld.idx.msk [tilespmem:v58+s15+$0x0], $0xffff  }
0x413: {  	[tilespmem:s26+$0x107F0] =	vst v7;
	v7 =	vld.idx.msk [tilespmem:v60+s15+$0x0], $0xffff  }
0x414: {  	v11 =	vld.idx.msk [tilespmem:v63+s15+$0x0], $0xffff  }
0x415: {  	v29 =	vbroadcast v5, $0x6;
	v10 =	vld.idx.msk [tilespmem:v20+s15+$0x0], $0xffff;
	_ =	sdelay $0x1  }
0x416: {  	v9 =	vmul.f32 v28, v29  }
0x417: {  	v30 =	vbroadcast v6, $0x7;
	v7 =	vmul.f32 v7, v29  }
0x418: {  	s31 =	sor.u32 $0x2, s24;
	v11 =	vmul.f32 v11, v29;
	v9 =	vadd.f32 v9, v16  }
0x419: {  	s29 =	sshll.u32 s31, $0x4;
	v33 =	vor.u32 v2, v30;
	v10 =	vmul.f32 v10, v29;
	v7 =	vadd.f32 v7, v24  }
0x41a: {  	s28 =	sand.u32 $0x3FFFFFF0, s29;
	v32 =	vadd.f32 v11, v26;
	[tilespmem:s25+$0x10580] =	vst v9  }
0x41b: {  	v35 =	vld [tilespmem:s28+$0x8200];
	[tilespmem:s25+$0x10590] =	vst v7;
	v7 =	vadd.f32 v10, v27  }
0x41c: {  	[tilespmem:s25+$0x105A0] =	vst v32  }
0x41d: {  	[tilespmem:s25+$0x105B0] =	vst v7  }
0x41e: {  	v31 =	vor.u32 v1, v30;
	v8 =	vld.idx.msk [tilespmem:v33+s15+$0x0], $0xffff  }
0x41f: {  	v7 =	vor.u32 v3, v30  }
0x420: {  	v40 =	vtrunc.f32 v35  }
0x421: {  	v38 =	vbroadcast v5, $0x7;
	v17 =	vcvt.f32.s32 v40;
	_ =	sdelay $0x1  }
0x422: {  	v12 =	vld.idx.msk [tilespmem:v31+s15+$0x0], $0xffff;
	v41 =	vmul.f32 v8, v38;
	v8 =	vshll.u32 v17, $0x6  }
0x423: {  	v34 =	vor.u32 v4, v30;
	v37 =	vld.idx.msk [tilespmem:v7+s15+$0x0], $0xffff;
	v44 =	vbroadcast v8, $0x0  }
0x424: {  	v9 =	vld.idx.msk [tilespmem:v31+s6+$0x0], $0xffff  }
0x425: {  	v7 =	vld.idx.msk [tilespmem:v7+s6+$0x0], $0xffff;
	v46 =	vor.u32 v1, v44  }
0x426: {  	v47 =	vor.u32 v2, v44  }
0x427: {  	v36 =	vld.idx.msk [tilespmem:v33+s6+$0x0], $0xffff;
	v12 =	vmul.f32 v12, v38  }
0x428: {  	v39 =	vld.idx.msk [tilespmem:v34+s15+$0x0], $0xffff;
	v43 =	vmul.f32 v37, v38  }
0x429: {  	v10 =	vld.idx.msk [tilespmem:v34+s6+$0x0], $0xffff;
	v9 =	vadd.f32 v12, v9;
	v48 =	vor.u32 v3, v44  }
0x42a: {  	v14 =	vor.u32 v4, v44;
	v7 =	vadd.f32 v43, v7;
	v49 =	vld.idx.msk [tilespmem:v46+s6+$0x0], $0xffff  }
0x42b: {  	v42 =	vbroadcast v6, $0x8;
	[tilespmem:s25+$0x105C0] =	vst v9;
	v50 =	vld.idx.msk [tilespmem:v47+s6+$0x0], $0xffff  }
0x42c: {  	[tilespmem:s25+$0x105E0] =	vst v7;
	v7 =	vcvt.s32.f32 v17;
	v9 =	vld.idx.msk [tilespmem:v46+s15+$0x0], $0xffff  }
0x42d: {  	v45 =	vor.u32 v1, v42;
	v15 =	vmul.f32 v39, v38;
	v52 =	vld.idx.msk [tilespmem:v47+s15+$0x0], $0xffff  }
0x42e: {  	v51 =	vor.u32 v2, v42;
	v13 =	vadd.f32 v41, v36;
	v54 =	vld.idx.msk [tilespmem:v48+s15+$0x0], $0xffff;
	v7 =	vsub.f32 v35, v7  }
0x42f: {  	v53 =	vor.u32 v3, v42;
	v10 =	vadd.f32 v15, v10;
	v56 =	vld.idx.msk [tilespmem:v14+s15+$0x0], $0xffff  }
0x430: {  	v19 =	vor.u32 v4, v42;
	[tilespmem:s25+$0x105D0] =	vst v13;
	v13 =	vld.idx.msk [tilespmem:v48+s6+$0x0], $0xffff;
	v55 =	vbroadcast v7, $0x0  }
0x431: {  	[tilespmem:s25+$0x105F0] =	vst v10;
	v14 =	vld.idx.msk [tilespmem:v14+s6+$0x0], $0xffff  }
0x432: {  	v10 =	vld.idx.msk [tilespmem:v45+s6+$0x0], $0xffff;
	v9 =	vmul.f32 v9, v55  }
0x433: {  	v58 =	vbroadcast v8, $0x1;
	v57 =	vld.idx.msk [tilespmem:v51+s6+$0x0], $0xffff;
	v11 =	vmul.f32 v52, v55  }
0x434: {  	s26 =	sshll.u32 s31, $0xA;
	v59 =	vld.idx.msk [tilespmem:v53+s6+$0x0], $0xffff;
	v60 =	vmul.f32 v54, v55;
	v9 =	vadd.f32 v9, v49  }
0x435: {  	s26 =	sand.u32 $0x3FFFFC00, s26;
	v63 =	vor.u32 v1, v58;
	v61 =	vld.idx.msk [tilespmem:v19+s6+$0x0], $0xffff;
	v62 =	vmul.f32 v56, v55;
	v11 =	vadd.f32 v11, v50  }
0x436: {  	v27 =	vor.u32 v2, v58;
	v16 =	vld.idx.msk [tilespmem:v45+s15+$0x0], $0xffff;
	v26 =	vadd.f32 v60, v13;
	[tilespmem:s26+$0x10400] =	vst v9  }
0x437: {  	v28 =	vld.idx.msk [tilespmem:v51+s15+$0x0], $0xffff;
	v29 =	vadd.f32 v62, v14;
	[tilespmem:s26+$0x10410] =	vst v11  }
0x438: {  	v12 =	vld.idx.msk [tilespmem:v53+s15+$0x0], $0xffff;
	[tilespmem:s26+$0x10420] =	vst v26  }
0x439: {  	v31 =	vor.u32 v3, v58;
	v30 =	vld.idx.msk [tilespmem:v19+s15+$0x0], $0xffff;
	[tilespmem:s26+$0x10430] =	vst v29  }
0x43a: {  	v33 =	vor.u32 v4, v58;
	v32 =	vld.idx.msk [tilespmem:v63+s6+$0x0], $0xffff  }
0x43b: {  	v34 =	vbroadcast v5, $0x8;
	v35 =	vld.idx.msk [tilespmem:v27+s6+$0x0], $0xffff  }
0x43c: {  	v21 =	vld.idx.msk [tilespmem:v63+s15+$0x0], $0xffff  }
0x43d: {  	v16 =	vmul.f32 v16, v34;
	v13 =	vld.idx.msk [tilespmem:v27+s15+$0x0], $0xffff  }
0x43e: {  	v15 =	vmul.f32 v28, v34;
	v36 =	vld.idx.msk [tilespmem:v31+s15+$0x0], $0xffff  }
0x43f: {  	v37 =	vbroadcast v7, $0x1;
	v12 =	vmul.f32 v12, v34;
	v10 =	vadd.f32 v16, v10;
	v24 =	vld.idx.msk [tilespmem:v33+s15+$0x0], $0xffff  }
0x440: {  	v15 =	vadd.f32 v15, v57;
	v9 =	vmul.f32 v30, v34;
	v11 =	vld.idx.msk [tilespmem:v31+s6+$0x0], $0xffff  }
0x441: {  	v39 =	vbroadcast v6, $0x9;
	v38 =	vadd.f32 v12, v59;
	[tilespmem:s25+$0x10600] =	vst v10;
	v17 =	vld.idx.msk [tilespmem:v33+s6+$0x0], $0xffff;
	v40 =	vmul.f32 v21, v37  }
0x442: {  	v41 =	vbroadcast v8, $0x2;
	[tilespmem:s25+$0x10610] =	vst v15;
	v9 =	vadd.f32 v9, v61;
	v13 =	vmul.f32 v13, v37  }
0x443: {  	v42 =	vor.u32 v1, v39;
	[tilespmem:s25+$0x10620] =	vst v38;
	v43 =	vmul.f32 v36, v37;
	v14 =	vadd.f32 v40, v32  }
0x444: {  	v46 =	vor.u32 v1, v41;
	[tilespmem:s25+$0x10630] =	vst v9;
	v45 =	vmul.f32 v24, v37;
	v44 =	vadd.f32 v13, v35  }
0x445: {  	v47 =	vor.u32 v2, v41;
	v11 =	vadd.f32 v43, v11;
	[tilespmem:s26+$0x10440] =	vst v14  }
0x446: {  	v48 =	vadd.f32 v45, v17;
	[tilespmem:s26+$0x10450] =	vst v44  }
0x447: {  	[tilespmem:s26+$0x10460] =	vst v11  }
0x448: {  	v50 =	vor.u32 v3, v41;
	v49 =	vld.idx.msk [tilespmem:v42+s6+$0x0], $0xffff;
	[tilespmem:s26+$0x10470] =	vst v48  }
0x449: {  	v15 =	vor.u32 v4, v41;
	v51 =	vld.idx.msk [tilespmem:v46+s6+$0x0], $0xffff  }
0x44a: {  	v52 =	vld.idx.msk [tilespmem:v47+s6+$0x0], $0xffff  }
0x44b: {  	v16 =	vld.idx.msk [tilespmem:v46+s15+$0x0], $0xffff  }
0x44c: {  	v53 =	vor.u32 v2, v39;
	v14 =	vld.idx.msk [tilespmem:v47+s15+$0x0], $0xffff  }
0x44d: {  	v54 =	vor.u32 v3, v39;
	v55 =	vld.idx.msk [tilespmem:v50+s15+$0x0], $0xffff  }
0x44e: {  	v56 =	vbroadcast v7, $0x2;
	v12 =	vor.u32 v4, v39;
	v57 =	vld.idx.msk [tilespmem:v15+s15+$0x0], $0xffff  }
0x44f: {  	v9 =	vld.idx.msk [tilespmem:v50+s6+$0x0], $0xffff  }
0x450: {  	v15 =	vld.idx.msk [tilespmem:v15+s6+$0x0], $0xffff;
	v16 =	vmul.f32 v16, v56  }
0x451: {  	v59 =	vbroadcast v8, $0x3;
	v58 =	vld.idx.msk [tilespmem:v53+s6+$0x0], $0xffff;
	v14 =	vmul.f32 v14, v56  }
0x452: {  	v60 =	vld.idx.msk [tilespmem:v54+s6+$0x0], $0xffff;
	v61 =	vmul.f32 v55, v56;
	v13 =	vadd.f32 v16, v51  }
0x453: {  	v26 =	vor.u32 v1, v59;
	v62 =	vld.idx.msk [tilespmem:v12+s6+$0x0], $0xffff;
	v63 =	vmul.f32 v57, v56;
	v14 =	vadd.f32 v14, v52  }
0x454: {  	v27 =	vor.u32 v2, v59;
	v10 =	vld.idx.msk [tilespmem:v42+s15+$0x0], $0xffff;
	v9 =	vadd.f32 v61, v9;
	[tilespmem:s26+$0x10480] =	vst v13  }
0x455: {  	v28 =	vld.idx.msk [tilespmem:v53+s15+$0x0], $0xffff;
	v29 =	vadd.f32 v63, v15;
	[tilespmem:s26+$0x10490] =	vst v14  }
0x456: {  	v30 =	vld.idx.msk [tilespmem:v54+s15+$0x0], $0xffff;
	[tilespmem:s26+$0x104A0] =	vst v9  }
0x457: {  	v31 =	vld.idx.msk [tilespmem:v12+s15+$0x0], $0xffff;
	v32 =	vor.u32 v3, v59;
	[tilespmem:s26+$0x104B0] =	vst v29  }
0x458: {  	v33 =	vor.u32 v4, v59;
	v14 =	vld.idx.msk [tilespmem:v26+s6+$0x0], $0xffff  }
0x459: {  	v34 =	vbroadcast v5, $0x9;
	v35 =	vld.idx.msk [tilespmem:v27+s6+$0x0], $0xffff  }
0x45a: {  	v21 =	vld.idx.msk [tilespmem:v26+s15+$0x0], $0xffff  }
0x45b: {  	v10 =	vmul.f32 v10, v34;
	v13 =	vld.idx.msk [tilespmem:v27+s15+$0x0], $0xffff  }
0x45c: {  	v37 =	vmul.f32 v30, v34;
	v36 =	vld.idx.msk [tilespmem:v32+s15+$0x0], $0xffff  }
0x45d: {  	v38 =	vbroadcast v7, $0x3;
	v10 =	vadd.f32 v10, v49;
	v16 =	vmul.f32 v28, v34;
	v24 =	vld.idx.msk [tilespmem:v33+s15+$0x0], $0xffff  }
0x45e: {  	v39 =	vadd.f32 v37, v60;
	v9 =	vmul.f32 v31, v34;
	v12 =	vld.idx.msk [tilespmem:v32+s6+$0x0], $0xffff  }
0x45f: {  	v40 =	vbroadcast v6, $0xA;
	[tilespmem:s25+$0x10640] =	vst v10;
	v16 =	vadd.f32 v16, v58;
	v17 =	vld.idx.msk [tilespmem:v33+s6+$0x0], $0xffff;
	v41 =	vmul.f32 v21, v38  }
0x460: {  	v42 =	vbroadcast v8, $0x4;
	[tilespmem:s25+$0x10660] =	vst v39;
	v9 =	vadd.f32 v9, v62;
	v13 =	vmul.f32 v13, v38  }
0x461: {  	v43 =	vor.u32 v1, v40;
	[tilespmem:s25+$0x10650] =	vst v16;
	v44 =	vmul.f32 v36, v38;
	v14 =	vadd.f32 v41, v14  }
0x462: {  	v47 =	vor.u32 v1, v42;
	[tilespmem:s25+$0x10670] =	vst v9;
	v46 =	vmul.f32 v24, v38;
	v45 =	vadd.f32 v13, v35  }
0x463: {  	v48 =	vor.u32 v2, v42;
	v12 =	vadd.f32 v44, v12;
	[tilespmem:s26+$0x104C0] =	vst v14  }
0x464: {  	v49 =	vadd.f32 v46, v17;
	[tilespmem:s26+$0x104D0] =	vst v45  }
0x465: {  	[tilespmem:s26+$0x104E0] =	vst v12  }
0x466: {  	v51 =	vor.u32 v3, v42;
	v50 =	vld.idx.msk [tilespmem:v43+s6+$0x0], $0xffff;
	[tilespmem:s26+$0x104F0] =	vst v49  }
0x467: {  	v16 =	vor.u32 v4, v42;
	v52 =	vld.idx.msk [tilespmem:v47+s6+$0x0], $0xffff  }
0x468: {  	v53 =	vld.idx.msk [tilespmem:v48+s6+$0x0], $0xffff  }
0x469: {  	v15 =	vld.idx.msk [tilespmem:v47+s15+$0x0], $0xffff  }
0x46a: {  	v54 =	vor.u32 v2, v40;
	v14 =	vld.idx.msk [tilespmem:v48+s15+$0x0], $0xffff  }
0x46b: {  	v55 =	vor.u32 v3, v40;
	v56 =	vld.idx.msk [tilespmem:v51+s15+$0x0], $0xffff  }
0x46c: {  	v11 =	vor.u32 v4, v40;
	v57 =	vbroadcast v7, $0x4;
	v58 =	vld.idx.msk [tilespmem:v16+s15+$0x0], $0xffff  }
0x46d: {  	v9 =	vld.idx.msk [tilespmem:v51+s6+$0x0], $0xffff  }
0x46e: {  	v16 =	vld.idx.msk [tilespmem:v16+s6+$0x0], $0xffff;
	v15 =	vmul.f32 v15, v57  }
0x46f: {  	v60 =	vbroadcast v8, $0x5;
	v59 =	vld.idx.msk [tilespmem:v54+s6+$0x0], $0xffff;
	v14 =	vmul.f32 v14, v57  }
0x470: {  	v61 =	vld.idx.msk [tilespmem:v55+s6+$0x0], $0xffff;
	v62 =	vmul.f32 v56, v57;
	v13 =	vadd.f32 v15, v52  }
0x471: {  	v27 =	vor.u32 v1, v60;
	v63 =	vld.idx.msk [tilespmem:v11+s6+$0x0], $0xffff;
	v26 =	vmul.f32 v58, v57;
	v14 =	vadd.f32 v14, v53  }
0x472: {  	v28 =	vor.u32 v2, v60;
	v10 =	vld.idx.msk [tilespmem:v43+s15+$0x0], $0xffff;
	v9 =	vadd.f32 v62, v9;
	[tilespmem:s26+$0x10500] =	vst v13  }
0x473: {  	v29 =	vld.idx.msk [tilespmem:v54+s15+$0x0], $0xffff;
	v30 =	vadd.f32 v26, v16;
	[tilespmem:s26+$0x10510] =	vst v14  }
0x474: {  	v31 =	vld.idx.msk [tilespmem:v55+s15+$0x0], $0xffff;
	[tilespmem:s26+$0x10520] =	vst v9  }
0x475: {  	v33 =	vor.u32 v3, v60;
	v32 =	vld.idx.msk [tilespmem:v11+s15+$0x0], $0xffff;
	[tilespmem:s26+$0x10530] =	vst v30  }
0x476: {  	v34 =	vor.u32 v4, v60;
	v14 =	vld.idx.msk [tilespmem:v27+s6+$0x0], $0xffff  }
0x477: {  	v35 =	vbroadcast v5, $0xA;
	v36 =	vld.idx.msk [tilespmem:v28+s6+$0x0], $0xffff  }
0x478: {  	v21 =	vld.idx.msk [tilespmem:v27+s15+$0x0], $0xffff  }
0x479: {  	v10 =	vmul.f32 v10, v35;
	v13 =	vld.idx.msk [tilespmem:v28+s15+$0x0], $0xffff  }
0x47a: {  	v38 =	vmul.f32 v31, v35;
	v37 =	vld.idx.msk [tilespmem:v33+s15+$0x0], $0xffff  }
0x47b: {  	v39 =	vbroadcast v7, $0x5;
	v10 =	vadd.f32 v10, v50;
	v15 =	vmul.f32 v29, v35;
	v24 =	vld.idx.msk [tilespmem:v34+s15+$0x0], $0xffff  }
0x47c: {  	v41 =	vbroadcast v6, $0xB;
	v40 =	vadd.f32 v38, v61;
	v9 =	vmul.f32 v32, v35;
	v11 =	vld.idx.msk [tilespmem:v33+s6+$0x0], $0xffff  }
0x47d: {  	v43 =	vbroadcast v8, $0x6;
	[tilespmem:s25+$0x10680] =	vst v10;
	v15 =	vadd.f32 v15, v59;
	v17 =	vld.idx.msk [tilespmem:v34+s6+$0x0], $0xffff;
	v42 =	vmul.f32 v21, v39  }
0x47e: {  	v44 =	vor.u32 v1, v41;
	[tilespmem:s25+$0x106A0] =	vst v40;
	v9 =	vadd.f32 v9, v63;
	v13 =	vmul.f32 v13, v39  }
0x47f: {  	[tilespmem:s25+$0x10690] =	vst v15;
	v45 =	vmul.f32 v37, v39;
	v14 =	vadd.f32 v42, v14  }
0x480: {  	v48 =	vor.u32 v1, v43;
	[tilespmem:s25+$0x106B0] =	vst v9;
	v47 =	vmul.f32 v24, v39;
	v46 =	vadd.f32 v13, v36  }
0x481: {  	s30 =	sor.u32 $0x3, s24;
	v49 =	vor.u32 v2, v43;
	v11 =	vadd.f32 v45, v11;
	[tilespmem:s26+$0x10540] =	vst v14  }
0x482: {  	s29 =	sshll.u32 s30, $0x4;
	v50 =	vadd.f32 v47, v17;
	[tilespmem:s26+$0x10550] =	vst v46  }
0x483: {  	s29 =	sand.u32 $0x3FFFFFF0, s29;
	v10 =	vld.idx.msk [tilespmem:v44+s15+$0x0], $0xffff;
	[tilespmem:s26+$0x10560] =	vst v11  }
0x484: {  	v52 =	vor.u32 v3, v43;
	v17 =	vld [tilespmem:s29+$0x8200];
	[tilespmem:s26+$0x10570] =	vst v50  }
0x485: {  	v15 =	vor.u32 v4, v43;
	v53 =	vld.idx.msk [tilespmem:v48+s6+$0x0], $0xffff  }
0x486: {  	v54 =	vld.idx.msk [tilespmem:v49+s6+$0x0], $0xffff  }
0x487: {  	v16 =	vld.idx.msk [tilespmem:v48+s15+$0x0], $0xffff  }
0x488: {  	v14 =	vld.idx.msk [tilespmem:v49+s15+$0x0], $0xffff  }
0x489: {  	v55 =	vor.u32 v2, v41;
	v57 =	vld.idx.msk [tilespmem:v52+s15+$0x0], $0xffff  }
0x48a: {  	v56 =	vor.u32 v3, v41;
	v58 =	vbroadcast v7, $0x6;
	v59 =	vld.idx.msk [tilespmem:v15+s15+$0x0], $0xffff  }
0x48b: {  	v9 =	vld.idx.msk [tilespmem:v52+s6+$0x0], $0xffff  }
0x48c: {  	v61 =	vbroadcast v8, $0x7;
	v15 =	vld.idx.msk [tilespmem:v15+s6+$0x0], $0xffff;
	v16 =	vmul.f32 v16, v58  }
0x48d: {  	v12 =	vor.u32 v4, v41;
	v32 =	vbroadcast v5, $0xB;
	v51 =	vld.idx.msk [tilespmem:v44+s6+$0x0], $0xffff;
	v14 =	vmul.f32 v14, v58  }
0x48e: {  	v27 =	vor.u32 v1, v61;
	v60 =	vld.idx.msk [tilespmem:v55+s6+$0x0], $0xffff;
	v62 =	vmul.f32 v57, v58;
	v13 =	vadd.f32 v16, v53  }
0x48f: {  	v28 =	vor.u32 v2, v61;
	v26 =	vld.idx.msk [tilespmem:v56+s6+$0x0], $0xffff;
	v63 =	vmul.f32 v59, v58;
	v14 =	vadd.f32 v14, v54  }
0x490: {  	v19 =	vld.idx.msk [tilespmem:v55+s15+$0x0], $0xffff;
	v10 =	vmul.f32 v10, v32;
	v9 =	vadd.f32 v62, v9;
	[tilespmem:s26+$0x10580] =	vst v13  }
0x491: {  	v29 =	vld.idx.msk [tilespmem:v56+s15+$0x0], $0xffff;
	v44 =	vtrunc.f32 v17;
	v30 =	vadd.f32 v63, v15;
	[tilespmem:s26+$0x10590] =	vst v14  }
0x492: {  	v31 =	vld.idx.msk [tilespmem:v12+s15+$0x0], $0xffff;
	v10 =	vadd.f32 v10, v51;
	v24 =	vcvt.f32.s32 v44;
	[tilespmem:s26+$0x105A0] =	vst v9  }
0x493: {  	v33 =	vor.u32 v3, v61;
	v12 =	vld.idx.msk [tilespmem:v12+s6+$0x0], $0xffff;
	[tilespmem:s26+$0x105B0] =	vst v30  }
0x494: {  	v35 =	vor.u32 v4, v61;
	[tilespmem:s25+$0x106C0] =	vst v10;
	v10 =	vshll.u32 v24, $0x6;
	v34 =	vld.idx.msk [tilespmem:v27+s6+$0x0], $0xffff  }
0x495: {  	v47 =	vbroadcast v10, $0x0;
	v36 =	vld.idx.msk [tilespmem:v28+s6+$0x0], $0xffff  }
0x496: {  	v21 =	vld.idx.msk [tilespmem:v27+s15+$0x0], $0xffff  }
0x497: {  	v51 =	vor.u32 v1, v47;
	v37 =	vld.idx.msk [tilespmem:v28+s15+$0x0], $0xffff  }
0x498: {  	v53 =	vor.u32 v2, v47;
	v41 =	vld.idx.msk [tilespmem:v33+s15+$0x0], $0xffff  }
0x499: {  	v43 =	vld.idx.msk [tilespmem:v35+s15+$0x0], $0xffff  }
0x49a: {  	v14 =	vld.idx.msk [tilespmem:v33+s6+$0x0], $0xffff  }
0x49b: {  	v19 =	vmul.f32 v19, v32;
	v54 =	vor.u32 v3, v47;
	v20 =	vld.idx.msk [tilespmem:v35+s6+$0x0], $0xffff  }
0x49c: {  	v18 =	vor.u32 v4, v47;
	v55 =	vld.idx.msk [tilespmem:v51+s6+$0x0], $0xffff  }
0x49d: {  	v40 =	vbroadcast v6, $0xC;
	v38 =	vadd.f32 v19, v60;
	v16 =	vmul.f32 v29, v32;
	v57 =	vld.idx.msk [tilespmem:v53+s6+$0x0], $0xffff  }
0x49e: {  	v42 =	vbroadcast v7, $0x7;
	v9 =	vmul.f32 v31, v32;
	v15 =	vld.idx.msk [tilespmem:v51+s15+$0x0], $0xffff  }
0x49f: {  	[tilespmem:s25+$0x106D0] =	vst v38;
	v39 =	vadd.f32 v16, v26;
	v26 =	vor.u32 v2, v40;
	v28 =	vbroadcast v8, $0x8;
	v58 =	vld.idx.msk [tilespmem:v53+s15+$0x0], $0xffff  }
0x4a0: {  	v27 =	vor.u32 v3, v40;
	v9 =	vadd.f32 v9, v12;
	v30 =	vld.idx.msk [tilespmem:v54+s15+$0x0], $0xffff;
	v21 =	vmul.f32 v21, v42  }
0x4a1: {  	v56 =	vcvt.s32.f32 v24;
	[tilespmem:s25+$0x106E0] =	vst v39;
	v50 =	vor.u32 v1, v28;
	v32 =	vld.idx.msk [tilespmem:v18+s15+$0x0], $0xffff;
	v11 =	vmul.f32 v37, v42  }
0x4a2: {  	v29 =	vor.u32 v2, v28;
	v22 =	vld.idx.msk [tilespmem:v54+s6+$0x0], $0xffff;
	v46 =	vmul.f32 v41, v42;
	v45 =	vadd.f32 v21, v34  }
0x4a3: {  	[tilespmem:s25+$0x106F0] =	vst v9;
	v18 =	vld.idx.msk [tilespmem:v18+s6+$0x0], $0xffff;
	v49 =	vmul.f32 v43, v42;
	v48 =	vadd.f32 v11, v36  }
0x4a4: {  	v9 =	vsub.f32 v17, v56;
	v12 =	vld.idx.msk [tilespmem:v26+s6+$0x0], $0xffff;
	v14 =	vadd.f32 v46, v14;
	[tilespmem:s26+$0x105C0] =	vst v45  }
0x4a5: {  	v59 =	vor.u32 v3, v28;
	v26 =	vld.idx.msk [tilespmem:v26+s15+$0x0], $0xffff;
	v52 =	vadd.f32 v49, v20;
	[tilespmem:s26+$0x105D0] =	vst v48  }
0x4a6: {  	v28 =	vor.u32 v4, v28;
	v13 =	vld.idx.msk [tilespmem:v27+s6+$0x0], $0xffff;
	v31 =	vbroadcast v9, $0x0;
	[tilespmem:s26+$0x105E0] =	vst v14  }
0x4a7: {  	v27 =	vld.idx.msk [tilespmem:v27+s15+$0x0], $0xffff;
	[tilespmem:s26+$0x105F0] =	vst v52  }
0x4a8: {  	v15 =	vmul.f32 v15, v31;
	v14 =	vld.idx.msk [tilespmem:v50+s6+$0x0], $0xffff  }
0x4a9: {  	v34 =	vbroadcast v10, $0x1;
	v17 =	vmul.f32 v58, v31;
	v33 =	vld.idx.msk [tilespmem:v29+s6+$0x0], $0xffff  }
0x4aa: {  	s28 =	sshll.u32 s30, $0xA;
	v60 =	vmul.f32 v30, v31;
	v35 =	vld.idx.msk [tilespmem:v59+s6+$0x0], $0xffff;
	v15 =	vadd.f32 v15, v55  }
0x4ab: {  	s28 =	sand.u32 $0x3FFFFC00, s28;
	v62 =	vmul.f32 v32, v31;
	v63 =	vor.u32 v1, v34;
	v61 =	vld.idx.msk [tilespmem:v28+s6+$0x0], $0xffff;
	v17 =	vadd.f32 v17, v57  }
0x4ac: {  	v36 =	vor.u32 v2, v34;
	v19 =	vld.idx.msk [tilespmem:v50+s15+$0x0], $0xffff;
	v32 =	vadd.f32 v60, v22;
	[tilespmem:s28+$0x10400] =	vst v15  }
0x4ad: {  	v37 =	vld.idx.msk [tilespmem:v29+s15+$0x0], $0xffff;
	v38 =	vadd.f32 v62, v18;
	[tilespmem:s28+$0x10410] =	vst v17  }
0x4ae: {  	v25 =	vor.u32 v1, v40;
	v39 =	vld.idx.msk [tilespmem:v59+s15+$0x0], $0xffff;
	[tilespmem:s28+$0x10420] =	vst v32  }
0x4af: {  	v16 =	vor.u32 v4, v40;
	v41 =	vor.u32 v3, v34;
	v40 =	vld.idx.msk [tilespmem:v28+s15+$0x0], $0xffff;
	[tilespmem:s28+$0x10430] =	vst v38  }
0x4b0: {  	v43 =	vor.u32 v4, v34;
	v42 =	vld.idx.msk [tilespmem:v63+s6+$0x0], $0xffff  }
0x4b1: {  	v44 =	vbroadcast v7, $0x8;
	v45 =	vld.idx.msk [tilespmem:v36+s6+$0x0], $0xffff  }
0x4b2: {  	v31 =	vld.idx.msk [tilespmem:v63+s15+$0x0], $0xffff  }
0x4b3: {  	v22 =	vld.idx.msk [tilespmem:v36+s15+$0x0], $0xffff;
	v19 =	vmul.f32 v19, v44  }
0x4b4: {  	v46 =	vld.idx.msk [tilespmem:v41+s15+$0x0], $0xffff;
	v23 =	vmul.f32 v37, v44  }
0x4b5: {  	v47 =	vbroadcast v9, $0x1;
	v34 =	vld.idx.msk [tilespmem:v43+s15+$0x0], $0xffff;
	v18 =	vmul.f32 v39, v44;
	v14 =	vadd.f32 v19, v14  }
0x4b6: {  	v17 =	vld.idx.msk [tilespmem:v41+s6+$0x0], $0xffff;
	v15 =	vmul.f32 v40, v44;
	v23 =	vadd.f32 v23, v33  }
0x4b7: {  	v49 =	vbroadcast v8, $0x9;
	v24 =	vld.idx.msk [tilespmem:v43+s6+$0x0], $0xffff;
	v48 =	vadd.f32 v18, v35;
	[tilespmem:s26+$0x10600] =	vst v14;
	v50 =	vmul.f32 v31, v47  }
0x4b8: {  	v51 =	vbroadcast v10, $0x2;
	v21 =	vld.idx.msk [tilespmem:v25+s6+$0x0], $0xffff;
	v15 =	vadd.f32 v15, v61;
	[tilespmem:s26+$0x10610] =	vst v23;
	v22 =	vmul.f32 v22, v47  }
0x4b9: {  	v62 =	vor.u32 v2, v49;
	[tilespmem:s26+$0x10620] =	vst v48;
	v53 =	vmul.f32 v46, v47;
	v20 =	vadd.f32 v50, v42  }
0x4ba: {  	v55 =	vor.u32 v1, v51;
	[tilespmem:s26+$0x10630] =	vst v15;
	v19 =	vmul.f32 v34, v47;
	v54 =	vadd.f32 v22, v45  }
0x4bb: {  	v56 =	vor.u32 v2, v51;
	v11 =	vld.idx.msk [tilespmem:v16+s6+$0x0], $0xffff;
	v17 =	vadd.f32 v53, v17;
	[tilespmem:s28+$0x10440] =	vst v20  }
0x4bc: {  	v25 =	vld.idx.msk [tilespmem:v25+s15+$0x0], $0xffff;
	v57 =	vadd.f32 v19, v24;
	[tilespmem:s28+$0x10450] =	vst v54  }
0x4bd: {  	v16 =	vld.idx.msk [tilespmem:v16+s15+$0x0], $0xffff;
	[tilespmem:s28+$0x10460] =	vst v17  }
0x4be: {  	v58 =	vor.u32 v3, v51;
	v39 =	vld.idx.msk [tilespmem:v62+s6+$0x0], $0xffff;
	[tilespmem:s28+$0x10470] =	vst v57  }
0x4bf: {  	v23 =	vor.u32 v4, v51;
	v59 =	vld.idx.msk [tilespmem:v55+s6+$0x0], $0xffff  }
0x4c0: {  	v60 =	vld.idx.msk [tilespmem:v56+s6+$0x0], $0xffff  }
0x4c1: {  	v22 =	vld.idx.msk [tilespmem:v55+s15+$0x0], $0xffff  }
0x4c2: {  	v63 =	vor.u32 v3, v49;
	v20 =	vld.idx.msk [tilespmem:v56+s15+$0x0], $0xffff  }
0x4c3: {  	v52 =	vor.u32 v1, v49;
	v36 =	vld.idx.msk [tilespmem:v58+s15+$0x0], $0xffff  }
0x4c4: {  	v37 =	vbroadcast v9, $0x2;
	v38 =	vld.idx.msk [tilespmem:v23+s15+$0x0], $0xffff  }
0x4c5: {  	v15 =	vld.idx.msk [tilespmem:v58+s6+$0x0], $0xffff  }
0x4c6: {  	v18 =	vor.u32 v4, v49;
	v23 =	vld.idx.msk [tilespmem:v23+s6+$0x0], $0xffff;
	v22 =	vmul.f32 v22, v37  }
0x4c7: {  	v40 =	vbroadcast v10, $0x3;
	v41 =	vld.idx.msk [tilespmem:v63+s6+$0x0], $0xffff;
	v20 =	vmul.f32 v20, v37  }
0x4c8: {  	v61 =	vbroadcast v5, $0xC;
	v14 =	vld.idx.msk [tilespmem:v52+s15+$0x0], $0xffff;
	v42 =	vmul.f32 v36, v37;
	v19 =	vadd.f32 v22, v59  }
0x4c9: {  	v48 =	vld.idx.msk [tilespmem:v62+s15+$0x0], $0xffff;
	v45 =	vor.u32 v1, v40;
	v44 =	vmul.f32 v38, v37;
	v20 =	vadd.f32 v20, v60  }
0x4ca: {  	v46 =	vor.u32 v2, v40;
	v51 =	vld.idx.msk [tilespmem:v63+s15+$0x0], $0xffff;
	v15 =	vadd.f32 v42, v15;
	[tilespmem:s28+$0x10480] =	vst v19  }
0x4cb: {  	v25 =	vmul.f32 v25, v61;
	v43 =	vld.idx.msk [tilespmem:v18+s6+$0x0], $0xffff;
	v49 =	vadd.f32 v44, v23;
	[tilespmem:s28+$0x10490] =	vst v20  }
0x4cc: {  	v47 =	vmul.f32 v26, v61;
	v16 =	vmul.f32 v16, v61;
	v17 =	vld.idx.msk [tilespmem:v52+s6+$0x0], $0xffff;
	[tilespmem:s28+$0x104A0] =	vst v15  }
0x4cd: {  	v21 =	vadd.f32 v25, v21;
	v53 =	vor.u32 v3, v40;
	v52 =	vld.idx.msk [tilespmem:v18+s15+$0x0], $0xffff;
	[tilespmem:s28+$0x104B0] =	vst v49  }
0x4ce: {  	v50 =	vmul.f32 v27, v61;
	v12 =	vadd.f32 v47, v12;
	v54 =	vor.u32 v4, v40;
	v20 =	vld.idx.msk [tilespmem:v45+s6+$0x0], $0xffff  }
0x4cf: {  	v11 =	vadd.f32 v16, v11;
	[tilespmem:s25+$0x10700] =	vst v21;
	v55 =	vbroadcast v6, $0xD;
	v56 =	vbroadcast v7, $0x9;
	v57 =	vld.idx.msk [tilespmem:v46+s6+$0x0], $0xffff  }
0x4d0: {  	v13 =	vadd.f32 v50, v13;
	[tilespmem:s25+$0x10710] =	vst v12;
	v58 =	vld.idx.msk [tilespmem:v45+s15+$0x0], $0xffff  }
0x4d1: {  	[tilespmem:s25+$0x10730] =	vst v11;
	v16 =	vor.u32 v1, v55;
	v26 =	vmul.f32 v48, v56;
	v19 =	vld.idx.msk [tilespmem:v46+s15+$0x0], $0xffff  }
0x4d2: {  	v62 =	vbroadcast v9, $0x3;
	[tilespmem:s25+$0x10720] =	vst v13;
	v61 =	vmul.f32 v51, v56;
	v59 =	vld.idx.msk [tilespmem:v53+s15+$0x0], $0xffff  }
0x4d3: {  	v14 =	vmul.f32 v14, v56;
	v28 =	vor.u32 v2, v55;
	v35 =	vadd.f32 v26, v39;
	v63 =	vld.idx.msk [tilespmem:v54+s15+$0x0], $0xffff  }
0x4d4: {  	v32 =	vor.u32 v4, v55;
	v36 =	vadd.f32 v61, v41;
	v15 =	vmul.f32 v52, v56;
	v18 =	vld.idx.msk [tilespmem:v53+s6+$0x0], $0xffff  }
0x4d5: {  	v37 =	vbroadcast v8, $0xA;
	[tilespmem:s26+$0x10650] =	vst v35;
	v60 =	vadd.f32 v14, v17;
	v38 =	vld.idx.msk [tilespmem:v54+s6+$0x0], $0xffff;
	v13 =	vmul.f32 v58, v62  }
0x4d6: {  	v41 =	vbroadcast v10, $0x4;
	v22 =	vld.idx.msk [tilespmem:v16+s6+$0x0], $0xffff;
	[tilespmem:s26+$0x10660] =	vst v36;
	v39 =	vadd.f32 v15, v43;
	v40 =	vmul.f32 v19, v62  }
0x4d7: {  	v42 =	vor.u32 v1, v37;
	[tilespmem:s26+$0x10640] =	vst v60;
	v44 =	vmul.f32 v59, v62;
	v43 =	vadd.f32 v13, v20  }
0x4d8: {  	v45 =	vor.u32 v1, v41;
	[tilespmem:s26+$0x10670] =	vst v39;
	v17 =	vmul.f32 v63, v62;
	v15 =	vadd.f32 v40, v57  }
0x4d9: {  	v12 =	vld.idx.msk [tilespmem:v28+s6+$0x0], $0xffff;
	v46 =	vor.u32 v2, v41;
	v18 =	vadd.f32 v44, v18;
	[tilespmem:s28+$0x104C0] =	vst v43  }
0x4da: {  	v11 =	vld.idx.msk [tilespmem:v32+s6+$0x0], $0xffff;
	v47 =	vadd.f32 v17, v38;
	[tilespmem:s28+$0x104D0] =	vst v15  }
0x4db: {  	v16 =	vld.idx.msk [tilespmem:v16+s15+$0x0], $0xffff;
	[tilespmem:s28+$0x104E0] =	vst v18  }
0x4dc: {  	v49 =	vor.u32 v3, v41;
	v48 =	vld.idx.msk [tilespmem:v42+s6+$0x0], $0xffff;
	[tilespmem:s28+$0x104F0] =	vst v47  }
0x4dd: {  	v19 =	vor.u32 v4, v41;
	v18 =	vld.idx.msk [tilespmem:v45+s6+$0x0], $0xffff  }
0x4de: {  	v50 =	vld.idx.msk [tilespmem:v46+s6+$0x0], $0xffff  }
0x4df: {  	v20 =	vld.idx.msk [tilespmem:v45+s15+$0x0], $0xffff  }
0x4e0: {  	v51 =	vor.u32 v2, v37;
	v24 =	vld.idx.msk [tilespmem:v46+s15+$0x0], $0xffff  }
0x4e1: {  	v14 =	vor.u32 v4, v37;
	v53 =	vld.idx.msk [tilespmem:v49+s15+$0x0], $0xffff  }
0x4e2: {  	v29 =	vor.u32 v3, v55;
	v54 =	vbroadcast v9, $0x4;
	v55 =	vld.idx.msk [tilespmem:v19+s15+$0x0], $0xffff  }
0x4e3: {  	v15 =	vld.idx.msk [tilespmem:v49+s6+$0x0], $0xffff  }
0x4e4: {  	v52 =	vor.u32 v3, v37;
	v19 =	vld.idx.msk [tilespmem:v19+s6+$0x0], $0xffff;
	v20 =	vmul.f32 v20, v54  }
0x4e5: {  	v56 =	vld.idx.msk [tilespmem:v51+s6+$0x0], $0xffff;
	v57 =	vbroadcast v10, $0x5;
	v24 =	vmul.f32 v24, v54  }
0x4e6: {  	v60 =	vld.idx.msk [tilespmem:v14+s6+$0x0], $0xffff;
	v59 =	vmul.f32 v53, v54;
	v18 =	vadd.f32 v20, v18  }
0x4e7: {  	v23 =	vld.idx.msk [tilespmem:v42+s15+$0x0], $0xffff;
	v62 =	vor.u32 v1, v57;
	v61 =	vmul.f32 v55, v54;
	v21 =	vadd.f32 v24, v50  }
0x4e8: {  	v36 =	vld.idx.msk [tilespmem:v51+s15+$0x0], $0xffff;
	v63 =	vor.u32 v2, v57;
	v15 =	vadd.f32 v59, v15;
	[tilespmem:s28+$0x10500] =	vst v18  }
0x4e9: {  	v37 =	vld.idx.msk [tilespmem:v52+s15+$0x0], $0xffff;
	v19 =	vadd.f32 v61, v19;
	[tilespmem:s28+$0x10510] =	vst v21  }
0x4ea: {  	v14 =	vld.idx.msk [tilespmem:v14+s15+$0x0], $0xffff;
	[tilespmem:s28+$0x10520] =	vst v15  }
0x4eb: {  	v58 =	vld.idx.msk [tilespmem:v52+s6+$0x0], $0xffff;
	v38 =	vor.u32 v3, v57;
	[tilespmem:s28+$0x10530] =	vst v19  }
0x4ec: {  	v39 =	vor.u32 v4, v57;
	v19 =	vld.idx.msk [tilespmem:v62+s6+$0x0], $0xffff  }
0x4ed: {  	v40 =	vbroadcast v7, $0xA;
	v41 =	vld.idx.msk [tilespmem:v63+s6+$0x0], $0xffff  }
0x4ee: {  	v30 =	vld.idx.msk [tilespmem:v62+s15+$0x0], $0xffff  }
0x4ef: {  	v23 =	vmul.f32 v23, v40;
	v18 =	vld.idx.msk [tilespmem:v63+s15+$0x0], $0xffff  }
0x4f0: {  	v14 =	vmul.f32 v14, v40;
	v42 =	vld.idx.msk [tilespmem:v38+s15+$0x0], $0xffff  }
0x4f1: {  	v43 =	vbroadcast v9, $0x5;
	v17 =	vadd.f32 v23, v48;
	v20 =	vmul.f32 v36, v40;
	v34 =	vld.idx.msk [tilespmem:v39+s15+$0x0], $0xffff  }
0x4f2: {  	v14 =	vadd.f32 v14, v60;
	v21 =	vmul.f32 v37, v40;
	v15 =	vld.idx.msk [tilespmem:v38+s6+$0x0], $0xffff  }
0x4f3: {  	v45 =	vbroadcast v8, $0xB;
	[tilespmem:s26+$0x10680] =	vst v17;
	v20 =	vadd.f32 v20, v56;
	v24 =	vld.idx.msk [tilespmem:v39+s6+$0x0], $0xffff;
	v46 =	vmul.f32 v30, v43  }
0x4f4: {  	v13 =	vld.idx.msk [tilespmem:v29+s6+$0x0], $0xffff;
	v47 =	vbroadcast v10, $0x6;
	[tilespmem:s26+$0x106B0] =	vst v14;
	v44 =	vadd.f32 v21, v58;
	v18 =	vmul.f32 v18, v43  }
0x4f5: {  	v48 =	vor.u32 v1, v45;
	[tilespmem:s26+$0x10690] =	vst v20;
	v49 =	vmul.f32 v42, v43;
	v19 =	vadd.f32 v46, v19  }
0x4f6: {  	v52 =	vor.u32 v1, v47;
	[tilespmem:s26+$0x106A0] =	vst v44;
	v51 =	vmul.f32 v34, v43;
	v50 =	vadd.f32 v18, v41  }
0x4f7: {  	v57 =	vld.idx.msk [tilespmem:v32+s15+$0x0], $0xffff;
	v54 =	vor.u32 v2, v47;
	v15 =	vadd.f32 v49, v15;
	[tilespmem:s28+$0x10540] =	vst v19  }
0x4f8: {  	v53 =	vld.idx.msk [tilespmem:v28+s15+$0x0], $0xffff;
	v56 =	vadd.f32 v51, v24;
	[tilespmem:s28+$0x10550] =	vst v50  }
0x4f9: {  	v55 =	vld.idx.msk [tilespmem:v29+s15+$0x0], $0xffff;
	[tilespmem:s28+$0x10560] =	vst v15  }
0x4fa: {  	v58 =	vor.u32 v3, v47;
	v17 =	vld.idx.msk [tilespmem:v48+s15+$0x0], $0xffff;
	[tilespmem:s28+$0x10570] =	vst v56  }
0x4fb: {  	v20 =	vor.u32 v4, v47;
	v59 =	vld.idx.msk [tilespmem:v52+s6+$0x0], $0xffff  }
0x4fc: {  	v60 =	vld.idx.msk [tilespmem:v54+s6+$0x0], $0xffff  }
0x4fd: {  	v23 =	vld.idx.msk [tilespmem:v52+s15+$0x0], $0xffff  }
0x4fe: {  	v62 =	vor.u32 v2, v45;
	v19 =	vld.idx.msk [tilespmem:v54+s15+$0x0], $0xffff  }
0x4ff: {  	v63 =	vor.u32 v3, v45;
	v36 =	vld.idx.msk [tilespmem:v58+s15+$0x0], $0xffff  }
0x500: {  	v61 =	vbroadcast v5, $0xD;
	v37 =	vbroadcast v9, $0x6;
	v21 =	vor.u32 v4, v45;
	v38 =	vld.idx.msk [tilespmem:v20+s15+$0x0], $0xffff  }
0x501: {  	v14 =	vld.idx.msk [tilespmem:v58+s6+$0x0], $0xffff  }
0x502: {  	v16 =	vmul.f32 v16, v61;
	v20 =	vld.idx.msk [tilespmem:v20+s6+$0x0], $0xffff;
	v39 =	vmul.f32 v23, v37  }
0x503: {  	v40 =	vld.idx.msk [tilespmem:v62+s6+$0x0], $0xffff;
	v41 =	vbroadcast v10, $0x7;
	v19 =	vmul.f32 v19, v37  }
0x504: {  	v16 =	vadd.f32 v16, v22;
	v42 =	vld.idx.msk [tilespmem:v63+s6+$0x0], $0xffff;
	v43 =	vmul.f32 v36, v37;
	v22 =	vadd.f32 v39, v59  }
0x505: {  	v44 =	vld.idx.msk [tilespmem:v21+s6+$0x0], $0xffff;
	v46 =	vor.u32 v1, v41;
	v45 =	vmul.f32 v38, v37;
	v19 =	vadd.f32 v19, v60  }
0x506: {  	v49 =	vld.idx.msk [tilespmem:v62+s15+$0x0], $0xffff;
	v47 =	vor.u32 v2, v41;
	v14 =	vadd.f32 v43, v14;
	[tilespmem:s28+$0x10580] =	vst v22  }
0x507: {  	v15 =	vld.idx.msk [tilespmem:v48+s6+$0x0], $0xffff;
	v50 =	vadd.f32 v45, v20;
	[tilespmem:s28+$0x10590] =	vst v19  }
0x508: {  	v48 =	vmul.f32 v53, v61;
	v53 =	vld.idx.msk [tilespmem:v21+s15+$0x0], $0xffff;
	[tilespmem:s28+$0x105A0] =	vst v14  }
0x509: {  	v51 =	vmul.f32 v55, v61;
	v52 =	vld.idx.msk [tilespmem:v63+s15+$0x0], $0xffff;
	v54 =	vor.u32 v3, v41;
	[tilespmem:s28+$0x105B0] =	vst v50  }
0x50a: {  	v18 =	vmul.f32 v57, v61;
	v57 =	vbroadcast v6, $0xE;
	v56 =	vor.u32 v4, v41;
	v55 =	vld.idx.msk [tilespmem:v46+s6+$0x0], $0xffff  }
0x50b: {  	[tilespmem:s25+$0x10740] =	vst v16;
	v58 =	vbroadcast v7, $0xB;
	v59 =	vld.idx.msk [tilespmem:v47+s6+$0x0], $0xffff  }
0x50c: {  	v13 =	vadd.f32 v51, v13;
	v11 =	vadd.f32 v18, v11;
	v18 =	vor.u32 v1, v57;
	v60 =	vld.idx.msk [tilespmem:v46+s15+$0x0], $0xffff  }
0x50d: {  	v28 =	vor.u32 v2, v57;
	v32 =	vor.u32 v4, v57;
	v17 =	vmul.f32 v17, v58;
	v22 =	vld.idx.msk [tilespmem:v47+s15+$0x0], $0xffff  }
0x50e: {  	v12 =	vadd.f32 v48, v12;
	[tilespmem:s25+$0x10760] =	vst v13;
	v26 =	vmul.f32 v49, v58;
	v61 =	vld.idx.msk [tilespmem:v54+s15+$0x0], $0xffff  }
0x50f: {  	[tilespmem:s25+$0x10770] =	vst v11;
	v62 =	vadd.f32 v17, v15;
	v63 =	vmul.f32 v52, v58;
	v36 =	vbroadcast v9, $0x7;
	v37 =	vld.idx.msk [tilespmem:v56+s15+$0x0], $0xffff  }
0x510: {  	[tilespmem:s25+$0x10750] =	vst v12;
	v38 =	vadd.f32 v26, v40;
	v14 =	vmul.f32 v53, v58;
	v19 =	vld.idx.msk [tilespmem:v54+s6+$0x0], $0xffff  }
0x511: {  	v40 =	vbroadcast v8, $0xC;
	[tilespmem:s26+$0x106C0] =	vst v62;
	v39 =	vadd.f32 v63, v42;
	v41 =	vld.idx.msk [tilespmem:v56+s6+$0x0], $0xffff;
	v13 =	vmul.f32 v60, v36  }
0x512: {  	v21 =	vld.idx.msk [tilespmem:v18+s6+$0x0], $0xffff;
	[tilespmem:s26+$0x106D0] =	vst v38;
	v42 =	vadd.f32 v14, v44;
	v44 =	vbroadcast v10, $0x8;
	v43 =	vmul.f32 v22, v36  }
0x513: {  	v45 =	vor.u32 v1, v40;
	[tilespmem:s26+$0x106E0] =	vst v39;
	v47 =	vmul.f32 v61, v36;
	v46 =	vadd.f32 v13, v55  }
0x514: {  	[tilespmem:s26+$0x106F0] =	vst v42;
	v48 =	vor.u32 v1, v44;
	v17 =	vmul.f32 v37, v36;
	v14 =	vadd.f32 v43, v59  }
0x515: {  	v12 =	vld.idx.msk [tilespmem:v28+s6+$0x0], $0xffff;
	v49 =	vor.u32 v2, v44;
	v19 =	vadd.f32 v47, v19;
	[tilespmem:s28+$0x105C0] =	vst v46  }
0x516: {  	v11 =	vld.idx.msk [tilespmem:v32+s6+$0x0], $0xffff;
	v50 =	vadd.f32 v17, v41;
	[tilespmem:s28+$0x105D0] =	vst v14  }
0x517: {  	v18 =	vld.idx.msk [tilespmem:v18+s15+$0x0], $0xffff;
	[tilespmem:s28+$0x105E0] =	vst v19  }
0x518: {  	v52 =	vor.u32 v3, v44;
	v51 =	vld.idx.msk [tilespmem:v45+s6+$0x0], $0xffff;
	[tilespmem:s28+$0x105F0] =	vst v50  }
0x519: {  	v54 =	vor.u32 v4, v44;
	v53 =	vld.idx.msk [tilespmem:v48+s6+$0x0], $0xffff  }
0x51a: {  	v55 =	vld.idx.msk [tilespmem:v49+s6+$0x0], $0xffff  }
0x51b: {  	v20 =	vld.idx.msk [tilespmem:v48+s15+$0x0], $0xffff  }
0x51c: {  	v29 =	vor.u32 v3, v57;
	v57 =	vor.u32 v3, v40;
	v24 =	vld.idx.msk [tilespmem:v49+s15+$0x0], $0xffff  }
0x51d: {  	v58 =	vld.idx.msk [tilespmem:v52+s15+$0x0], $0xffff  }
0x51e: {  	v59 =	vbroadcast v9, $0x8;
	v60 =	vld.idx.msk [tilespmem:v54+s15+$0x0], $0xffff  }
0x51f: {  	v56 =	vor.u32 v2, v40;
	v14 =	vld.idx.msk [tilespmem:v52+s6+$0x0], $0xffff  }
0x520: {  	v15 =	vor.u32 v4, v40;
	v19 =	vld.idx.msk [tilespmem:v54+s6+$0x0], $0xffff;
	v20 =	vmul.f32 v20, v59  }
0x521: {  	v62 =	vbroadcast v10, $0x9;
	v63 =	vld.idx.msk [tilespmem:v57+s6+$0x0], $0xffff;
	v24 =	vmul.f32 v24, v59  }
0x522: {  	v23 =	vld.idx.msk [tilespmem:v45+s15+$0x0], $0xffff;
	v36 =	vmul.f32 v58, v59;
	v17 =	vadd.f32 v20, v53  }
0x523: {  	v39 =	vor.u32 v1, v62;
	v42 =	vld.idx.msk [tilespmem:v57+s15+$0x0], $0xffff;
	v38 =	vmul.f32 v60, v59;
	v22 =	vadd.f32 v24, v55  }
0x524: {  	v40 =	vor.u32 v2, v62;
	v61 =	vld.idx.msk [tilespmem:v56+s6+$0x0], $0xffff;
	v14 =	vadd.f32 v36, v14;
	[tilespmem:s28+$0x10600] =	vst v17  }
0x525: {  	v37 =	vld.idx.msk [tilespmem:v15+s6+$0x0], $0xffff;
	v19 =	vadd.f32 v38, v19;
	[tilespmem:s28+$0x10610] =	vst v22  }
0x526: {  	v41 =	vld.idx.msk [tilespmem:v56+s15+$0x0], $0xffff;
	[tilespmem:s28+$0x10620] =	vst v14  }
0x527: {  	v44 =	vor.u32 v3, v62;
	v43 =	vld.idx.msk [tilespmem:v15+s15+$0x0], $0xffff;
	[tilespmem:s28+$0x10630] =	vst v19  }
0x528: {  	v45 =	vor.u32 v4, v62;
	v19 =	vld.idx.msk [tilespmem:v39+s6+$0x0], $0xffff  }
0x529: {  	v46 =	vbroadcast v7, $0xC;
	v47 =	vld.idx.msk [tilespmem:v40+s6+$0x0], $0xffff  }
0x52a: {  	v30 =	vld.idx.msk [tilespmem:v39+s15+$0x0], $0xffff  }
0x52b: {  	v23 =	vmul.f32 v23, v46;
	v17 =	vld.idx.msk [tilespmem:v40+s15+$0x0], $0xffff  }
0x52c: {  	v20 =	vmul.f32 v41, v46;
	v48 =	vld.idx.msk [tilespmem:v44+s15+$0x0], $0xffff  }
0x52d: {  	v49 =	vbroadcast v9, $0x9;
	v16 =	vadd.f32 v23, v51;
	v22 =	vmul.f32 v42, v46;
	v34 =	vld.idx.msk [tilespmem:v45+s15+$0x0], $0xffff  }
0x52e: {  	v20 =	vadd.f32 v20, v61;
	v14 =	vmul.f32 v43, v46;
	v15 =	vld.idx.msk [tilespmem:v44+s6+$0x0], $0xffff  }
0x52f: {  	v51 =	vbroadcast v8, $0xD;
	[tilespmem:s26+$0x10700] =	vst v16;
	v24 =	vld.idx.msk [tilespmem:v45+s6+$0x0], $0xffff;
	v50 =	vadd.f32 v22, v63;
	v52 =	vmul.f32 v30, v49  }
0x530: {  	v13 =	vld.idx.msk [tilespmem:v29+s6+$0x0], $0xffff;
	v53 =	vbroadcast v10, $0xA;
	[tilespmem:s26+$0x10710] =	vst v20;
	v14 =	vadd.f32 v14, v37;
	v17 =	vmul.f32 v17, v49  }
0x531: {  	v54 =	vor.u32 v1, v51;
	[tilespmem:s26+$0x10720] =	vst v50;
	v55 =	vmul.f32 v48, v49;
	v19 =	vadd.f32 v52, v19  }
0x532: {  	v58 =	vor.u32 v1, v53;
	[tilespmem:s26+$0x10730] =	vst v14;
	v57 =	vmul.f32 v34, v49;
	v56 =	vadd.f32 v17, v47  }
0x533: {  	v59 =	vld.idx.msk [tilespmem:v28+s15+$0x0], $0xffff;
	v60 =	vor.u32 v2, v53;
	v15 =	vadd.f32 v55, v15;
	[tilespmem:s28+$0x10640] =	vst v19  }
0x534: {  	v61 =	vld.idx.msk [tilespmem:v29+s15+$0x0], $0xffff;
	v62 =	vadd.f32 v57, v24;
	[tilespmem:s28+$0x10650] =	vst v56  }
0x535: {  	v63 =	vld.idx.msk [tilespmem:v32+s15+$0x0], $0xffff;
	[tilespmem:s28+$0x10660] =	vst v15  }
0x536: {  	v36 =	vor.u32 v3, v53;
	v16 =	vld.idx.msk [tilespmem:v54+s15+$0x0], $0xffff;
	[tilespmem:s28+$0x10670] =	vst v62  }
0x537: {  	v20 =	vor.u32 v4, v53;
	v37 =	vld.idx.msk [tilespmem:v58+s6+$0x0], $0xffff  }
0x538: {  	v38 =	vld.idx.msk [tilespmem:v60+s6+$0x0], $0xffff  }
0x539: {  	v23 =	vld.idx.msk [tilespmem:v58+s15+$0x0], $0xffff  }
0x53a: {  	v40 =	vor.u32 v2, v51;
	v19 =	vld.idx.msk [tilespmem:v60+s15+$0x0], $0xffff  }
0x53b: {  	v41 =	vor.u32 v3, v51;
	v42 =	vld.idx.msk [tilespmem:v36+s15+$0x0], $0xffff  }
0x53c: {  	v43 =	vbroadcast v9, $0xA;
	v39 =	vbroadcast v5, $0xE;
	v22 =	vor.u32 v4, v51;
	v44 =	vld.idx.msk [tilespmem:v20+s15+$0x0], $0xffff  }
0x53d: {  	v14 =	vld.idx.msk [tilespmem:v36+s6+$0x0], $0xffff  }
0x53e: {  	v18 =	vmul.f32 v18, v39;
	v20 =	vld.idx.msk [tilespmem:v20+s6+$0x0], $0xffff;
	v45 =	vmul.f32 v23, v43  }
0x53f: {  	v46 =	vld.idx.msk [tilespmem:v40+s6+$0x0], $0xffff;
	v47 =	vbroadcast v10, $0xB;
	v19 =	vmul.f32 v19, v43  }
0x540: {  	v18 =	vadd.f32 v18, v21;
	v48 =	vld.idx.msk [tilespmem:v41+s6+$0x0], $0xffff;
	v49 =	vmul.f32 v42, v43;
	v21 =	vadd.f32 v45, v37  }
0x541: {  	v50 =	vld.idx.msk [tilespmem:v22+s6+$0x0], $0xffff;
	v52 =	vor.u32 v1, v47;
	v51 =	vmul.f32 v44, v43;
	v19 =	vadd.f32 v19, v38  }
0x542: {  	v55 =	vld.idx.msk [tilespmem:v40+s15+$0x0], $0xffff;
	v53 =	vor.u32 v2, v47;
	v14 =	vadd.f32 v49, v14;
	[tilespmem:s28+$0x10680] =	vst v21  }
0x543: {  	v15 =	vld.idx.msk [tilespmem:v54+s6+$0x0], $0xffff;
	v56 =	vadd.f32 v51, v20;
	[tilespmem:s28+$0x10690] =	vst v19  }
0x544: {  	v54 =	vmul.f32 v59, v39;
	v59 =	vld.idx.msk [tilespmem:v22+s15+$0x0], $0xffff;
	[tilespmem:s28+$0x106A0] =	vst v14  }
0x545: {  	v6 =	vbroadcast v6, $0xF;
	v58 =	vld.idx.msk [tilespmem:v41+s15+$0x0], $0xffff;
	v60 =	vor.u32 v3, v47;
	[tilespmem:s28+$0x106B0] =	vst v56  }
0x546: {  	v57 =	vmul.f32 v61, v39;
	v17 =	vmul.f32 v63, v39;
	v62 =	vor.u32 v4, v47;
	v61 =	vld.idx.msk [tilespmem:v52+s6+$0x0], $0xffff  }
0x547: {  	v27 =	vor.u32 v2, v6;
	v28 =	vor.u32 v3, v6;
	v63 =	vbroadcast v7, $0xD;
	v33 =	vld.idx.msk [tilespmem:v53+s6+$0x0], $0xffff  }
0x548: {  	[tilespmem:s25+$0x10780] =	vst v18;
	v13 =	vadd.f32 v57, v13;
	v11 =	vadd.f32 v17, v11;
	v34 =	vld.idx.msk [tilespmem:v52+s15+$0x0], $0xffff  }
0x549: {  	v17 =	vor.u32 v1, v6;
	v16 =	vmul.f32 v16, v63;
	v12 =	vadd.f32 v54, v12;
	v21 =	vld.idx.msk [tilespmem:v53+s15+$0x0], $0xffff  }
0x54a: {  	v30 =	vor.u32 v4, v6;
	[tilespmem:s25+$0x107A0] =	vst v13;
	v26 =	vmul.f32 v55, v63;
	v35 =	vld.idx.msk [tilespmem:v60+s15+$0x0], $0xffff  }
0x54b: {  	[tilespmem:s25+$0x10790] =	vst v12;
	v36 =	vadd.f32 v16, v15;
	v12 =	vmul.f32 v59, v63;
	v38 =	vbroadcast v9, $0xB;
	v39 =	vld.idx.msk [tilespmem:v62+s15+$0x0], $0xffff  }
0x54c: {  	[tilespmem:s25+$0x107B0] =	vst v11;
	v23 =	vadd.f32 v26, v46;
	v37 =	vmul.f32 v58, v63;
	v40 =	vld.idx.msk [tilespmem:v60+s6+$0x0], $0xffff  }
0x54d: {  	v42 =	vbroadcast v8, $0xE;
	[tilespmem:s26+$0x10740] =	vst v36;
	v12 =	vadd.f32 v12, v50;
	v43 =	vld.idx.msk [tilespmem:v62+s6+$0x0], $0xffff;
	v13 =	vmul.f32 v34, v38  }
0x54e: {  	v6 =	vld.idx.msk [tilespmem:v17+s6+$0x0], $0xffff;
	[tilespmem:s26+$0x10750] =	vst v23;
	v45 =	vbroadcast v10, $0xC;
	v41 =	vadd.f32 v37, v48;
	v44 =	vmul.f32 v21, v38  }
0x54f: {  	v46 =	vor.u32 v1, v42;
	[tilespmem:s26+$0x10770] =	vst v12;
	v48 =	vmul.f32 v35, v38;
	v47 =	vadd.f32 v13, v61  }
0x550: {  	v49 =	vor.u32 v1, v45;
	[tilespmem:s26+$0x10760] =	vst v41;
	v16 =	vmul.f32 v39, v38;
	v19 =	vadd.f32 v44, v33  }
0x551: {  	v11 =	vld.idx.msk [tilespmem:v30+s6+$0x0], $0xffff;
	v50 =	vor.u32 v2, v45;
	v14 =	vadd.f32 v48, v40;
	[tilespmem:s28+$0x106C0] =	vst v47  }
0x552: {  	v17 =	vld.idx.msk [tilespmem:v17+s15+$0x0], $0xffff;
	v16 =	vadd.f32 v16, v43;
	[tilespmem:s28+$0x106D0] =	vst v19  }
0x553: {  	v12 =	vld.idx.msk [tilespmem:v27+s6+$0x0], $0xffff;
	[tilespmem:s28+$0x106E0] =	vst v14  }
0x554: {  	v52 =	vor.u32 v3, v45;
	v51 =	vld.idx.msk [tilespmem:v46+s6+$0x0], $0xffff;
	[tilespmem:s28+$0x106F0] =	vst v16  }
0x555: {  	v54 =	vor.u32 v4, v45;
	v53 =	vld.idx.msk [tilespmem:v49+s6+$0x0], $0xffff  }
0x556: {  	v55 =	vld.idx.msk [tilespmem:v50+s6+$0x0], $0xffff  }
0x557: {  	v20 =	vld.idx.msk [tilespmem:v49+s15+$0x0], $0xffff  }
0x558: {  	v57 =	vor.u32 v3, v42;
	v23 =	vld.idx.msk [tilespmem:v50+s15+$0x0], $0xffff  }
0x559: {  	v15 =	vor.u32 v4, v42;
	v58 =	vld.idx.msk [tilespmem:v52+s15+$0x0], $0xffff  }
0x55a: {  	v59 =	vbroadcast v9, $0xC;
	v60 =	vld.idx.msk [tilespmem:v54+s15+$0x0], $0xffff  }
0x55b: {  	v16 =	vld.idx.msk [tilespmem:v52+s6+$0x0], $0xffff  }
0x55c: {  	v19 =	vld.idx.msk [tilespmem:v54+s6+$0x0], $0xffff;
	v20 =	vmul.f32 v20, v59  }
0x55d: {  	v56 =	vor.u32 v2, v42;
	v62 =	vbroadcast v10, $0xD;
	v63 =	vld.idx.msk [tilespmem:v57+s6+$0x0], $0xffff;
	v23 =	vmul.f32 v23, v59  }
0x55e: {  	v36 =	vld.idx.msk [tilespmem:v15+s6+$0x0], $0xffff;
	v35 =	vmul.f32 v58, v59;
	v18 =	vadd.f32 v20, v53  }
0x55f: {  	v22 =	vld.idx.msk [tilespmem:v46+s15+$0x0], $0xffff;
	v38 =	vor.u32 v1, v62;
	v37 =	vmul.f32 v60, v59;
	v21 =	vadd.f32 v23, v55  }
0x560: {  	v41 =	vld.idx.msk [tilespmem:v57+s15+$0x0], $0xffff;
	v39 =	vor.u32 v2, v62;
	v16 =	vadd.f32 v35, v16;
	[tilespmem:s28+$0x10700] =	vst v18  }
0x561: {  	v15 =	vld.idx.msk [tilespmem:v15+s15+$0x0], $0xffff;
	v19 =	vadd.f32 v37, v19;
	[tilespmem:s28+$0x10710] =	vst v21  }
0x562: {  	v61 =	vld.idx.msk [tilespmem:v56+s6+$0x0], $0xffff;
	[tilespmem:s28+$0x10720] =	vst v16  }
0x563: {  	v42 =	vor.u32 v3, v62;
	v40 =	vld.idx.msk [tilespmem:v56+s15+$0x0], $0xffff;
	[tilespmem:s28+$0x10730] =	vst v19  }
0x564: {  	v43 =	vor.u32 v4, v62;
	v19 =	vld.idx.msk [tilespmem:v38+s6+$0x0], $0xffff  }
0x565: {  	v44 =	vbroadcast v7, $0xE;
	v45 =	vld.idx.msk [tilespmem:v39+s6+$0x0], $0xffff  }
0x566: {  	v29 =	vld.idx.msk [tilespmem:v38+s15+$0x0], $0xffff  }
0x567: {  	v22 =	vmul.f32 v22, v44;
	v18 =	vld.idx.msk [tilespmem:v39+s15+$0x0], $0xffff  }
0x568: {  	v15 =	vmul.f32 v15, v44;
	v46 =	vld.idx.msk [tilespmem:v42+s15+$0x0], $0xffff  }
0x569: {  	v47 =	vbroadcast v9, $0xD;
	v14 =	vadd.f32 v22, v51;
	v20 =	vmul.f32 v40, v44;
	v33 =	vld.idx.msk [tilespmem:v43+s15+$0x0], $0xffff  }
0x56a: {  	v15 =	vadd.f32 v15, v36;
	v21 =	vmul.f32 v41, v44;
	v16 =	vld.idx.msk [tilespmem:v42+s6+$0x0], $0xffff  }
0x56b: {  	v8 =	vbroadcast v8, $0xF;
	[tilespmem:s26+$0x10780] =	vst v14;
	v20 =	vadd.f32 v20, v61;
	v49 =	vld.idx.msk [tilespmem:v43+s6+$0x0], $0xffff;
	v50 =	vmul.f32 v29, v47  }
0x56c: {  	v57 =	vld.idx.msk [tilespmem:v27+s15+$0x0], $0xffff;
	v51 =	vbroadcast v10, $0xE;
	[tilespmem:s26+$0x107B0] =	vst v15;
	v48 =	vadd.f32 v21, v63;
	v18 =	vmul.f32 v18, v47  }
0x56d: {  	v52 =	vor.u32 v1, v8;
	[tilespmem:s26+$0x10790] =	vst v20;
	v53 =	vmul.f32 v46, v47;
	v19 =	vadd.f32 v50, v19  }
0x56e: {  	v56 =	vor.u32 v1, v51;
	[tilespmem:s26+$0x107A0] =	vst v48;
	v55 =	vmul.f32 v33, v47;
	v54 =	vadd.f32 v18, v45  }
0x56f: {  	v13 =	vld.idx.msk [tilespmem:v28+s6+$0x0], $0xffff;
	v58 =	vor.u32 v2, v51;
	v16 =	vadd.f32 v53, v16;
	[tilespmem:s28+$0x10740] =	vst v19  }
0x570: {  	v59 =	vld.idx.msk [tilespmem:v28+s15+$0x0], $0xffff;
	v60 =	vadd.f32 v55, v49;
	[tilespmem:s28+$0x10750] =	vst v54  }
0x571: {  	v61 =	vld.idx.msk [tilespmem:v30+s15+$0x0], $0xffff;
	[tilespmem:s28+$0x10760] =	vst v16  }
0x572: {  	v63 =	vor.u32 v3, v51;
	v62 =	vld.idx.msk [tilespmem:v52+s6+$0x0], $0xffff;
	[tilespmem:s28+$0x10770] =	vst v60  }
0x573: {  	v20 =	vor.u32 v4, v51;
	v33 =	vld.idx.msk [tilespmem:v56+s6+$0x0], $0xffff  }
0x574: {  	v34 =	vld.idx.msk [tilespmem:v58+s6+$0x0], $0xffff  }
0x575: {  	v22 =	vld.idx.msk [tilespmem:v56+s15+$0x0], $0xffff  }
0x576: {  	v35 =	vor.u32 v2, v8;
	v19 =	vld.idx.msk [tilespmem:v58+s15+$0x0], $0xffff  }
0x577: {  	v36 =	vor.u32 v3, v8;
	v37 =	vld.idx.msk [tilespmem:v63+s15+$0x0], $0xffff  }
0x578: {  	v8 =	vor.u32 v4, v8;
	v38 =	vbroadcast v9, $0xE;
	v39 =	vld.idx.msk [tilespmem:v20+s15+$0x0], $0xffff  }
0x579: {  	v15 =	vld.idx.msk [tilespmem:v63+s6+$0x0], $0xffff  }
0x57a: {  	v20 =	vld.idx.msk [tilespmem:v20+s6+$0x0], $0xffff;
	v22 =	vmul.f32 v22, v38  }
0x57b: {  	v10 =	vbroadcast v10, $0xF;
	v40 =	vld.idx.msk [tilespmem:v35+s6+$0x0], $0xffff;
	v19 =	vmul.f32 v19, v38  }
0x57c: {  	v41 =	vld.idx.msk [tilespmem:v36+s6+$0x0], $0xffff;
	v28 =	vmul.f32 v37, v38;
	v21 =	vadd.f32 v22, v33  }
0x57d: {  	v43 =	vor.u32 v1, v10;
	v42 =	vld.idx.msk [tilespmem:v8+s6+$0x0], $0xffff;
	v29 =	vmul.f32 v39, v38;
	v19 =	vadd.f32 v19, v34  }
0x57e: {  	v5 =	vbroadcast v5, $0xF;
	v44 =	vor.u32 v2, v10;
	v14 =	vld.idx.msk [tilespmem:v52+s15+$0x0], $0xffff;
	v15 =	vadd.f32 v28, v15;
	[tilespmem:s28+$0x10780] =	vst v21  }
0x57f: {  	v8 =	vld.idx.msk [tilespmem:v8+s15+$0x0], $0xffff;
	v45 =	vadd.f32 v29, v20;
	[tilespmem:s28+$0x10790] =	vst v19  }
0x580: {  	v48 =	vmul.f32 v17, v5;
	v46 =	vld.idx.msk [tilespmem:v35+s15+$0x0], $0xffff;
	[tilespmem:s28+$0x107A0] =	vst v15  }
0x581: {  	v47 =	vld.idx.msk [tilespmem:v36+s15+$0x0], $0xffff;
	v49 =	vor.u32 v3, v10;
	[tilespmem:s28+$0x107B0] =	vst v45  }
0x582: {  	v52 =	vmul.f32 v59, v5;
	v6 =	vadd.f32 v48, v6;
	v10 =	vor.u32 v4, v10;
	v51 =	vld.idx.msk [tilespmem:v43+s6+$0x0], $0xffff  }
0x583: {  	v7 =	vbroadcast v7, $0xF;
	v50 =	vmul.f32 v57, v5;
	v53 =	vld.idx.msk [tilespmem:v44+s6+$0x0], $0xffff  }
0x584: {  	v5 =	vmul.f32 v61, v5;
	[tilespmem:s25+$0x107C0] =	vst v6;
	v6 =	vadd.f32 v52, v13;
	v54 =	vld.idx.msk [tilespmem:v43+s15+$0x0], $0xffff  }
0x585: {  	v12 =	vadd.f32 v50, v12;
	v55 =	vmul.f32 v14, v7;
	v56 =	vld.idx.msk [tilespmem:v44+s15+$0x0], $0xffff  }
0x586: {  	v5 =	vadd.f32 v5, v11;
	[tilespmem:s25+$0x107E0] =	vst v6;
	v57 =	vmul.f32 v46, v7;
	v58 =	vld.idx.msk [tilespmem:v49+s15+$0x0], $0xffff  }
0x587: {  	v9 =	vbroadcast v9, $0xF;
	v59 =	vmul.f32 v47, v7;
	[tilespmem:s25+$0x107D0] =	vst v12;
	v6 =	vadd.f32 v55, v62;
	v60 =	vld.idx.msk [tilespmem:v10+s15+$0x0], $0xffff  }
0x588: {  	v7 =	vmul.f32 v8, v7;
	[tilespmem:s25+$0x107F0] =	vst v5;
	v5 =	vadd.f32 v57, v40;
	v61 =	vld.idx.msk [tilespmem:v49+s6+$0x0], $0xffff  }
0x589: {  	[tilespmem:s26+$0x107C0] =	vst v6;
	v6 =	vadd.f32 v59, v41;
	v10 =	vld.idx.msk [tilespmem:v10+s6+$0x0], $0xffff;
	v62 =	vmul.f32 v54, v9  }
0x58a: {  	[tilespmem:s26+$0x107D0] =	vst v5;
	v5 =	vadd.f32 v7, v42;
	v7 =	vmul.f32 v56, v9  }
0x58b: {  	p1 =	slt.u32 s24, $0x1C;
	[tilespmem:s26+$0x107E0] =	vst v6;
	v63 =	vmul.f32 v58, v9;
	v6 =	vadd.f32 v62, v51  }
.Ltmp5:
0x58c: {  	[tilespmem:s26+$0x107F0] =	vst v5;
	v5 =	vadd.f32 v7, v53;
	v7 =	vmul.f32 v60, v9;
	(pc) =	sbr.rel @p1 .LBB2_9-.Ltmp5, $4  }
0x58d: {  	[tilespmem:s28+$0x107C0] =	vst v6;
	v6 =	vadd.f32 v63, v61  }
0x58e: {  	[tilespmem:s28+$0x107D0] =	vst v5;
	v5 =	vadd.f32 v7, v10  }
0x58f: {  	s31 =	sadd.s32 $0x4, s24;
	[tilespmem:s28+$0x107E0] =	vst v6  }
0x590: {  	s24 =	smov.u32 s31;
	[tilespmem:s28+$0x107F0] =	vst v5  }
.Ltmp6:
0x591: {  	(pc) =	sbr.rel @p0 .LBB2_12-.Ltmp6, $4  }
0x592: {  	s24 =	sshll.u32 s23, $0x3  }
0x593: {  	s24 =	sand.u32 $0x1FFFF000, s24  }
0x594: {  	s24 =	sadd.s32 s4, s24  }
0x595: {  	[hbm4b:s24+s6] =	stream.linear.scatter [tilespmem:s18], [sflag:$0x4], $0x8000, $0x38;
	[tilespmem:$0x18400] =	vst v63  }
.Ltmp7:
0x596: {  	(pc) =	sbr.rel .LBB2_4-.Ltmp7, $4  }
0x597: {  	s23 =	sshrl.u32 s23, $0x3  }
0x598: {  	s23 =	sadd.s32 s1, s23  }
0x599: {  	s22 =	sadd.s32 $0x1, s22;
	s23 =	sadd.s32 $0x80, s23  }
0x59a: {  	[tilespmem:s13], [sflag:$0x2] =	stream.linear.gather [hbm4b:s23+s6], $0x200, $0x38;
	[tilespmem:$0x18400] =	vst v63  }
.LBB2_13:
0x59b: {  	_ =	sfence.sel $0x180000  }
0x59c: {  	[bflag:$0x0] =	sbarrier.arrive $0xFFFF  }
0x59d: {  	p0 =	sne.s32 s0, $0x0;
	_ =	strace $0x90000047  }
0x59e: {  	s0 =	sadd.s32 @!p0 $0x100000, s2;
	[bflag:$0x2] =	sbarrier.arrive $0xFFFF  }
0x59f: {  	[sflag:s0] =	ssyncadd.tile.s32 @!p0 $0x1;
	_ =	shalt  }
.Lfunc_end2:
_tile_overlayer_lowered:
.L_overlay_start_2:
0x5a0: {  	(tag) =	ssettag $0x2  }
0x5a1: {  	s0 =	rddreg [dreg:$0x0];
	s2 =	stileid.u32  }
0x5a2: {  	s1 =	rddreg [dreg:$0x1];
	p0 =	sne.s32 s2, $0x0  }
0x5a3: {  	s3 =	rddreg [dreg:$0x2];
	[bflag:$0x3] =	sbarrier.arrive $0xFFFF;
	s2 =	simm.s32 @!p0 $0x1C05  }
0x5a4: {  	[timem:s3], [sflag:s2] =	dma.local @!p0 [hbm:s0], s1  }
0x5a5: {  	s0 =	simm.s32 @!p0 $0x5  }
0x5a6: {  	_ =	swait.ge @!p0 [sflag:s0], s1  }
0x5a7: {  	s1 =	ssub.s32 @!p0 $0x0, s1;
	[sflag:s0] =	ssyncset.done @!p0 $0x0  }
0x5a8: {  	[sflag:s0] =	ssyncadd.s32 @!p0 s1  }
0x5a9: {  	[bflag:$0x3] =	sbarrier.arrive $0xFFFF  }
0x5aa: {  	_ =	shalt  }

</sc_bundles>
